<compile_context>
chip_gen: v7x
topology: tpu7x:2x2x1
jax: 0.10.2.dev20260603
libtpu: 0.0.44.dev20260713+nightly
codegen_flags: <defaults>
</compile_context>

<pallas_src>
import jax
import jax.numpy as jnp
from jax import lax
from jax.experimental import pallas as pl
from jax.experimental.pallas import tpu as pltpu
from jax.experimental.pallas import tpu_sc as plsc
import functools

N = 10000
E = 320000
D = 128

NC = 2
NS = 16
NW = NC * NS
E_PER_TILE = E // NW
CHUNK = 80
EP_PAD = E_PER_TILE
N_CHUNKS = EP_PAD // CHUNK
NP = 10240
ROWS_PER_TILE = NP // NS
SUP = 25
NSUP = N_CHUNKS // SUP


def _fill_rows(buf, val):
    def step(t, carry):
        buf[t // 8, pl.ds((t % 8) * 16, 16)] = jnp.full((16,), val, jnp.float32)
        return carry
    lax.fori_loop(0, CHUNK * (D // 16), step, None)


def _sc_agg_body(with_cnt, *refs):
    if with_cnt:
        (x_hbm, src_hbm, dstf_hbm, acc_hbm, cnt_hbm, sh_acc, dst_v, sidx,
         rows_a, rows_b, sem_a, sem_b) = refs
    else:
        (x_hbm, src_hbm, dstf_hbm, acc_hbm, sh_acc, dst_v, sidx,
         rows_a, rows_b, sem_a, sem_b) = refs

    c = lax.axis_index("c")
    s = lax.axis_index("s")
    wid = c * NS + s
    row0 = s * ROWS_PER_TILE
    e0 = wid * EP_PAD

    pltpu.sync_copy(dstf_hbm.at[wid], dst_v)

    def zero_share():
        _fill_rows(rows_a, 0.0)
        full = ROWS_PER_TILE // CHUNK
        rem = ROWS_PER_TILE % CHUNK
        for r in range(full):
            pltpu.async_copy(rows_a, sh_acc.at[pl.ds(row0 + r * CHUNK, CHUNK)],
                             sem_a)
        for r in range(full):
            pltpu.make_async_copy(rows_a, sh_acc.at[pl.ds(0, CHUNK)],
                                  sem_a).wait()
        if rem:
            pltpu.sync_copy(rows_a.at[pl.ds(0, rem)],
                            sh_acc.at[pl.ds(row0 + full * CHUNK, rem)])

    if with_cnt:
        zero_share()
        _fill_rows(rows_b, 1.0)
        plsc.subcore_barrier()
        WIN = 8

        def cnt_step(i, carry):
            pltpu.async_copy(rows_b, sh_acc.at[dst_v.at[i]], sem_b, add=True)

            @pl.when(i >= WIN)
            def _():
                pltpu.make_async_copy(rows_b, sh_acc.at[pl.ds(0, CHUNK)],
                                      sem_b).wait()
            return carry

        lax.fori_loop(0, N_CHUNKS, cnt_step, None)

        def cnt_drain(i, carry):
            pltpu.make_async_copy(rows_b, sh_acc.at[pl.ds(0, CHUNK)],
                                  sem_b).wait()
            return carry

        lax.fori_loop(0, WIN, cnt_drain, None)
        plsc.subcore_barrier()
        pltpu.sync_copy(sh_acc.at[pl.ds(row0, ROWS_PER_TILE)],
                        cnt_hbm.at[c, pl.ds(row0, ROWS_PER_TILE)])
        plsc.subcore_barrier()

    zero_share()
    plsc.subcore_barrier()

    def gather(j, buf, sem):
        pltpu.async_copy(x_hbm.at[sidx.at[pl.ds(j * CHUNK, CHUNK)]], buf, sem)

    def gwait(buf, sem):
        pltpu.make_async_copy(x_hbm.at[pl.ds(0, CHUNK)], buf, sem).wait()

    def scat(j, buf):
        pltpu.sync_copy(buf, sh_acc.at[dst_v.at[j]], add=True)

    for sp in range(NSUP):
        c0 = sp * SUP
        pltpu.sync_copy(src_hbm.at[pl.ds(e0 + c0 * CHUNK, SUP * CHUNK)], sidx)
        gather(0, rows_a, sem_a)
        gather(1, rows_b, sem_b)

        def pair(t, carry):
            j0 = 2 * t
            gwait(rows_a, sem_a)
            scat(c0 + j0, rows_a)
            gather(j0 + 2, rows_a, sem_a)
            gwait(rows_b, sem_b)
            scat(c0 + j0 + 1, rows_b)
            gather(j0 + 3, rows_b, sem_b)
            return carry

        if SUP % 2:
            lax.fori_loop(0, (SUP - 3) // 2, pair, None)
            gwait(rows_a, sem_a)
            scat(c0 + SUP - 3, rows_a)
            gather(SUP - 1, rows_a, sem_a)
            gwait(rows_b, sem_b)
            scat(c0 + SUP - 2, rows_b)
            gwait(rows_a, sem_a)
            scat(c0 + SUP - 1, rows_a)
        else:
            lax.fori_loop(0, (SUP - 2) // 2, pair, None)
            gwait(rows_a, sem_a)
            scat(c0 + SUP - 2, rows_a)
            gwait(rows_b, sem_b)
            scat(c0 + SUP - 1, rows_b)

    plsc.subcore_barrier()

    pltpu.sync_copy(sh_acc.at[pl.ds(row0, ROWS_PER_TILE)],
                    acc_hbm.at[c, pl.ds(row0, ROWS_PER_TILE)])


_sc_cache = {}


def _get_sc_agg(with_cnt):
    if with_cnt not in _sc_cache:
        if with_cnt:
            out_type = (jax.ShapeDtypeStruct((NC, NP, D), jnp.float32),
                        jax.ShapeDtypeStruct((NC, NP, D), jnp.float32))
        else:
            out_type = jax.ShapeDtypeStruct((NC, NP, D), jnp.float32)
        mesh = plsc.VectorSubcoreMesh(core_axis_name="c", subcore_axis_name="s")
        _sc_cache[with_cnt] = pl.kernel(
            functools.partial(_sc_agg_body, with_cnt),
            out_type=out_type,
            mesh=mesh,
            scratch_types=[
                pltpu.VMEM_SHARED((NP, D), jnp.float32),
                pltpu.VMEM((N_CHUNKS, CHUNK), jnp.int32),
                pltpu.VMEM((SUP * CHUNK,), jnp.int32),
                pltpu.VMEM((CHUNK, D), jnp.float32),
                pltpu.VMEM((CHUNK, D), jnp.float32),
                pltpu.SemaphoreType.DMA,
                pltpu.SemaphoreType.DMA,
            ],
        )
    return _sc_cache[with_cnt]


def _tc_layer_body(relu, x_ref, a_ref, c_ref, wn_ref, ws_ref, b_ref, o_ref):
    cnt = c_ref[0, :, 0:1] + c_ref[1, :, 0:1]
    scale = 1.0 / jnp.maximum(cnt, 1.0)
    neigh = (a_ref[0] + a_ref[1]) * scale
    dn = (((1,), (1,)), ((), ()))
    out = (lax.dot_general(x_ref[...], ws_ref[...], dn,
                           preferred_element_type=jnp.float32)
           + b_ref[...]
           + lax.dot_general(neigh, wn_ref[...], dn,
                             preferred_element_type=jnp.float32))
    if relu:
        out = jnp.maximum(out, 0.0)
    o_ref[...] = out


def _tc_layer(x, acc, cnt, Wn, Ws, b, relu):
    BN = 1000
    grid = (N // BN,)
    return pl.pallas_call(
        functools.partial(_tc_layer_body, relu),
        grid=grid,
        in_specs=[
            pl.BlockSpec((BN, D), lambda i: (i, 0)),
            pl.BlockSpec((NC, BN, D), lambda i: (0, i, 0)),
            pl.BlockSpec((NC, BN, D), lambda i: (0, i, 0)),
            pl.BlockSpec((D, D), lambda i: (0, 0)),
            pl.BlockSpec((D, D), lambda i: (0, 0)),
            pl.BlockSpec((1, D), lambda i: (0, 0)),
        ],
        out_specs=pl.BlockSpec((BN, D), lambda i: (i, 0)),
        out_shape=jax.ShapeDtypeStruct((N, D), jnp.float32),
    )(x, acc, cnt, Wn, Ws, b)


def kernel(x, edge_index, W_neigh1, W_self1, b_self1, W_neigh2, W_self2, b_self2):
    src = edge_index[0]
    dst = edge_index[1]
    pad = EP_PAD - E_PER_TILE
    if pad:
        src_p = jnp.pad(src.reshape(NW, E_PER_TILE),
                        ((0, 0), (0, pad))).reshape(-1)
        dstf = jnp.pad(dst.reshape(NW, E_PER_TILE), ((0, 0), (0, pad)),
                       constant_values=NP - 1).reshape(NW, N_CHUNKS, CHUNK)
    else:
        src_p = src
        dstf = dst.reshape(NW, N_CHUNKS, CHUNK)
    acc1, cnt = _get_sc_agg(True)(x, src_p, dstf)
    h = _tc_layer(x, acc1, cnt, W_neigh1, W_self1, b_self1.reshape(1, D), True)
    acc2 = _get_sc_agg(False)(h, src_p, dstf)
    out = _tc_layer(h, acc2, cnt, W_neigh2, W_self2, b_self2.reshape(1, D), False)
    return out

# --- scband reference (transcript-rebuilt; emitter-appended) ---
"""Pipeline reference for scband-ignet-14602888806924 (READ-ONLY COPY).

The authoritative reference and input builder live on the scoring server;
editing this copy changes nothing except your own understanding.
"""

import jax, jax.numpy as jnp
import numpy as np

N = 10000
E = 320000
D = 128


def setup_inputs(seed: int = 0) -> dict:
    key = jax.random.key(seed)
    ks = jax.random.split(key, 8)
    x = jax.random.normal(ks[0], (N, D), dtype=jnp.float32)
    edge_index = jax.random.randint(ks[1], (2, E), 0, N, dtype=jnp.int32)
    s = float(np.sqrt(6.0 / (D + D)))  # xavier_uniform, gain for relu approximated
    W_neigh1 = jax.random.uniform(ks[2], (D, D), jnp.float32, -s, s)
    W_self1 = jax.random.uniform(ks[3], (D, D), jnp.float32, -s, s)
    b_self1 = jnp.zeros((D,), jnp.float32)
    W_neigh2 = jax.random.uniform(ks[4], (D, D), jnp.float32, -s, s)
    W_self2 = jax.random.uniform(ks[5], (D, D), jnp.float32, -s, s)
    b_self2 = jnp.zeros((D,), jnp.float32)
    return {
        "x": x,
        "edge_index": edge_index,
        "W_neigh1": W_neigh1,
        "W_self1": W_self1,
        "b_self1": b_self1,
        "W_neigh2": W_neigh2,
        "W_self2": W_self2,
        "b_self2": b_self2,
    }


def _sage_layer(x, src, dst, Wn, Ws, bs):
    # SAGEConv 'mean' aggregator: lin_before_mp is False (in_feats == out_feats)
    msgs = jnp.take(x, src, axis=0)                              # gather (copy_u)
    summed = jax.ops.segment_sum(msgs, dst, num_segments=x.shape[0])
    cnt = jax.ops.segment_sum(jnp.ones((src.shape[0], 1), jnp.float32), dst,
                              num_segments=x.shape[0])
    h_neigh = summed / jnp.maximum(cnt, 1.0)                     # fn.mean('m','neigh')
    return x @ Ws.T + bs + h_neigh @ Wn.T                        # fc_self(h_self)+fc_neigh(h_neigh)


def reference(x, edge_index, W_neigh1, W_self1, b_self1, W_neigh2, W_self2, b_self2):
    src = edge_index[0]
    dst = edge_index[1]
    h = jax.nn.relu(_sage_layer(x, src, dst, W_neigh1, W_self1, b_self1))
    out = _sage_layer(h, src, dst, W_neigh2, W_self2, b_self2)
    return out

if __name__ == "__main__":
    import jax
    _d = setup_inputs()
    print(jax.jit(kernel)(*tuple(_d.values())))

</pallas_src>

<mosaic_0001>
#map = affine_map<(d0, d1) -> (0, 0)>
#map1 = affine_map<(d0, d1) -> (0)>
#map2 = affine_map<(d0, d1) -> (0, 0, 0)>
module attributes {stable_mosaic.version = 14 : i64} {
  func.func @_sc_agg_body(%arg0: i32, %arg1: i32, %arg2: memref<10000x128xf32, #tpu.memory_space<hbm>>, %arg3: memref<320000xi32, #tpu.memory_space<hbm>>, %arg4: memref<32x125x80xi32, #tpu.memory_space<hbm>>, %arg5: memref<2x10240x128xf32, #tpu.memory_space<hbm>>, %arg6: memref<10240x128xf32, #tpu.memory_space<vmem_shared>>, %arg7: memref<125x80xi32, #tpu.memory_space<vmem>>, %arg8: memref<2000xi32, #tpu.memory_space<vmem>>, %arg9: memref<80x128xf32, #tpu.memory_space<vmem>>, %arg10: memref<80x128xf32, #tpu.memory_space<vmem>>, %arg11: memref<!tpu.dma_semaphore, #tpu.memory_space<semaphore_mem>>, %arg12: memref<!tpu.dma_semaphore, #tpu.memory_space<semaphore_mem>>) attributes {dimension_semantics = [#tpu.dimension_semantics<core_parallel>, #tpu.dimension_semantics<subcore_parallel>], iteration_bounds = array<i64: 2, 16>, scalar_prefetch = 0 : i64, scratch_operands = 7 : i64, tpu.core_type = #tpu.core_type<sc_vector_subcore>, window_params = [{transform_indices = #map}, {transform_indices = #map1}, {transform_indices = #map2}, {transform_indices = #map2}]} {
    %mul3A = arith.constant 16 : i32
    %mul3A_0 = arith.muli %arg0, %mul3A : i32
    %add3A = arith.addi %mul3A_0, %arg1 : i32
    %mul3A_1 = arith.constant 640 : i32
    %mul3A_2 = arith.muli %arg1, %mul3A_1 : i32
    %mul3A_3 = arith.constant 10000 : i32
    %mul3A_4 = arith.muli %add3A, %mul3A_3 : i32
    "tpu.region"() ({
      %run_scoped3A_318 = tpu.sem_alloc : memref<!tpu.dma_semaphore, #tpu.memory_space<semaphore_mem>>
      %dma_start3A_319 = arith.constant 0 : i32
      %dma_start3A_320 = arith.constant 0 : i32
      %dma_start3A_321 = tpu.memref_slice %arg4[%add3A, %dma_start3A_319, %dma_start3A_320] : memref<32x125x80xi32, #tpu.memory_space<hbm>> -> memref<1x125x80xi32, #tpu.memory_space<hbm>>
      %dma_start3A_322 = tpu.memref_squeeze %dma_start3A_321 : memref<1x125x80xi32, #tpu.memory_space<hbm>> -> memref<125x80xi32, #tpu.memory_space<hbm>>
      %dma_start3A_323 = arith.constant 0 : i32
      %dma_start3A_324 = arith.constant 0 : i32
      %dma_start3A_325 = tpu.memref_slice %arg4[%add3A, %dma_start3A_323, %dma_start3A_324] : memref<32x125x80xi32, #tpu.memory_space<hbm>> -> memref<1x125x80xi32, #tpu.memory_space<hbm>>
      %dma_start3A_326 = tpu.memref_squeeze %dma_start3A_325 : memref<1x125x80xi32, #tpu.memory_space<hbm>> -> memref<125x80xi32, #tpu.memory_space<hbm>>
      tpu.enqueue_dma source(%dma_start3A_326 : memref<125x80xi32, #tpu.memory_space<hbm>>) target(%arg7 : memref<125x80xi32, #tpu.memory_space<vmem>>) target_semaphore(%run_scoped3A_318 : memref<!tpu.dma_semaphore, #tpu.memory_space<semaphore_mem>>)
      %dma_wait3A_327 = arith.constant 0 : i32
      %dma_wait3A_328 = arith.constant 0 : i32
      %dma_wait3A_329 = tpu.memref_slice %arg4[%add3A, %dma_wait3A_327, %dma_wait3A_328] : memref<32x125x80xi32, #tpu.memory_space<hbm>> -> memref<1x125x80xi32, #tpu.memory_space<hbm>>
      %dma_wait3A_330 = tpu.memref_squeeze %dma_wait3A_329 : memref<1x125x80xi32, #tpu.memory_space<hbm>> -> memref<125x80xi32, #tpu.memory_space<hbm>>
      %dma_wait3A_331 = arith.constant 0 : i32
      %dma_wait3A_332 = arith.constant 0 : i32
      %dma_wait3A_333 = tpu.memref_slice %arg4[%add3A, %dma_wait3A_331, %dma_wait3A_332] : memref<32x125x80xi32, #tpu.memory_space<hbm>> -> memref<1x125x80xi32, #tpu.memory_space<hbm>>
      %dma_wait3A_334 = tpu.memref_squeeze %dma_wait3A_333 : memref<1x125x80xi32, #tpu.memory_space<hbm>> -> memref<125x80xi32, #tpu.memory_space<hbm>>
      tpu.wait_dma2 semaphore(%run_scoped3A_318 : memref<!tpu.dma_semaphore, #tpu.memory_space<semaphore_mem>>) src(%dma_wait3A_334 : memref<125x80xi32, #tpu.memory_space<hbm>>) dst(%arg7 : memref<125x80xi32, #tpu.memory_space<vmem>>)
      tpu.yield
    }) : () -> ()
    %scan3A = arith.constant 0 : i32
    %scan3A_5 = arith.constant 640 : i32
    %scan3A_6 = arith.addi %scan3A, %scan3A_5 : i32
    %scan3A_7 = arith.constant 1 : i32
    scf.for %scan3A_318 = %scan3A to %scan3A_6 step %scan3A_7  : i32 {
      %broadcast_in_dim3A = arith.constant 0.000000e+00 : f32
      %broadcast_in_dim3A_319 = vector.broadcast %broadcast_in_dim3A : f32 to vector<16xf32>
      %jit3A = arith.constant 8 : i32
      %div3A = arith.divsi %scan3A_318, %jit3A : i32
      %sign3A = arith.constant 0 : i32
      %sign3A_320 = arith.cmpi sgt, %scan3A_318, %sign3A : i32
      %sign3A_321 = arith.extui %sign3A_320 : i1 to i32
      %sign3A_322 = arith.constant 0 : i32
      %sign3A_323 = arith.cmpi slt, %scan3A_318, %sign3A_322 : i32
      %sign3A_324 = arith.extui %sign3A_323 : i1 to i32
      %sign3A_325 = arith.subi %sign3A_321, %sign3A_324 : i32
      %sign3A_326 = arith.constant 0 : i32
      %sign3A_327 = arith.cmpi sgt, %jit3A, %sign3A_326 : i32
      %sign3A_328 = arith.extui %sign3A_327 : i1 to i32
      %sign3A_329 = arith.constant 0 : i32
      %sign3A_330 = arith.cmpi slt, %jit3A, %sign3A_329 : i32
      %sign3A_331 = arith.extui %sign3A_330 : i1 to i32
      %sign3A_332 = arith.subi %sign3A_328, %sign3A_331 : i32
      %ne3A = arith.cmpi ne, %sign3A_325, %sign3A_332 : i32
      %rem3A = arith.remsi %scan3A_318, %jit3A : i32
      %ne3A_333 = arith.constant 0 : i32
      %ne3A_334 = arith.cmpi ne, %rem3A, %ne3A_333 : i32
      %and3A = arith.andi %ne3A, %ne3A_334 : i1
      %sub3A = arith.constant 1 : i32
      %sub3A_335 = arith.subi %div3A, %sub3A : i32
      %select_n3A = arith.select %and3A, %sub3A_335, %div3A : i32
      %jit3A_336 = arith.constant 8 : i32
      %eq3A = arith.constant 0 : i32
      %eq3A_337 = arith.cmpi eq, %jit3A_336, %eq3A : i32
      %jit3A_338 = arith.constant 1 : i32
      %select_n3A_339 = arith.select %eq3A_337, %jit3A_338, %jit3A_336 : i32
      %rem3A_340 = arith.remsi %scan3A_318, %select_n3A_339 : i32
      %ne3A_341 = arith.constant 0 : i32
      %ne3A_342 = arith.cmpi ne, %rem3A_340, %ne3A_341 : i32
      %lt3A = arith.constant 0 : i32
      %lt3A_343 = arith.cmpi slt, %rem3A_340, %lt3A : i32
      %lt3A_344 = arith.constant 0 : i32
      %lt3A_345 = arith.cmpi slt, %select_n3A_339, %lt3A_344 : i32
      %ne3A_346 = arith.xori %lt3A_343, %lt3A_345 : i1
      %and3A_347 = arith.andi %ne3A_346, %ne3A_342 : i1
      %add3A_348 = arith.addi %rem3A_340, %select_n3A_339 : i32
      %select_n3A_349 = arith.select %and3A_347, %add3A_348, %rem3A_340 : i32
      %mul3A_350 = arith.constant 16 : i32
      %mul3A_351 = arith.muli %select_n3A_349, %mul3A_350 : i32
      %swap3A = arith.index_cast %select_n3A : i32 to index
      %swap3A_352 = arith.index_cast %mul3A_351 : i32 to index
      %swap3A_353 = tpu.vector_load %arg9[%swap3A, %swap3A_352] {strides = array<i32>} : memref<80x128xf32, #tpu.memory_space<vmem>>, vector<1x16xf32>,
      %swap3A_354 = vector.shape_cast %swap3A_353 : vector<1x16xf32> to vector<16xf32>
      %swap3A_355 = vector.shape_cast %broadcast_in_dim3A_319 : vector<16xf32> to vector<1x16xf32>
      tpu.vector_store %arg9[%swap3A, %swap3A_352], %swap3A_355 {strides = array<i32>} : memref<80x128xf32, #tpu.memory_space<vmem>>, vector<1x16xf32>,
    }
    %scan3A_8 = arith.constant 640 : i32
    %add3A_9 = arith.constant 0 : i32
    %add3A_10 = arith.addi %mul3A_2, %add3A_9 : i32
    %dma_start3A = arith.constant 0 : i32
    %dma_start3A_11 = tpu.memref_slice %arg6[%add3A_10, %dma_start3A] : memref<10240x128xf32, #tpu.memory_space<vmem_shared>> -> memref<80x128xf32, #tpu.memory_space<vmem_shared>>
    %dma_start3A_12 = arith.constant 0 : i32
    %dma_start3A_13 = tpu.memref_slice %arg6[%add3A_10, %dma_start3A_12] : memref<10240x128xf32, #tpu.memory_space<vmem_shared>> -> memref<80x128xf32, #tpu.memory_space<vmem_shared>>
    tpu.enqueue_dma source(%arg9 : memref<80x128xf32, #tpu.memory_space<vmem>>) target(%dma_start3A_13 : memref<80x128xf32, #tpu.memory_space<vmem_shared>>) target_semaphore(%arg11 : memref<!tpu.dma_semaphore, #tpu.memory_space<semaphore_mem>>)
    %add3A_14 = arith.constant 80 : i32
    %add3A_15 = arith.addi %mul3A_2, %add3A_14 : i32
    %dma_start3A_16 = arith.constant 0 : i32
    %dma_start3A_17 = tpu.memref_slice %arg6[%add3A_15, %dma_start3A_16] : memref<10240x128xf32, #tpu.memory_space<vmem_shared>> -> memref<80x128xf32, #tpu.memory_space<vmem_shared>>
    %dma_start3A_18 = arith.constant 0 : i32
    %dma_start3A_19 = tpu.memref_slice %arg6[%add3A_15, %dma_start3A_18] : memref<10240x128xf32, #tpu.memory_space<vmem_shared>> -> memref<80x128xf32, #tpu.memory_space<vmem_shared>>
    tpu.enqueue_dma source(%arg9 : memref<80x128xf32, #tpu.memory_space<vmem>>) target(%dma_start3A_19 : memref<80x128xf32, #tpu.memory_space<vmem_shared>>) target_semaphore(%arg11 : memref<!tpu.dma_semaphore, #tpu.memory_space<semaphore_mem>>)
    %add3A_20 = arith.constant 160 : i32
    %add3A_21 = arith.addi %mul3A_2, %add3A_20 : i32
    %dma_start3A_22 = arith.constant 0 : i32
    %dma_start3A_23 = tpu.memref_slice %arg6[%add3A_21, %dma_start3A_22] : memref<10240x128xf32, #tpu.memory_space<vmem_shared>> -> memref<80x128xf32, #tpu.memory_space<vmem_shared>>
    %dma_start3A_24 = arith.constant 0 : i32
    %dma_start3A_25 = tpu.memref_slice %arg6[%add3A_21, %dma_start3A_24] : memref<10240x128xf32, #tpu.memory_space<vmem_shared>> -> memref<80x128xf32, #tpu.memory_space<vmem_shared>>
    tpu.enqueue_dma source(%arg9 : memref<80x128xf32, #tpu.memory_space<vmem>>) target(%dma_start3A_25 : memref<80x128xf32, #tpu.memory_space<vmem_shared>>) target_semaphore(%arg11 : memref<!tpu.dma_semaphore, #tpu.memory_space<semaphore_mem>>)
    %add3A_26 = arith.constant 240 : i32
    %add3A_27 = arith.addi %mul3A_2, %add3A_26 : i32
    %dma_start3A_28 = arith.constant 0 : i32
    %dma_start3A_29 = tpu.memref_slice %arg6[%add3A_27, %dma_start3A_28] : memref<10240x128xf32, #tpu.memory_space<vmem_shared>> -> memref<80x128xf32, #tpu.memory_space<vmem_shared>>
    %dma_start3A_30 = arith.constant 0 : i32
    %dma_start3A_31 = tpu.memref_slice %arg6[%add3A_27, %dma_start3A_30] : memref<10240x128xf32, #tpu.memory_space<vmem_shared>> -> memref<80x128xf32, #tpu.memory_space<vmem_shared>>
    tpu.enqueue_dma source(%arg9 : memref<80x128xf32, #tpu.memory_space<vmem>>) target(%dma_start3A_31 : memref<80x128xf32, #tpu.memory_space<vmem_shared>>) target_semaphore(%arg11 : memref<!tpu.dma_semaphore, #tpu.memory_space<semaphore_mem>>)
    %add3A_32 = arith.constant 320 : i32
    %add3A_33 = arith.addi %mul3A_2, %add3A_32 : i32
    %dma_start3A_34 = arith.constant 0 : i32
    %dma_start3A_35 = tpu.memref_slice %arg6[%add3A_33, %dma_start3A_34] : memref<10240x128xf32, #tpu.memory_space<vmem_shared>> -> memref<80x128xf32, #tpu.memory_space<vmem_shared>>
    %dma_start3A_36 = arith.constant 0 : i32
    %dma_start3A_37 = tpu.memref_slice %arg6[%add3A_33, %dma_start3A_36] : memref<10240x128xf32, #tpu.memory_space<vmem_shared>> -> memref<80x128xf32, #tpu.memory_space<vmem_shared>>
    tpu.enqueue_dma source(%arg9 : memref<80x128xf32, #tpu.memory_space<vmem>>) target(%dma_start3A_37 : memref<80x128xf32, #tpu.memory_space<vmem_shared>>) target_semaphore(%arg11 : memref<!tpu.dma_semaphore, #tpu.memory_space<semaphore_mem>>)
    %add3A_38 = arith.constant 400 : i32
    %add3A_39 = arith.addi %mul3A_2, %add3A_38 : i32
    %dma_start3A_40 = arith.constant 0 : i32
    %dma_start3A_41 = tpu.memref_slice %arg6[%add3A_39, %dma_start3A_40] : memref<10240x128xf32, #tpu.memory_space<vmem_shared>> -> memref<80x128xf32, #tpu.memory_space<vmem_shared>>
    %dma_start3A_42 = arith.constant 0 : i32
    %dma_start3A_43 = tpu.memref_slice %arg6[%add3A_39, %dma_start3A_42] : memref<10240x128xf32, #tpu.memory_space<vmem_shared>> -> memref<80x128xf32, #tpu.memory_space<vmem_shared>>
    tpu.enqueue_dma source(%arg9 : memref<80x128xf32, #tpu.memory_space<vmem>>) target(%dma_start3A_43 : memref<80x128xf32, #tpu.memory_space<vmem_shared>>) target_semaphore(%arg11 : memref<!tpu.dma_semaphore, #tpu.memory_space<semaphore_mem>>)
    %add3A_44 = arith.constant 480 : i32
    %add3A_45 = arith.addi %mul3A_2, %add3A_44 : i32
    %dma_start3A_46 = arith.constant 0 : i32
    %dma_start3A_47 = tpu.memref_slice %arg6[%add3A_45, %dma_start3A_46] : memref<10240x128xf32, #tpu.memory_space<vmem_shared>> -> memref<80x128xf32, #tpu.memory_space<vmem_shared>>
    %dma_start3A_48 = arith.constant 0 : i32
    %dma_start3A_49 = tpu.memref_slice %arg6[%add3A_45, %dma_start3A_48] : memref<10240x128xf32, #tpu.memory_space<vmem_shared>> -> memref<80x128xf32, #tpu.memory_space<vmem_shared>>
    tpu.enqueue_dma source(%arg9 : memref<80x128xf32, #tpu.memory_space<vmem>>) target(%dma_start3A_49 : memref<80x128xf32, #tpu.memory_space<vmem_shared>>) target_semaphore(%arg11 : memref<!tpu.dma_semaphore, #tpu.memory_space<semaphore_mem>>)
    %add3A_50 = arith.constant 560 : i32
    %add3A_51 = arith.addi %mul3A_2, %add3A_50 : i32
    %dma_start3A_52 = arith.constant 0 : i32
    %dma_start3A_53 = tpu.memref_slice %arg6[%add3A_51, %dma_start3A_52] : memref<10240x128xf32, #tpu.memory_space<vmem_shared>> -> memref<80x128xf32, #tpu.memory_space<vmem_shared>>
    %dma_start3A_54 = arith.constant 0 : i32
    %dma_start3A_55 = tpu.memref_slice %arg6[%add3A_51, %dma_start3A_54] : memref<10240x128xf32, #tpu.memory_space<vmem_shared>> -> memref<80x128xf32, #tpu.memory_space<vmem_shared>>
    tpu.enqueue_dma source(%arg9 : memref<80x128xf32, #tpu.memory_space<vmem>>) target(%dma_start3A_55 : memref<80x128xf32, #tpu.memory_space<vmem_shared>>) target_semaphore(%arg11 : memref<!tpu.dma_semaphore, #tpu.memory_space<semaphore_mem>>)
    %dma_wait3A = arith.constant 0 : i32
    %dma_wait3A_56 = arith.constant 0 : i32
    %dma_wait3A_57 = tpu.memref_slice %arg6[%dma_wait3A, %dma_wait3A_56] : memref<10240x128xf32, #tpu.memory_space<vmem_shared>> -> memref<80x128xf32, #tpu.memory_space<vmem_shared>>
    %dma_wait3A_58 = arith.constant 0 : i32
    %dma_wait3A_59 = arith.constant 0 : i32
    %dma_wait3A_60 = tpu.memref_slice %arg6[%dma_wait3A_58, %dma_wait3A_59] : memref<10240x128xf32, #tpu.memory_space<vmem_shared>> -> memref<80x128xf32, #tpu.memory_space<vmem_shared>>
    tpu.wait_dma2 semaphore(%arg11 : memref<!tpu.dma_semaphore, #tpu.memory_space<semaphore_mem>>) src(%arg9 : memref<80x128xf32, #tpu.memory_space<vmem>>) dst(%dma_wait3A_60 : memref<80x128xf32, #tpu.memory_space<vmem_shared>>)
    %dma_wait3A_61 = arith.constant 0 : i32
    %dma_wait3A_62 = arith.constant 0 : i32
    %dma_wait3A_63 = tpu.memref_slice %arg6[%dma_wait3A_61, %dma_wait3A_62] : memref<10240x128xf32, #tpu.memory_space<vmem_shared>> -> memref<80x128xf32, #tpu.memory_space<vmem_shared>>
    %dma_wait3A_64 = arith.constant 0 : i32
    %dma_wait3A_65 = arith.constant 0 : i32
    %dma_wait3A_66 = tpu.memref_slice %arg6[%dma_wait3A_64, %dma_wait3A_65] : memref<10240x128xf32, #tpu.memory_space<vmem_shared>> -> memref<80x128xf32, #tpu.memory_space<vmem_shared>>
    tpu.wait_dma2 semaphore(%arg11 : memref<!tpu.dma_semaphore, #tpu.memory_space<semaphore_mem>>) src(%arg9 : memref<80x128xf32, #tpu.memory_space<vmem>>) dst(%dma_wait3A_66 : memref<80x128xf32, #tpu.memory_space<vmem_shared>>)
    %dma_wait3A_67 = arith.constant 0 : i32
    %dma_wait3A_68 = arith.constant 0 : i32
    %dma_wait3A_69 = tpu.memref_slice %arg6[%dma_wait3A_67, %dma_wait3A_68] : memref<10240x128xf32, #tpu.memory_space<vmem_shared>> -> memref<80x128xf32, #tpu.memory_space<vmem_shared>>
    %dma_wait3A_70 = arith.constant 0 : i32
    %dma_wait3A_71 = arith.constant 0 : i32
    %dma_wait3A_72 = tpu.memref_slice %arg6[%dma_wait3A_70, %dma_wait3A_71] : memref<10240x128xf32, #tpu.memory_space<vmem_shared>> -> memref<80x128xf32, #tpu.memory_space<vmem_shared>>
    tpu.wait_dma2 semaphore(%arg11 : memref<!tpu.dma_semaphore, #tpu.memory_space<semaphore_mem>>) src(%arg9 : memref<80x128xf32, #tpu.memory_space<vmem>>) dst(%dma_wait3A_72 : memref<80x128xf32, #tpu.memory_space<vmem_shared>>)
    %dma_wait3A_73 = arith.constant 0 : i32
    %dma_wait3A_74 = arith.constant 0 : i32
    %dma_wait3A_75 = tpu.memref_slice %arg6[%dma_wait3A_73, %dma_wait3A_74] : memref<10240x128xf32, #tpu.memory_space<vmem_shared>> -> memref<80x128xf32, #tpu.memory_space<vmem_shared>>
    %dma_wait3A_76 = arith.constant 0 : i32
    %dma_wait3A_77 = arith.constant 0 : i32
    %dma_wait3A_78 = tpu.memref_slice %arg6[%dma_wait3A_76, %dma_wait3A_77] : memref<10240x128xf32, #tpu.memory_space<vmem_shared>> -> memref<80x128xf32, #tpu.memory_space<vmem_shared>>
    tpu.wait_dma2 semaphore(%arg11 : memref<!tpu.dma_semaphore, #tpu.memory_space<semaphore_mem>>) src(%arg9 : memref<80x128xf32, #tpu.memory_space<vmem>>) dst(%dma_wait3A_78 : memref<80x128xf32, #tpu.memory_space<vmem_shared>>)
    %dma_wait3A_79 = arith.constant 0 : i32
    %dma_wait3A_80 = arith.constant 0 : i32
    %dma_wait3A_81 = tpu.memref_slice %arg6[%dma_wait3A_79, %dma_wait3A_80] : memref<10240x128xf32, #tpu.memory_space<vmem_shared>> -> memref<80x128xf32, #tpu.memory_space<vmem_shared>>
    %dma_wait3A_82 = arith.constant 0 : i32
    %dma_wait3A_83 = arith.constant 0 : i32
    %dma_wait3A_84 = tpu.memref_slice %arg6[%dma_wait3A_82, %dma_wait3A_83] : memref<10240x128xf32, #tpu.memory_space<vmem_shared>> -> memref<80x128xf32, #tpu.memory_space<vmem_shared>>
    tpu.wait_dma2 semaphore(%arg11 : memref<!tpu.dma_semaphore, #tpu.memory_space<semaphore_mem>>) src(%arg9 : memref<80x128xf32, #tpu.memory_space<vmem>>) dst(%dma_wait3A_84 : memref<80x128xf32, #tpu.memory_space<vmem_shared>>)
    %dma_wait3A_85 = arith.constant 0 : i32
    %dma_wait3A_86 = arith.constant 0 : i32
    %dma_wait3A_87 = tpu.memref_slice %arg6[%dma_wait3A_85, %dma_wait3A_86] : memref<10240x128xf32, #tpu.memory_space<vmem_shared>> -> memref<80x128xf32, #tpu.memory_space<vmem_shared>>
    %dma_wait3A_88 = arith.constant 0 : i32
    %dma_wait3A_89 = arith.constant 0 : i32
    %dma_wait3A_90 = tpu.memref_slice %arg6[%dma_wait3A_88, %dma_wait3A_89] : memref<10240x128xf32, #tpu.memory_space<vmem_shared>> -> memref<80x128xf32, #tpu.memory_space<vmem_shared>>
    tpu.wait_dma2 semaphore(%arg11 : memref<!tpu.dma_semaphore, #tpu.memory_space<semaphore_mem>>) src(%arg9 : memref<80x128xf32, #tpu.memory_space<vmem>>) dst(%dma_wait3A_90 : memref<80x128xf32, #tpu.memory_space<vmem_shared>>)
    %dma_wait3A_91 = arith.constant 0 : i32
    %dma_wait3A_92 = arith.constant 0 : i32
    %dma_wait3A_93 = tpu.memref_slice %arg6[%dma_wait3A_91, %dma_wait3A_92] : memref<10240x128xf32, #tpu.memory_space<vmem_shared>> -> memref<80x128xf32, #tpu.memory_space<vmem_shared>>
    %dma_wait3A_94 = arith.constant 0 : i32
    %dma_wait3A_95 = arith.constant 0 : i32
    %dma_wait3A_96 = tpu.memref_slice %arg6[%dma_wait3A_94, %dma_wait3A_95] : memref<10240x128xf32, #tpu.memory_space<vmem_shared>> -> memref<80x128xf32, #tpu.memory_space<vmem_shared>>
    tpu.wait_dma2 semaphore(%arg11 : memref<!tpu.dma_semaphore, #tpu.memory_space<semaphore_mem>>) src(%arg9 : memref<80x128xf32, #tpu.memory_space<vmem>>) dst(%dma_wait3A_96 : memref<80x128xf32, #tpu.memory_space<vmem_shared>>)
    %dma_wait3A_97 = arith.constant 0 : i32
    %dma_wait3A_98 = arith.constant 0 : i32
    %dma_wait3A_99 = tpu.memref_slice %arg6[%dma_wait3A_97, %dma_wait3A_98] : memref<10240x128xf32, #tpu.memory_space<vmem_shared>> -> memref<80x128xf32, #tpu.memory_space<vmem_shared>>
    %dma_wait3A_100 = arith.constant 0 : i32
    %dma_wait3A_101 = arith.constant 0 : i32
    %dma_wait3A_102 = tpu.memref_slice %arg6[%dma_wait3A_100, %dma_wait3A_101] : memref<10240x128xf32, #tpu.memory_space<vmem_shared>> -> memref<80x128xf32, #tpu.memory_space<vmem_shared>>
    tpu.wait_dma2 semaphore(%arg11 : memref<!tpu.dma_semaphore, #tpu.memory_space<semaphore_mem>>) src(%arg9 : memref<80x128xf32, #tpu.memory_space<vmem>>) dst(%dma_wait3A_102 : memref<80x128xf32, #tpu.memory_space<vmem_shared>>)
    %barrier3A = arith.constant 0 : index
    tpu.barrier barrier_id(%barrier3A)
    %add3A_103 = arith.constant 0 : i32
    %add3A_104 = arith.addi %mul3A_4, %add3A_103 : i32
    "tpu.region"() ({
      %run_scoped3A_318 = tpu.sem_alloc : memref<!tpu.dma_semaphore, #tpu.memory_space<semaphore_mem>>
      %dma_start3A_319 = tpu.memref_slice %arg3[%add3A_104] : memref<320000xi32, #tpu.memory_space<hbm>> -> memref<2000xi32, #tpu.memory_space<hbm>>
      %dma_start3A_320 = tpu.memref_slice %arg3[%add3A_104] : memref<320000xi32, #tpu.memory_space<hbm>> -> memref<2000xi32, #tpu.memory_space<hbm>>
      tpu.enqueue_dma source(%dma_start3A_320 : memref<2000xi32, #tpu.memory_space<hbm>>) target(%arg8 : memref<2000xi32, #tpu.memory_space<vmem>>) target_semaphore(%run_scoped3A_318 : memref<!tpu.dma_semaphore, #tpu.memory_space<semaphore_mem>>)
      %dma_wait3A_321 = tpu.memref_slice %arg3[%add3A_104] : memref<320000xi32, #tpu.memory_space<hbm>> -> memref<2000xi32, #tpu.memory_space<hbm>>
      %dma_wait3A_322 = tpu.memref_slice %arg3[%add3A_104] : memref<320000xi32, #tpu.memory_space<hbm>> -> memref<2000xi32, #tpu.memory_space<hbm>>
      tpu.wait_dma2 semaphore(%run_scoped3A_318 : memref<!tpu.dma_semaphore, #tpu.memory_space<semaphore_mem>>) src(%dma_wait3A_322 : memref<2000xi32, #tpu.memory_space<hbm>>) dst(%arg8 : memref<2000xi32, #tpu.memory_space<vmem>>)
      tpu.yield
    }) : () -> ()
    %dma_start3A_105 = arith.constant 0 : i32
    %dma_start3A_106 = tpu.memref_slice %arg8[%dma_start3A_105] : memref<2000xi32, #tpu.memory_space<vmem>> -> memref<80xi32, #tpu.memory_space<vmem>>
    %dma_start3A_107 = arith.constant 0 : i32
    %dma_start3A_108 = arith.constant 0 : i32
    %dma_start3A_109 = tpu.memref_slice %arg2[%dma_start3A_107, %dma_start3A_108] : memref<10000x128xf32, #tpu.memory_space<hbm>> -> memref<10000x128xf32, #tpu.memory_space<hbm>>
    tpu.enqueue_indirect_dma source(%dma_start3A_109 : memref<10000x128xf32, #tpu.memory_space<hbm>>) target(%arg9 : memref<80x128xf32, #tpu.memory_space<vmem>>) offsets(%dma_start3A_106 : memref<80xi32, #tpu.memory_space<vmem>>) semaphore(%arg11 : memref<!tpu.dma_semaphore, #tpu.memory_space<semaphore_mem>>)
    %dma_start3A_110 = arith.constant 80 : i32
    %dma_start3A_111 = tpu.memref_slice %arg8[%dma_start3A_110] : memref<2000xi32, #tpu.memory_space<vmem>> -> memref<80xi32, #tpu.memory_space<vmem>>
    %dma_start3A_112 = arith.constant 0 : i32
    %dma_start3A_113 = arith.constant 0 : i32
    %dma_start3A_114 = tpu.memref_slice %arg2[%dma_start3A_112, %dma_start3A_113] : memref<10000x128xf32, #tpu.memory_space<hbm>> -> memref<10000x128xf32, #tpu.memory_space<hbm>>
    tpu.enqueue_indirect_dma source(%dma_start3A_114 : memref<10000x128xf32, #tpu.memory_space<hbm>>) target(%arg10 : memref<80x128xf32, #tpu.memory_space<vmem>>) offsets(%dma_start3A_111 : memref<80xi32, #tpu.memory_space<vmem>>) semaphore(%arg12 : memref<!tpu.dma_semaphore, #tpu.memory_space<semaphore_mem>>)
    %scan3A_115 = arith.constant 0 : i32
    %scan3A_116 = arith.constant 11 : i32
    %scan3A_117 = arith.addi %scan3A_115, %scan3A_116 : i32
    %scan3A_118 = arith.constant 1 : i32
    scf.for %scan3A_318 = %scan3A_115 to %scan3A_117 step %scan3A_118  : i32 {
      %mul3A_319 = arith.constant 2 : i32
      %mul3A_320 = arith.muli %mul3A_319, %scan3A_318 : i32
      %dma_wait3A_321 = arith.constant 0 : i32
      %dma_wait3A_322 = arith.constant 0 : i32
      %dma_wait3A_323 = tpu.memref_slice %arg2[%dma_wait3A_321, %dma_wait3A_322] : memref<10000x128xf32, #tpu.memory_space<hbm>> -> memref<80x128xf32, #tpu.memory_space<hbm>>
      %dma_wait3A_324 = arith.constant 0 : i32
      %dma_wait3A_325 = arith.constant 0 : i32
      %dma_wait3A_326 = tpu.memref_slice %arg2[%dma_wait3A_324, %dma_wait3A_325] : memref<10000x128xf32, #tpu.memory_space<hbm>> -> memref<80x128xf32, #tpu.memory_space<hbm>>
      tpu.wait_dma2 semaphore(%arg11 : memref<!tpu.dma_semaphore, #tpu.memory_space<semaphore_mem>>) src(%dma_wait3A_326 : memref<80x128xf32, #tpu.memory_space<hbm>>) dst(%arg9 : memref<80x128xf32, #tpu.memory_space<vmem>>)
      %add3A_327 = arith.constant 0 : i32
      %add3A_328 = arith.addi %add3A_327, %mul3A_320 : i32
      "tpu.region"() ({
        %run_scoped3A_355 = tpu.sem_alloc : memref<!tpu.dma_semaphore, #tpu.memory_space<semaphore_mem>>
        %dma_start3A_356 = arith.constant 0 : i32
        %dma_start3A_357 = tpu.memref_slice %arg7[%add3A_328, %dma_start3A_356] : memref<125x80xi32, #tpu.memory_space<vmem>> -> memref<1x80xi32, #tpu.memory_space<vmem>>
        %dma_start3A_358 = tpu.memref_squeeze %dma_start3A_357 : memref<1x80xi32, #tpu.memory_space<vmem>> -> memref<80xi32, #tpu.memory_space<vmem>>
        %dma_start3A_359 = arith.constant 0 : i32
        %dma_start3A_360 = arith.constant 0 : i32
        %dma_start3A_361 = tpu.memref_slice %arg6[%dma_start3A_359, %dma_start3A_360] : memref<10240x128xf32, #tpu.memory_space<vmem_shared>> -> memref<10240x128xf32, #tpu.memory_space<vmem_shared>>
        tpu.enqueue_indirect_dma source(%arg9 : memref<80x128xf32, #tpu.memory_space<vmem>>) target(%dma_start3A_361 : memref<10240x128xf32, #tpu.memory_space<vmem_shared>>) offsets(%dma_start3A_358 : memref<80xi32, #tpu.memory_space<vmem>>) semaphore(%run_scoped3A_355 : memref<!tpu.dma_semaphore, #tpu.memory_space<semaphore_mem>>) {add = true}
        %dma_wait3A_362 = arith.constant 0 : i32
        %dma_wait3A_363 = tpu.memref_slice %arg7[%add3A_328, %dma_wait3A_362] : memref<125x80xi32, #tpu.memory_space<vmem>> -> memref<1x80xi32, #tpu.memory_space<vmem>>
        %dma_wait3A_364 = tpu.memref_squeeze %dma_wait3A_363 : memref<1x80xi32, #tpu.memory_space<vmem>> -> memref<80xi32, #tpu.memory_space<vmem>>
        %dma_wait3A_365 = arith.constant 0 : i32
        %dma_wait3A_366 = arith.constant 0 : i32
        %dma_wait3A_367 = tpu.memref_slice %arg6[%dma_wait3A_365, %dma_wait3A_366] : memref<10240x128xf32, #tpu.memory_space<vmem_shared>> -> memref<10240x128xf32, #tpu.memory_space<vmem_shared>>
        tpu.wait_indirect_dma semaphore(%run_scoped3A_355 : memref<!tpu.dma_semaphore, #tpu.memory_space<semaphore_mem>>) src(%arg9 : memref<80x128xf32, #tpu.memory_space<vmem>>) dst(%dma_wait3A_367 : memref<10240x128xf32, #tpu.memory_space<vmem_shared>>)
        tpu.yield
      }) : () -> ()
      %add3A_329 = arith.constant 2 : i32
      %add3A_330 = arith.addi %mul3A_320, %add3A_329 : i32
      %mul3A_331 = arith.constant 80 : i32
      %mul3A_332 = arith.muli %add3A_330, %mul3A_331 : i32
      %dma_start3A_333 = tpu.memref_slice %arg8[%mul3A_332] : memref<2000xi32, #tpu.memory_space<vmem>> -> memref<80xi32, #tpu.memory_space<vmem>>
      %dma_start3A_334 = arith.constant 0 : i32
      %dma_start3A_335 = arith.constant 0 : i32
      %dma_start3A_336 = tpu.memref_slice %arg2[%dma_start3A_334, %dma_start3A_335] : memref<10000x128xf32, #tpu.memory_space<hbm>> -> memref<10000x128xf32, #tpu.memory_space<hbm>>
      tpu.enqueue_indirect_dma source(%dma_start3A_336 : memref<10000x128xf32, #tpu.memory_space<hbm>>) target(%arg9 : memref<80x128xf32, #tpu.memory_space<vmem>>) offsets(%dma_start3A_333 : memref<80xi32, #tpu.memory_space<vmem>>) semaphore(%arg11 : memref<!tpu.dma_semaphore, #tpu.memory_space<semaphore_mem>>)
      %dma_wait3A_337 = arith.constant 0 : i32
      %dma_wait3A_338 = arith.constant 0 : i32
      %dma_wait3A_339 = tpu.memref_slice %arg2[%dma_wait3A_337, %dma_wait3A_338] : memref<10000x128xf32, #tpu.memory_space<hbm>> -> memref<80x128xf32, #tpu.memory_space<hbm>>
      %dma_wait3A_340 = arith.constant 0 : i32
      %dma_wait3A_341 = arith.constant 0 : i32
      %dma_wait3A_342 = tpu.memref_slice %arg2[%dma_wait3A_340, %dma_wait3A_341] : memref<10000x128xf32, #tpu.memory_space<hbm>> -> memref<80x128xf32, #tpu.memory_space<hbm>>
      tpu.wait_dma2 semaphore(%arg12 : memref<!tpu.dma_semaphore, #tpu.memory_space<semaphore_mem>>) src(%dma_wait3A_342 : memref<80x128xf32, #tpu.memory_space<hbm>>) dst(%arg10 : memref<80x128xf32, #tpu.memory_space<vmem>>)
      %add3A_343 = arith.constant 0 : i32
      %add3A_344 = arith.addi %add3A_343, %mul3A_320 : i32
      %add3A_345 = arith.constant 1 : i32
      %add3A_346 = arith.addi %add3A_344, %add3A_345 : i32
      "tpu.region"() ({
        %run_scoped3A_355 = tpu.sem_alloc : memref<!tpu.dma_semaphore, #tpu.memory_space<semaphore_mem>>
        %dma_start3A_356 = arith.constant 0 : i32
        %dma_start3A_357 = tpu.memref_slice %arg7[%add3A_346, %dma_start3A_356] : memref<125x80xi32, #tpu.memory_space<vmem>> -> memref<1x80xi32, #tpu.memory_space<vmem>>
        %dma_start3A_358 = tpu.memref_squeeze %dma_start3A_357 : memref<1x80xi32, #tpu.memory_space<vmem>> -> memref<80xi32, #tpu.memory_space<vmem>>
        %dma_start3A_359 = arith.constant 0 : i32
        %dma_start3A_360 = arith.constant 0 : i32
        %dma_start3A_361 = tpu.memref_slice %arg6[%dma_start3A_359, %dma_start3A_360] : memref<10240x128xf32, #tpu.memory_space<vmem_shared>> -> memref<10240x128xf32, #tpu.memory_space<vmem_shared>>
        tpu.enqueue_indirect_dma source(%arg10 : memref<80x128xf32, #tpu.memory_space<vmem>>) target(%dma_start3A_361 : memref<10240x128xf32, #tpu.memory_space<vmem_shared>>) offsets(%dma_start3A_358 : memref<80xi32, #tpu.memory_space<vmem>>) semaphore(%run_scoped3A_355 : memref<!tpu.dma_semaphore, #tpu.memory_space<semaphore_mem>>) {add = true}
        %dma_wait3A_362 = arith.constant 0 : i32
        %dma_wait3A_363 = tpu.memref_slice %arg7[%add3A_346, %dma_wait3A_362] : memref<125x80xi32, #tpu.memory_space<vmem>> -> memref<1x80xi32, #tpu.memory_space<vmem>>
        %dma_wait3A_364 = tpu.memref_squeeze %dma_wait3A_363 : memref<1x80xi32, #tpu.memory_space<vmem>> -> memref<80xi32, #tpu.memory_space<vmem>>
        %dma_wait3A_365 = arith.constant 0 : i32
        %dma_wait3A_366 = arith.constant 0 : i32
        %dma_wait3A_367 = tpu.memref_slice %arg6[%dma_wait3A_365, %dma_wait3A_366] : memref<10240x128xf32, #tpu.memory_space<vmem_shared>> -> memref<10240x128xf32, #tpu.memory_space<vmem_shared>>
        tpu.wait_indirect_dma semaphore(%run_scoped3A_355 : memref<!tpu.dma_semaphore, #tpu.memory_space<semaphore_mem>>) src(%arg10 : memref<80x128xf32, #tpu.memory_space<vmem>>) dst(%dma_wait3A_367 : memref<10240x128xf32, #tpu.memory_space<vmem_shared>>)
        tpu.yield
      }) : () -> ()
      %add3A_347 = arith.constant 3 : i32
      %add3A_348 = arith.addi %mul3A_320, %add3A_347 : i32
      %mul3A_349 = arith.constant 80 : i32
      %mul3A_350 = arith.muli %add3A_348, %mul3A_349 : i32
      %dma_start3A_351 = tpu.memref_slice %arg8[%mul3A_350] : memref<2000xi32, #tpu.memory_space<vmem>> -> memref<80xi32, #tpu.memory_space<vmem>>
      %dma_start3A_352 = arith.constant 0 : i32
      %dma_start3A_353 = arith.constant 0 : i32
      %dma_start3A_354 = tpu.memref_slice %arg2[%dma_start3A_352, %dma_start3A_353] : memref<10000x128xf32, #tpu.memory_space<hbm>> -> memref<10000x128xf32, #tpu.memory_space<hbm>>
      tpu.enqueue_indirect_dma source(%dma_start3A_354 : memref<10000x128xf32, #tpu.memory_space<hbm>>) target(%arg10 : memref<80x128xf32, #tpu.memory_space<vmem>>) offsets(%dma_start3A_351 : memref<80xi32, #tpu.memory_space<vmem>>) semaphore(%arg12 : memref<!tpu.dma_semaphore, #tpu.memory_space<semaphore_mem>>)
    }
    %scan3A_119 = arith.constant 11 : i32
    %dma_wait3A_120 = arith.constant 0 : i32
    %dma_wait3A_121 = arith.constant 0 : i32
    %dma_wait3A_122 = tpu.memref_slice %arg2[%dma_wait3A_120, %dma_wait3A_121] : memref<10000x128xf32, #tpu.memory_space<hbm>> -> memref<80x128xf32, #tpu.memory_space<hbm>>
    %dma_wait3A_123 = arith.constant 0 : i32
    %dma_wait3A_124 = arith.constant 0 : i32
    %dma_wait3A_125 = tpu.memref_slice %arg2[%dma_wait3A_123, %dma_wait3A_124] : memref<10000x128xf32, #tpu.memory_space<hbm>> -> memref<80x128xf32, #tpu.memory_space<hbm>>
    tpu.wait_dma2 semaphore(%arg11 : memref<!tpu.dma_semaphore, #tpu.memory_space<semaphore_mem>>) src(%dma_wait3A_125 : memref<80x128xf32, #tpu.memory_space<hbm>>) dst(%arg9 : memref<80x128xf32, #tpu.memory_space<vmem>>)
    %run_scoped3A = arith.constant 22 : i32
    "tpu.region"() ({
      %run_scoped3A_318 = tpu.sem_alloc : memref<!tpu.dma_semaphore, #tpu.memory_space<semaphore_mem>>
      %dma_start3A_319 = arith.constant 0 : i32
      %dma_start3A_320 = tpu.memref_slice %arg7[%run_scoped3A, %dma_start3A_319] : memref<125x80xi32, #tpu.memory_space<vmem>> -> memref<1x80xi32, #tpu.memory_space<vmem>>
      %dma_start3A_321 = tpu.memref_squeeze %dma_start3A_320 : memref<1x80xi32, #tpu.memory_space<vmem>> -> memref<80xi32, #tpu.memory_space<vmem>>
      %dma_start3A_322 = arith.constant 0 : i32
      %dma_start3A_323 = arith.constant 0 : i32
      %dma_start3A_324 = tpu.memref_slice %arg6[%dma_start3A_322, %dma_start3A_323] : memref<10240x128xf32, #tpu.memory_space<vmem_shared>> -> memref<10240x128xf32, #tpu.memory_space<vmem_shared>>
      tpu.enqueue_indirect_dma source(%arg9 : memref<80x128xf32, #tpu.memory_space<vmem>>) target(%dma_start3A_324 : memref<10240x128xf32, #tpu.memory_space<vmem_shared>>) offsets(%dma_start3A_321 : memref<80xi32, #tpu.memory_space<vmem>>) semaphore(%run_scoped3A_318 : memref<!tpu.dma_semaphore, #tpu.memory_space<semaphore_mem>>) {add = true}
      %dma_wait3A_325 = arith.constant 0 : i32
      %dma_wait3A_326 = tpu.memref_slice %arg7[%run_scoped3A, %dma_wait3A_325] : memref<125x80xi32, #tpu.memory_space<vmem>> -> memref<1x80xi32, #tpu.memory_space<vmem>>
      %dma_wait3A_327 = tpu.memref_squeeze %dma_wait3A_326 : memref<1x80xi32, #tpu.memory_space<vmem>> -> memref<80xi32, #tpu.memory_space<vmem>>
      %dma_wait3A_328 = arith.constant 0 : i32
      %dma_wait3A_329 = arith.constant 0 : i32
      %dma_wait3A_330 = tpu.memref_slice %arg6[%dma_wait3A_328, %dma_wait3A_329] : memref<10240x128xf32, #tpu.memory_space<vmem_shared>> -> memref<10240x128xf32, #tpu.memory_space<vmem_shared>>
      tpu.wait_indirect_dma semaphore(%run_scoped3A_318 : memref<!tpu.dma_semaphore, #tpu.memory_space<semaphore_mem>>) src(%arg9 : memref<80x128xf32, #tpu.memory_space<vmem>>) dst(%dma_wait3A_330 : memref<10240x128xf32, #tpu.memory_space<vmem_shared>>)
      tpu.yield
    }) : () -> ()
    %dma_start3A_126 = arith.constant 1920 : i32
    %dma_start3A_127 = tpu.memref_slice %arg8[%dma_start3A_126] : memref<2000xi32, #tpu.memory_space<vmem>> -> memref<80xi32, #tpu.memory_space<vmem>>
    %dma_start3A_128 = arith.constant 0 : i32
    %dma_start3A_129 = arith.constant 0 : i32
    %dma_start3A_130 = tpu.memref_slice %arg2[%dma_start3A_128, %dma_start3A_129] : memref<10000x128xf32, #tpu.memory_space<hbm>> -> memref<10000x128xf32, #tpu.memory_space<hbm>>
    tpu.enqueue_indirect_dma source(%dma_start3A_130 : memref<10000x128xf32, #tpu.memory_space<hbm>>) target(%arg9 : memref<80x128xf32, #tpu.memory_space<vmem>>) offsets(%dma_start3A_127 : memref<80xi32, #tpu.memory_space<vmem>>) semaphore(%arg11 : memref<!tpu.dma_semaphore, #tpu.memory_space<semaphore_mem>>)
    %dma_wait3A_131 = arith.constant 0 : i32
    %dma_wait3A_132 = arith.constant 0 : i32
    %dma_wait3A_133 = tpu.memref_slice %arg2[%dma_wait3A_131, %dma_wait3A_132] : memref<10000x128xf32, #tpu.memory_space<hbm>> -> memref<80x128xf32, #tpu.memory_space<hbm>>
    %dma_wait3A_134 = arith.constant 0 : i32
    %dma_wait3A_135 = arith.constant 0 : i32
    %dma_wait3A_136 = tpu.memref_slice %arg2[%dma_wait3A_134, %dma_wait3A_135] : memref<10000x128xf32, #tpu.memory_space<hbm>> -> memref<80x128xf32, #tpu.memory_space<hbm>>
    tpu.wait_dma2 semaphore(%arg12 : memref<!tpu.dma_semaphore, #tpu.memory_space<semaphore_mem>>) src(%dma_wait3A_136 : memref<80x128xf32, #tpu.memory_space<hbm>>) dst(%arg10 : memref<80x128xf32, #tpu.memory_space<vmem>>)
    %run_scoped3A_137 = arith.constant 23 : i32
    "tpu.region"() ({
      %run_scoped3A_318 = tpu.sem_alloc : memref<!tpu.dma_semaphore, #tpu.memory_space<semaphore_mem>>
      %dma_start3A_319 = arith.constant 0 : i32
      %dma_start3A_320 = tpu.memref_slice %arg7[%run_scoped3A_137, %dma_start3A_319] : memref<125x80xi32, #tpu.memory_space<vmem>> -> memref<1x80xi32, #tpu.memory_space<vmem>>
      %dma_start3A_321 = tpu.memref_squeeze %dma_start3A_320 : memref<1x80xi32, #tpu.memory_space<vmem>> -> memref<80xi32, #tpu.memory_space<vmem>>
      %dma_start3A_322 = arith.constant 0 : i32
      %dma_start3A_323 = arith.constant 0 : i32
      %dma_start3A_324 = tpu.memref_slice %arg6[%dma_start3A_322, %dma_start3A_323] : memref<10240x128xf32, #tpu.memory_space<vmem_shared>> -> memref<10240x128xf32, #tpu.memory_space<vmem_shared>>
      tpu.enqueue_indirect_dma source(%arg10 : memref<80x128xf32, #tpu.memory_space<vmem>>) target(%dma_start3A_324 : memref<10240x128xf32, #tpu.memory_space<vmem_shared>>) offsets(%dma_start3A_321 : memref<80xi32, #tpu.memory_space<vmem>>) semaphore(%run_scoped3A_318 : memref<!tpu.dma_semaphore, #tpu.memory_space<semaphore_mem>>) {add = true}
      %dma_wait3A_325 = arith.constant 0 : i32
      %dma_wait3A_326 = tpu.memref_slice %arg7[%run_scoped3A_137, %dma_wait3A_325] : memref<125x80xi32, #tpu.memory_space<vmem>> -> memref<1x80xi32, #tpu.memory_space<vmem>>
      %dma_wait3A_327 = tpu.memref_squeeze %dma_wait3A_326 : memref<1x80xi32, #tpu.memory_space<vmem>> -> memref<80xi32, #tpu.memory_space<vmem>>
      %dma_wait3A_328 = arith.constant 0 : i32
      %dma_wait3A_329 = arith.constant 0 : i32
      %dma_wait3A_330 = tpu.memref_slice %arg6[%dma_wait3A_328, %dma_wait3A_329] : memref<10240x128xf32, #tpu.memory_space<vmem_shared>> -> memref<10240x128xf32, #tpu.memory_space<vmem_shared>>
      tpu.wait_indirect_dma semaphore(%run_scoped3A_318 : memref<!tpu.dma_semaphore, #tpu.memory_space<semaphore_mem>>) src(%arg10 : memref<80x128xf32, #tpu.memory_space<vmem>>) dst(%dma_wait3A_330 : memref<10240x128xf32, #tpu.memory_space<vmem_shared>>)
      tpu.yield
    }) : () -> ()
    %dma_wait3A_138 = arith.constant 0 : i32
    %dma_wait3A_139 = arith.constant 0 : i32
    %dma_wait3A_140 = tpu.memref_slice %arg2[%dma_wait3A_138, %dma_wait3A_139] : memref<10000x128xf32, #tpu.memory_space<hbm>> -> memref<80x128xf32, #tpu.memory_space<hbm>>
    %dma_wait3A_141 = arith.constant 0 : i32
    %dma_wait3A_142 = arith.constant 0 : i32
    %dma_wait3A_143 = tpu.memref_slice %arg2[%dma_wait3A_141, %dma_wait3A_142] : memref<10000x128xf32, #tpu.memory_space<hbm>> -> memref<80x128xf32, #tpu.memory_space<hbm>>
    tpu.wait_dma2 semaphore(%arg11 : memref<!tpu.dma_semaphore, #tpu.memory_space<semaphore_mem>>) src(%dma_wait3A_143 : memref<80x128xf32, #tpu.memory_space<hbm>>) dst(%arg9 : memref<80x128xf32, #tpu.memory_space<vmem>>)
    %run_scoped3A_144 = arith.constant 24 : i32
    "tpu.region"() ({
      %run_scoped3A_318 = tpu.sem_alloc : memref<!tpu.dma_semaphore, #tpu.memory_space<semaphore_mem>>
      %dma_start3A_319 = arith.constant 0 : i32
      %dma_start3A_320 = tpu.memref_slice %arg7[%run_scoped3A_144, %dma_start3A_319] : memref<125x80xi32, #tpu.memory_space<vmem>> -> memref<1x80xi32, #tpu.memory_space<vmem>>
      %dma_start3A_321 = tpu.memref_squeeze %dma_start3A_320 : memref<1x80xi32, #tpu.memory_space<vmem>> -> memref<80xi32, #tpu.memory_space<vmem>>
      %dma_start3A_322 = arith.constant 0 : i32
      %dma_start3A_323 = arith.constant 0 : i32
      %dma_start3A_324 = tpu.memref_slice %arg6[%dma_start3A_322, %dma_start3A_323] : memref<10240x128xf32, #tpu.memory_space<vmem_shared>> -> memref<10240x128xf32, #tpu.memory_space<vmem_shared>>
      tpu.enqueue_indirect_dma source(%arg9 : memref<80x128xf32, #tpu.memory_space<vmem>>) target(%dma_start3A_324 : memref<10240x128xf32, #tpu.memory_space<vmem_shared>>) offsets(%dma_start3A_321 : memref<80xi32, #tpu.memory_space<vmem>>) semaphore(%run_scoped3A_318 : memref<!tpu.dma_semaphore, #tpu.memory_space<semaphore_mem>>) {add = true}
      %dma_wait3A_325 = arith.constant 0 : i32
      %dma_wait3A_326 = tpu.memref_slice %arg7[%run_scoped3A_144, %dma_wait3A_325] : memref<125x80xi32, #tpu.memory_space<vmem>> -> memref<1x80xi32, #tpu.memory_space<vmem>>
      %dma_wait3A_327 = tpu.memref_squeeze %dma_wait3A_326 : memref<1x80xi32, #tpu.memory_space<vmem>> -> memref<80xi32, #tpu.memory_space<vmem>>
      %dma_wait3A_328 = arith.constant 0 : i32
      %dma_wait3A_329 = arith.constant 0 : i32
      %dma_wait3A_330 = tpu.memref_slice %arg6[%dma_wait3A_328, %dma_wait3A_329] : memref<10240x128xf32, #tpu.memory_space<vmem_shared>> -> memref<10240x128xf32, #tpu.memory_space<vmem_shared>>
      tpu.wait_indirect_dma semaphore(%run_scoped3A_318 : memref<!tpu.dma_semaphore, #tpu.memory_space<semaphore_mem>>) src(%arg9 : memref<80x128xf32, #tpu.memory_space<vmem>>) dst(%dma_wait3A_330 : memref<10240x128xf32, #tpu.memory_space<vmem_shared>>)
      tpu.yield
    }) : () -> ()
    %add3A_145 = arith.constant 2000 : i32
    %add3A_146 = arith.addi %mul3A_4, %add3A_145 : i32
    "tpu.region"() ({
      %run_scoped3A_318 = tpu.sem_alloc : memref<!tpu.dma_semaphore, #tpu.memory_space<semaphore_mem>>
      %dma_start3A_319 = tpu.memref_slice %arg3[%add3A_146] : memref<320000xi32, #tpu.memory_space<hbm>> -> memref<2000xi32, #tpu.memory_space<hbm>>
      %dma_start3A_320 = tpu.memref_slice %arg3[%add3A_146] : memref<320000xi32, #tpu.memory_space<hbm>> -> memref<2000xi32, #tpu.memory_space<hbm>>
      tpu.enqueue_dma source(%dma_start3A_320 : memref<2000xi32, #tpu.memory_space<hbm>>) target(%arg8 : memref<2000xi32, #tpu.memory_space<vmem>>) target_semaphore(%run_scoped3A_318 : memref<!tpu.dma_semaphore, #tpu.memory_space<semaphore_mem>>)
      %dma_wait3A_321 = tpu.memref_slice %arg3[%add3A_146] : memref<320000xi32, #tpu.memory_space<hbm>> -> memref<2000xi32, #tpu.memory_space<hbm>>
      %dma_wait3A_322 = tpu.memref_slice %arg3[%add3A_146] : memref<320000xi32, #tpu.memory_space<hbm>> -> memref<2000xi32, #tpu.memory_space<hbm>>
      tpu.wait_dma2 semaphore(%run_scoped3A_318 : memref<!tpu.dma_semaphore, #tpu.memory_space<semaphore_mem>>) src(%dma_wait3A_322 : memref<2000xi32, #tpu.memory_space<hbm>>) dst(%arg8 : memref<2000xi32, #tpu.memory_space<vmem>>)
      tpu.yield
    }) : () -> ()
    %dma_start3A_147 = arith.constant 0 : i32
    %dma_start3A_148 = tpu.memref_slice %arg8[%dma_start3A_147] : memref<2000xi32, #tpu.memory_space<vmem>> -> memref<80xi32, #tpu.memory_space<vmem>>
    %dma_start3A_149 = arith.constant 0 : i32
    %dma_start3A_150 = arith.constant 0 : i32
    %dma_start3A_151 = tpu.memref_slice %arg2[%dma_start3A_149, %dma_start3A_150] : memref<10000x128xf32, #tpu.memory_space<hbm>> -> memref<10000x128xf32, #tpu.memory_space<hbm>>
    tpu.enqueue_indirect_dma source(%dma_start3A_151 : memref<10000x128xf32, #tpu.memory_space<hbm>>) target(%arg9 : memref<80x128xf32, #tpu.memory_space<vmem>>) offsets(%dma_start3A_148 : memref<80xi32, #tpu.memory_space<vmem>>) semaphore(%arg11 : memref<!tpu.dma_semaphore, #tpu.memory_space<semaphore_mem>>)
    %dma_start3A_152 = arith.constant 80 : i32
    %dma_start3A_153 = tpu.memref_slice %arg8[%dma_start3A_152] : memref<2000xi32, #tpu.memory_space<vmem>> -> memref<80xi32, #tpu.memory_space<vmem>>
    %dma_start3A_154 = arith.constant 0 : i32
    %dma_start3A_155 = arith.constant 0 : i32
    %dma_start3A_156 = tpu.memref_slice %arg2[%dma_start3A_154, %dma_start3A_155] : memref<10000x128xf32, #tpu.memory_space<hbm>> -> memref<10000x128xf32, #tpu.memory_space<hbm>>
    tpu.enqueue_indirect_dma source(%dma_start3A_156 : memref<10000x128xf32, #tpu.memory_space<hbm>>) target(%arg10 : memref<80x128xf32, #tpu.memory_space<vmem>>) offsets(%dma_start3A_153 : memref<80xi32, #tpu.memory_space<vmem>>) semaphore(%arg12 : memref<!tpu.dma_semaphore, #tpu.memory_space<semaphore_mem>>)
    %scan3A_157 = arith.constant 0 : i32
    %scan3A_158 = arith.constant 11 : i32
    %scan3A_159 = arith.addi %scan3A_157, %scan3A_158 : i32
    %scan3A_160 = arith.constant 1 : i32
    scf.for %scan3A_318 = %scan3A_157 to %scan3A_159 step %scan3A_160  : i32 {
      %mul3A_319 = arith.constant 2 : i32
      %mul3A_320 = arith.muli %mul3A_319, %scan3A_318 : i32
      %dma_wait3A_321 = arith.constant 0 : i32
      %dma_wait3A_322 = arith.constant 0 : i32
      %dma_wait3A_323 = tpu.memref_slice %arg2[%dma_wait3A_321, %dma_wait3A_322] : memref<10000x128xf32, #tpu.memory_space<hbm>> -> memref<80x128xf32, #tpu.memory_space<hbm>>
      %dma_wait3A_324 = arith.constant 0 : i32
      %dma_wait3A_325 = arith.constant 0 : i32
      %dma_wait3A_326 = tpu.memref_slice %arg2[%dma_wait3A_324, %dma_wait3A_325] : memref<10000x128xf32, #tpu.memory_space<hbm>> -> memref<80x128xf32, #tpu.memory_space<hbm>>
      tpu.wait_dma2 semaphore(%arg11 : memref<!tpu.dma_semaphore, #tpu.memory_space<semaphore_mem>>) src(%dma_wait3A_326 : memref<80x128xf32, #tpu.memory_space<hbm>>) dst(%arg9 : memref<80x128xf32, #tpu.memory_space<vmem>>)
      %add3A_327 = arith.constant 25 : i32
      %add3A_328 = arith.addi %add3A_327, %mul3A_320 : i32
      "tpu.region"() ({
        %run_scoped3A_355 = tpu.sem_alloc : memref<!tpu.dma_semaphore, #tpu.memory_space<semaphore_mem>>
        %dma_start3A_356 = arith.constant 0 : i32
        %dma_start3A_357 = tpu.memref_slice %arg7[%add3A_328, %dma_start3A_356] : memref<125x80xi32, #tpu.memory_space<vmem>> -> memref<1x80xi32, #tpu.memory_space<vmem>>
        %dma_start3A_358 = tpu.memref_squeeze %dma_start3A_357 : memref<1x80xi32, #tpu.memory_space<vmem>> -> memref<80xi32, #tpu.memory_space<vmem>>
        %dma_start3A_359 = arith.constant 0 : i32
        %dma_start3A_360 = arith.constant 0 : i32
        %dma_start3A_361 = tpu.memref_slice %arg6[%dma_start3A_359, %dma_start3A_360] : memref<10240x128xf32, #tpu.memory_space<vmem_shared>> -> memref<10240x128xf32, #tpu.memory_space<vmem_shared>>
        tpu.enqueue_indirect_dma source(%arg9 : memref<80x128xf32, #tpu.memory_space<vmem>>) target(%dma_start3A_361 : memref<10240x128xf32, #tpu.memory_space<vmem_shared>>) offsets(%dma_start3A_358 : memref<80xi32, #tpu.memory_space<vmem>>) semaphore(%run_scoped3A_355 : memref<!tpu.dma_semaphore, #tpu.memory_space<semaphore_mem>>) {add = true}
        %dma_wait3A_362 = arith.constant 0 : i32
        %dma_wait3A_363 = tpu.memref_slice %arg7[%add3A_328, %dma_wait3A_362] : memref<125x80xi32, #tpu.memory_space<vmem>> -> memref<1x80xi32, #tpu.memory_space<vmem>>
        %dma_wait3A_364 = tpu.memref_squeeze %dma_wait3A_363 : memref<1x80xi32, #tpu.memory_space<vmem>> -> memref<80xi32, #tpu.memory_space<vmem>>
        %dma_wait3A_365 = arith.constant 0 : i32
        %dma_wait3A_366 = arith.constant 0 : i32
        %dma_wait3A_367 = tpu.memref_slice %arg6[%dma_wait3A_365, %dma_wait3A_366] : memref<10240x128xf32, #tpu.memory_space<vmem_shared>> -> memref<10240x128xf32, #tpu.memory_space<vmem_shared>>
        tpu.wait_indirect_dma semaphore(%run_scoped3A_355 : memref<!tpu.dma_semaphore, #tpu.memory_space<semaphore_mem>>) src(%arg9 : memref<80x128xf32, #tpu.memory_space<vmem>>) dst(%dma_wait3A_367 : memref<10240x128xf32, #tpu.memory_space<vmem_shared>>)
        tpu.yield
      }) : () -> ()
      %add3A_329 = arith.constant 2 : i32
      %add3A_330 = arith.addi %mul3A_320, %add3A_329 : i32
      %mul3A_331 = arith.constant 80 : i32
      %mul3A_332 = arith.muli %add3A_330, %mul3A_331 : i32
      %dma_start3A_333 = tpu.memref_slice %arg8[%mul3A_332] : memref<2000xi32, #tpu.memory_space<vmem>> -> memref<80xi32, #tpu.memory_space<vmem>>
      %dma_start3A_334 = arith.constant 0 : i32
      %dma_start3A_335 = arith.constant 0 : i32
      %dma_start3A_336 = tpu.memref_slice %arg2[%dma_start3A_334, %dma_start3A_335] : memref<10000x128xf32, #tpu.memory_space<hbm>> -> memref<10000x128xf32, #tpu.memory_space<hbm>>
      tpu.enqueue_indirect_dma source(%dma_start3A_336 : memref<10000x128xf32, #tpu.memory_space<hbm>>) target(%arg9 : memref<80x128xf32, #tpu.memory_space<vmem>>) offsets(%dma_start3A_333 : memref<80xi32, #tpu.memory_space<vmem>>) semaphore(%arg11 : memref<!tpu.dma_semaphore, #tpu.memory_space<semaphore_mem>>)
      %dma_wait3A_337 = arith.constant 0 : i32
      %dma_wait3A_338 = arith.constant 0 : i32
      %dma_wait3A_339 = tpu.memref_slice %arg2[%dma_wait3A_337, %dma_wait3A_338] : memref<10000x128xf32, #tpu.memory_space<hbm>> -> memref<80x128xf32, #tpu.memory_space<hbm>>
      %dma_wait3A_340 = arith.constant 0 : i32
      %dma_wait3A_341 = arith.constant 0 : i32
      %dma_wait3A_342 = tpu.memref_slice %arg2[%dma_wait3A_340, %dma_wait3A_341] : memref<10000x128xf32, #tpu.memory_space<hbm>> -> memref<80x128xf32, #tpu.memory_space<hbm>>
      tpu.wait_dma2 semaphore(%arg12 : memref<!tpu.dma_semaphore, #tpu.memory_space<semaphore_mem>>) src(%dma_wait3A_342 : memref<80x128xf32, #tpu.memory_space<hbm>>) dst(%arg10 : memref<80x128xf32, #tpu.memory_space<vmem>>)
      %add3A_343 = arith.constant 25 : i32
      %add3A_344 = arith.addi %add3A_343, %mul3A_320 : i32
      %add3A_345 = arith.constant 1 : i32
      %add3A_346 = arith.addi %add3A_344, %add3A_345 : i32
      "tpu.region"() ({
        %run_scoped3A_355 = tpu.sem_alloc : memref<!tpu.dma_semaphore, #tpu.memory_space<semaphore_mem>>
        %dma_start3A_356 = arith.constant 0 : i32
        %dma_start3A_357 = tpu.memref_slice %arg7[%add3A_346, %dma_start3A_356] : memref<125x80xi32, #tpu.memory_space<vmem>> -> memref<1x80xi32, #tpu.memory_space<vmem>>
        %dma_start3A_358 = tpu.memref_squeeze %dma_start3A_357 : memref<1x80xi32, #tpu.memory_space<vmem>> -> memref<80xi32, #tpu.memory_space<vmem>>
        %dma_start3A_359 = arith.constant 0 : i32
        %dma_start3A_360 = arith.constant 0 : i32
        %dma_start3A_361 = tpu.memref_slice %arg6[%dma_start3A_359, %dma_start3A_360] : memref<10240x128xf32, #tpu.memory_space<vmem_shared>> -> memref<10240x128xf32, #tpu.memory_space<vmem_shared>>
        tpu.enqueue_indirect_dma source(%arg10 : memref<80x128xf32, #tpu.memory_space<vmem>>) target(%dma_start3A_361 : memref<10240x128xf32, #tpu.memory_space<vmem_shared>>) offsets(%dma_start3A_358 : memref<80xi32, #tpu.memory_space<vmem>>) semaphore(%run_scoped3A_355 : memref<!tpu.dma_semaphore, #tpu.memory_space<semaphore_mem>>) {add = true}
        %dma_wait3A_362 = arith.constant 0 : i32
        %dma_wait3A_363 = tpu.memref_slice %arg7[%add3A_346, %dma_wait3A_362] : memref<125x80xi32, #tpu.memory_space<vmem>> -> memref<1x80xi32, #tpu.memory_space<vmem>>
        %dma_wait3A_364 = tpu.memref_squeeze %dma_wait3A_363 : memref<1x80xi32, #tpu.memory_space<vmem>> -> memref<80xi32, #tpu.memory_space<vmem>>
        %dma_wait3A_365 = arith.constant 0 : i32
        %dma_wait3A_366 = arith.constant 0 : i32
        %dma_wait3A_367 = tpu.memref_slice %arg6[%dma_wait3A_365, %dma_wait3A_366] : memref<10240x128xf32, #tpu.memory_space<vmem_shared>> -> memref<10240x128xf32, #tpu.memory_space<vmem_shared>>
        tpu.wait_indirect_dma semaphore(%run_scoped3A_355 : memref<!tpu.dma_semaphore, #tpu.memory_space<semaphore_mem>>) src(%arg10 : memref<80x128xf32, #tpu.memory_space<vmem>>) dst(%dma_wait3A_367 : memref<10240x128xf32, #tpu.memory_space<vmem_shared>>)
        tpu.yield
      }) : () -> ()
      %add3A_347 = arith.constant 3 : i32
      %add3A_348 = arith.addi %mul3A_320, %add3A_347 : i32
      %mul3A_349 = arith.constant 80 : i32
      %mul3A_350 = arith.muli %add3A_348, %mul3A_349 : i32
      %dma_start3A_351 = tpu.memref_slice %arg8[%mul3A_350] : memref<2000xi32, #tpu.memory_space<vmem>> -> memref<80xi32, #tpu.memory_space<vmem>>
      %dma_start3A_352 = arith.constant 0 : i32
      %dma_start3A_353 = arith.constant 0 : i32
      %dma_start3A_354 = tpu.memref_slice %arg2[%dma_start3A_352, %dma_start3A_353] : memref<10000x128xf32, #tpu.memory_space<hbm>> -> memref<10000x128xf32, #tpu.memory_space<hbm>>
      tpu.enqueue_indirect_dma source(%dma_start3A_354 : memref<10000x128xf32, #tpu.memory_space<hbm>>) target(%arg10 : memref<80x128xf32, #tpu.memory_space<vmem>>) offsets(%dma_start3A_351 : memref<80xi32, #tpu.memory_space<vmem>>) semaphore(%arg12 : memref<!tpu.dma_semaphore, #tpu.memory_space<semaphore_mem>>)
    }
    %scan3A_161 = arith.constant 11 : i32
    %dma_wait3A_162 = arith.constant 0 : i32
    %dma_wait3A_163 = arith.constant 0 : i32
    %dma_wait3A_164 = tpu.memref_slice %arg2[%dma_wait3A_162, %dma_wait3A_163] : memref<10000x128xf32, #tpu.memory_space<hbm>> -> memref<80x128xf32, #tpu.memory_space<hbm>>
    %dma_wait3A_165 = arith.constant 0 : i32
    %dma_wait3A_166 = arith.constant 0 : i32
    %dma_wait3A_167 = tpu.memref_slice %arg2[%dma_wait3A_165, %dma_wait3A_166] : memref<10000x128xf32, #tpu.memory_space<hbm>> -> memref<80x128xf32, #tpu.memory_space<hbm>>
    tpu.wait_dma2 semaphore(%arg11 : memref<!tpu.dma_semaphore, #tpu.memory_space<semaphore_mem>>) src(%dma_wait3A_167 : memref<80x128xf32, #tpu.memory_space<hbm>>) dst(%arg9 : memref<80x128xf32, #tpu.memory_space<vmem>>)
    %run_scoped3A_168 = arith.constant 47 : i32
    "tpu.region"() ({
      %run_scoped3A_318 = tpu.sem_alloc : memref<!tpu.dma_semaphore, #tpu.memory_space<semaphore_mem>>
      %dma_start3A_319 = arith.constant 0 : i32
      %dma_start3A_320 = tpu.memref_slice %arg7[%run_scoped3A_168, %dma_start3A_319] : memref<125x80xi32, #tpu.memory_space<vmem>> -> memref<1x80xi32, #tpu.memory_space<vmem>>
      %dma_start3A_321 = tpu.memref_squeeze %dma_start3A_320 : memref<1x80xi32, #tpu.memory_space<vmem>> -> memref<80xi32, #tpu.memory_space<vmem>>
      %dma_start3A_322 = arith.constant 0 : i32
      %dma_start3A_323 = arith.constant 0 : i32
      %dma_start3A_324 = tpu.memref_slice %arg6[%dma_start3A_322, %dma_start3A_323] : memref<10240x128xf32, #tpu.memory_space<vmem_shared>> -> memref<10240x128xf32, #tpu.memory_space<vmem_shared>>
      tpu.enqueue_indirect_dma source(%arg9 : memref<80x128xf32, #tpu.memory_space<vmem>>) target(%dma_start3A_324 : memref<10240x128xf32, #tpu.memory_space<vmem_shared>>) offsets(%dma_start3A_321 : memref<80xi32, #tpu.memory_space<vmem>>) semaphore(%run_scoped3A_318 : memref<!tpu.dma_semaphore, #tpu.memory_space<semaphore_mem>>) {add = true}
      %dma_wait3A_325 = arith.constant 0 : i32
      %dma_wait3A_326 = tpu.memref_slice %arg7[%run_scoped3A_168, %dma_wait3A_325] : memref<125x80xi32, #tpu.memory_space<vmem>> -> memref<1x80xi32, #tpu.memory_space<vmem>>
      %dma_wait3A_327 = tpu.memref_squeeze %dma_wait3A_326 : memref<1x80xi32, #tpu.memory_space<vmem>> -> memref<80xi32, #tpu.memory_space<vmem>>
      %dma_wait3A_328 = arith.constant 0 : i32
      %dma_wait3A_329 = arith.constant 0 : i32
      %dma_wait3A_330 = tpu.memref_slice %arg6[%dma_wait3A_328, %dma_wait3A_329] : memref<10240x128xf32, #tpu.memory_space<vmem_shared>> -> memref<10240x128xf32, #tpu.memory_space<vmem_shared>>
      tpu.wait_indirect_dma semaphore(%run_scoped3A_318 : memref<!tpu.dma_semaphore, #tpu.memory_space<semaphore_mem>>) src(%arg9 : memref<80x128xf32, #tpu.memory_space<vmem>>) dst(%dma_wait3A_330 : memref<10240x128xf32, #tpu.memory_space<vmem_shared>>)
      tpu.yield
    }) : () -> ()
    %dma_start3A_169 = arith.constant 1920 : i32
    %dma_start3A_170 = tpu.memref_slice %arg8[%dma_start3A_169] : memref<2000xi32, #tpu.memory_space<vmem>> -> memref<80xi32, #tpu.memory_space<vmem>>
    %dma_start3A_171 = arith.constant 0 : i32
    %dma_start3A_172 = arith.constant 0 : i32
    %dma_start3A_173 = tpu.memref_slice %arg2[%dma_start3A_171, %dma_start3A_172] : memref<10000x128xf32, #tpu.memory_space<hbm>> -> memref<10000x128xf32, #tpu.memory_space<hbm>>
    tpu.enqueue_indirect_dma source(%dma_start3A_173 : memref<10000x128xf32, #tpu.memory_space<hbm>>) target(%arg9 : memref<80x128xf32, #tpu.memory_space<vmem>>) offsets(%dma_start3A_170 : memref<80xi32, #tpu.memory_space<vmem>>) semaphore(%arg11 : memref<!tpu.dma_semaphore, #tpu.memory_space<semaphore_mem>>)
    %dma_wait3A_174 = arith.constant 0 : i32
    %dma_wait3A_175 = arith.constant 0 : i32
    %dma_wait3A_176 = tpu.memref_slice %arg2[%dma_wait3A_174, %dma_wait3A_175] : memref<10000x128xf32, #tpu.memory_space<hbm>> -> memref<80x128xf32, #tpu.memory_space<hbm>>
    %dma_wait3A_177 = arith.constant 0 : i32
    %dma_wait3A_178 = arith.constant 0 : i32
    %dma_wait3A_179 = tpu.memref_slice %arg2[%dma_wait3A_177, %dma_wait3A_178] : memref<10000x128xf32, #tpu.memory_space<hbm>> -> memref<80x128xf32, #tpu.memory_space<hbm>>
    tpu.wait_dma2 semaphore(%arg12 : memref<!tpu.dma_semaphore, #tpu.memory_space<semaphore_mem>>) src(%dma_wait3A_179 : memref<80x128xf32, #tpu.memory_space<hbm>>) dst(%arg10 : memref<80x128xf32, #tpu.memory_space<vmem>>)
    %run_scoped3A_180 = arith.constant 48 : i32
    "tpu.region"() ({
      %run_scoped3A_318 = tpu.sem_alloc : memref<!tpu.dma_semaphore, #tpu.memory_space<semaphore_mem>>
      %dma_start3A_319 = arith.constant 0 : i32
      %dma_start3A_320 = tpu.memref_slice %arg7[%run_scoped3A_180, %dma_start3A_319] : memref<125x80xi32, #tpu.memory_space<vmem>> -> memref<1x80xi32, #tpu.memory_space<vmem>>
      %dma_start3A_321 = tpu.memref_squeeze %dma_start3A_320 : memref<1x80xi32, #tpu.memory_space<vmem>> -> memref<80xi32, #tpu.memory_space<vmem>>
      %dma_start3A_322 = arith.constant 0 : i32
      %dma_start3A_323 = arith.constant 0 : i32
      %dma_start3A_324 = tpu.memref_slice %arg6[%dma_start3A_322, %dma_start3A_323] : memref<10240x128xf32, #tpu.memory_space<vmem_shared>> -> memref<10240x128xf32, #tpu.memory_space<vmem_shared>>
      tpu.enqueue_indirect_dma source(%arg10 : memref<80x128xf32, #tpu.memory_space<vmem>>) target(%dma_start3A_324 : memref<10240x128xf32, #tpu.memory_space<vmem_shared>>) offsets(%dma_start3A_321 : memref<80xi32, #tpu.memory_space<vmem>>) semaphore(%run_scoped3A_318 : memref<!tpu.dma_semaphore, #tpu.memory_space<semaphore_mem>>) {add = true}
      %dma_wait3A_325 = arith.constant 0 : i32
      %dma_wait3A_326 = tpu.memref_slice %arg7[%run_scoped3A_180, %dma_wait3A_325] : memref<125x80xi32, #tpu.memory_space<vmem>> -> memref<1x80xi32, #tpu.memory_space<vmem>>
      %dma_wait3A_327 = tpu.memref_squeeze %dma_wait3A_326 : memref<1x80xi32, #tpu.memory_space<vmem>> -> memref<80xi32, #tpu.memory_space<vmem>>
      %dma_wait3A_328 = arith.constant 0 : i32
      %dma_wait3A_329 = arith.constant 0 : i32
      %dma_wait3A_330 = tpu.memref_slice %arg6[%dma_wait3A_328, %dma_wait3A_329] : memref<10240x128xf32, #tpu.memory_space<vmem_shared>> -> memref<10240x128xf32, #tpu.memory_space<vmem_shared>>
      tpu.wait_indirect_dma semaphore(%run_scoped3A_318 : memref<!tpu.dma_semaphore, #tpu.memory_space<semaphore_mem>>) src(%arg10 : memref<80x128xf32, #tpu.memory_space<vmem>>) dst(%dma_wait3A_330 : memref<10240x128xf32, #tpu.memory_space<vmem_shared>>)
      tpu.yield
    }) : () -> ()
    %dma_wait3A_181 = arith.constant 0 : i32
    %dma_wait3A_182 = arith.constant 0 : i32
    %dma_wait3A_183 = tpu.memref_slice %arg2[%dma_wait3A_181, %dma_wait3A_182] : memref<10000x128xf32, #tpu.memory_space<hbm>> -> memref<80x128xf32, #tpu.memory_space<hbm>>
    %dma_wait3A_184 = arith.constant 0 : i32
    %dma_wait3A_185 = arith.constant 0 : i32
    %dma_wait3A_186 = tpu.memref_slice %arg2[%dma_wait3A_184, %dma_wait3A_185] : memref<10000x128xf32, #tpu.memory_space<hbm>> -> memref<80x128xf32, #tpu.memory_space<hbm>>
    tpu.wait_dma2 semaphore(%arg11 : memref<!tpu.dma_semaphore, #tpu.memory_space<semaphore_mem>>) src(%dma_wait3A_186 : memref<80x128xf32, #tpu.memory_space<hbm>>) dst(%arg9 : memref<80x128xf32, #tpu.memory_space<vmem>>)
    %run_scoped3A_187 = arith.constant 49 : i32
    "tpu.region"() ({
      %run_scoped3A_318 = tpu.sem_alloc : memref<!tpu.dma_semaphore, #tpu.memory_space<semaphore_mem>>
      %dma_start3A_319 = arith.constant 0 : i32
      %dma_start3A_320 = tpu.memref_slice %arg7[%run_scoped3A_187, %dma_start3A_319] : memref<125x80xi32, #tpu.memory_space<vmem>> -> memref<1x80xi32, #tpu.memory_space<vmem>>
      %dma_start3A_321 = tpu.memref_squeeze %dma_start3A_320 : memref<1x80xi32, #tpu.memory_space<vmem>> -> memref<80xi32, #tpu.memory_space<vmem>>
      %dma_start3A_322 = arith.constant 0 : i32
      %dma_start3A_323 = arith.constant 0 : i32
      %dma_start3A_324 = tpu.memref_slice %arg6[%dma_start3A_322, %dma_start3A_323] : memref<10240x128xf32, #tpu.memory_space<vmem_shared>> -> memref<10240x128xf32, #tpu.memory_space<vmem_shared>>
      tpu.enqueue_indirect_dma source(%arg9 : memref<80x128xf32, #tpu.memory_space<vmem>>) target(%dma_start3A_324 : memref<10240x128xf32, #tpu.memory_space<vmem_shared>>) offsets(%dma_start3A_321 : memref<80xi32, #tpu.memory_space<vmem>>) semaphore(%run_scoped3A_318 : memref<!tpu.dma_semaphore, #tpu.memory_space<semaphore_mem>>) {add = true}
      %dma_wait3A_325 = arith.constant 0 : i32
      %dma_wait3A_326 = tpu.memref_slice %arg7[%run_scoped3A_187, %dma_wait3A_325] : memref<125x80xi32, #tpu.memory_space<vmem>> -> memref<1x80xi32, #tpu.memory_space<vmem>>
      %dma_wait3A_327 = tpu.memref_squeeze %dma_wait3A_326 : memref<1x80xi32, #tpu.memory_space<vmem>> -> memref<80xi32, #tpu.memory_space<vmem>>
      %dma_wait3A_328 = arith.constant 0 : i32
      %dma_wait3A_329 = arith.constant 0 : i32
      %dma_wait3A_330 = tpu.memref_slice %arg6[%dma_wait3A_328, %dma_wait3A_329] : memref<10240x128xf32, #tpu.memory_space<vmem_shared>> -> memref<10240x128xf32, #tpu.memory_space<vmem_shared>>
      tpu.wait_indirect_dma semaphore(%run_scoped3A_318 : memref<!tpu.dma_semaphore, #tpu.memory_space<semaphore_mem>>) src(%arg9 : memref<80x128xf32, #tpu.memory_space<vmem>>) dst(%dma_wait3A_330 : memref<10240x128xf32, #tpu.memory_space<vmem_shared>>)
      tpu.yield
    }) : () -> ()
    %add3A_188 = arith.constant 4000 : i32
    %add3A_189 = arith.addi %mul3A_4, %add3A_188 : i32
    "tpu.region"() ({
      %run_scoped3A_318 = tpu.sem_alloc : memref<!tpu.dma_semaphore, #tpu.memory_space<semaphore_mem>>
      %dma_start3A_319 = tpu.memref_slice %arg3[%add3A_189] : memref<320000xi32, #tpu.memory_space<hbm>> -> memref<2000xi32, #tpu.memory_space<hbm>>
      %dma_start3A_320 = tpu.memref_slice %arg3[%add3A_189] : memref<320000xi32, #tpu.memory_space<hbm>> -> memref<2000xi32, #tpu.memory_space<hbm>>
      tpu.enqueue_dma source(%dma_start3A_320 : memref<2000xi32, #tpu.memory_space<hbm>>) target(%arg8 : memref<2000xi32, #tpu.memory_space<vmem>>) target_semaphore(%run_scoped3A_318 : memref<!tpu.dma_semaphore, #tpu.memory_space<semaphore_mem>>)
      %dma_wait3A_321 = tpu.memref_slice %arg3[%add3A_189] : memref<320000xi32, #tpu.memory_space<hbm>> -> memref<2000xi32, #tpu.memory_space<hbm>>
      %dma_wait3A_322 = tpu.memref_slice %arg3[%add3A_189] : memref<320000xi32, #tpu.memory_space<hbm>> -> memref<2000xi32, #tpu.memory_space<hbm>>
      tpu.wait_dma2 semaphore(%run_scoped3A_318 : memref<!tpu.dma_semaphore, #tpu.memory_space<semaphore_mem>>) src(%dma_wait3A_322 : memref<2000xi32, #tpu.memory_space<hbm>>) dst(%arg8 : memref<2000xi32, #tpu.memory_space<vmem>>)
      tpu.yield
    }) : () -> ()
    %dma_start3A_190 = arith.constant 0 : i32
    %dma_start3A_191 = tpu.memref_slice %arg8[%dma_start3A_190] : memref<2000xi32, #tpu.memory_space<vmem>> -> memref<80xi32, #tpu.memory_space<vmem>>
    %dma_start3A_192 = arith.constant 0 : i32
    %dma_start3A_193 = arith.constant 0 : i32
    %dma_start3A_194 = tpu.memref_slice %arg2[%dma_start3A_192, %dma_start3A_193] : memref<10000x128xf32, #tpu.memory_space<hbm>> -> memref<10000x128xf32, #tpu.memory_space<hbm>>
    tpu.enqueue_indirect_dma source(%dma_start3A_194 : memref<10000x128xf32, #tpu.memory_space<hbm>>) target(%arg9 : memref<80x128xf32, #tpu.memory_space<vmem>>) offsets(%dma_start3A_191 : memref<80xi32, #tpu.memory_space<vmem>>) semaphore(%arg11 : memref<!tpu.dma_semaphore, #tpu.memory_space<semaphore_mem>>)
    %dma_start3A_195 = arith.constant 80 : i32
    %dma_start3A_196 = tpu.memref_slice %arg8[%dma_start3A_195] : memref<2000xi32, #tpu.memory_space<vmem>> -> memref<80xi32, #tpu.memory_space<vmem>>
    %dma_start3A_197 = arith.constant 0 : i32
    %dma_start3A_198 = arith.constant 0 : i32
    %dma_start3A_199 = tpu.memref_slice %arg2[%dma_start3A_197, %dma_start3A_198] : memref<10000x128xf32, #tpu.memory_space<hbm>> -> memref<10000x128xf32, #tpu.memory_space<hbm>>
    tpu.enqueue_indirect_dma source(%dma_start3A_199 : memref<10000x128xf32, #tpu.memory_space<hbm>>) target(%arg10 : memref<80x128xf32, #tpu.memory_space<vmem>>) offsets(%dma_start3A_196 : memref<80xi32, #tpu.memory_space<vmem>>) semaphore(%arg12 : memref<!tpu.dma_semaphore, #tpu.memory_space<semaphore_mem>>)
    %scan3A_200 = arith.constant 0 : i32
    %scan3A_201 = arith.constant 11 : i32
    %scan3A_202 = arith.addi %scan3A_200, %scan3A_201 : i32
    %scan3A_203 = arith.constant 1 : i32
    scf.for %scan3A_318 = %scan3A_200 to %scan3A_202 step %scan3A_203  : i32 {
      %mul3A_319 = arith.constant 2 : i32
      %mul3A_320 = arith.muli %mul3A_319, %scan3A_318 : i32
      %dma_wait3A_321 = arith.constant 0 : i32
      %dma_wait3A_322 = arith.constant 0 : i32
      %dma_wait3A_323 = tpu.memref_slice %arg2[%dma_wait3A_321, %dma_wait3A_322] : memref<10000x128xf32, #tpu.memory_space<hbm>> -> memref<80x128xf32, #tpu.memory_space<hbm>>
      %dma_wait3A_324 = arith.constant 0 : i32
      %dma_wait3A_325 = arith.constant 0 : i32
      %dma_wait3A_326 = tpu.memref_slice %arg2[%dma_wait3A_324, %dma_wait3A_325] : memref<10000x128xf32, #tpu.memory_space<hbm>> -> memref<80x128xf32, #tpu.memory_space<hbm>>
      tpu.wait_dma2 semaphore(%arg11 : memref<!tpu.dma_semaphore, #tpu.memory_space<semaphore_mem>>) src(%dma_wait3A_326 : memref<80x128xf32, #tpu.memory_space<hbm>>) dst(%arg9 : memref<80x128xf32, #tpu.memory_space<vmem>>)
      %add3A_327 = arith.constant 50 : i32
      %add3A_328 = arith.addi %add3A_327, %mul3A_320 : i32
      "tpu.region"() ({
        %run_scoped3A_355 = tpu.sem_alloc : memref<!tpu.dma_semaphore, #tpu.memory_space<semaphore_mem>>
        %dma_start3A_356 = arith.constant 0 : i32
        %dma_start3A_357 = tpu.memref_slice %arg7[%add3A_328, %dma_start3A_356] : memref<125x80xi32, #tpu.memory_space<vmem>> -> memref<1x80xi32, #tpu.memory_space<vmem>>
        %dma_start3A_358 = tpu.memref_squeeze %dma_start3A_357 : memref<1x80xi32, #tpu.memory_space<vmem>> -> memref<80xi32, #tpu.memory_space<vmem>>
        %dma_start3A_359 = arith.constant 0 : i32
        %dma_start3A_360 = arith.constant 0 : i32
        %dma_start3A_361 = tpu.memref_slice %arg6[%dma_start3A_359, %dma_start3A_360] : memref<10240x128xf32, #tpu.memory_space<vmem_shared>> -> memref<10240x128xf32, #tpu.memory_space<vmem_shared>>
        tpu.enqueue_indirect_dma source(%arg9 : memref<80x128xf32, #tpu.memory_space<vmem>>) target(%dma_start3A_361 : memref<10240x128xf32, #tpu.memory_space<vmem_shared>>) offsets(%dma_start3A_358 : memref<80xi32, #tpu.memory_space<vmem>>) semaphore(%run_scoped3A_355 : memref<!tpu.dma_semaphore, #tpu.memory_space<semaphore_mem>>) {add = true}
        %dma_wait3A_362 = arith.constant 0 : i32
        %dma_wait3A_363 = tpu.memref_slice %arg7[%add3A_328, %dma_wait3A_362] : memref<125x80xi32, #tpu.memory_space<vmem>> -> memref<1x80xi32, #tpu.memory_space<vmem>>
        %dma_wait3A_364 = tpu.memref_squeeze %dma_wait3A_363 : memref<1x80xi32, #tpu.memory_space<vmem>> -> memref<80xi32, #tpu.memory_space<vmem>>
        %dma_wait3A_365 = arith.constant 0 : i32
        %dma_wait3A_366 = arith.constant 0 : i32
        %dma_wait3A_367 = tpu.memref_slice %arg6[%dma_wait3A_365, %dma_wait3A_366] : memref<10240x128xf32, #tpu.memory_space<vmem_shared>> -> memref<10240x128xf32, #tpu.memory_space<vmem_shared>>
        tpu.wait_indirect_dma semaphore(%run_scoped3A_355 : memref<!tpu.dma_semaphore, #tpu.memory_space<semaphore_mem>>) src(%arg9 : memref<80x128xf32, #tpu.memory_space<vmem>>) dst(%dma_wait3A_367 : memref<10240x128xf32, #tpu.memory_space<vmem_shared>>)
        tpu.yield
      }) : () -> ()
      %add3A_329 = arith.constant 2 : i32
      %add3A_330 = arith.addi %mul3A_320, %add3A_329 : i32
      %mul3A_331 = arith.constant 80 : i32
      %mul3A_332 = arith.muli %add3A_330, %mul3A_331 : i32
      %dma_start3A_333 = tpu.memref_slice %arg8[%mul3A_332] : memref<2000xi32, #tpu.memory_space<vmem>> -> memref<80xi32, #tpu.memory_space<vmem>>
      %dma_start3A_334 = arith.constant 0 : i32
      %dma_start3A_335 = arith.constant 0 : i32
      %dma_start3A_336 = tpu.memref_slice %arg2[%dma_start3A_334, %dma_start3A_335] : memref<10000x128xf32, #tpu.memory_space<hbm>> -> memref<10000x128xf32, #tpu.memory_space<hbm>>
      tpu.enqueue_indirect_dma source(%dma_start3A_336 : memref<10000x128xf32, #tpu.memory_space<hbm>>) target(%arg9 : memref<80x128xf32, #tpu.memory_space<vmem>>) offsets(%dma_start3A_333 : memref<80xi32, #tpu.memory_space<vmem>>) semaphore(%arg11 : memref<!tpu.dma_semaphore, #tpu.memory_space<semaphore_mem>>)
      %dma_wait3A_337 = arith.constant 0 : i32
      %dma_wait3A_338 = arith.constant 0 : i32
      %dma_wait3A_339 = tpu.memref_slice %arg2[%dma_wait3A_337, %dma_wait3A_338] : memref<10000x128xf32, #tpu.memory_space<hbm>> -> memref<80x128xf32, #tpu.memory_space<hbm>>
      %dma_wait3A_340 = arith.constant 0 : i32
      %dma_wait3A_341 = arith.constant 0 : i32
      %dma_wait3A_342 = tpu.memref_slice %arg2[%dma_wait3A_340, %dma_wait3A_341] : memref<10000x128xf32, #tpu.memory_space<hbm>> -> memref<80x128xf32, #tpu.memory_space<hbm>>
      tpu.wait_dma2 semaphore(%arg12 : memref<!tpu.dma_semaphore, #tpu.memory_space<semaphore_mem>>) src(%dma_wait3A_342 : memref<80x128xf32, #tpu.memory_space<hbm>>) dst(%arg10 : memref<80x128xf32, #tpu.memory_space<vmem>>)
      %add3A_343 = arith.constant 50 : i32
      %add3A_344 = arith.addi %add3A_343, %mul3A_320 : i32
      %add3A_345 = arith.constant 1 : i32
      %add3A_346 = arith.addi %add3A_344, %add3A_345 : i32
      "tpu.region"() ({
        %run_scoped3A_355 = tpu.sem_alloc : memref<!tpu.dma_semaphore, #tpu.memory_space<semaphore_mem>>
        %dma_start3A_356 = arith.constant 0 : i32
        %dma_start3A_357 = tpu.memref_slice %arg7[%add3A_346, %dma_start3A_356] : memref<125x80xi32, #tpu.memory_space<vmem>> -> memref<1x80xi32, #tpu.memory_space<vmem>>
        %dma_start3A_358 = tpu.memref_squeeze %dma_start3A_357 : memref<1x80xi32, #tpu.memory_space<vmem>> -> memref<80xi32, #tpu.memory_space<vmem>>
        %dma_start3A_359 = arith.constant 0 : i32
        %dma_start3A_360 = arith.constant 0 : i32
        %dma_start3A_361 = tpu.memref_slice %arg6[%dma_start3A_359, %dma_start3A_360] : memref<10240x128xf32, #tpu.memory_space<vmem_shared>> -> memref<10240x128xf32, #tpu.memory_space<vmem_shared>>
        tpu.enqueue_indirect_dma source(%arg10 : memref<80x128xf32, #tpu.memory_space<vmem>>) target(%dma_start3A_361 : memref<10240x128xf32, #tpu.memory_space<vmem_shared>>) offsets(%dma_start3A_358 : memref<80xi32, #tpu.memory_space<vmem>>) semaphore(%run_scoped3A_355 : memref<!tpu.dma_semaphore, #tpu.memory_space<semaphore_mem>>) {add = true}
        %dma_wait3A_362 = arith.constant 0 : i32
        %dma_wait3A_363 = tpu.memref_slice %arg7[%add3A_346, %dma_wait3A_362] : memref<125x80xi32, #tpu.memory_space<vmem>> -> memref<1x80xi32, #tpu.memory_space<vmem>>
        %dma_wait3A_364 = tpu.memref_squeeze %dma_wait3A_363 : memref<1x80xi32, #tpu.memory_space<vmem>> -> memref<80xi32, #tpu.memory_space<vmem>>
        %dma_wait3A_365 = arith.constant 0 : i32
        %dma_wait3A_366 = arith.constant 0 : i32
        %dma_wait3A_367 = tpu.memref_slice %arg6[%dma_wait3A_365, %dma_wait3A_366] : memref<10240x128xf32, #tpu.memory_space<vmem_shared>> -> memref<10240x128xf32, #tpu.memory_space<vmem_shared>>
        tpu.wait_indirect_dma semaphore(%run_scoped3A_355 : memref<!tpu.dma_semaphore, #tpu.memory_space<semaphore_mem>>) src(%arg10 : memref<80x128xf32, #tpu.memory_space<vmem>>) dst(%dma_wait3A_367 : memref<10240x128xf32, #tpu.memory_space<vmem_shared>>)
        tpu.yield
      }) : () -> ()
      %add3A_347 = arith.constant 3 : i32
      %add3A_348 = arith.addi %mul3A_320, %add3A_347 : i32
      %mul3A_349 = arith.constant 80 : i32
      %mul3A_350 = arith.muli %add3A_348, %mul3A_349 : i32
      %dma_start3A_351 = tpu.memref_slice %arg8[%mul3A_350] : memref<2000xi32, #tpu.memory_space<vmem>> -> memref<80xi32, #tpu.memory_space<vmem>>
      %dma_start3A_352 = arith.constant 0 : i32
      %dma_start3A_353 = arith.constant 0 : i32
      %dma_start3A_354 = tpu.memref_slice %arg2[%dma_start3A_352, %dma_start3A_353] : memref<10000x128xf32, #tpu.memory_space<hbm>> -> memref<10000x128xf32, #tpu.memory_space<hbm>>
      tpu.enqueue_indirect_dma source(%dma_start3A_354 : memref<10000x128xf32, #tpu.memory_space<hbm>>) target(%arg10 : memref<80x128xf32, #tpu.memory_space<vmem>>) offsets(%dma_start3A_351 : memref<80xi32, #tpu.memory_space<vmem>>) semaphore(%arg12 : memref<!tpu.dma_semaphore, #tpu.memory_space<semaphore_mem>>)
    }
    %scan3A_204 = arith.constant 11 : i32
    %dma_wait3A_205 = arith.constant 0 : i32
    %dma_wait3A_206 = arith.constant 0 : i32
    %dma_wait3A_207 = tpu.memref_slice %arg2[%dma_wait3A_205, %dma_wait3A_206] : memref<10000x128xf32, #tpu.memory_space<hbm>> -> memref<80x128xf32, #tpu.memory_space<hbm>>
    %dma_wait3A_208 = arith.constant 0 : i32
    %dma_wait3A_209 = arith.constant 0 : i32
    %dma_wait3A_210 = tpu.memref_slice %arg2[%dma_wait3A_208, %dma_wait3A_209] : memref<10000x128xf32, #tpu.memory_space<hbm>> -> memref<80x128xf32, #tpu.memory_space<hbm>>
    tpu.wait_dma2 semaphore(%arg11 : memref<!tpu.dma_semaphore, #tpu.memory_space<semaphore_mem>>) src(%dma_wait3A_210 : memref<80x128xf32, #tpu.memory_space<hbm>>) dst(%arg9 : memref<80x128xf32, #tpu.memory_space<vmem>>)
    %run_scoped3A_211 = arith.constant 72 : i32
    "tpu.region"() ({
      %run_scoped3A_318 = tpu.sem_alloc : memref<!tpu.dma_semaphore, #tpu.memory_space<semaphore_mem>>
      %dma_start3A_319 = arith.constant 0 : i32
      %dma_start3A_320 = tpu.memref_slice %arg7[%run_scoped3A_211, %dma_start3A_319] : memref<125x80xi32, #tpu.memory_space<vmem>> -> memref<1x80xi32, #tpu.memory_space<vmem>>
      %dma_start3A_321 = tpu.memref_squeeze %dma_start3A_320 : memref<1x80xi32, #tpu.memory_space<vmem>> -> memref<80xi32, #tpu.memory_space<vmem>>
      %dma_start3A_322 = arith.constant 0 : i32
      %dma_start3A_323 = arith.constant 0 : i32
      %dma_start3A_324 = tpu.memref_slice %arg6[%dma_start3A_322, %dma_start3A_323] : memref<10240x128xf32, #tpu.memory_space<vmem_shared>> -> memref<10240x128xf32, #tpu.memory_space<vmem_shared>>
      tpu.enqueue_indirect_dma source(%arg9 : memref<80x128xf32, #tpu.memory_space<vmem>>) target(%dma_start3A_324 : memref<10240x128xf32, #tpu.memory_space<vmem_shared>>) offsets(%dma_start3A_321 : memref<80xi32, #tpu.memory_space<vmem>>) semaphore(%run_scoped3A_318 : memref<!tpu.dma_semaphore, #tpu.memory_space<semaphore_mem>>) {add = true}
      %dma_wait3A_325 = arith.constant 0 : i32
      %dma_wait3A_326 = tpu.memref_slice %arg7[%run_scoped3A_211, %dma_wait3A_325] : memref<125x80xi32, #tpu.memory_space<vmem>> -> memref<1x80xi32, #tpu.memory_space<vmem>>
      %dma_wait3A_327 = tpu.memref_squeeze %dma_wait3A_326 : memref<1x80xi32, #tpu.memory_space<vmem>> -> memref<80xi32, #tpu.memory_space<vmem>>
      %dma_wait3A_328 = arith.constant 0 : i32
      %dma_wait3A_329 = arith.constant 0 : i32
      %dma_wait3A_330 = tpu.memref_slice %arg6[%dma_wait3A_328, %dma_wait3A_329] : memref<10240x128xf32, #tpu.memory_space<vmem_shared>> -> memref<10240x128xf32, #tpu.memory_space<vmem_shared>>
      tpu.wait_indirect_dma semaphore(%run_scoped3A_318 : memref<!tpu.dma_semaphore, #tpu.memory_space<semaphore_mem>>) src(%arg9 : memref<80x128xf32, #tpu.memory_space<vmem>>) dst(%dma_wait3A_330 : memref<10240x128xf32, #tpu.memory_space<vmem_shared>>)
      tpu.yield
    }) : () -> ()
    %dma_start3A_212 = arith.constant 1920 : i32
    %dma_start3A_213 = tpu.memref_slice %arg8[%dma_start3A_212] : memref<2000xi32, #tpu.memory_space<vmem>> -> memref<80xi32, #tpu.memory_space<vmem>>
    %dma_start3A_214 = arith.constant 0 : i32
    %dma_start3A_215 = arith.constant 0 : i32
    %dma_start3A_216 = tpu.memref_slice %arg2[%dma_start3A_214, %dma_start3A_215] : memref<10000x128xf32, #tpu.memory_space<hbm>> -> memref<10000x128xf32, #tpu.memory_space<hbm>>
    tpu.enqueue_indirect_dma source(%dma_start3A_216 : memref<10000x128xf32, #tpu.memory_space<hbm>>) target(%arg9 : memref<80x128xf32, #tpu.memory_space<vmem>>) offsets(%dma_start3A_213 : memref<80xi32, #tpu.memory_space<vmem>>) semaphore(%arg11 : memref<!tpu.dma_semaphore, #tpu.memory_space<semaphore_mem>>)
    %dma_wait3A_217 = arith.constant 0 : i32
    %dma_wait3A_218 = arith.constant 0 : i32
    %dma_wait3A_219 = tpu.memref_slice %arg2[%dma_wait3A_217, %dma_wait3A_218] : memref<10000x128xf32, #tpu.memory_space<hbm>> -> memref<80x128xf32, #tpu.memory_space<hbm>>
    %dma_wait3A_220 = arith.constant 0 : i32
    %dma_wait3A_221 = arith.constant 0 : i32
    %dma_wait3A_222 = tpu.memref_slice %arg2[%dma_wait3A_220, %dma_wait3A_221] : memref<10000x128xf32, #tpu.memory_space<hbm>> -> memref<80x128xf32, #tpu.memory_space<hbm>>
    tpu.wait_dma2 semaphore(%arg12 : memref<!tpu.dma_semaphore, #tpu.memory_space<semaphore_mem>>) src(%dma_wait3A_222 : memref<80x128xf32, #tpu.memory_space<hbm>>) dst(%arg10 : memref<80x128xf32, #tpu.memory_space<vmem>>)
    %run_scoped3A_223 = arith.constant 73 : i32
    "tpu.region"() ({
      %run_scoped3A_318 = tpu.sem_alloc : memref<!tpu.dma_semaphore, #tpu.memory_space<semaphore_mem>>
      %dma_start3A_319 = arith.constant 0 : i32
      %dma_start3A_320 = tpu.memref_slice %arg7[%run_scoped3A_223, %dma_start3A_319] : memref<125x80xi32, #tpu.memory_space<vmem>> -> memref<1x80xi32, #tpu.memory_space<vmem>>
      %dma_start3A_321 = tpu.memref_squeeze %dma_start3A_320 : memref<1x80xi32, #tpu.memory_space<vmem>> -> memref<80xi32, #tpu.memory_space<vmem>>
      %dma_start3A_322 = arith.constant 0 : i32
      %dma_start3A_323 = arith.constant 0 : i32
      %dma_start3A_324 = tpu.memref_slice %arg6[%dma_start3A_322, %dma_start3A_323] : memref<10240x128xf32, #tpu.memory_space<vmem_shared>> -> memref<10240x128xf32, #tpu.memory_space<vmem_shared>>
      tpu.enqueue_indirect_dma source(%arg10 : memref<80x128xf32, #tpu.memory_space<vmem>>) target(%dma_start3A_324 : memref<10240x128xf32, #tpu.memory_space<vmem_shared>>) offsets(%dma_start3A_321 : memref<80xi32, #tpu.memory_space<vmem>>) semaphore(%run_scoped3A_318 : memref<!tpu.dma_semaphore, #tpu.memory_space<semaphore_mem>>) {add = true}
      %dma_wait3A_325 = arith.constant 0 : i32
      %dma_wait3A_326 = tpu.memref_slice %arg7[%run_scoped3A_223, %dma_wait3A_325] : memref<125x80xi32, #tpu.memory_space<vmem>> -> memref<1x80xi32, #tpu.memory_space<vmem>>
      %dma_wait3A_327 = tpu.memref_squeeze %dma_wait3A_326 : memref<1x80xi32, #tpu.memory_space<vmem>> -> memref<80xi32, #tpu.memory_space<vmem>>
      %dma_wait3A_328 = arith.constant 0 : i32
      %dma_wait3A_329 = arith.constant 0 : i32
      %dma_wait3A_330 = tpu.memref_slice %arg6[%dma_wait3A_328, %dma_wait3A_329] : memref<10240x128xf32, #tpu.memory_space<vmem_shared>> -> memref<10240x128xf32, #tpu.memory_space<vmem_shared>>
      tpu.wait_indirect_dma semaphore(%run_scoped3A_318 : memref<!tpu.dma_semaphore, #tpu.memory_space<semaphore_mem>>) src(%arg10 : memref<80x128xf32, #tpu.memory_space<vmem>>) dst(%dma_wait3A_330 : memref<10240x128xf32, #tpu.memory_space<vmem_shared>>)
      tpu.yield
    }) : () -> ()
    %dma_wait3A_224 = arith.constant 0 : i32
    %dma_wait3A_225 = arith.constant 0 : i32
    %dma_wait3A_226 = tpu.memref_slice %arg2[%dma_wait3A_224, %dma_wait3A_225] : memref<10000x128xf32, #tpu.memory_space<hbm>> -> memref<80x128xf32, #tpu.memory_space<hbm>>
    %dma_wait3A_227 = arith.constant 0 : i32
    %dma_wait3A_228 = arith.constant 0 : i32
    %dma_wait3A_229 = tpu.memref_slice %arg2[%dma_wait3A_227, %dma_wait3A_228] : memref<10000x128xf32, #tpu.memory_space<hbm>> -> memref<80x128xf32, #tpu.memory_space<hbm>>
    tpu.wait_dma2 semaphore(%arg11 : memref<!tpu.dma_semaphore, #tpu.memory_space<semaphore_mem>>) src(%dma_wait3A_229 : memref<80x128xf32, #tpu.memory_space<hbm>>) dst(%arg9 : memref<80x128xf32, #tpu.memory_space<vmem>>)
    %run_scoped3A_230 = arith.constant 74 : i32
    "tpu.region"() ({
      %run_scoped3A_318 = tpu.sem_alloc : memref<!tpu.dma_semaphore, #tpu.memory_space<semaphore_mem>>
      %dma_start3A_319 = arith.constant 0 : i32
      %dma_start3A_320 = tpu.memref_slice %arg7[%run_scoped3A_230, %dma_start3A_319] : memref<125x80xi32, #tpu.memory_space<vmem>> -> memref<1x80xi32, #tpu.memory_space<vmem>>
      %dma_start3A_321 = tpu.memref_squeeze %dma_start3A_320 : memref<1x80xi32, #tpu.memory_space<vmem>> -> memref<80xi32, #tpu.memory_space<vmem>>
      %dma_start3A_322 = arith.constant 0 : i32
      %dma_start3A_323 = arith.constant 0 : i32
      %dma_start3A_324 = tpu.memref_slice %arg6[%dma_start3A_322, %dma_start3A_323] : memref<10240x128xf32, #tpu.memory_space<vmem_shared>> -> memref<10240x128xf32, #tpu.memory_space<vmem_shared>>
      tpu.enqueue_indirect_dma source(%arg9 : memref<80x128xf32, #tpu.memory_space<vmem>>) target(%dma_start3A_324 : memref<10240x128xf32, #tpu.memory_space<vmem_shared>>) offsets(%dma_start3A_321 : memref<80xi32, #tpu.memory_space<vmem>>) semaphore(%run_scoped3A_318 : memref<!tpu.dma_semaphore, #tpu.memory_space<semaphore_mem>>) {add = true}
      %dma_wait3A_325 = arith.constant 0 : i32
      %dma_wait3A_326 = tpu.memref_slice %arg7[%run_scoped3A_230, %dma_wait3A_325] : memref<125x80xi32, #tpu.memory_space<vmem>> -> memref<1x80xi32, #tpu.memory_space<vmem>>
      %dma_wait3A_327 = tpu.memref_squeeze %dma_wait3A_326 : memref<1x80xi32, #tpu.memory_space<vmem>> -> memref<80xi32, #tpu.memory_space<vmem>>
      %dma_wait3A_328 = arith.constant 0 : i32
      %dma_wait3A_329 = arith.constant 0 : i32
      %dma_wait3A_330 = tpu.memref_slice %arg6[%dma_wait3A_328, %dma_wait3A_329] : memref<10240x128xf32, #tpu.memory_space<vmem_shared>> -> memref<10240x128xf32, #tpu.memory_space<vmem_shared>>
      tpu.wait_indirect_dma semaphore(%run_scoped3A_318 : memref<!tpu.dma_semaphore, #tpu.memory_space<semaphore_mem>>) src(%arg9 : memref<80x128xf32, #tpu.memory_space<vmem>>) dst(%dma_wait3A_330 : memref<10240x128xf32, #tpu.memory_space<vmem_shared>>)
      tpu.yield
    }) : () -> ()
    %add3A_231 = arith.constant 6000 : i32
    %add3A_232 = arith.addi %mul3A_4, %add3A_231 : i32
    "tpu.region"() ({
      %run_scoped3A_318 = tpu.sem_alloc : memref<!tpu.dma_semaphore, #tpu.memory_space<semaphore_mem>>
      %dma_start3A_319 = tpu.memref_slice %arg3[%add3A_232] : memref<320000xi32, #tpu.memory_space<hbm>> -> memref<2000xi32, #tpu.memory_space<hbm>>
      %dma_start3A_320 = tpu.memref_slice %arg3[%add3A_232] : memref<320000xi32, #tpu.memory_space<hbm>> -> memref<2000xi32, #tpu.memory_space<hbm>>
      tpu.enqueue_dma source(%dma_start3A_320 : memref<2000xi32, #tpu.memory_space<hbm>>) target(%arg8 : memref<2000xi32, #tpu.memory_space<vmem>>) target_semaphore(%run_scoped3A_318 : memref<!tpu.dma_semaphore, #tpu.memory_space<semaphore_mem>>)
      %dma_wait3A_321 = tpu.memref_slice %arg3[%add3A_232] : memref<320000xi32, #tpu.memory_space<hbm>> -> memref<2000xi32, #tpu.memory_space<hbm>>
      %dma_wait3A_322 = tpu.memref_slice %arg3[%add3A_232] : memref<320000xi32, #tpu.memory_space<hbm>> -> memref<2000xi32, #tpu.memory_space<hbm>>
      tpu.wait_dma2 semaphore(%run_scoped3A_318 : memref<!tpu.dma_semaphore, #tpu.memory_space<semaphore_mem>>) src(%dma_wait3A_322 : memref<2000xi32, #tpu.memory_space<hbm>>) dst(%arg8 : memref<2000xi32, #tpu.memory_space<vmem>>)
      tpu.yield
    }) : () -> ()
    %dma_start3A_233 = arith.constant 0 : i32
    %dma_start3A_234 = tpu.memref_slice %arg8[%dma_start3A_233] : memref<2000xi32, #tpu.memory_space<vmem>> -> memref<80xi32, #tpu.memory_space<vmem>>
    %dma_start3A_235 = arith.constant 0 : i32
    %dma_start3A_236 = arith.constant 0 : i32
    %dma_start3A_237 = tpu.memref_slice %arg2[%dma_start3A_235, %dma_start3A_236] : memref<10000x128xf32, #tpu.memory_space<hbm>> -> memref<10000x128xf32, #tpu.memory_space<hbm>>
    tpu.enqueue_indirect_dma source(%dma_start3A_237 : memref<10000x128xf32, #tpu.memory_space<hbm>>) target(%arg9 : memref<80x128xf32, #tpu.memory_space<vmem>>) offsets(%dma_start3A_234 : memref<80xi32, #tpu.memory_space<vmem>>) semaphore(%arg11 : memref<!tpu.dma_semaphore, #tpu.memory_space<semaphore_mem>>)
    %dma_start3A_238 = arith.constant 80 : i32
    %dma_start3A_239 = tpu.memref_slice %arg8[%dma_start3A_238] : memref<2000xi32, #tpu.memory_space<vmem>> -> memref<80xi32, #tpu.memory_space<vmem>>
    %dma_start3A_240 = arith.constant 0 : i32
    %dma_start3A_241 = arith.constant 0 : i32
    %dma_start3A_242 = tpu.memref_slice %arg2[%dma_start3A_240, %dma_start3A_241] : memref<10000x128xf32, #tpu.memory_space<hbm>> -> memref<10000x128xf32, #tpu.memory_space<hbm>>
    tpu.enqueue_indirect_dma source(%dma_start3A_242 : memref<10000x128xf32, #tpu.memory_space<hbm>>) target(%arg10 : memref<80x128xf32, #tpu.memory_space<vmem>>) offsets(%dma_start3A_239 : memref<80xi32, #tpu.memory_space<vmem>>) semaphore(%arg12 : memref<!tpu.dma_semaphore, #tpu.memory_space<semaphore_mem>>)
    %scan3A_243 = arith.constant 0 : i32
    %scan3A_244 = arith.constant 11 : i32
    %scan3A_245 = arith.addi %scan3A_243, %scan3A_244 : i32
    %scan3A_246 = arith.constant 1 : i32
    scf.for %scan3A_318 = %scan3A_243 to %scan3A_245 step %scan3A_246  : i32 {
      %mul3A_319 = arith.constant 2 : i32
      %mul3A_320 = arith.muli %mul3A_319, %scan3A_318 : i32
      %dma_wait3A_321 = arith.constant 0 : i32
      %dma_wait3A_322 = arith.constant 0 : i32
      %dma_wait3A_323 = tpu.memref_slice %arg2[%dma_wait3A_321, %dma_wait3A_322] : memref<10000x128xf32, #tpu.memory_space<hbm>> -> memref<80x128xf32, #tpu.memory_space<hbm>>
      %dma_wait3A_324 = arith.constant 0 : i32
      %dma_wait3A_325 = arith.constant 0 : i32
      %dma_wait3A_326 = tpu.memref_slice %arg2[%dma_wait3A_324, %dma_wait3A_325] : memref<10000x128xf32, #tpu.memory_space<hbm>> -> memref<80x128xf32, #tpu.memory_space<hbm>>
      tpu.wait_dma2 semaphore(%arg11 : memref<!tpu.dma_semaphore, #tpu.memory_space<semaphore_mem>>) src(%dma_wait3A_326 : memref<80x128xf32, #tpu.memory_space<hbm>>) dst(%arg9 : memref<80x128xf32, #tpu.memory_space<vmem>>)
      %add3A_327 = arith.constant 75 : i32
      %add3A_328 = arith.addi %add3A_327, %mul3A_320 : i32
      "tpu.region"() ({
        %run_scoped3A_355 = tpu.sem_alloc : memref<!tpu.dma_semaphore, #tpu.memory_space<semaphore_mem>>
        %dma_start3A_356 = arith.constant 0 : i32
        %dma_start3A_357 = tpu.memref_slice %arg7[%add3A_328, %dma_start3A_356] : memref<125x80xi32, #tpu.memory_space<vmem>> -> memref<1x80xi32, #tpu.memory_space<vmem>>
        %dma_start3A_358 = tpu.memref_squeeze %dma_start3A_357 : memref<1x80xi32, #tpu.memory_space<vmem>> -> memref<80xi32, #tpu.memory_space<vmem>>
        %dma_start3A_359 = arith.constant 0 : i32
        %dma_start3A_360 = arith.constant 0 : i32
        %dma_start3A_361 = tpu.memref_slice %arg6[%dma_start3A_359, %dma_start3A_360] : memref<10240x128xf32, #tpu.memory_space<vmem_shared>> -> memref<10240x128xf32, #tpu.memory_space<vmem_shared>>
        tpu.enqueue_indirect_dma source(%arg9 : memref<80x128xf32, #tpu.memory_space<vmem>>) target(%dma_start3A_361 : memref<10240x128xf32, #tpu.memory_space<vmem_shared>>) offsets(%dma_start3A_358 : memref<80xi32, #tpu.memory_space<vmem>>) semaphore(%run_scoped3A_355 : memref<!tpu.dma_semaphore, #tpu.memory_space<semaphore_mem>>) {add = true}
        %dma_wait3A_362 = arith.constant 0 : i32
        %dma_wait3A_363 = tpu.memref_slice %arg7[%add3A_328, %dma_wait3A_362] : memref<125x80xi32, #tpu.memory_space<vmem>> -> memref<1x80xi32, #tpu.memory_space<vmem>>
        %dma_wait3A_364 = tpu.memref_squeeze %dma_wait3A_363 : memref<1x80xi32, #tpu.memory_space<vmem>> -> memref<80xi32, #tpu.memory_space<vmem>>
        %dma_wait3A_365 = arith.constant 0 : i32
        %dma_wait3A_366 = arith.constant 0 : i32
        %dma_wait3A_367 = tpu.memref_slice %arg6[%dma_wait3A_365, %dma_wait3A_366] : memref<10240x128xf32, #tpu.memory_space<vmem_shared>> -> memref<10240x128xf32, #tpu.memory_space<vmem_shared>>
        tpu.wait_indirect_dma semaphore(%run_scoped3A_355 : memref<!tpu.dma_semaphore, #tpu.memory_space<semaphore_mem>>) src(%arg9 : memref<80x128xf32, #tpu.memory_space<vmem>>) dst(%dma_wait3A_367 : memref<10240x128xf32, #tpu.memory_space<vmem_shared>>)
        tpu.yield
      }) : () -> ()
      %add3A_329 = arith.constant 2 : i32
      %add3A_330 = arith.addi %mul3A_320, %add3A_329 : i32
      %mul3A_331 = arith.constant 80 : i32
      %mul3A_332 = arith.muli %add3A_330, %mul3A_331 : i32
      %dma_start3A_333 = tpu.memref_slice %arg8[%mul3A_332] : memref<2000xi32, #tpu.memory_space<vmem>> -> memref<80xi32, #tpu.memory_space<vmem>>
      %dma_start3A_334 = arith.constant 0 : i32
      %dma_start3A_335 = arith.constant 0 : i32
      %dma_start3A_336 = tpu.memref_slice %arg2[%dma_start3A_334, %dma_start3A_335] : memref<10000x128xf32, #tpu.memory_space<hbm>> -> memref<10000x128xf32, #tpu.memory_space<hbm>>
      tpu.enqueue_indirect_dma source(%dma_start3A_336 : memref<10000x128xf32, #tpu.memory_space<hbm>>) target(%arg9 : memref<80x128xf32, #tpu.memory_space<vmem>>) offsets(%dma_start3A_333 : memref<80xi32, #tpu.memory_space<vmem>>) semaphore(%arg11 : memref<!tpu.dma_semaphore, #tpu.memory_space<semaphore_mem>>)
      %dma_wait3A_337 = arith.constant 0 : i32
      %dma_wait3A_338 = arith.constant 0 : i32
      %dma_wait3A_339 = tpu.memref_slice %arg2[%dma_wait3A_337, %dma_wait3A_338] : memref<10000x128xf32, #tpu.memory_space<hbm>> -> memref<80x128xf32, #tpu.memory_space<hbm>>
      %dma_wait3A_340 = arith.constant 0 : i32
      %dma_wait3A_341 = arith.constant 0 : i32
      %dma_wait3A_342 = tpu.memref_slice %arg2[%dma_wait3A_340, %dma_wait3A_341] : memref<10000x128xf32, #tpu.memory_space<hbm>> -> memref<80x128xf32, #tpu.memory_space<hbm>>
      tpu.wait_dma2 semaphore(%arg12 : memref<!tpu.dma_semaphore, #tpu.memory_space<semaphore_mem>>) src(%dma_wait3A_342 : memref<80x128xf32, #tpu.memory_space<hbm>>) dst(%arg10 : memref<80x128xf32, #tpu.memory_space<vmem>>)
      %add3A_343 = arith.constant 75 : i32
      %add3A_344 = arith.addi %add3A_343, %mul3A_320 : i32
      %add3A_345 = arith.constant 1 : i32
      %add3A_346 = arith.addi %add3A_344, %add3A_345 : i32
      "tpu.region"() ({
        %run_scoped3A_355 = tpu.sem_alloc : memref<!tpu.dma_semaphore, #tpu.memory_space<semaphore_mem>>
        %dma_start3A_356 = arith.constant 0 : i32
        %dma_start3A_357 = tpu.memref_slice %arg7[%add3A_346, %dma_start3A_356] : memref<125x80xi32, #tpu.memory_space<vmem>> -> memref<1x80xi32, #tpu.memory_space<vmem>>
        %dma_start3A_358 = tpu.memref_squeeze %dma_start3A_357 : memref<1x80xi32, #tpu.memory_space<vmem>> -> memref<80xi32, #tpu.memory_space<vmem>>
        %dma_start3A_359 = arith.constant 0 : i32
        %dma_start3A_360 = arith.constant 0 : i32
        %dma_start3A_361 = tpu.memref_slice %arg6[%dma_start3A_359, %dma_start3A_360] : memref<10240x128xf32, #tpu.memory_space<vmem_shared>> -> memref<10240x128xf32, #tpu.memory_space<vmem_shared>>
        tpu.enqueue_indirect_dma source(%arg10 : memref<80x128xf32, #tpu.memory_space<vmem>>) target(%dma_start3A_361 : memref<10240x128xf32, #tpu.memory_space<vmem_shared>>) offsets(%dma_start3A_358 : memref<80xi32, #tpu.memory_space<vmem>>) semaphore(%run_scoped3A_355 : memref<!tpu.dma_semaphore, #tpu.memory_space<semaphore_mem>>) {add = true}
        %dma_wait3A_362 = arith.constant 0 : i32
        %dma_wait3A_363 = tpu.memref_slice %arg7[%add3A_346, %dma_wait3A_362] : memref<125x80xi32, #tpu.memory_space<vmem>> -> memref<1x80xi32, #tpu.memory_space<vmem>>
        %dma_wait3A_364 = tpu.memref_squeeze %dma_wait3A_363 : memref<1x80xi32, #tpu.memory_space<vmem>> -> memref<80xi32, #tpu.memory_space<vmem>>
        %dma_wait3A_365 = arith.constant 0 : i32
        %dma_wait3A_366 = arith.constant 0 : i32
        %dma_wait3A_367 = tpu.memref_slice %arg6[%dma_wait3A_365, %dma_wait3A_366] : memref<10240x128xf32, #tpu.memory_space<vmem_shared>> -> memref<10240x128xf32, #tpu.memory_space<vmem_shared>>
        tpu.wait_indirect_dma semaphore(%run_scoped3A_355 : memref<!tpu.dma_semaphore, #tpu.memory_space<semaphore_mem>>) src(%arg10 : memref<80x128xf32, #tpu.memory_space<vmem>>) dst(%dma_wait3A_367 : memref<10240x128xf32, #tpu.memory_space<vmem_shared>>)
        tpu.yield
      }) : () -> ()
      %add3A_347 = arith.constant 3 : i32
      %add3A_348 = arith.addi %mul3A_320, %add3A_347 : i32
      %mul3A_349 = arith.constant 80 : i32
      %mul3A_350 = arith.muli %add3A_348, %mul3A_349 : i32
      %dma_start3A_351 = tpu.memref_slice %arg8[%mul3A_350] : memref<2000xi32, #tpu.memory_space<vmem>> -> memref<80xi32, #tpu.memory_space<vmem>>
      %dma_start3A_352 = arith.constant 0 : i32
      %dma_start3A_353 = arith.constant 0 : i32
      %dma_start3A_354 = tpu.memref_slice %arg2[%dma_start3A_352, %dma_start3A_353] : memref<10000x128xf32, #tpu.memory_space<hbm>> -> memref<10000x128xf32, #tpu.memory_space<hbm>>
      tpu.enqueue_indirect_dma source(%dma_start3A_354 : memref<10000x128xf32, #tpu.memory_space<hbm>>) target(%arg10 : memref<80x128xf32, #tpu.memory_space<vmem>>) offsets(%dma_start3A_351 : memref<80xi32, #tpu.memory_space<vmem>>) semaphore(%arg12 : memref<!tpu.dma_semaphore, #tpu.memory_space<semaphore_mem>>)
    }
    %scan3A_247 = arith.constant 11 : i32
    %dma_wait3A_248 = arith.constant 0 : i32
    %dma_wait3A_249 = arith.constant 0 : i32
    %dma_wait3A_250 = tpu.memref_slice %arg2[%dma_wait3A_248, %dma_wait3A_249] : memref<10000x128xf32, #tpu.memory_space<hbm>> -> memref<80x128xf32, #tpu.memory_space<hbm>>
    %dma_wait3A_251 = arith.constant 0 : i32
    %dma_wait3A_252 = arith.constant 0 : i32
    %dma_wait3A_253 = tpu.memref_slice %arg2[%dma_wait3A_251, %dma_wait3A_252] : memref<10000x128xf32, #tpu.memory_space<hbm>> -> memref<80x128xf32, #tpu.memory_space<hbm>>
    tpu.wait_dma2 semaphore(%arg11 : memref<!tpu.dma_semaphore, #tpu.memory_space<semaphore_mem>>) src(%dma_wait3A_253 : memref<80x128xf32, #tpu.memory_space<hbm>>) dst(%arg9 : memref<80x128xf32, #tpu.memory_space<vmem>>)
    %run_scoped3A_254 = arith.constant 97 : i32
    "tpu.region"() ({
      %run_scoped3A_318 = tpu.sem_alloc : memref<!tpu.dma_semaphore, #tpu.memory_space<semaphore_mem>>
      %dma_start3A_319 = arith.constant 0 : i32
      %dma_start3A_320 = tpu.memref_slice %arg7[%run_scoped3A_254, %dma_start3A_319] : memref<125x80xi32, #tpu.memory_space<vmem>> -> memref<1x80xi32, #tpu.memory_space<vmem>>
      %dma_start3A_321 = tpu.memref_squeeze %dma_start3A_320 : memref<1x80xi32, #tpu.memory_space<vmem>> -> memref<80xi32, #tpu.memory_space<vmem>>
      %dma_start3A_322 = arith.constant 0 : i32
      %dma_start3A_323 = arith.constant 0 : i32
      %dma_start3A_324 = tpu.memref_slice %arg6[%dma_start3A_322, %dma_start3A_323] : memref<10240x128xf32, #tpu.memory_space<vmem_shared>> -> memref<10240x128xf32, #tpu.memory_space<vmem_shared>>
      tpu.enqueue_indirect_dma source(%arg9 : memref<80x128xf32, #tpu.memory_space<vmem>>) target(%dma_start3A_324 : memref<10240x128xf32, #tpu.memory_space<vmem_shared>>) offsets(%dma_start3A_321 : memref<80xi32, #tpu.memory_space<vmem>>) semaphore(%run_scoped3A_318 : memref<!tpu.dma_semaphore, #tpu.memory_space<semaphore_mem>>) {add = true}
      %dma_wait3A_325 = arith.constant 0 : i32
      %dma_wait3A_326 = tpu.memref_slice %arg7[%run_scoped3A_254, %dma_wait3A_325] : memref<125x80xi32, #tpu.memory_space<vmem>> -> memref<1x80xi32, #tpu.memory_space<vmem>>
      %dma_wait3A_327 = tpu.memref_squeeze %dma_wait3A_326 : memref<1x80xi32, #tpu.memory_space<vmem>> -> memref<80xi32, #tpu.memory_space<vmem>>
      %dma_wait3A_328 = arith.constant 0 : i32
      %dma_wait3A_329 = arith.constant 0 : i32
      %dma_wait3A_330 = tpu.memref_slice %arg6[%dma_wait3A_328, %dma_wait3A_329] : memref<10240x128xf32, #tpu.memory_space<vmem_shared>> -> memref<10240x128xf32, #tpu.memory_space<vmem_shared>>
      tpu.wait_indirect_dma semaphore(%run_scoped3A_318 : memref<!tpu.dma_semaphore, #tpu.memory_space<semaphore_mem>>) src(%arg9 : memref<80x128xf32, #tpu.memory_space<vmem>>) dst(%dma_wait3A_330 : memref<10240x128xf32, #tpu.memory_space<vmem_shared>>)
      tpu.yield
    }) : () -> ()
    %dma_start3A_255 = arith.constant 1920 : i32
    %dma_start3A_256 = tpu.memref_slice %arg8[%dma_start3A_255] : memref<2000xi32, #tpu.memory_space<vmem>> -> memref<80xi32, #tpu.memory_space<vmem>>
    %dma_start3A_257 = arith.constant 0 : i32
    %dma_start3A_258 = arith.constant 0 : i32
    %dma_start3A_259 = tpu.memref_slice %arg2[%dma_start3A_257, %dma_start3A_258] : memref<10000x128xf32, #tpu.memory_space<hbm>> -> memref<10000x128xf32, #tpu.memory_space<hbm>>
    tpu.enqueue_indirect_dma source(%dma_start3A_259 : memref<10000x128xf32, #tpu.memory_space<hbm>>) target(%arg9 : memref<80x128xf32, #tpu.memory_space<vmem>>) offsets(%dma_start3A_256 : memref<80xi32, #tpu.memory_space<vmem>>) semaphore(%arg11 : memref<!tpu.dma_semaphore, #tpu.memory_space<semaphore_mem>>)
    %dma_wait3A_260 = arith.constant 0 : i32
    %dma_wait3A_261 = arith.constant 0 : i32
    %dma_wait3A_262 = tpu.memref_slice %arg2[%dma_wait3A_260, %dma_wait3A_261] : memref<10000x128xf32, #tpu.memory_space<hbm>> -> memref<80x128xf32, #tpu.memory_space<hbm>>
    %dma_wait3A_263 = arith.constant 0 : i32
    %dma_wait3A_264 = arith.constant 0 : i32
    %dma_wait3A_265 = tpu.memref_slice %arg2[%dma_wait3A_263, %dma_wait3A_264] : memref<10000x128xf32, #tpu.memory_space<hbm>> -> memref<80x128xf32, #tpu.memory_space<hbm>>
    tpu.wait_dma2 semaphore(%arg12 : memref<!tpu.dma_semaphore, #tpu.memory_space<semaphore_mem>>) src(%dma_wait3A_265 : memref<80x128xf32, #tpu.memory_space<hbm>>) dst(%arg10 : memref<80x128xf32, #tpu.memory_space<vmem>>)
    %run_scoped3A_266 = arith.constant 98 : i32
    "tpu.region"() ({
      %run_scoped3A_318 = tpu.sem_alloc : memref<!tpu.dma_semaphore, #tpu.memory_space<semaphore_mem>>
      %dma_start3A_319 = arith.constant 0 : i32
      %dma_start3A_320 = tpu.memref_slice %arg7[%run_scoped3A_266, %dma_start3A_319] : memref<125x80xi32, #tpu.memory_space<vmem>> -> memref<1x80xi32, #tpu.memory_space<vmem>>
      %dma_start3A_321 = tpu.memref_squeeze %dma_start3A_320 : memref<1x80xi32, #tpu.memory_space<vmem>> -> memref<80xi32, #tpu.memory_space<vmem>>
      %dma_start3A_322 = arith.constant 0 : i32
      %dma_start3A_323 = arith.constant 0 : i32
      %dma_start3A_324 = tpu.memref_slice %arg6[%dma_start3A_322, %dma_start3A_323] : memref<10240x128xf32, #tpu.memory_space<vmem_shared>> -> memref<10240x128xf32, #tpu.memory_space<vmem_shared>>
      tpu.enqueue_indirect_dma source(%arg10 : memref<80x128xf32, #tpu.memory_space<vmem>>) target(%dma_start3A_324 : memref<10240x128xf32, #tpu.memory_space<vmem_shared>>) offsets(%dma_start3A_321 : memref<80xi32, #tpu.memory_space<vmem>>) semaphore(%run_scoped3A_318 : memref<!tpu.dma_semaphore, #tpu.memory_space<semaphore_mem>>) {add = true}
      %dma_wait3A_325 = arith.constant 0 : i32
      %dma_wait3A_326 = tpu.memref_slice %arg7[%run_scoped3A_266, %dma_wait3A_325] : memref<125x80xi32, #tpu.memory_space<vmem>> -> memref<1x80xi32, #tpu.memory_space<vmem>>
      %dma_wait3A_327 = tpu.memref_squeeze %dma_wait3A_326 : memref<1x80xi32, #tpu.memory_space<vmem>> -> memref<80xi32, #tpu.memory_space<vmem>>
      %dma_wait3A_328 = arith.constant 0 : i32
      %dma_wait3A_329 = arith.constant 0 : i32
      %dma_wait3A_330 = tpu.memref_slice %arg6[%dma_wait3A_328, %dma_wait3A_329] : memref<10240x128xf32, #tpu.memory_space<vmem_shared>> -> memref<10240x128xf32, #tpu.memory_space<vmem_shared>>
      tpu.wait_indirect_dma semaphore(%run_scoped3A_318 : memref<!tpu.dma_semaphore, #tpu.memory_space<semaphore_mem>>) src(%arg10 : memref<80x128xf32, #tpu.memory_space<vmem>>) dst(%dma_wait3A_330 : memref<10240x128xf32, #tpu.memory_space<vmem_shared>>)
      tpu.yield
    }) : () -> ()
    %dma_wait3A_267 = arith.constant 0 : i32
    %dma_wait3A_268 = arith.constant 0 : i32
    %dma_wait3A_269 = tpu.memref_slice %arg2[%dma_wait3A_267, %dma_wait3A_268] : memref<10000x128xf32, #tpu.memory_space<hbm>> -> memref<80x128xf32, #tpu.memory_space<hbm>>
    %dma_wait3A_270 = arith.constant 0 : i32
    %dma_wait3A_271 = arith.constant 0 : i32
    %dma_wait3A_272 = tpu.memref_slice %arg2[%dma_wait3A_270, %dma_wait3A_271] : memref<10000x128xf32, #tpu.memory_space<hbm>> -> memref<80x128xf32, #tpu.memory_space<hbm>>
    tpu.wait_dma2 semaphore(%arg11 : memref<!tpu.dma_semaphore, #tpu.memory_space<semaphore_mem>>) src(%dma_wait3A_272 : memref<80x128xf32, #tpu.memory_space<hbm>>) dst(%arg9 : memref<80x128xf32, #tpu.memory_space<vmem>>)
    %run_scoped3A_273 = arith.constant 99 : i32
    "tpu.region"() ({
      %run_scoped3A_318 = tpu.sem_alloc : memref<!tpu.dma_semaphore, #tpu.memory_space<semaphore_mem>>
      %dma_start3A_319 = arith.constant 0 : i32
      %dma_start3A_320 = tpu.memref_slice %arg7[%run_scoped3A_273, %dma_start3A_319] : memref<125x80xi32, #tpu.memory_space<vmem>> -> memref<1x80xi32, #tpu.memory_space<vmem>>
      %dma_start3A_321 = tpu.memref_squeeze %dma_start3A_320 : memref<1x80xi32, #tpu.memory_space<vmem>> -> memref<80xi32, #tpu.memory_space<vmem>>
      %dma_start3A_322 = arith.constant 0 : i32
      %dma_start3A_323 = arith.constant 0 : i32
      %dma_start3A_324 = tpu.memref_slice %arg6[%dma_start3A_322, %dma_start3A_323] : memref<10240x128xf32, #tpu.memory_space<vmem_shared>> -> memref<10240x128xf32, #tpu.memory_space<vmem_shared>>
      tpu.enqueue_indirect_dma source(%arg9 : memref<80x128xf32, #tpu.memory_space<vmem>>) target(%dma_start3A_324 : memref<10240x128xf32, #tpu.memory_space<vmem_shared>>) offsets(%dma_start3A_321 : memref<80xi32, #tpu.memory_space<vmem>>) semaphore(%run_scoped3A_318 : memref<!tpu.dma_semaphore, #tpu.memory_space<semaphore_mem>>) {add = true}
      %dma_wait3A_325 = arith.constant 0 : i32
      %dma_wait3A_326 = tpu.memref_slice %arg7[%run_scoped3A_273, %dma_wait3A_325] : memref<125x80xi32, #tpu.memory_space<vmem>> -> memref<1x80xi32, #tpu.memory_space<vmem>>
      %dma_wait3A_327 = tpu.memref_squeeze %dma_wait3A_326 : memref<1x80xi32, #tpu.memory_space<vmem>> -> memref<80xi32, #tpu.memory_space<vmem>>
      %dma_wait3A_328 = arith.constant 0 : i32
      %dma_wait3A_329 = arith.constant 0 : i32
      %dma_wait3A_330 = tpu.memref_slice %arg6[%dma_wait3A_328, %dma_wait3A_329] : memref<10240x128xf32, #tpu.memory_space<vmem_shared>> -> memref<10240x128xf32, #tpu.memory_space<vmem_shared>>
      tpu.wait_indirect_dma semaphore(%run_scoped3A_318 : memref<!tpu.dma_semaphore, #tpu.memory_space<semaphore_mem>>) src(%arg9 : memref<80x128xf32, #tpu.memory_space<vmem>>) dst(%dma_wait3A_330 : memref<10240x128xf32, #tpu.memory_space<vmem_shared>>)
      tpu.yield
    }) : () -> ()
    %add3A_274 = arith.constant 8000 : i32
    %add3A_275 = arith.addi %mul3A_4, %add3A_274 : i32
    "tpu.region"() ({
      %run_scoped3A_318 = tpu.sem_alloc : memref<!tpu.dma_semaphore, #tpu.memory_space<semaphore_mem>>
      %dma_start3A_319 = tpu.memref_slice %arg3[%add3A_275] : memref<320000xi32, #tpu.memory_space<hbm>> -> memref<2000xi32, #tpu.memory_space<hbm>>
      %dma_start3A_320 = tpu.memref_slice %arg3[%add3A_275] : memref<320000xi32, #tpu.memory_space<hbm>> -> memref<2000xi32, #tpu.memory_space<hbm>>
      tpu.enqueue_dma source(%dma_start3A_320 : memref<2000xi32, #tpu.memory_space<hbm>>) target(%arg8 : memref<2000xi32, #tpu.memory_space<vmem>>) target_semaphore(%run_scoped3A_318 : memref<!tpu.dma_semaphore, #tpu.memory_space<semaphore_mem>>)
      %dma_wait3A_321 = tpu.memref_slice %arg3[%add3A_275] : memref<320000xi32, #tpu.memory_space<hbm>> -> memref<2000xi32, #tpu.memory_space<hbm>>
      %dma_wait3A_322 = tpu.memref_slice %arg3[%add3A_275] : memref<320000xi32, #tpu.memory_space<hbm>> -> memref<2000xi32, #tpu.memory_space<hbm>>
      tpu.wait_dma2 semaphore(%run_scoped3A_318 : memref<!tpu.dma_semaphore, #tpu.memory_space<semaphore_mem>>) src(%dma_wait3A_322 : memref<2000xi32, #tpu.memory_space<hbm>>) dst(%arg8 : memref<2000xi32, #tpu.memory_space<vmem>>)
      tpu.yield
    }) : () -> ()
    %dma_start3A_276 = arith.constant 0 : i32
    %dma_start3A_277 = tpu.memref_slice %arg8[%dma_start3A_276] : memref<2000xi32, #tpu.memory_space<vmem>> -> memref<80xi32, #tpu.memory_space<vmem>>
    %dma_start3A_278 = arith.constant 0 : i32
    %dma_start3A_279 = arith.constant 0 : i32
    %dma_start3A_280 = tpu.memref_slice %arg2[%dma_start3A_278, %dma_start3A_279] : memref<10000x128xf32, #tpu.memory_space<hbm>> -> memref<10000x128xf32, #tpu.memory_space<hbm>>
    tpu.enqueue_indirect_dma source(%dma_start3A_280 : memref<10000x128xf32, #tpu.memory_space<hbm>>) target(%arg9 : memref<80x128xf32, #tpu.memory_space<vmem>>) offsets(%dma_start3A_277 : memref<80xi32, #tpu.memory_space<vmem>>) semaphore(%arg11 : memref<!tpu.dma_semaphore, #tpu.memory_space<semaphore_mem>>)
    %dma_start3A_281 = arith.constant 80 : i32
    %dma_start3A_282 = tpu.memref_slice %arg8[%dma_start3A_281] : memref<2000xi32, #tpu.memory_space<vmem>> -> memref<80xi32, #tpu.memory_space<vmem>>
    %dma_start3A_283 = arith.constant 0 : i32
    %dma_start3A_284 = arith.constant 0 : i32
    %dma_start3A_285 = tpu.memref_slice %arg2[%dma_start3A_283, %dma_start3A_284] : memref<10000x128xf32, #tpu.memory_space<hbm>> -> memref<10000x128xf32, #tpu.memory_space<hbm>>
    tpu.enqueue_indirect_dma source(%dma_start3A_285 : memref<10000x128xf32, #tpu.memory_space<hbm>>) target(%arg10 : memref<80x128xf32, #tpu.memory_space<vmem>>) offsets(%dma_start3A_282 : memref<80xi32, #tpu.memory_space<vmem>>) semaphore(%arg12 : memref<!tpu.dma_semaphore, #tpu.memory_space<semaphore_mem>>)
    %scan3A_286 = arith.constant 0 : i32
    %scan3A_287 = arith.constant 11 : i32
    %scan3A_288 = arith.addi %scan3A_286, %scan3A_287 : i32
    %scan3A_289 = arith.constant 1 : i32
    scf.for %scan3A_318 = %scan3A_286 to %scan3A_288 step %scan3A_289  : i32 {
      %mul3A_319 = arith.constant 2 : i32
      %mul3A_320 = arith.muli %mul3A_319, %scan3A_318 : i32
      %dma_wait3A_321 = arith.constant 0 : i32
      %dma_wait3A_322 = arith.constant 0 : i32
      %dma_wait3A_323 = tpu.memref_slice %arg2[%dma_wait3A_321, %dma_wait3A_322] : memref<10000x128xf32, #tpu.memory_space<hbm>> -> memref<80x128xf32, #tpu.memory_space<hbm>>
      %dma_wait3A_324 = arith.constant 0 : i32
      %dma_wait3A_325 = arith.constant 0 : i32
      %dma_wait3A_326 = tpu.memref_slice %arg2[%dma_wait3A_324, %dma_wait3A_325] : memref<10000x128xf32, #tpu.memory_space<hbm>> -> memref<80x128xf32, #tpu.memory_space<hbm>>
      tpu.wait_dma2 semaphore(%arg11 : memref<!tpu.dma_semaphore, #tpu.memory_space<semaphore_mem>>) src(%dma_wait3A_326 : memref<80x128xf32, #tpu.memory_space<hbm>>) dst(%arg9 : memref<80x128xf32, #tpu.memory_space<vmem>>)
      %add3A_327 = arith.constant 100 : i32
      %add3A_328 = arith.addi %add3A_327, %mul3A_320 : i32
      "tpu.region"() ({
        %run_scoped3A_355 = tpu.sem_alloc : memref<!tpu.dma_semaphore, #tpu.memory_space<semaphore_mem>>
        %dma_start3A_356 = arith.constant 0 : i32
        %dma_start3A_357 = tpu.memref_slice %arg7[%add3A_328, %dma_start3A_356] : memref<125x80xi32, #tpu.memory_space<vmem>> -> memref<1x80xi32, #tpu.memory_space<vmem>>
        %dma_start3A_358 = tpu.memref_squeeze %dma_start3A_357 : memref<1x80xi32, #tpu.memory_space<vmem>> -> memref<80xi32, #tpu.memory_space<vmem>>
        %dma_start3A_359 = arith.constant 0 : i32
        %dma_start3A_360 = arith.constant 0 : i32
        %dma_start3A_361 = tpu.memref_slice %arg6[%dma_start3A_359, %dma_start3A_360] : memref<10240x128xf32, #tpu.memory_space<vmem_shared>> -> memref<10240x128xf32, #tpu.memory_space<vmem_shared>>
        tpu.enqueue_indirect_dma source(%arg9 : memref<80x128xf32, #tpu.memory_space<vmem>>) target(%dma_start3A_361 : memref<10240x128xf32, #tpu.memory_space<vmem_shared>>) offsets(%dma_start3A_358 : memref<80xi32, #tpu.memory_space<vmem>>) semaphore(%run_scoped3A_355 : memref<!tpu.dma_semaphore, #tpu.memory_space<semaphore_mem>>) {add = true}
        %dma_wait3A_362 = arith.constant 0 : i32
        %dma_wait3A_363 = tpu.memref_slice %arg7[%add3A_328, %dma_wait3A_362] : memref<125x80xi32, #tpu.memory_space<vmem>> -> memref<1x80xi32, #tpu.memory_space<vmem>>
        %dma_wait3A_364 = tpu.memref_squeeze %dma_wait3A_363 : memref<1x80xi32, #tpu.memory_space<vmem>> -> memref<80xi32, #tpu.memory_space<vmem>>
        %dma_wait3A_365 = arith.constant 0 : i32
        %dma_wait3A_366 = arith.constant 0 : i32
        %dma_wait3A_367 = tpu.memref_slice %arg6[%dma_wait3A_365, %dma_wait3A_366] : memref<10240x128xf32, #tpu.memory_space<vmem_shared>> -> memref<10240x128xf32, #tpu.memory_space<vmem_shared>>
        tpu.wait_indirect_dma semaphore(%run_scoped3A_355 : memref<!tpu.dma_semaphore, #tpu.memory_space<semaphore_mem>>) src(%arg9 : memref<80x128xf32, #tpu.memory_space<vmem>>) dst(%dma_wait3A_367 : memref<10240x128xf32, #tpu.memory_space<vmem_shared>>)
        tpu.yield
      }) : () -> ()
      %add3A_329 = arith.constant 2 : i32
      %add3A_330 = arith.addi %mul3A_320, %add3A_329 : i32
      %mul3A_331 = arith.constant 80 : i32
      %mul3A_332 = arith.muli %add3A_330, %mul3A_331 : i32
      %dma_start3A_333 = tpu.memref_slice %arg8[%mul3A_332] : memref<2000xi32, #tpu.memory_space<vmem>> -> memref<80xi32, #tpu.memory_space<vmem>>
      %dma_start3A_334 = arith.constant 0 : i32
      %dma_start3A_335 = arith.constant 0 : i32
      %dma_start3A_336 = tpu.memref_slice %arg2[%dma_start3A_334, %dma_start3A_335] : memref<10000x128xf32, #tpu.memory_space<hbm>> -> memref<10000x128xf32, #tpu.memory_space<hbm>>
      tpu.enqueue_indirect_dma source(%dma_start3A_336 : memref<10000x128xf32, #tpu.memory_space<hbm>>) target(%arg9 : memref<80x128xf32, #tpu.memory_space<vmem>>) offsets(%dma_start3A_333 : memref<80xi32, #tpu.memory_space<vmem>>) semaphore(%arg11 : memref<!tpu.dma_semaphore, #tpu.memory_space<semaphore_mem>>)
      %dma_wait3A_337 = arith.constant 0 : i32
      %dma_wait3A_338 = arith.constant 0 : i32
      %dma_wait3A_339 = tpu.memref_slice %arg2[%dma_wait3A_337, %dma_wait3A_338] : memref<10000x128xf32, #tpu.memory_space<hbm>> -> memref<80x128xf32, #tpu.memory_space<hbm>>
      %dma_wait3A_340 = arith.constant 0 : i32
      %dma_wait3A_341 = arith.constant 0 : i32
      %dma_wait3A_342 = tpu.memref_slice %arg2[%dma_wait3A_340, %dma_wait3A_341] : memref<10000x128xf32, #tpu.memory_space<hbm>> -> memref<80x128xf32, #tpu.memory_space<hbm>>
      tpu.wait_dma2 semaphore(%arg12 : memref<!tpu.dma_semaphore, #tpu.memory_space<semaphore_mem>>) src(%dma_wait3A_342 : memref<80x128xf32, #tpu.memory_space<hbm>>) dst(%arg10 : memref<80x128xf32, #tpu.memory_space<vmem>>)
      %add3A_343 = arith.constant 100 : i32
      %add3A_344 = arith.addi %add3A_343, %mul3A_320 : i32
      %add3A_345 = arith.constant 1 : i32
      %add3A_346 = arith.addi %add3A_344, %add3A_345 : i32
      "tpu.region"() ({
        %run_scoped3A_355 = tpu.sem_alloc : memref<!tpu.dma_semaphore, #tpu.memory_space<semaphore_mem>>
        %dma_start3A_356 = arith.constant 0 : i32
        %dma_start3A_357 = tpu.memref_slice %arg7[%add3A_346, %dma_start3A_356] : memref<125x80xi32, #tpu.memory_space<vmem>> -> memref<1x80xi32, #tpu.memory_space<vmem>>
        %dma_start3A_358 = tpu.memref_squeeze %dma_start3A_357 : memref<1x80xi32, #tpu.memory_space<vmem>> -> memref<80xi32, #tpu.memory_space<vmem>>
        %dma_start3A_359 = arith.constant 0 : i32
        %dma_start3A_360 = arith.constant 0 : i32
        %dma_start3A_361 = tpu.memref_slice %arg6[%dma_start3A_359, %dma_start3A_360] : memref<10240x128xf32, #tpu.memory_space<vmem_shared>> -> memref<10240x128xf32, #tpu.memory_space<vmem_shared>>
        tpu.enqueue_indirect_dma source(%arg10 : memref<80x128xf32, #tpu.memory_space<vmem>>) target(%dma_start3A_361 : memref<10240x128xf32, #tpu.memory_space<vmem_shared>>) offsets(%dma_start3A_358 : memref<80xi32, #tpu.memory_space<vmem>>) semaphore(%run_scoped3A_355 : memref<!tpu.dma_semaphore, #tpu.memory_space<semaphore_mem>>) {add = true}
        %dma_wait3A_362 = arith.constant 0 : i32
        %dma_wait3A_363 = tpu.memref_slice %arg7[%add3A_346, %dma_wait3A_362] : memref<125x80xi32, #tpu.memory_space<vmem>> -> memref<1x80xi32, #tpu.memory_space<vmem>>
        %dma_wait3A_364 = tpu.memref_squeeze %dma_wait3A_363 : memref<1x80xi32, #tpu.memory_space<vmem>> -> memref<80xi32, #tpu.memory_space<vmem>>
        %dma_wait3A_365 = arith.constant 0 : i32
        %dma_wait3A_366 = arith.constant 0 : i32
        %dma_wait3A_367 = tpu.memref_slice %arg6[%dma_wait3A_365, %dma_wait3A_366] : memref<10240x128xf32, #tpu.memory_space<vmem_shared>> -> memref<10240x128xf32, #tpu.memory_space<vmem_shared>>
        tpu.wait_indirect_dma semaphore(%run_scoped3A_355 : memref<!tpu.dma_semaphore, #tpu.memory_space<semaphore_mem>>) src(%arg10 : memref<80x128xf32, #tpu.memory_space<vmem>>) dst(%dma_wait3A_367 : memref<10240x128xf32, #tpu.memory_space<vmem_shared>>)
        tpu.yield
      }) : () -> ()
      %add3A_347 = arith.constant 3 : i32
      %add3A_348 = arith.addi %mul3A_320, %add3A_347 : i32
      %mul3A_349 = arith.constant 80 : i32
      %mul3A_350 = arith.muli %add3A_348, %mul3A_349 : i32
      %dma_start3A_351 = tpu.memref_slice %arg8[%mul3A_350] : memref<2000xi32, #tpu.memory_space<vmem>> -> memref<80xi32, #tpu.memory_space<vmem>>
      %dma_start3A_352 = arith.constant 0 : i32
      %dma_start3A_353 = arith.constant 0 : i32
      %dma_start3A_354 = tpu.memref_slice %arg2[%dma_start3A_352, %dma_start3A_353] : memref<10000x128xf32, #tpu.memory_space<hbm>> -> memref<10000x128xf32, #tpu.memory_space<hbm>>
      tpu.enqueue_indirect_dma source(%dma_start3A_354 : memref<10000x128xf32, #tpu.memory_space<hbm>>) target(%arg10 : memref<80x128xf32, #tpu.memory_space<vmem>>) offsets(%dma_start3A_351 : memref<80xi32, #tpu.memory_space<vmem>>) semaphore(%arg12 : memref<!tpu.dma_semaphore, #tpu.memory_space<semaphore_mem>>)
    }
    %scan3A_290 = arith.constant 11 : i32
    %dma_wait3A_291 = arith.constant 0 : i32
    %dma_wait3A_292 = arith.constant 0 : i32
    %dma_wait3A_293 = tpu.memref_slice %arg2[%dma_wait3A_291, %dma_wait3A_292] : memref<10000x128xf32, #tpu.memory_space<hbm>> -> memref<80x128xf32, #tpu.memory_space<hbm>>
    %dma_wait3A_294 = arith.constant 0 : i32
    %dma_wait3A_295 = arith.constant 0 : i32
    %dma_wait3A_296 = tpu.memref_slice %arg2[%dma_wait3A_294, %dma_wait3A_295] : memref<10000x128xf32, #tpu.memory_space<hbm>> -> memref<80x128xf32, #tpu.memory_space<hbm>>
    tpu.wait_dma2 semaphore(%arg11 : memref<!tpu.dma_semaphore, #tpu.memory_space<semaphore_mem>>) src(%dma_wait3A_296 : memref<80x128xf32, #tpu.memory_space<hbm>>) dst(%arg9 : memref<80x128xf32, #tpu.memory_space<vmem>>)
    %run_scoped3A_297 = arith.constant 122 : i32
    "tpu.region"() ({
      %run_scoped3A_318 = tpu.sem_alloc : memref<!tpu.dma_semaphore, #tpu.memory_space<semaphore_mem>>
      %dma_start3A_319 = arith.constant 0 : i32
      %dma_start3A_320 = tpu.memref_slice %arg7[%run_scoped3A_297, %dma_start3A_319] : memref<125x80xi32, #tpu.memory_space<vmem>> -> memref<1x80xi32, #tpu.memory_space<vmem>>
      %dma_start3A_321 = tpu.memref_squeeze %dma_start3A_320 : memref<1x80xi32, #tpu.memory_space<vmem>> -> memref<80xi32, #tpu.memory_space<vmem>>
      %dma_start3A_322 = arith.constant 0 : i32
      %dma_start3A_323 = arith.constant 0 : i32
      %dma_start3A_324 = tpu.memref_slice %arg6[%dma_start3A_322, %dma_start3A_323] : memref<10240x128xf32, #tpu.memory_space<vmem_shared>> -> memref<10240x128xf32, #tpu.memory_space<vmem_shared>>
      tpu.enqueue_indirect_dma source(%arg9 : memref<80x128xf32, #tpu.memory_space<vmem>>) target(%dma_start3A_324 : memref<10240x128xf32, #tpu.memory_space<vmem_shared>>) offsets(%dma_start3A_321 : memref<80xi32, #tpu.memory_space<vmem>>) semaphore(%run_scoped3A_318 : memref<!tpu.dma_semaphore, #tpu.memory_space<semaphore_mem>>) {add = true}
      %dma_wait3A_325 = arith.constant 0 : i32
      %dma_wait3A_326 = tpu.memref_slice %arg7[%run_scoped3A_297, %dma_wait3A_325] : memref<125x80xi32, #tpu.memory_space<vmem>> -> memref<1x80xi32, #tpu.memory_space<vmem>>
      %dma_wait3A_327 = tpu.memref_squeeze %dma_wait3A_326 : memref<1x80xi32, #tpu.memory_space<vmem>> -> memref<80xi32, #tpu.memory_space<vmem>>
      %dma_wait3A_328 = arith.constant 0 : i32
      %dma_wait3A_329 = arith.constant 0 : i32
      %dma_wait3A_330 = tpu.memref_slice %arg6[%dma_wait3A_328, %dma_wait3A_329] : memref<10240x128xf32, #tpu.memory_space<vmem_shared>> -> memref<10240x128xf32, #tpu.memory_space<vmem_shared>>
      tpu.wait_indirect_dma semaphore(%run_scoped3A_318 : memref<!tpu.dma_semaphore, #tpu.memory_space<semaphore_mem>>) src(%arg9 : memref<80x128xf32, #tpu.memory_space<vmem>>) dst(%dma_wait3A_330 : memref<10240x128xf32, #tpu.memory_space<vmem_shared>>)
      tpu.yield
    }) : () -> ()
    %dma_start3A_298 = arith.constant 1920 : i32
    %dma_start3A_299 = tpu.memref_slice %arg8[%dma_start3A_298] : memref<2000xi32, #tpu.memory_space<vmem>> -> memref<80xi32, #tpu.memory_space<vmem>>
    %dma_start3A_300 = arith.constant 0 : i32
    %dma_start3A_301 = arith.constant 0 : i32
    %dma_start3A_302 = tpu.memref_slice %arg2[%dma_start3A_300, %dma_start3A_301] : memref<10000x128xf32, #tpu.memory_space<hbm>> -> memref<10000x128xf32, #tpu.memory_space<hbm>>
    tpu.enqueue_indirect_dma source(%dma_start3A_302 : memref<10000x128xf32, #tpu.memory_space<hbm>>) target(%arg9 : memref<80x128xf32, #tpu.memory_space<vmem>>) offsets(%dma_start3A_299 : memref<80xi32, #tpu.memory_space<vmem>>) semaphore(%arg11 : memref<!tpu.dma_semaphore, #tpu.memory_space<semaphore_mem>>)
    %dma_wait3A_303 = arith.constant 0 : i32
    %dma_wait3A_304 = arith.constant 0 : i32
    %dma_wait3A_305 = tpu.memref_slice %arg2[%dma_wait3A_303, %dma_wait3A_304] : memref<10000x128xf32, #tpu.memory_space<hbm>> -> memref<80x128xf32, #tpu.memory_space<hbm>>
    %dma_wait3A_306 = arith.constant 0 : i32
    %dma_wait3A_307 = arith.constant 0 : i32
    %dma_wait3A_308 = tpu.memref_slice %arg2[%dma_wait3A_306, %dma_wait3A_307] : memref<10000x128xf32, #tpu.memory_space<hbm>> -> memref<80x128xf32, #tpu.memory_space<hbm>>
    tpu.wait_dma2 semaphore(%arg12 : memref<!tpu.dma_semaphore, #tpu.memory_space<semaphore_mem>>) src(%dma_wait3A_308 : memref<80x128xf32, #tpu.memory_space<hbm>>) dst(%arg10 : memref<80x128xf32, #tpu.memory_space<vmem>>)
    %run_scoped3A_309 = arith.constant 123 : i32
    "tpu.region"() ({
      %run_scoped3A_318 = tpu.sem_alloc : memref<!tpu.dma_semaphore, #tpu.memory_space<semaphore_mem>>
      %dma_start3A_319 = arith.constant 0 : i32
      %dma_start3A_320 = tpu.memref_slice %arg7[%run_scoped3A_309, %dma_start3A_319] : memref<125x80xi32, #tpu.memory_space<vmem>> -> memref<1x80xi32, #tpu.memory_space<vmem>>
      %dma_start3A_321 = tpu.memref_squeeze %dma_start3A_320 : memref<1x80xi32, #tpu.memory_space<vmem>> -> memref<80xi32, #tpu.memory_space<vmem>>
      %dma_start3A_322 = arith.constant 0 : i32
      %dma_start3A_323 = arith.constant 0 : i32
      %dma_start3A_324 = tpu.memref_slice %arg6[%dma_start3A_322, %dma_start3A_323] : memref<10240x128xf32, #tpu.memory_space<vmem_shared>> -> memref<10240x128xf32, #tpu.memory_space<vmem_shared>>
      tpu.enqueue_indirect_dma source(%arg10 : memref<80x128xf32, #tpu.memory_space<vmem>>) target(%dma_start3A_324 : memref<10240x128xf32, #tpu.memory_space<vmem_shared>>) offsets(%dma_start3A_321 : memref<80xi32, #tpu.memory_space<vmem>>) semaphore(%run_scoped3A_318 : memref<!tpu.dma_semaphore, #tpu.memory_space<semaphore_mem>>) {add = true}
      %dma_wait3A_325 = arith.constant 0 : i32
      %dma_wait3A_326 = tpu.memref_slice %arg7[%run_scoped3A_309, %dma_wait3A_325] : memref<125x80xi32, #tpu.memory_space<vmem>> -> memref<1x80xi32, #tpu.memory_space<vmem>>
      %dma_wait3A_327 = tpu.memref_squeeze %dma_wait3A_326 : memref<1x80xi32, #tpu.memory_space<vmem>> -> memref<80xi32, #tpu.memory_space<vmem>>
      %dma_wait3A_328 = arith.constant 0 : i32
      %dma_wait3A_329 = arith.constant 0 : i32
      %dma_wait3A_330 = tpu.memref_slice %arg6[%dma_wait3A_328, %dma_wait3A_329] : memref<10240x128xf32, #tpu.memory_space<vmem_shared>> -> memref<10240x128xf32, #tpu.memory_space<vmem_shared>>
      tpu.wait_indirect_dma semaphore(%run_scoped3A_318 : memref<!tpu.dma_semaphore, #tpu.memory_space<semaphore_mem>>) src(%arg10 : memref<80x128xf32, #tpu.memory_space<vmem>>) dst(%dma_wait3A_330 : memref<10240x128xf32, #tpu.memory_space<vmem_shared>>)
      tpu.yield
    }) : () -> ()
    %dma_wait3A_310 = arith.constant 0 : i32
    %dma_wait3A_311 = arith.constant 0 : i32
    %dma_wait3A_312 = tpu.memref_slice %arg2[%dma_wait3A_310, %dma_wait3A_311] : memref<10000x128xf32, #tpu.memory_space<hbm>> -> memref<80x128xf32, #tpu.memory_space<hbm>>
    %dma_wait3A_313 = arith.constant 0 : i32
    %dma_wait3A_314 = arith.constant 0 : i32
    %dma_wait3A_315 = tpu.memref_slice %arg2[%dma_wait3A_313, %dma_wait3A_314] : memref<10000x128xf32, #tpu.memory_space<hbm>> -> memref<80x128xf32, #tpu.memory_space<hbm>>
    tpu.wait_dma2 semaphore(%arg11 : memref<!tpu.dma_semaphore, #tpu.memory_space<semaphore_mem>>) src(%dma_wait3A_315 : memref<80x128xf32, #tpu.memory_space<hbm>>) dst(%arg9 : memref<80x128xf32, #tpu.memory_space<vmem>>)
    %run_scoped3A_316 = arith.constant 124 : i32
    "tpu.region"() ({
      %run_scoped3A_318 = tpu.sem_alloc : memref<!tpu.dma_semaphore, #tpu.memory_space<semaphore_mem>>
      %dma_start3A_319 = arith.constant 0 : i32
      %dma_start3A_320 = tpu.memref_slice %arg7[%run_scoped3A_316, %dma_start3A_319] : memref<125x80xi32, #tpu.memory_space<vmem>> -> memref<1x80xi32, #tpu.memory_space<vmem>>
      %dma_start3A_321 = tpu.memref_squeeze %dma_start3A_320 : memref<1x80xi32, #tpu.memory_space<vmem>> -> memref<80xi32, #tpu.memory_space<vmem>>
      %dma_start3A_322 = arith.constant 0 : i32
      %dma_start3A_323 = arith.constant 0 : i32
      %dma_start3A_324 = tpu.memref_slice %arg6[%dma_start3A_322, %dma_start3A_323] : memref<10240x128xf32, #tpu.memory_space<vmem_shared>> -> memref<10240x128xf32, #tpu.memory_space<vmem_shared>>
      tpu.enqueue_indirect_dma source(%arg9 : memref<80x128xf32, #tpu.memory_space<vmem>>) target(%dma_start3A_324 : memref<10240x128xf32, #tpu.memory_space<vmem_shared>>) offsets(%dma_start3A_321 : memref<80xi32, #tpu.memory_space<vmem>>) semaphore(%run_scoped3A_318 : memref<!tpu.dma_semaphore, #tpu.memory_space<semaphore_mem>>) {add = true}
      %dma_wait3A_325 = arith.constant 0 : i32
      %dma_wait3A_326 = tpu.memref_slice %arg7[%run_scoped3A_316, %dma_wait3A_325] : memref<125x80xi32, #tpu.memory_space<vmem>> -> memref<1x80xi32, #tpu.memory_space<vmem>>
      %dma_wait3A_327 = tpu.memref_squeeze %dma_wait3A_326 : memref<1x80xi32, #tpu.memory_space<vmem>> -> memref<80xi32, #tpu.memory_space<vmem>>
      %dma_wait3A_328 = arith.constant 0 : i32
      %dma_wait3A_329 = arith.constant 0 : i32
      %dma_wait3A_330 = tpu.memref_slice %arg6[%dma_wait3A_328, %dma_wait3A_329] : memref<10240x128xf32, #tpu.memory_space<vmem_shared>> -> memref<10240x128xf32, #tpu.memory_space<vmem_shared>>
      tpu.wait_indirect_dma semaphore(%run_scoped3A_318 : memref<!tpu.dma_semaphore, #tpu.memory_space<semaphore_mem>>) src(%arg9 : memref<80x128xf32, #tpu.memory_space<vmem>>) dst(%dma_wait3A_330 : memref<10240x128xf32, #tpu.memory_space<vmem_shared>>)
      tpu.yield
    }) : () -> ()
    %barrier3A_317 = arith.constant 0 : index
    tpu.barrier barrier_id(%barrier3A_317)
    "tpu.region"() ({
      %run_scoped3A_318 = tpu.sem_alloc : memref<!tpu.dma_semaphore, #tpu.memory_space<semaphore_mem>>
      %dma_start3A_319 = arith.constant 0 : i32
      %dma_start3A_320 = tpu.memref_slice %arg5[%arg0, %mul3A_2, %dma_start3A_319] : memref<2x10240x128xf32, #tpu.memory_space<hbm>> -> memref<1x640x128xf32, #tpu.memory_space<hbm>>
      %dma_start3A_321 = tpu.memref_squeeze %dma_start3A_320 : memref<1x640x128xf32, #tpu.memory_space<hbm>> -> memref<640x128xf32, #tpu.memory_space<hbm>>
      %dma_start3A_322 = arith.constant 0 : i32
      %dma_start3A_323 = tpu.memref_slice %arg6[%mul3A_2, %dma_start3A_322] : memref<10240x128xf32, #tpu.memory_space<vmem_shared>> -> memref<640x128xf32, #tpu.memory_space<vmem_shared>>
      tpu.enqueue_dma source(%dma_start3A_323 : memref<640x128xf32, #tpu.memory_space<vmem_shared>>) target(%dma_start3A_321 : memref<640x128xf32, #tpu.memory_space<hbm>>) target_semaphore(%run_scoped3A_318 : memref<!tpu.dma_semaphore, #tpu.memory_space<semaphore_mem>>)
      %dma_wait3A_324 = arith.constant 0 : i32
      %dma_wait3A_325 = tpu.memref_slice %arg5[%arg0, %mul3A_2, %dma_wait3A_324] : memref<2x10240x128xf32, #tpu.memory_space<hbm>> -> memref<1x640x128xf32, #tpu.memory_space<hbm>>
      %dma_wait3A_326 = tpu.memref_squeeze %dma_wait3A_325 : memref<1x640x128xf32, #tpu.memory_space<hbm>> -> memref<640x128xf32, #tpu.memory_space<hbm>>
      %dma_wait3A_327 = arith.constant 0 : i32
      %dma_wait3A_328 = tpu.memref_slice %arg6[%mul3A_2, %dma_wait3A_327] : memref<10240x128xf32, #tpu.memory_space<vmem_shared>> -> memref<640x128xf32, #tpu.memory_space<vmem_shared>>
      tpu.wait_dma2 semaphore(%run_scoped3A_318 : memref<!tpu.dma_semaphore, #tpu.memory_space<semaphore_mem>>) src(%dma_wait3A_328 : memref<640x128xf32, #tpu.memory_space<vmem_shared>>) dst(%dma_wait3A_326 : memref<640x128xf32, #tpu.memory_space<hbm>>)
      tpu.yield
    }) : () -> ()
    return
  }
}

#map = affine_map<(d0, d1) -> (0, 0)>
#map1 = affine_map<(d0, d1) -> (0)>
#map2 = affine_map<(d0, d1) -> (0, 0, 0)>
module attributes {stable_mosaic.version = 14 : i64} {
  func.func @_sc_agg_body(%arg0: i32, %arg1: i32, %arg2: memref<10000x128xf32, #tpu.memory_space<hbm>>, %arg3: memref<320000xi32, #tpu.memory_space<hbm>>, %arg4: memref<32x125x80xi32, #tpu.memory_space<hbm>>, %arg5: memref<2x10240x128xf32, #tpu.memory_space<hbm>>, %arg6: memref<2x10240x128xf32, #tpu.memory_space<hbm>>, %arg7: memref<10240x128xf32, #tpu.memory_space<vmem_shared>>, %arg8: memref<125x80xi32, #tpu.memory_space<vmem>>, %arg9: memref<2000xi32, #tpu.memory_space<vmem>>, %arg10: memref<80x128xf32, #tpu.memory_space<vmem>>, %arg11: memref<80x128xf32, #tpu.memory_space<vmem>>, %arg12: memref<!tpu.dma_semaphore, #tpu.memory_space<semaphore_mem>>, %arg13: memref<!tpu.dma_semaphore, #tpu.memory_space<semaphore_mem>>) attributes {dimension_semantics = [#tpu.dimension_semantics<core_parallel>, #tpu.dimension_semantics<subcore_parallel>], iteration_bounds = array<i64: 2, 16>, scalar_prefetch = 0 : i64, scratch_operands = 7 : i64, tpu.core_type = #tpu.core_type<sc_vector_subcore>, window_params = [{transform_indices = #map}, {transform_indices = #map1}, {transform_indices = #map2}, {transform_indices = #map2}, {transform_indices = #map2}]} {
    %mul3A = arith.constant 16 : i32
    %mul3A_0 = arith.muli %arg0, %mul3A : i32
    %add3A = arith.addi %mul3A_0, %arg1 : i32
    %mul3A_1 = arith.constant 640 : i32
    %mul3A_2 = arith.muli %arg1, %mul3A_1 : i32
    %mul3A_3 = arith.constant 10000 : i32
    %mul3A_4 = arith.muli %add3A, %mul3A_3 : i32
    "tpu.region"() ({
      %run_scoped3A_437 = tpu.sem_alloc : memref<!tpu.dma_semaphore, #tpu.memory_space<semaphore_mem>>
      %dma_start3A_438 = arith.constant 0 : i32
      %dma_start3A_439 = arith.constant 0 : i32
      %dma_start3A_440 = tpu.memref_slice %arg4[%add3A, %dma_start3A_438, %dma_start3A_439] : memref<32x125x80xi32, #tpu.memory_space<hbm>> -> memref<1x125x80xi32, #tpu.memory_space<hbm>>
      %dma_start3A_441 = tpu.memref_squeeze %dma_start3A_440 : memref<1x125x80xi32, #tpu.memory_space<hbm>> -> memref<125x80xi32, #tpu.memory_space<hbm>>
      %dma_start3A_442 = arith.constant 0 : i32
      %dma_start3A_443 = arith.constant 0 : i32
      %dma_start3A_444 = tpu.memref_slice %arg4[%add3A, %dma_start3A_442, %dma_start3A_443] : memref<32x125x80xi32, #tpu.memory_space<hbm>> -> memref<1x125x80xi32, #tpu.memory_space<hbm>>
      %dma_start3A_445 = tpu.memref_squeeze %dma_start3A_444 : memref<1x125x80xi32, #tpu.memory_space<hbm>> -> memref<125x80xi32, #tpu.memory_space<hbm>>
      tpu.enqueue_dma source(%dma_start3A_445 : memref<125x80xi32, #tpu.memory_space<hbm>>) target(%arg8 : memref<125x80xi32, #tpu.memory_space<vmem>>) target_semaphore(%run_scoped3A_437 : memref<!tpu.dma_semaphore, #tpu.memory_space<semaphore_mem>>)
      %dma_wait3A_446 = arith.constant 0 : i32
      %dma_wait3A_447 = arith.constant 0 : i32
      %dma_wait3A_448 = tpu.memref_slice %arg4[%add3A, %dma_wait3A_446, %dma_wait3A_447] : memref<32x125x80xi32, #tpu.memory_space<hbm>> -> memref<1x125x80xi32, #tpu.memory_space<hbm>>
      %dma_wait3A_449 = tpu.memref_squeeze %dma_wait3A_448 : memref<1x125x80xi32, #tpu.memory_space<hbm>> -> memref<125x80xi32, #tpu.memory_space<hbm>>
      %dma_wait3A_450 = arith.constant 0 : i32
      %dma_wait3A_451 = arith.constant 0 : i32
      %dma_wait3A_452 = tpu.memref_slice %arg4[%add3A, %dma_wait3A_450, %dma_wait3A_451] : memref<32x125x80xi32, #tpu.memory_space<hbm>> -> memref<1x125x80xi32, #tpu.memory_space<hbm>>
      %dma_wait3A_453 = tpu.memref_squeeze %dma_wait3A_452 : memref<1x125x80xi32, #tpu.memory_space<hbm>> -> memref<125x80xi32, #tpu.memory_space<hbm>>
      tpu.wait_dma2 semaphore(%run_scoped3A_437 : memref<!tpu.dma_semaphore, #tpu.memory_space<semaphore_mem>>) src(%dma_wait3A_453 : memref<125x80xi32, #tpu.memory_space<hbm>>) dst(%arg8 : memref<125x80xi32, #tpu.memory_space<vmem>>)
      tpu.yield
    }) : () -> ()
    %scan3A = arith.constant 0 : i32
    %scan3A_5 = arith.constant 640 : i32
    %scan3A_6 = arith.addi %scan3A, %scan3A_5 : i32
    %scan3A_7 = arith.constant 1 : i32
    scf.for %scan3A_437 = %scan3A to %scan3A_6 step %scan3A_7  : i32 {
      %broadcast_in_dim3A = arith.constant 0.000000e+00 : f32
      %broadcast_in_dim3A_438 = vector.broadcast %broadcast_in_dim3A : f32 to vector<16xf32>
      %jit3A = arith.constant 8 : i32
      %div3A = arith.divsi %scan3A_437, %jit3A : i32
      %sign3A = arith.constant 0 : i32
      %sign3A_439 = arith.cmpi sgt, %scan3A_437, %sign3A : i32
      %sign3A_440 = arith.extui %sign3A_439 : i1 to i32
      %sign3A_441 = arith.constant 0 : i32
      %sign3A_442 = arith.cmpi slt, %scan3A_437, %sign3A_441 : i32
      %sign3A_443 = arith.extui %sign3A_442 : i1 to i32
      %sign3A_444 = arith.subi %sign3A_440, %sign3A_443 : i32
      %sign3A_445 = arith.constant 0 : i32
      %sign3A_446 = arith.cmpi sgt, %jit3A, %sign3A_445 : i32
      %sign3A_447 = arith.extui %sign3A_446 : i1 to i32
      %sign3A_448 = arith.constant 0 : i32
      %sign3A_449 = arith.cmpi slt, %jit3A, %sign3A_448 : i32
      %sign3A_450 = arith.extui %sign3A_449 : i1 to i32
      %sign3A_451 = arith.subi %sign3A_447, %sign3A_450 : i32
      %ne3A = arith.cmpi ne, %sign3A_444, %sign3A_451 : i32
      %rem3A = arith.remsi %scan3A_437, %jit3A : i32
      %ne3A_452 = arith.constant 0 : i32
      %ne3A_453 = arith.cmpi ne, %rem3A, %ne3A_452 : i32
      %and3A = arith.andi %ne3A, %ne3A_453 : i1
      %sub3A = arith.constant 1 : i32
      %sub3A_454 = arith.subi %div3A, %sub3A : i32
      %select_n3A = arith.select %and3A, %sub3A_454, %div3A : i32
      %jit3A_455 = arith.constant 8 : i32
      %eq3A = arith.constant 0 : i32
      %eq3A_456 = arith.cmpi eq, %jit3A_455, %eq3A : i32
      %jit3A_457 = arith.constant 1 : i32
      %select_n3A_458 = arith.select %eq3A_456, %jit3A_457, %jit3A_455 : i32
      %rem3A_459 = arith.remsi %scan3A_437, %select_n3A_458 : i32
      %ne3A_460 = arith.constant 0 : i32
      %ne3A_461 = arith.cmpi ne, %rem3A_459, %ne3A_460 : i32
      %lt3A = arith.constant 0 : i32
      %lt3A_462 = arith.cmpi slt, %rem3A_459, %lt3A : i32
      %lt3A_463 = arith.constant 0 : i32
      %lt3A_464 = arith.cmpi slt, %select_n3A_458, %lt3A_463 : i32
      %ne3A_465 = arith.xori %lt3A_462, %lt3A_464 : i1
      %and3A_466 = arith.andi %ne3A_465, %ne3A_461 : i1
      %add3A_467 = arith.addi %rem3A_459, %select_n3A_458 : i32
      %select_n3A_468 = arith.select %and3A_466, %add3A_467, %rem3A_459 : i32
      %mul3A_469 = arith.constant 16 : i32
      %mul3A_470 = arith.muli %select_n3A_468, %mul3A_469 : i32
      %swap3A = arith.index_cast %select_n3A : i32 to index
      %swap3A_471 = arith.index_cast %mul3A_470 : i32 to index
      %swap3A_472 = tpu.vector_load %arg10[%swap3A, %swap3A_471] {strides = array<i32>} : memref<80x128xf32, #tpu.memory_space<vmem>>, vector<1x16xf32>,
      %swap3A_473 = vector.shape_cast %swap3A_472 : vector<1x16xf32> to vector<16xf32>
      %swap3A_474 = vector.shape_cast %broadcast_in_dim3A_438 : vector<16xf32> to vector<1x16xf32>
      tpu.vector_store %arg10[%swap3A, %swap3A_471], %swap3A_474 {strides = array<i32>} : memref<80x128xf32, #tpu.memory_space<vmem>>, vector<1x16xf32>,
    }
    %scan3A_8 = arith.constant 640 : i32
    %add3A_9 = arith.constant 0 : i32
    %add3A_10 = arith.addi %mul3A_2, %add3A_9 : i32
    %dma_start3A = arith.constant 0 : i32
    %dma_start3A_11 = tpu.memref_slice %arg7[%add3A_10, %dma_start3A] : memref<10240x128xf32, #tpu.memory_space<vmem_shared>> -> memref<80x128xf32, #tpu.memory_space<vmem_shared>>
    %dma_start3A_12 = arith.constant 0 : i32
    %dma_start3A_13 = tpu.memref_slice %arg7[%add3A_10, %dma_start3A_12] : memref<10240x128xf32, #tpu.memory_space<vmem_shared>> -> memref<80x128xf32, #tpu.memory_space<vmem_shared>>
    tpu.enqueue_dma source(%arg10 : memref<80x128xf32, #tpu.memory_space<vmem>>) target(%dma_start3A_13 : memref<80x128xf32, #tpu.memory_space<vmem_shared>>) target_semaphore(%arg12 : memref<!tpu.dma_semaphore, #tpu.memory_space<semaphore_mem>>)
    %add3A_14 = arith.constant 80 : i32
    %add3A_15 = arith.addi %mul3A_2, %add3A_14 : i32
    %dma_start3A_16 = arith.constant 0 : i32
    %dma_start3A_17 = tpu.memref_slice %arg7[%add3A_15, %dma_start3A_16] : memref<10240x128xf32, #tpu.memory_space<vmem_shared>> -> memref<80x128xf32, #tpu.memory_space<vmem_shared>>
    %dma_start3A_18 = arith.constant 0 : i32
    %dma_start3A_19 = tpu.memref_slice %arg7[%add3A_15, %dma_start3A_18] : memref<10240x128xf32, #tpu.memory_space<vmem_shared>> -> memref<80x128xf32, #tpu.memory_space<vmem_shared>>
    tpu.enqueue_dma source(%arg10 : memref<80x128xf32, #tpu.memory_space<vmem>>) target(%dma_start3A_19 : memref<80x128xf32, #tpu.memory_space<vmem_shared>>) target_semaphore(%arg12 : memref<!tpu.dma_semaphore, #tpu.memory_space<semaphore_mem>>)
    %add3A_20 = arith.constant 160 : i32
    %add3A_21 = arith.addi %mul3A_2, %add3A_20 : i32
    %dma_start3A_22 = arith.constant 0 : i32
    %dma_start3A_23 = tpu.memref_slice %arg7[%add3A_21, %dma_start3A_22] : memref<10240x128xf32, #tpu.memory_space<vmem_shared>> -> memref<80x128xf32, #tpu.memory_space<vmem_shared>>
    %dma_start3A_24 = arith.constant 0 : i32
    %dma_start3A_25 = tpu.memref_slice %arg7[%add3A_21, %dma_start3A_24] : memref<10240x128xf32, #tpu.memory_space<vmem_shared>> -> memref<80x128xf32, #tpu.memory_space<vmem_shared>>
    tpu.enqueue_dma source(%arg10 : memref<80x128xf32, #tpu.memory_space<vmem>>) target(%dma_start3A_25 : memref<80x128xf32, #tpu.memory_space<vmem_shared>>) target_semaphore(%arg12 : memref<!tpu.dma_semaphore, #tpu.memory_space<semaphore_mem>>)
    %add3A_26 = arith.constant 240 : i32
    %add3A_27 = arith.addi %mul3A_2, %add3A_26 : i32
    %dma_start3A_28 = arith.constant 0 : i32
    %dma_start3A_29 = tpu.memref_slice %arg7[%add3A_27, %dma_start3A_28] : memref<10240x128xf32, #tpu.memory_space<vmem_shared>> -> memref<80x128xf32, #tpu.memory_space<vmem_shared>>
    %dma_start3A_30 = arith.constant 0 : i32
    %dma_start3A_31 = tpu.memref_slice %arg7[%add3A_27, %dma_start3A_30] : memref<10240x128xf32, #tpu.memory_space<vmem_shared>> -> memref<80x128xf32, #tpu.memory_space<vmem_shared>>
    tpu.enqueue_dma source(%arg10 : memref<80x128xf32, #tpu.memory_space<vmem>>) target(%dma_start3A_31 : memref<80x128xf32, #tpu.memory_space<vmem_shared>>) target_semaphore(%arg12 : memref<!tpu.dma_semaphore, #tpu.memory_space<semaphore_mem>>)
    %add3A_32 = arith.constant 320 : i32
    %add3A_33 = arith.addi %mul3A_2, %add3A_32 : i32
    %dma_start3A_34 = arith.constant 0 : i32
    %dma_start3A_35 = tpu.memref_slice %arg7[%add3A_33, %dma_start3A_34] : memref<10240x128xf32, #tpu.memory_space<vmem_shared>> -> memref<80x128xf32, #tpu.memory_space<vmem_shared>>
    %dma_start3A_36 = arith.constant 0 : i32
    %dma_start3A_37 = tpu.memref_slice %arg7[%add3A_33, %dma_start3A_36] : memref<10240x128xf32, #tpu.memory_space<vmem_shared>> -> memref<80x128xf32, #tpu.memory_space<vmem_shared>>
    tpu.enqueue_dma source(%arg10 : memref<80x128xf32, #tpu.memory_space<vmem>>) target(%dma_start3A_37 : memref<80x128xf32, #tpu.memory_space<vmem_shared>>) target_semaphore(%arg12 : memref<!tpu.dma_semaphore, #tpu.memory_space<semaphore_mem>>)
    %add3A_38 = arith.constant 400 : i32
    %add3A_39 = arith.addi %mul3A_2, %add3A_38 : i32
    %dma_start3A_40 = arith.constant 0 : i32
    %dma_start3A_41 = tpu.memref_slice %arg7[%add3A_39, %dma_start3A_40] : memref<10240x128xf32, #tpu.memory_space<vmem_shared>> -> memref<80x128xf32, #tpu.memory_space<vmem_shared>>
    %dma_start3A_42 = arith.constant 0 : i32
    %dma_start3A_43 = tpu.memref_slice %arg7[%add3A_39, %dma_start3A_42] : memref<10240x128xf32, #tpu.memory_space<vmem_shared>> -> memref<80x128xf32, #tpu.memory_space<vmem_shared>>
    tpu.enqueue_dma source(%arg10 : memref<80x128xf32, #tpu.memory_space<vmem>>) target(%dma_start3A_43 : memref<80x128xf32, #tpu.memory_space<vmem_shared>>) target_semaphore(%arg12 : memref<!tpu.dma_semaphore, #tpu.memory_space<semaphore_mem>>)
    %add3A_44 = arith.constant 480 : i32
    %add3A_45 = arith.addi %mul3A_2, %add3A_44 : i32
    %dma_start3A_46 = arith.constant 0 : i32
    %dma_start3A_47 = tpu.memref_slice %arg7[%add3A_45, %dma_start3A_46] : memref<10240x128xf32, #tpu.memory_space<vmem_shared>> -> memref<80x128xf32, #tpu.memory_space<vmem_shared>>
    %dma_start3A_48 = arith.constant 0 : i32
    %dma_start3A_49 = tpu.memref_slice %arg7[%add3A_45, %dma_start3A_48] : memref<10240x128xf32, #tpu.memory_space<vmem_shared>> -> memref<80x128xf32, #tpu.memory_space<vmem_shared>>
    tpu.enqueue_dma source(%arg10 : memref<80x128xf32, #tpu.memory_space<vmem>>) target(%dma_start3A_49 : memref<80x128xf32, #tpu.memory_space<vmem_shared>>) target_semaphore(%arg12 : memref<!tpu.dma_semaphore, #tpu.memory_space<semaphore_mem>>)
    %add3A_50 = arith.constant 560 : i32
    %add3A_51 = arith.addi %mul3A_2, %add3A_50 : i32
    %dma_start3A_52 = arith.constant 0 : i32
    %dma_start3A_53 = tpu.memref_slice %arg7[%add3A_51, %dma_start3A_52] : memref<10240x128xf32, #tpu.memory_space<vmem_shared>> -> memref<80x128xf32, #tpu.memory_space<vmem_shared>>
    %dma_start3A_54 = arith.constant 0 : i32
    %dma_start3A_55 = tpu.memref_slice %arg7[%add3A_51, %dma_start3A_54] : memref<10240x128xf32, #tpu.memory_space<vmem_shared>> -> memref<80x128xf32, #tpu.memory_space<vmem_shared>>
    tpu.enqueue_dma source(%arg10 : memref<80x128xf32, #tpu.memory_space<vmem>>) target(%dma_start3A_55 : memref<80x128xf32, #tpu.memory_space<vmem_shared>>) target_semaphore(%arg12 : memref<!tpu.dma_semaphore, #tpu.memory_space<semaphore_mem>>)
    %dma_wait3A = arith.constant 0 : i32
    %dma_wait3A_56 = arith.constant 0 : i32
    %dma_wait3A_57 = tpu.memref_slice %arg7[%dma_wait3A, %dma_wait3A_56] : memref<10240x128xf32, #tpu.memory_space<vmem_shared>> -> memref<80x128xf32, #tpu.memory_space<vmem_shared>>
    %dma_wait3A_58 = arith.constant 0 : i32
    %dma_wait3A_59 = arith.constant 0 : i32
    %dma_wait3A_60 = tpu.memref_slice %arg7[%dma_wait3A_58, %dma_wait3A_59] : memref<10240x128xf32, #tpu.memory_space<vmem_shared>> -> memref<80x128xf32, #tpu.memory_space<vmem_shared>>
    tpu.wait_dma2 semaphore(%arg12 : memref<!tpu.dma_semaphore, #tpu.memory_space<semaphore_mem>>) src(%arg10 : memref<80x128xf32, #tpu.memory_space<vmem>>) dst(%dma_wait3A_60 : memref<80x128xf32, #tpu.memory_space<vmem_shared>>)
    %dma_wait3A_61 = arith.constant 0 : i32
    %dma_wait3A_62 = arith.constant 0 : i32
    %dma_wait3A_63 = tpu.memref_slice %arg7[%dma_wait3A_61, %dma_wait3A_62] : memref<10240x128xf32, #tpu.memory_space<vmem_shared>> -> memref<80x128xf32, #tpu.memory_space<vmem_shared>>
    %dma_wait3A_64 = arith.constant 0 : i32
    %dma_wait3A_65 = arith.constant 0 : i32
    %dma_wait3A_66 = tpu.memref_slice %arg7[%dma_wait3A_64, %dma_wait3A_65] : memref<10240x128xf32, #tpu.memory_space<vmem_shared>> -> memref<80x128xf32, #tpu.memory_space<vmem_shared>>
    tpu.wait_dma2 semaphore(%arg12 : memref<!tpu.dma_semaphore, #tpu.memory_space<semaphore_mem>>) src(%arg10 : memref<80x128xf32, #tpu.memory_space<vmem>>) dst(%dma_wait3A_66 : memref<80x128xf32, #tpu.memory_space<vmem_shared>>)
    %dma_wait3A_67 = arith.constant 0 : i32
    %dma_wait3A_68 = arith.constant 0 : i32
    %dma_wait3A_69 = tpu.memref_slice %arg7[%dma_wait3A_67, %dma_wait3A_68] : memref<10240x128xf32, #tpu.memory_space<vmem_shared>> -> memref<80x128xf32, #tpu.memory_space<vmem_shared>>
    %dma_wait3A_70 = arith.constant 0 : i32
    %dma_wait3A_71 = arith.constant 0 : i32
    %dma_wait3A_72 = tpu.memref_slice %arg7[%dma_wait3A_70, %dma_wait3A_71] : memref<10240x128xf32, #tpu.memory_space<vmem_shared>> -> memref<80x128xf32, #tpu.memory_space<vmem_shared>>
    tpu.wait_dma2 semaphore(%arg12 : memref<!tpu.dma_semaphore, #tpu.memory_space<semaphore_mem>>) src(%arg10 : memref<80x128xf32, #tpu.memory_space<vmem>>) dst(%dma_wait3A_72 : memref<80x128xf32, #tpu.memory_space<vmem_shared>>)
    %dma_wait3A_73 = arith.constant 0 : i32
    %dma_wait3A_74 = arith.constant 0 : i32
    %dma_wait3A_75 = tpu.memref_slice %arg7[%dma_wait3A_73, %dma_wait3A_74] : memref<10240x128xf32, #tpu.memory_space<vmem_shared>> -> memref<80x128xf32, #tpu.memory_space<vmem_shared>>
    %dma_wait3A_76 = arith.constant 0 : i32
    %dma_wait3A_77 = arith.constant 0 : i32
    %dma_wait3A_78 = tpu.memref_slice %arg7[%dma_wait3A_76, %dma_wait3A_77] : memref<10240x128xf32, #tpu.memory_space<vmem_shared>> -> memref<80x128xf32, #tpu.memory_space<vmem_shared>>
    tpu.wait_dma2 semaphore(%arg12 : memref<!tpu.dma_semaphore, #tpu.memory_space<semaphore_mem>>) src(%arg10 : memref<80x128xf32, #tpu.memory_space<vmem>>) dst(%dma_wait3A_78 : memref<80x128xf32, #tpu.memory_space<vmem_shared>>)
    %dma_wait3A_79 = arith.constant 0 : i32
    %dma_wait3A_80 = arith.constant 0 : i32
    %dma_wait3A_81 = tpu.memref_slice %arg7[%dma_wait3A_79, %dma_wait3A_80] : memref<10240x128xf32, #tpu.memory_space<vmem_shared>> -> memref<80x128xf32, #tpu.memory_space<vmem_shared>>
    %dma_wait3A_82 = arith.constant 0 : i32
    %dma_wait3A_83 = arith.constant 0 : i32
    %dma_wait3A_84 = tpu.memref_slice %arg7[%dma_wait3A_82, %dma_wait3A_83] : memref<10240x128xf32, #tpu.memory_space<vmem_shared>> -> memref<80x128xf32, #tpu.memory_space<vmem_shared>>
    tpu.wait_dma2 semaphore(%arg12 : memref<!tpu.dma_semaphore, #tpu.memory_space<semaphore_mem>>) src(%arg10 : memref<80x128xf32, #tpu.memory_space<vmem>>) dst(%dma_wait3A_84 : memref<80x128xf32, #tpu.memory_space<vmem_shared>>)
    %dma_wait3A_85 = arith.constant 0 : i32
    %dma_wait3A_86 = arith.constant 0 : i32
    %dma_wait3A_87 = tpu.memref_slice %arg7[%dma_wait3A_85, %dma_wait3A_86] : memref<10240x128xf32, #tpu.memory_space<vmem_shared>> -> memref<80x128xf32, #tpu.memory_space<vmem_shared>>
    %dma_wait3A_88 = arith.constant 0 : i32
    %dma_wait3A_89 = arith.constant 0 : i32
    %dma_wait3A_90 = tpu.memref_slice %arg7[%dma_wait3A_88, %dma_wait3A_89] : memref<10240x128xf32, #tpu.memory_space<vmem_shared>> -> memref<80x128xf32, #tpu.memory_space<vmem_shared>>
    tpu.wait_dma2 semaphore(%arg12 : memref<!tpu.dma_semaphore, #tpu.memory_space<semaphore_mem>>) src(%arg10 : memref<80x128xf32, #tpu.memory_space<vmem>>) dst(%dma_wait3A_90 : memref<80x128xf32, #tpu.memory_space<vmem_shared>>)
    %dma_wait3A_91 = arith.constant 0 : i32
    %dma_wait3A_92 = arith.constant 0 : i32
    %dma_wait3A_93 = tpu.memref_slice %arg7[%dma_wait3A_91, %dma_wait3A_92] : memref<10240x128xf32, #tpu.memory_space<vmem_shared>> -> memref<80x128xf32, #tpu.memory_space<vmem_shared>>
    %dma_wait3A_94 = arith.constant 0 : i32
    %dma_wait3A_95 = arith.constant 0 : i32
    %dma_wait3A_96 = tpu.memref_slice %arg7[%dma_wait3A_94, %dma_wait3A_95] : memref<10240x128xf32, #tpu.memory_space<vmem_shared>> -> memref<80x128xf32, #tpu.memory_space<vmem_shared>>
    tpu.wait_dma2 semaphore(%arg12 : memref<!tpu.dma_semaphore, #tpu.memory_space<semaphore_mem>>) src(%arg10 : memref<80x128xf32, #tpu.memory_space<vmem>>) dst(%dma_wait3A_96 : memref<80x128xf32, #tpu.memory_space<vmem_shared>>)
    %dma_wait3A_97 = arith.constant 0 : i32
    %dma_wait3A_98 = arith.constant 0 : i32
    %dma_wait3A_99 = tpu.memref_slice %arg7[%dma_wait3A_97, %dma_wait3A_98] : memref<10240x128xf32, #tpu.memory_space<vmem_shared>> -> memref<80x128xf32, #tpu.memory_space<vmem_shared>>
    %dma_wait3A_100 = arith.constant 0 : i32
    %dma_wait3A_101 = arith.constant 0 : i32
    %dma_wait3A_102 = tpu.memref_slice %arg7[%dma_wait3A_100, %dma_wait3A_101] : memref<10240x128xf32, #tpu.memory_space<vmem_shared>> -> memref<80x128xf32, #tpu.memory_space<vmem_shared>>
    tpu.wait_dma2 semaphore(%arg12 : memref<!tpu.dma_semaphore, #tpu.memory_space<semaphore_mem>>) src(%arg10 : memref<80x128xf32, #tpu.memory_space<vmem>>) dst(%dma_wait3A_102 : memref<80x128xf32, #tpu.memory_space<vmem_shared>>)
    %scan3A_103 = arith.constant 0 : i32
    %scan3A_104 = arith.constant 640 : i32
    %scan3A_105 = arith.addi %scan3A_103, %scan3A_104 : i32
    %scan3A_106 = arith.constant 1 : i32
    scf.for %scan3A_437 = %scan3A_103 to %scan3A_105 step %scan3A_106  : i32 {
      %broadcast_in_dim3A = arith.constant 1.000000e+00 : f32
      %broadcast_in_dim3A_438 = vector.broadcast %broadcast_in_dim3A : f32 to vector<16xf32>
      %jit3A = arith.constant 8 : i32
      %div3A = arith.divsi %scan3A_437, %jit3A : i32
      %sign3A = arith.constant 0 : i32
      %sign3A_439 = arith.cmpi sgt, %scan3A_437, %sign3A : i32
      %sign3A_440 = arith.extui %sign3A_439 : i1 to i32
      %sign3A_441 = arith.constant 0 : i32
      %sign3A_442 = arith.cmpi slt, %scan3A_437, %sign3A_441 : i32
      %sign3A_443 = arith.extui %sign3A_442 : i1 to i32
      %sign3A_444 = arith.subi %sign3A_440, %sign3A_443 : i32
      %sign3A_445 = arith.constant 0 : i32
      %sign3A_446 = arith.cmpi sgt, %jit3A, %sign3A_445 : i32
      %sign3A_447 = arith.extui %sign3A_446 : i1 to i32
      %sign3A_448 = arith.constant 0 : i32
      %sign3A_449 = arith.cmpi slt, %jit3A, %sign3A_448 : i32
      %sign3A_450 = arith.extui %sign3A_449 : i1 to i32
      %sign3A_451 = arith.subi %sign3A_447, %sign3A_450 : i32
      %ne3A = arith.cmpi ne, %sign3A_444, %sign3A_451 : i32
      %rem3A = arith.remsi %scan3A_437, %jit3A : i32
      %ne3A_452 = arith.constant 0 : i32
      %ne3A_453 = arith.cmpi ne, %rem3A, %ne3A_452 : i32
      %and3A = arith.andi %ne3A, %ne3A_453 : i1
      %sub3A = arith.constant 1 : i32
      %sub3A_454 = arith.subi %div3A, %sub3A : i32
      %select_n3A = arith.select %and3A, %sub3A_454, %div3A : i32
      %jit3A_455 = arith.constant 8 : i32
      %eq3A = arith.constant 0 : i32
      %eq3A_456 = arith.cmpi eq, %jit3A_455, %eq3A : i32
      %jit3A_457 = arith.constant 1 : i32
      %select_n3A_458 = arith.select %eq3A_456, %jit3A_457, %jit3A_455 : i32
      %rem3A_459 = arith.remsi %scan3A_437, %select_n3A_458 : i32
      %ne3A_460 = arith.constant 0 : i32
      %ne3A_461 = arith.cmpi ne, %rem3A_459, %ne3A_460 : i32
      %lt3A = arith.constant 0 : i32
      %lt3A_462 = arith.cmpi slt, %rem3A_459, %lt3A : i32
      %lt3A_463 = arith.constant 0 : i32
      %lt3A_464 = arith.cmpi slt, %select_n3A_458, %lt3A_463 : i32
      %ne3A_465 = arith.xori %lt3A_462, %lt3A_464 : i1
      %and3A_466 = arith.andi %ne3A_465, %ne3A_461 : i1
      %add3A_467 = arith.addi %rem3A_459, %select_n3A_458 : i32
      %select_n3A_468 = arith.select %and3A_466, %add3A_467, %rem3A_459 : i32
      %mul3A_469 = arith.constant 16 : i32
      %mul3A_470 = arith.muli %select_n3A_468, %mul3A_469 : i32
      %swap3A = arith.index_cast %select_n3A : i32 to index
      %swap3A_471 = arith.index_cast %mul3A_470 : i32 to index
      %swap3A_472 = tpu.vector_load %arg11[%swap3A, %swap3A_471] {strides = array<i32>} : memref<80x128xf32, #tpu.memory_space<vmem>>, vector<1x16xf32>,
      %swap3A_473 = vector.shape_cast %swap3A_472 : vector<1x16xf32> to vector<16xf32>
      %swap3A_474 = vector.shape_cast %broadcast_in_dim3A_438 : vector<16xf32> to vector<1x16xf32>
      tpu.vector_store %arg11[%swap3A, %swap3A_471], %swap3A_474 {strides = array<i32>} : memref<80x128xf32, #tpu.memory_space<vmem>>, vector<1x16xf32>,
    }
    %scan3A_107 = arith.constant 640 : i32
    %barrier3A = arith.constant 0 : index
    tpu.barrier barrier_id(%barrier3A)
    %scan3A_108 = arith.constant 0 : i32
    %scan3A_109 = arith.constant 125 : i32
    %scan3A_110 = arith.addi %scan3A_108, %scan3A_109 : i32
    %scan3A_111 = arith.constant 1 : i32
    scf.for %scan3A_437 = %scan3A_108 to %scan3A_110 step %scan3A_111  : i32 {
      %dma_start3A_438 = arith.constant 0 : i32
      %dma_start3A_439 = tpu.memref_slice %arg8[%scan3A_437, %dma_start3A_438] : memref<125x80xi32, #tpu.memory_space<vmem>> -> memref<1x80xi32, #tpu.memory_space<vmem>>
      %dma_start3A_440 = tpu.memref_squeeze %dma_start3A_439 : memref<1x80xi32, #tpu.memory_space<vmem>> -> memref<80xi32, #tpu.memory_space<vmem>>
      %dma_start3A_441 = arith.constant 0 : i32
      %dma_start3A_442 = arith.constant 0 : i32
      %dma_start3A_443 = tpu.memref_slice %arg7[%dma_start3A_441, %dma_start3A_442] : memref<10240x128xf32, #tpu.memory_space<vmem_shared>> -> memref<10240x128xf32, #tpu.memory_space<vmem_shared>>
      tpu.enqueue_indirect_dma source(%arg11 : memref<80x128xf32, #tpu.memory_space<vmem>>) target(%dma_start3A_443 : memref<10240x128xf32, #tpu.memory_space<vmem_shared>>) offsets(%dma_start3A_440 : memref<80xi32, #tpu.memory_space<vmem>>) semaphore(%arg13 : memref<!tpu.dma_semaphore, #tpu.memory_space<semaphore_mem>>) {add = true}
      %ge3A = arith.constant 8 : i32
      %ge3A_444 = arith.cmpi sge, %scan3A_437, %ge3A : i32
      %convert_element_type3A = arith.extui %ge3A_444 : i1 to i32
      %cond3A = arith.constant 0 : i32
      %cond3A_445 = arith.cmpi ne, %convert_element_type3A, %cond3A : i32
      scf.if %cond3A_445 {
        %dma_wait3A_446 = arith.constant 0 : i32
        %dma_wait3A_447 = arith.constant 0 : i32
        %dma_wait3A_448 = tpu.memref_slice %arg7[%dma_wait3A_446, %dma_wait3A_447] : memref<10240x128xf32, #tpu.memory_space<vmem_shared>> -> memref<80x128xf32, #tpu.memory_space<vmem_shared>>
        %dma_wait3A_449 = arith.constant 0 : i32
        %dma_wait3A_450 = arith.constant 0 : i32
        %dma_wait3A_451 = tpu.memref_slice %arg7[%dma_wait3A_449, %dma_wait3A_450] : memref<10240x128xf32, #tpu.memory_space<vmem_shared>> -> memref<80x128xf32, #tpu.memory_space<vmem_shared>>
        tpu.wait_dma2 semaphore(%arg13 : memref<!tpu.dma_semaphore, #tpu.memory_space<semaphore_mem>>) src(%arg11 : memref<80x128xf32, #tpu.memory_space<vmem>>) dst(%dma_wait3A_451 : memref<80x128xf32, #tpu.memory_space<vmem_shared>>)
      } else {
      }
    }
    %scan3A_112 = arith.constant 125 : i32
    %scan3A_113 = arith.constant 0 : i32
    %scan3A_114 = arith.constant 8 : i32
    %scan3A_115 = arith.addi %scan3A_113, %scan3A_114 : i32
    %scan3A_116 = arith.constant 1 : i32
    scf.for %scan3A_437 = %scan3A_113 to %scan3A_115 step %scan3A_116  : i32 {
      %dma_wait3A_438 = arith.constant 0 : i32
      %dma_wait3A_439 = arith.constant 0 : i32
      %dma_wait3A_440 = tpu.memref_slice %arg7[%dma_wait3A_438, %dma_wait3A_439] : memref<10240x128xf32, #tpu.memory_space<vmem_shared>> -> memref<80x128xf32, #tpu.memory_space<vmem_shared>>
      %dma_wait3A_441 = arith.constant 0 : i32
      %dma_wait3A_442 = arith.constant 0 : i32
      %dma_wait3A_443 = tpu.memref_slice %arg7[%dma_wait3A_441, %dma_wait3A_442] : memref<10240x128xf32, #tpu.memory_space<vmem_shared>> -> memref<80x128xf32, #tpu.memory_space<vmem_shared>>
      tpu.wait_dma2 semaphore(%arg13 : memref<!tpu.dma_semaphore, #tpu.memory_space<semaphore_mem>>) src(%arg11 : memref<80x128xf32, #tpu.memory_space<vmem>>) dst(%dma_wait3A_443 : memref<80x128xf32, #tpu.memory_space<vmem_shared>>)
    }
    %scan3A_117 = arith.constant 8 : i32
    %barrier3A_118 = arith.constant 0 : index
    tpu.barrier barrier_id(%barrier3A_118)
    "tpu.region"() ({
      %run_scoped3A_437 = tpu.sem_alloc : memref<!tpu.dma_semaphore, #tpu.memory_space<semaphore_mem>>
      %dma_start3A_438 = arith.constant 0 : i32
      %dma_start3A_439 = tpu.memref_slice %arg6[%arg0, %mul3A_2, %dma_start3A_438] : memref<2x10240x128xf32, #tpu.memory_space<hbm>> -> memref<1x640x128xf32, #tpu.memory_space<hbm>>
      %dma_start3A_440 = tpu.memref_squeeze %dma_start3A_439 : memref<1x640x128xf32, #tpu.memory_space<hbm>> -> memref<640x128xf32, #tpu.memory_space<hbm>>
      %dma_start3A_441 = arith.constant 0 : i32
      %dma_start3A_442 = tpu.memref_slice %arg7[%mul3A_2, %dma_start3A_441] : memref<10240x128xf32, #tpu.memory_space<vmem_shared>> -> memref<640x128xf32, #tpu.memory_space<vmem_shared>>
      tpu.enqueue_dma source(%dma_start3A_442 : memref<640x128xf32, #tpu.memory_space<vmem_shared>>) target(%dma_start3A_440 : memref<640x128xf32, #tpu.memory_space<hbm>>) target_semaphore(%run_scoped3A_437 : memref<!tpu.dma_semaphore, #tpu.memory_space<semaphore_mem>>)
      %dma_wait3A_443 = arith.constant 0 : i32
      %dma_wait3A_444 = tpu.memref_slice %arg6[%arg0, %mul3A_2, %dma_wait3A_443] : memref<2x10240x128xf32, #tpu.memory_space<hbm>> -> memref<1x640x128xf32, #tpu.memory_space<hbm>>
      %dma_wait3A_445 = tpu.memref_squeeze %dma_wait3A_444 : memref<1x640x128xf32, #tpu.memory_space<hbm>> -> memref<640x128xf32, #tpu.memory_space<hbm>>
      %dma_wait3A_446 = arith.constant 0 : i32
      %dma_wait3A_447 = tpu.memref_slice %arg7[%mul3A_2, %dma_wait3A_446] : memref<10240x128xf32, #tpu.memory_space<vmem_shared>> -> memref<640x128xf32, #tpu.memory_space<vmem_shared>>
      tpu.wait_dma2 semaphore(%run_scoped3A_437 : memref<!tpu.dma_semaphore, #tpu.memory_space<semaphore_mem>>) src(%dma_wait3A_447 : memref<640x128xf32, #tpu.memory_space<vmem_shared>>) dst(%dma_wait3A_445 : memref<640x128xf32, #tpu.memory_space<hbm>>)
      tpu.yield
    }) : () -> ()
    %barrier3A_119 = arith.constant 0 : index
    tpu.barrier barrier_id(%barrier3A_119)
    %scan3A_120 = arith.constant 0 : i32
    %scan3A_121 = arith.constant 640 : i32
    %scan3A_122 = arith.addi %scan3A_120, %scan3A_121 : i32
    %scan3A_123 = arith.constant 1 : i32
    scf.for %scan3A_437 = %scan3A_120 to %scan3A_122 step %scan3A_123  : i32 {
      %broadcast_in_dim3A = arith.constant 0.000000e+00 : f32
      %broadcast_in_dim3A_438 = vector.broadcast %broadcast_in_dim3A : f32 to vector<16xf32>
      %jit3A = arith.constant 8 : i32
      %div3A = arith.divsi %scan3A_437, %jit3A : i32
      %sign3A = arith.constant 0 : i32
      %sign3A_439 = arith.cmpi sgt, %scan3A_437, %sign3A : i32
      %sign3A_440 = arith.extui %sign3A_439 : i1 to i32
      %sign3A_441 = arith.constant 0 : i32
      %sign3A_442 = arith.cmpi slt, %scan3A_437, %sign3A_441 : i32
      %sign3A_443 = arith.extui %sign3A_442 : i1 to i32
      %sign3A_444 = arith.subi %sign3A_440, %sign3A_443 : i32
      %sign3A_445 = arith.constant 0 : i32
      %sign3A_446 = arith.cmpi sgt, %jit3A, %sign3A_445 : i32
      %sign3A_447 = arith.extui %sign3A_446 : i1 to i32
      %sign3A_448 = arith.constant 0 : i32
      %sign3A_449 = arith.cmpi slt, %jit3A, %sign3A_448 : i32
      %sign3A_450 = arith.extui %sign3A_449 : i1 to i32
      %sign3A_451 = arith.subi %sign3A_447, %sign3A_450 : i32
      %ne3A = arith.cmpi ne, %sign3A_444, %sign3A_451 : i32
      %rem3A = arith.remsi %scan3A_437, %jit3A : i32
      %ne3A_452 = arith.constant 0 : i32
      %ne3A_453 = arith.cmpi ne, %rem3A, %ne3A_452 : i32
      %and3A = arith.andi %ne3A, %ne3A_453 : i1
      %sub3A = arith.constant 1 : i32
      %sub3A_454 = arith.subi %div3A, %sub3A : i32
      %select_n3A = arith.select %and3A, %sub3A_454, %div3A : i32
      %jit3A_455 = arith.constant 8 : i32
      %eq3A = arith.constant 0 : i32
      %eq3A_456 = arith.cmpi eq, %jit3A_455, %eq3A : i32
      %jit3A_457 = arith.constant 1 : i32
      %select_n3A_458 = arith.select %eq3A_456, %jit3A_457, %jit3A_455 : i32
      %rem3A_459 = arith.remsi %scan3A_437, %select_n3A_458 : i32
      %ne3A_460 = arith.constant 0 : i32
      %ne3A_461 = arith.cmpi ne, %rem3A_459, %ne3A_460 : i32
      %lt3A = arith.constant 0 : i32
      %lt3A_462 = arith.cmpi slt, %rem3A_459, %lt3A : i32
      %lt3A_463 = arith.constant 0 : i32
      %lt3A_464 = arith.cmpi slt, %select_n3A_458, %lt3A_463 : i32
      %ne3A_465 = arith.xori %lt3A_462, %lt3A_464 : i1
      %and3A_466 = arith.andi %ne3A_465, %ne3A_461 : i1
      %add3A_467 = arith.addi %rem3A_459, %select_n3A_458 : i32
      %select_n3A_468 = arith.select %and3A_466, %add3A_467, %rem3A_459 : i32
      %mul3A_469 = arith.constant 16 : i32
      %mul3A_470 = arith.muli %select_n3A_468, %mul3A_469 : i32
      %swap3A = arith.index_cast %select_n3A : i32 to index
      %swap3A_471 = arith.index_cast %mul3A_470 : i32 to index
      %swap3A_472 = tpu.vector_load %arg10[%swap3A, %swap3A_471] {strides = array<i32>} : memref<80x128xf32, #tpu.memory_space<vmem>>, vector<1x16xf32>,
      %swap3A_473 = vector.shape_cast %swap3A_472 : vector<1x16xf32> to vector<16xf32>
      %swap3A_474 = vector.shape_cast %broadcast_in_dim3A_438 : vector<16xf32> to vector<1x16xf32>
      tpu.vector_store %arg10[%swap3A, %swap3A_471], %swap3A_474 {strides = array<i32>} : memref<80x128xf32, #tpu.memory_space<vmem>>, vector<1x16xf32>,
    }
    %scan3A_124 = arith.constant 640 : i32
    %add3A_125 = arith.constant 0 : i32
    %add3A_126 = arith.addi %mul3A_2, %add3A_125 : i32
    %dma_start3A_127 = arith.constant 0 : i32
    %dma_start3A_128 = tpu.memref_slice %arg7[%add3A_126, %dma_start3A_127] : memref<10240x128xf32, #tpu.memory_space<vmem_shared>> -> memref<80x128xf32, #tpu.memory_space<vmem_shared>>
    %dma_start3A_129 = arith.constant 0 : i32
    %dma_start3A_130 = tpu.memref_slice %arg7[%add3A_126, %dma_start3A_129] : memref<10240x128xf32, #tpu.memory_space<vmem_shared>> -> memref<80x128xf32, #tpu.memory_space<vmem_shared>>
    tpu.enqueue_dma source(%arg10 : memref<80x128xf32, #tpu.memory_space<vmem>>) target(%dma_start3A_130 : memref<80x128xf32, #tpu.memory_space<vmem_shared>>) target_semaphore(%arg12 : memref<!tpu.dma_semaphore, #tpu.memory_space<semaphore_mem>>)
    %add3A_131 = arith.constant 80 : i32
    %add3A_132 = arith.addi %mul3A_2, %add3A_131 : i32
    %dma_start3A_133 = arith.constant 0 : i32
    %dma_start3A_134 = tpu.memref_slice %arg7[%add3A_132, %dma_start3A_133] : memref<10240x128xf32, #tpu.memory_space<vmem_shared>> -> memref<80x128xf32, #tpu.memory_space<vmem_shared>>
    %dma_start3A_135 = arith.constant 0 : i32
    %dma_start3A_136 = tpu.memref_slice %arg7[%add3A_132, %dma_start3A_135] : memref<10240x128xf32, #tpu.memory_space<vmem_shared>> -> memref<80x128xf32, #tpu.memory_space<vmem_shared>>
    tpu.enqueue_dma source(%arg10 : memref<80x128xf32, #tpu.memory_space<vmem>>) target(%dma_start3A_136 : memref<80x128xf32, #tpu.memory_space<vmem_shared>>) target_semaphore(%arg12 : memref<!tpu.dma_semaphore, #tpu.memory_space<semaphore_mem>>)
    %add3A_137 = arith.constant 160 : i32
    %add3A_138 = arith.addi %mul3A_2, %add3A_137 : i32
    %dma_start3A_139 = arith.constant 0 : i32
    %dma_start3A_140 = tpu.memref_slice %arg7[%add3A_138, %dma_start3A_139] : memref<10240x128xf32, #tpu.memory_space<vmem_shared>> -> memref<80x128xf32, #tpu.memory_space<vmem_shared>>
    %dma_start3A_141 = arith.constant 0 : i32
    %dma_start3A_142 = tpu.memref_slice %arg7[%add3A_138, %dma_start3A_141] : memref<10240x128xf32, #tpu.memory_space<vmem_shared>> -> memref<80x128xf32, #tpu.memory_space<vmem_shared>>
    tpu.enqueue_dma source(%arg10 : memref<80x128xf32, #tpu.memory_space<vmem>>) target(%dma_start3A_142 : memref<80x128xf32, #tpu.memory_space<vmem_shared>>) target_semaphore(%arg12 : memref<!tpu.dma_semaphore, #tpu.memory_space<semaphore_mem>>)
    %add3A_143 = arith.constant 240 : i32
    %add3A_144 = arith.addi %mul3A_2, %add3A_143 : i32
    %dma_start3A_145 = arith.constant 0 : i32
    %dma_start3A_146 = tpu.memref_slice %arg7[%add3A_144, %dma_start3A_145] : memref<10240x128xf32, #tpu.memory_space<vmem_shared>> -> memref<80x128xf32, #tpu.memory_space<vmem_shared>>
    %dma_start3A_147 = arith.constant 0 : i32
    %dma_start3A_148 = tpu.memref_slice %arg7[%add3A_144, %dma_start3A_147] : memref<10240x128xf32, #tpu.memory_space<vmem_shared>> -> memref<80x128xf32, #tpu.memory_space<vmem_shared>>
    tpu.enqueue_dma source(%arg10 : memref<80x128xf32, #tpu.memory_space<vmem>>) target(%dma_start3A_148 : memref<80x128xf32, #tpu.memory_space<vmem_shared>>) target_semaphore(%arg12 : memref<!tpu.dma_semaphore, #tpu.memory_space<semaphore_mem>>)
    %add3A_149 = arith.constant 320 : i32
    %add3A_150 = arith.addi %mul3A_2, %add3A_149 : i32
    %dma_start3A_151 = arith.constant 0 : i32
    %dma_start3A_152 = tpu.memref_slice %arg7[%add3A_150, %dma_start3A_151] : memref<10240x128xf32, #tpu.memory_space<vmem_shared>> -> memref<80x128xf32, #tpu.memory_space<vmem_shared>>
    %dma_start3A_153 = arith.constant 0 : i32
    %dma_start3A_154 = tpu.memref_slice %arg7[%add3A_150, %dma_start3A_153] : memref<10240x128xf32, #tpu.memory_space<vmem_shared>> -> memref<80x128xf32, #tpu.memory_space<vmem_shared>>
    tpu.enqueue_dma source(%arg10 : memref<80x128xf32, #tpu.memory_space<vmem>>) target(%dma_start3A_154 : memref<80x128xf32, #tpu.memory_space<vmem_shared>>) target_semaphore(%arg12 : memref<!tpu.dma_semaphore, #tpu.memory_space<semaphore_mem>>)
    %add3A_155 = arith.constant 400 : i32
    %add3A_156 = arith.addi %mul3A_2, %add3A_155 : i32
    %dma_start3A_157 = arith.constant 0 : i32
    %dma_start3A_158 = tpu.memref_slice %arg7[%add3A_156, %dma_start3A_157] : memref<10240x128xf32, #tpu.memory_space<vmem_shared>> -> memref<80x128xf32, #tpu.memory_space<vmem_shared>>
    %dma_start3A_159 = arith.constant 0 : i32
    %dma_start3A_160 = tpu.memref_slice %arg7[%add3A_156, %dma_start3A_159] : memref<10240x128xf32, #tpu.memory_space<vmem_shared>> -> memref<80x128xf32, #tpu.memory_space<vmem_shared>>
    tpu.enqueue_dma source(%arg10 : memref<80x128xf32, #tpu.memory_space<vmem>>) target(%dma_start3A_160 : memref<80x128xf32, #tpu.memory_space<vmem_shared>>) target_semaphore(%arg12 : memref<!tpu.dma_semaphore, #tpu.memory_space<semaphore_mem>>)
    %add3A_161 = arith.constant 480 : i32
    %add3A_162 = arith.addi %mul3A_2, %add3A_161 : i32
    %dma_start3A_163 = arith.constant 0 : i32
    %dma_start3A_164 = tpu.memref_slice %arg7[%add3A_162, %dma_start3A_163] : memref<10240x128xf32, #tpu.memory_space<vmem_shared>> -> memref<80x128xf32, #tpu.memory_space<vmem_shared>>
    %dma_start3A_165 = arith.constant 0 : i32
    %dma_start3A_166 = tpu.memref_slice %arg7[%add3A_162, %dma_start3A_165] : memref<10240x128xf32, #tpu.memory_space<vmem_shared>> -> memref<80x128xf32, #tpu.memory_space<vmem_shared>>
    tpu.enqueue_dma source(%arg10 : memref<80x128xf32, #tpu.memory_space<vmem>>) target(%dma_start3A_166 : memref<80x128xf32, #tpu.memory_space<vmem_shared>>) target_semaphore(%arg12 : memref<!tpu.dma_semaphore, #tpu.memory_space<semaphore_mem>>)
    %add3A_167 = arith.constant 560 : i32
    %add3A_168 = arith.addi %mul3A_2, %add3A_167 : i32
    %dma_start3A_169 = arith.constant 0 : i32
    %dma_start3A_170 = tpu.memref_slice %arg7[%add3A_168, %dma_start3A_169] : memref<10240x128xf32, #tpu.memory_space<vmem_shared>> -> memref<80x128xf32, #tpu.memory_space<vmem_shared>>
    %dma_start3A_171 = arith.constant 0 : i32
    %dma_start3A_172 = tpu.memref_slice %arg7[%add3A_168, %dma_start3A_171] : memref<10240x128xf32, #tpu.memory_space<vmem_shared>> -> memref<80x128xf32, #tpu.memory_space<vmem_shared>>
    tpu.enqueue_dma source(%arg10 : memref<80x128xf32, #tpu.memory_space<vmem>>) target(%dma_start3A_172 : memref<80x128xf32, #tpu.memory_space<vmem_shared>>) target_semaphore(%arg12 : memref<!tpu.dma_semaphore, #tpu.memory_space<semaphore_mem>>)
    %dma_wait3A_173 = arith.constant 0 : i32
    %dma_wait3A_174 = arith.constant 0 : i32
    %dma_wait3A_175 = tpu.memref_slice %arg7[%dma_wait3A_173, %dma_wait3A_174] : memref<10240x128xf32, #tpu.memory_space<vmem_shared>> -> memref<80x128xf32, #tpu.memory_space<vmem_shared>>
    %dma_wait3A_176 = arith.constant 0 : i32
    %dma_wait3A_177 = arith.constant 0 : i32
    %dma_wait3A_178 = tpu.memref_slice %arg7[%dma_wait3A_176, %dma_wait3A_177] : memref<10240x128xf32, #tpu.memory_space<vmem_shared>> -> memref<80x128xf32, #tpu.memory_space<vmem_shared>>
    tpu.wait_dma2 semaphore(%arg12 : memref<!tpu.dma_semaphore, #tpu.memory_space<semaphore_mem>>) src(%arg10 : memref<80x128xf32, #tpu.memory_space<vmem>>) dst(%dma_wait3A_178 : memref<80x128xf32, #tpu.memory_space<vmem_shared>>)
    %dma_wait3A_179 = arith.constant 0 : i32
    %dma_wait3A_180 = arith.constant 0 : i32
    %dma_wait3A_181 = tpu.memref_slice %arg7[%dma_wait3A_179, %dma_wait3A_180] : memref<10240x128xf32, #tpu.memory_space<vmem_shared>> -> memref<80x128xf32, #tpu.memory_space<vmem_shared>>
    %dma_wait3A_182 = arith.constant 0 : i32
    %dma_wait3A_183 = arith.constant 0 : i32
    %dma_wait3A_184 = tpu.memref_slice %arg7[%dma_wait3A_182, %dma_wait3A_183] : memref<10240x128xf32, #tpu.memory_space<vmem_shared>> -> memref<80x128xf32, #tpu.memory_space<vmem_shared>>
    tpu.wait_dma2 semaphore(%arg12 : memref<!tpu.dma_semaphore, #tpu.memory_space<semaphore_mem>>) src(%arg10 : memref<80x128xf32, #tpu.memory_space<vmem>>) dst(%dma_wait3A_184 : memref<80x128xf32, #tpu.memory_space<vmem_shared>>)
    %dma_wait3A_185 = arith.constant 0 : i32
    %dma_wait3A_186 = arith.constant 0 : i32
    %dma_wait3A_187 = tpu.memref_slice %arg7[%dma_wait3A_185, %dma_wait3A_186] : memref<10240x128xf32, #tpu.memory_space<vmem_shared>> -> memref<80x128xf32, #tpu.memory_space<vmem_shared>>
    %dma_wait3A_188 = arith.constant 0 : i32
    %dma_wait3A_189 = arith.constant 0 : i32
    %dma_wait3A_190 = tpu.memref_slice %arg7[%dma_wait3A_188, %dma_wait3A_189] : memref<10240x128xf32, #tpu.memory_space<vmem_shared>> -> memref<80x128xf32, #tpu.memory_space<vmem_shared>>
    tpu.wait_dma2 semaphore(%arg12 : memref<!tpu.dma_semaphore, #tpu.memory_space<semaphore_mem>>) src(%arg10 : memref<80x128xf32, #tpu.memory_space<vmem>>) dst(%dma_wait3A_190 : memref<80x128xf32, #tpu.memory_space<vmem_shared>>)
    %dma_wait3A_191 = arith.constant 0 : i32
    %dma_wait3A_192 = arith.constant 0 : i32
    %dma_wait3A_193 = tpu.memref_slice %arg7[%dma_wait3A_191, %dma_wait3A_192] : memref<10240x128xf32, #tpu.memory_space<vmem_shared>> -> memref<80x128xf32, #tpu.memory_space<vmem_shared>>
    %dma_wait3A_194 = arith.constant 0 : i32
    %dma_wait3A_195 = arith.constant 0 : i32
    %dma_wait3A_196 = tpu.memref_slice %arg7[%dma_wait3A_194, %dma_wait3A_195] : memref<10240x128xf32, #tpu.memory_space<vmem_shared>> -> memref<80x128xf32, #tpu.memory_space<vmem_shared>>
    tpu.wait_dma2 semaphore(%arg12 : memref<!tpu.dma_semaphore, #tpu.memory_space<semaphore_mem>>) src(%arg10 : memref<80x128xf32, #tpu.memory_space<vmem>>) dst(%dma_wait3A_196 : memref<80x128xf32, #tpu.memory_space<vmem_shared>>)
    %dma_wait3A_197 = arith.constant 0 : i32
    %dma_wait3A_198 = arith.constant 0 : i32
    %dma_wait3A_199 = tpu.memref_slice %arg7[%dma_wait3A_197, %dma_wait3A_198] : memref<10240x128xf32, #tpu.memory_space<vmem_shared>> -> memref<80x128xf32, #tpu.memory_space<vmem_shared>>
    %dma_wait3A_200 = arith.constant 0 : i32
    %dma_wait3A_201 = arith.constant 0 : i32
    %dma_wait3A_202 = tpu.memref_slice %arg7[%dma_wait3A_200, %dma_wait3A_201] : memref<10240x128xf32, #tpu.memory_space<vmem_shared>> -> memref<80x128xf32, #tpu.memory_space<vmem_shared>>
    tpu.wait_dma2 semaphore(%arg12 : memref<!tpu.dma_semaphore, #tpu.memory_space<semaphore_mem>>) src(%arg10 : memref<80x128xf32, #tpu.memory_space<vmem>>) dst(%dma_wait3A_202 : memref<80x128xf32, #tpu.memory_space<vmem_shared>>)
    %dma_wait3A_203 = arith.constant 0 : i32
    %dma_wait3A_204 = arith.constant 0 : i32
    %dma_wait3A_205 = tpu.memref_slice %arg7[%dma_wait3A_203, %dma_wait3A_204] : memref<10240x128xf32, #tpu.memory_space<vmem_shared>> -> memref<80x128xf32, #tpu.memory_space<vmem_shared>>
    %dma_wait3A_206 = arith.constant 0 : i32
    %dma_wait3A_207 = arith.constant 0 : i32
    %dma_wait3A_208 = tpu.memref_slice %arg7[%dma_wait3A_206, %dma_wait3A_207] : memref<10240x128xf32, #tpu.memory_space<vmem_shared>> -> memref<80x128xf32, #tpu.memory_space<vmem_shared>>
    tpu.wait_dma2 semaphore(%arg12 : memref<!tpu.dma_semaphore, #tpu.memory_space<semaphore_mem>>) src(%arg10 : memref<80x128xf32, #tpu.memory_space<vmem>>) dst(%dma_wait3A_208 : memref<80x128xf32, #tpu.memory_space<vmem_shared>>)
    %dma_wait3A_209 = arith.constant 0 : i32
    %dma_wait3A_210 = arith.constant 0 : i32
    %dma_wait3A_211 = tpu.memref_slice %arg7[%dma_wait3A_209, %dma_wait3A_210] : memref<10240x128xf32, #tpu.memory_space<vmem_shared>> -> memref<80x128xf32, #tpu.memory_space<vmem_shared>>
    %dma_wait3A_212 = arith.constant 0 : i32
    %dma_wait3A_213 = arith.constant 0 : i32
    %dma_wait3A_214 = tpu.memref_slice %arg7[%dma_wait3A_212, %dma_wait3A_213] : memref<10240x128xf32, #tpu.memory_space<vmem_shared>> -> memref<80x128xf32, #tpu.memory_space<vmem_shared>>
    tpu.wait_dma2 semaphore(%arg12 : memref<!tpu.dma_semaphore, #tpu.memory_space<semaphore_mem>>) src(%arg10 : memref<80x128xf32, #tpu.memory_space<vmem>>) dst(%dma_wait3A_214 : memref<80x128xf32, #tpu.memory_space<vmem_shared>>)
    %dma_wait3A_215 = arith.constant 0 : i32
    %dma_wait3A_216 = arith.constant 0 : i32
    %dma_wait3A_217 = tpu.memref_slice %arg7[%dma_wait3A_215, %dma_wait3A_216] : memref<10240x128xf32, #tpu.memory_space<vmem_shared>> -> memref<80x128xf32, #tpu.memory_space<vmem_shared>>
    %dma_wait3A_218 = arith.constant 0 : i32
    %dma_wait3A_219 = arith.constant 0 : i32
    %dma_wait3A_220 = tpu.memref_slice %arg7[%dma_wait3A_218, %dma_wait3A_219] : memref<10240x128xf32, #tpu.memory_space<vmem_shared>> -> memref<80x128xf32, #tpu.memory_space<vmem_shared>>
    tpu.wait_dma2 semaphore(%arg12 : memref<!tpu.dma_semaphore, #tpu.memory_space<semaphore_mem>>) src(%arg10 : memref<80x128xf32, #tpu.memory_space<vmem>>) dst(%dma_wait3A_220 : memref<80x128xf32, #tpu.memory_space<vmem_shared>>)
    %barrier3A_221 = arith.constant 0 : index
    tpu.barrier barrier_id(%barrier3A_221)
    %add3A_222 = arith.constant 0 : i32
    %add3A_223 = arith.addi %mul3A_4, %add3A_222 : i32
    "tpu.region"() ({
      %run_scoped3A_437 = tpu.sem_alloc : memref<!tpu.dma_semaphore, #tpu.memory_space<semaphore_mem>>
      %dma_start3A_438 = tpu.memref_slice %arg3[%add3A_223] : memref<320000xi32, #tpu.memory_space<hbm>> -> memref<2000xi32, #tpu.memory_space<hbm>>
      %dma_start3A_439 = tpu.memref_slice %arg3[%add3A_223] : memref<320000xi32, #tpu.memory_space<hbm>> -> memref<2000xi32, #tpu.memory_space<hbm>>
      tpu.enqueue_dma source(%dma_start3A_439 : memref<2000xi32, #tpu.memory_space<hbm>>) target(%arg9 : memref<2000xi32, #tpu.memory_space<vmem>>) target_semaphore(%run_scoped3A_437 : memref<!tpu.dma_semaphore, #tpu.memory_space<semaphore_mem>>)
      %dma_wait3A_440 = tpu.memref_slice %arg3[%add3A_223] : memref<320000xi32, #tpu.memory_space<hbm>> -> memref<2000xi32, #tpu.memory_space<hbm>>
      %dma_wait3A_441 = tpu.memref_slice %arg3[%add3A_223] : memref<320000xi32, #tpu.memory_space<hbm>> -> memref<2000xi32, #tpu.memory_space<hbm>>
      tpu.wait_dma2 semaphore(%run_scoped3A_437 : memref<!tpu.dma_semaphore, #tpu.memory_space<semaphore_mem>>) src(%dma_wait3A_441 : memref<2000xi32, #tpu.memory_space<hbm>>) dst(%arg9 : memref<2000xi32, #tpu.memory_space<vmem>>)
      tpu.yield
    }) : () -> ()
    %dma_start3A_224 = arith.constant 0 : i32
    %dma_start3A_225 = tpu.memref_slice %arg9[%dma_start3A_224] : memref<2000xi32, #tpu.memory_space<vmem>> -> memref<80xi32, #tpu.memory_space<vmem>>
    %dma_start3A_226 = arith.constant 0 : i32
    %dma_start3A_227 = arith.constant 0 : i32
    %dma_start3A_228 = tpu.memref_slice %arg2[%dma_start3A_226, %dma_start3A_227] : memref<10000x128xf32, #tpu.memory_space<hbm>> -> memref<10000x128xf32, #tpu.memory_space<hbm>>
    tpu.enqueue_indirect_dma source(%dma_start3A_228 : memref<10000x128xf32, #tpu.memory_space<hbm>>) target(%arg10 : memref<80x128xf32, #tpu.memory_space<vmem>>) offsets(%dma_start3A_225 : memref<80xi32, #tpu.memory_space<vmem>>) semaphore(%arg12 : memref<!tpu.dma_semaphore, #tpu.memory_space<semaphore_mem>>)
    %dma_start3A_229 = arith.constant 80 : i32
    %dma_start3A_230 = tpu.memref_slice %arg9[%dma_start3A_229] : memref<2000xi32, #tpu.memory_space<vmem>> -> memref<80xi32, #tpu.memory_space<vmem>>
    %dma_start3A_231 = arith.constant 0 : i32
    %dma_start3A_232 = arith.constant 0 : i32
    %dma_start3A_233 = tpu.memref_slice %arg2[%dma_start3A_231, %dma_start3A_232] : memref<10000x128xf32, #tpu.memory_space<hbm>> -> memref<10000x128xf32, #tpu.memory_space<hbm>>
    tpu.enqueue_indirect_dma source(%dma_start3A_233 : memref<10000x128xf32, #tpu.memory_space<hbm>>) target(%arg11 : memref<80x128xf32, #tpu.memory_space<vmem>>) offsets(%dma_start3A_230 : memref<80xi32, #tpu.memory_space<vmem>>) semaphore(%arg13 : memref<!tpu.dma_semaphore, #tpu.memory_space<semaphore_mem>>)
    %scan3A_234 = arith.constant 0 : i32
    %scan3A_235 = arith.constant 11 : i32
    %scan3A_236 = arith.addi %scan3A_234, %scan3A_235 : i32
    %scan3A_237 = arith.constant 1 : i32
    scf.for %scan3A_437 = %scan3A_234 to %scan3A_236 step %scan3A_237  : i32 {
      %mul3A_438 = arith.constant 2 : i32
      %mul3A_439 = arith.muli %mul3A_438, %scan3A_437 : i32
      %dma_wait3A_440 = arith.constant 0 : i32
      %dma_wait3A_441 = arith.constant 0 : i32
      %dma_wait3A_442 = tpu.memref_slice %arg2[%dma_wait3A_440, %dma_wait3A_441] : memref<10000x128xf32, #tpu.memory_space<hbm>> -> memref<80x128xf32, #tpu.memory_space<hbm>>
      %dma_wait3A_443 = arith.constant 0 : i32
      %dma_wait3A_444 = arith.constant 0 : i32
      %dma_wait3A_445 = tpu.memref_slice %arg2[%dma_wait3A_443, %dma_wait3A_444] : memref<10000x128xf32, #tpu.memory_space<hbm>> -> memref<80x128xf32, #tpu.memory_space<hbm>>
      tpu.wait_dma2 semaphore(%arg12 : memref<!tpu.dma_semaphore, #tpu.memory_space<semaphore_mem>>) src(%dma_wait3A_445 : memref<80x128xf32, #tpu.memory_space<hbm>>) dst(%arg10 : memref<80x128xf32, #tpu.memory_space<vmem>>)
      %add3A_446 = arith.constant 0 : i32
      %add3A_447 = arith.addi %add3A_446, %mul3A_439 : i32
      "tpu.region"() ({
        %run_scoped3A_474 = tpu.sem_alloc : memref<!tpu.dma_semaphore, #tpu.memory_space<semaphore_mem>>
        %dma_start3A_475 = arith.constant 0 : i32
        %dma_start3A_476 = tpu.memref_slice %arg8[%add3A_447, %dma_start3A_475] : memref<125x80xi32, #tpu.memory_space<vmem>> -> memref<1x80xi32, #tpu.memory_space<vmem>>
        %dma_start3A_477 = tpu.memref_squeeze %dma_start3A_476 : memref<1x80xi32, #tpu.memory_space<vmem>> -> memref<80xi32, #tpu.memory_space<vmem>>
        %dma_start3A_478 = arith.constant 0 : i32
        %dma_start3A_479 = arith.constant 0 : i32
        %dma_start3A_480 = tpu.memref_slice %arg7[%dma_start3A_478, %dma_start3A_479] : memref<10240x128xf32, #tpu.memory_space<vmem_shared>> -> memref<10240x128xf32, #tpu.memory_space<vmem_shared>>
        tpu.enqueue_indirect_dma source(%arg10 : memref<80x128xf32, #tpu.memory_space<vmem>>) target(%dma_start3A_480 : memref<10240x128xf32, #tpu.memory_space<vmem_shared>>) offsets(%dma_start3A_477 : memref<80xi32, #tpu.memory_space<vmem>>) semaphore(%run_scoped3A_474 : memref<!tpu.dma_semaphore, #tpu.memory_space<semaphore_mem>>) {add = true}
        %dma_wait3A_481 = arith.constant 0 : i32
        %dma_wait3A_482 = tpu.memref_slice %arg8[%add3A_447, %dma_wait3A_481] : memref<125x80xi32, #tpu.memory_space<vmem>> -> memref<1x80xi32, #tpu.memory_space<vmem>>
        %dma_wait3A_483 = tpu.memref_squeeze %dma_wait3A_482 : memref<1x80xi32, #tpu.memory_space<vmem>> -> memref<80xi32, #tpu.memory_space<vmem>>
        %dma_wait3A_484 = arith.constant 0 : i32
        %dma_wait3A_485 = arith.constant 0 : i32
        %dma_wait3A_486 = tpu.memref_slice %arg7[%dma_wait3A_484, %dma_wait3A_485] : memref<10240x128xf32, #tpu.memory_space<vmem_shared>> -> memref<10240x128xf32, #tpu.memory_space<vmem_shared>>
        tpu.wait_indirect_dma semaphore(%run_scoped3A_474 : memref<!tpu.dma_semaphore, #tpu.memory_space<semaphore_mem>>) src(%arg10 : memref<80x128xf32, #tpu.memory_space<vmem>>) dst(%dma_wait3A_486 : memref<10240x128xf32, #tpu.memory_space<vmem_shared>>)
        tpu.yield
      }) : () -> ()
      %add3A_448 = arith.constant 2 : i32
      %add3A_449 = arith.addi %mul3A_439, %add3A_448 : i32
      %mul3A_450 = arith.constant 80 : i32
      %mul3A_451 = arith.muli %add3A_449, %mul3A_450 : i32
      %dma_start3A_452 = tpu.memref_slice %arg9[%mul3A_451] : memref<2000xi32, #tpu.memory_space<vmem>> -> memref<80xi32, #tpu.memory_space<vmem>>
      %dma_start3A_453 = arith.constant 0 : i32
      %dma_start3A_454 = arith.constant 0 : i32
      %dma_start3A_455 = tpu.memref_slice %arg2[%dma_start3A_453, %dma_start3A_454] : memref<10000x128xf32, #tpu.memory_space<hbm>> -> memref<10000x128xf32, #tpu.memory_space<hbm>>
      tpu.enqueue_indirect_dma source(%dma_start3A_455 : memref<10000x128xf32, #tpu.memory_space<hbm>>) target(%arg10 : memref<80x128xf32, #tpu.memory_space<vmem>>) offsets(%dma_start3A_452 : memref<80xi32, #tpu.memory_space<vmem>>) semaphore(%arg12 : memref<!tpu.dma_semaphore, #tpu.memory_space<semaphore_mem>>)
      %dma_wait3A_456 = arith.constant 0 : i32
      %dma_wait3A_457 = arith.constant 0 : i32
      %dma_wait3A_458 = tpu.memref_slice %arg2[%dma_wait3A_456, %dma_wait3A_457] : memref<10000x128xf32, #tpu.memory_space<hbm>> -> memref<80x128xf32, #tpu.memory_space<hbm>>
      %dma_wait3A_459 = arith.constant 0 : i32
      %dma_wait3A_460 = arith.constant 0 : i32
      %dma_wait3A_461 = tpu.memref_slice %arg2[%dma_wait3A_459, %dma_wait3A_460] : memref<10000x128xf32, #tpu.memory_space<hbm>> -> memref<80x128xf32, #tpu.memory_space<hbm>>
      tpu.wait_dma2 semaphore(%arg13 : memref<!tpu.dma_semaphore, #tpu.memory_space<semaphore_mem>>) src(%dma_wait3A_461 : memref<80x128xf32, #tpu.memory_space<hbm>>) dst(%arg11 : memref<80x128xf32, #tpu.memory_space<vmem>>)
      %add3A_462 = arith.constant 0 : i32
      %add3A_463 = arith.addi %add3A_462, %mul3A_439 : i32
      %add3A_464 = arith.constant 1 : i32
      %add3A_465 = arith.addi %add3A_463, %add3A_464 : i32
      "tpu.region"() ({
        %run_scoped3A_474 = tpu.sem_alloc : memref<!tpu.dma_semaphore, #tpu.memory_space<semaphore_mem>>
        %dma_start3A_475 = arith.constant 0 : i32
        %dma_start3A_476 = tpu.memref_slice %arg8[%add3A_465, %dma_start3A_475] : memref<125x80xi32, #tpu.memory_space<vmem>> -> memref<1x80xi32, #tpu.memory_space<vmem>>
        %dma_start3A_477 = tpu.memref_squeeze %dma_start3A_476 : memref<1x80xi32, #tpu.memory_space<vmem>> -> memref<80xi32, #tpu.memory_space<vmem>>
        %dma_start3A_478 = arith.constant 0 : i32
        %dma_start3A_479 = arith.constant 0 : i32
        %dma_start3A_480 = tpu.memref_slice %arg7[%dma_start3A_478, %dma_start3A_479] : memref<10240x128xf32, #tpu.memory_space<vmem_shared>> -> memref<10240x128xf32, #tpu.memory_space<vmem_shared>>
        tpu.enqueue_indirect_dma source(%arg11 : memref<80x128xf32, #tpu.memory_space<vmem>>) target(%dma_start3A_480 : memref<10240x128xf32, #tpu.memory_space<vmem_shared>>) offsets(%dma_start3A_477 : memref<80xi32, #tpu.memory_space<vmem>>) semaphore(%run_scoped3A_474 : memref<!tpu.dma_semaphore, #tpu.memory_space<semaphore_mem>>) {add = true}
        %dma_wait3A_481 = arith.constant 0 : i32
        %dma_wait3A_482 = tpu.memref_slice %arg8[%add3A_465, %dma_wait3A_481] : memref<125x80xi32, #tpu.memory_space<vmem>> -> memref<1x80xi32, #tpu.memory_space<vmem>>
        %dma_wait3A_483 = tpu.memref_squeeze %dma_wait3A_482 : memref<1x80xi32, #tpu.memory_space<vmem>> -> memref<80xi32, #tpu.memory_space<vmem>>
        %dma_wait3A_484 = arith.constant 0 : i32
        %dma_wait3A_485 = arith.constant 0 : i32
        %dma_wait3A_486 = tpu.memref_slice %arg7[%dma_wait3A_484, %dma_wait3A_485] : memref<10240x128xf32, #tpu.memory_space<vmem_shared>> -> memref<10240x128xf32, #tpu.memory_space<vmem_shared>>
        tpu.wait_indirect_dma semaphore(%run_scoped3A_474 : memref<!tpu.dma_semaphore, #tpu.memory_space<semaphore_mem>>) src(%arg11 : memref<80x128xf32, #tpu.memory_space<vmem>>) dst(%dma_wait3A_486 : memref<10240x128xf32, #tpu.memory_space<vmem_shared>>)
        tpu.yield
      }) : () -> ()
      %add3A_466 = arith.constant 3 : i32
      %add3A_467 = arith.addi %mul3A_439, %add3A_466 : i32
      %mul3A_468 = arith.constant 80 : i32
      %mul3A_469 = arith.muli %add3A_467, %mul3A_468 : i32
      %dma_start3A_470 = tpu.memref_slice %arg9[%mul3A_469] : memref<2000xi32, #tpu.memory_space<vmem>> -> memref<80xi32, #tpu.memory_space<vmem>>
      %dma_start3A_471 = arith.constant 0 : i32
      %dma_start3A_472 = arith.constant 0 : i32
      %dma_start3A_473 = tpu.memref_slice %arg2[%dma_start3A_471, %dma_start3A_472] : memref<10000x128xf32, #tpu.memory_space<hbm>> -> memref<10000x128xf32, #tpu.memory_space<hbm>>
      tpu.enqueue_indirect_dma source(%dma_start3A_473 : memref<10000x128xf32, #tpu.memory_space<hbm>>) target(%arg11 : memref<80x128xf32, #tpu.memory_space<vmem>>) offsets(%dma_start3A_470 : memref<80xi32, #tpu.memory_space<vmem>>) semaphore(%arg13 : memref<!tpu.dma_semaphore, #tpu.memory_space<semaphore_mem>>)
    }
    %scan3A_238 = arith.constant 11 : i32
    %dma_wait3A_239 = arith.constant 0 : i32
    %dma_wait3A_240 = arith.constant 0 : i32
    %dma_wait3A_241 = tpu.memref_slice %arg2[%dma_wait3A_239, %dma_wait3A_240] : memref<10000x128xf32, #tpu.memory_space<hbm>> -> memref<80x128xf32, #tpu.memory_space<hbm>>
    %dma_wait3A_242 = arith.constant 0 : i32
    %dma_wait3A_243 = arith.constant 0 : i32
    %dma_wait3A_244 = tpu.memref_slice %arg2[%dma_wait3A_242, %dma_wait3A_243] : memref<10000x128xf32, #tpu.memory_space<hbm>> -> memref<80x128xf32, #tpu.memory_space<hbm>>
    tpu.wait_dma2 semaphore(%arg12 : memref<!tpu.dma_semaphore, #tpu.memory_space<semaphore_mem>>) src(%dma_wait3A_244 : memref<80x128xf32, #tpu.memory_space<hbm>>) dst(%arg10 : memref<80x128xf32, #tpu.memory_space<vmem>>)
    %run_scoped3A = arith.constant 22 : i32
    "tpu.region"() ({
      %run_scoped3A_437 = tpu.sem_alloc : memref<!tpu.dma_semaphore, #tpu.memory_space<semaphore_mem>>
      %dma_start3A_438 = arith.constant 0 : i32
      %dma_start3A_439 = tpu.memref_slice %arg8[%run_scoped3A, %dma_start3A_438] : memref<125x80xi32, #tpu.memory_space<vmem>> -> memref<1x80xi32, #tpu.memory_space<vmem>>
      %dma_start3A_440 = tpu.memref_squeeze %dma_start3A_439 : memref<1x80xi32, #tpu.memory_space<vmem>> -> memref<80xi32, #tpu.memory_space<vmem>>
      %dma_start3A_441 = arith.constant 0 : i32
      %dma_start3A_442 = arith.constant 0 : i32
      %dma_start3A_443 = tpu.memref_slice %arg7[%dma_start3A_441, %dma_start3A_442] : memref<10240x128xf32, #tpu.memory_space<vmem_shared>> -> memref<10240x128xf32, #tpu.memory_space<vmem_shared>>
      tpu.enqueue_indirect_dma source(%arg10 : memref<80x128xf32, #tpu.memory_space<vmem>>) target(%dma_start3A_443 : memref<10240x128xf32, #tpu.memory_space<vmem_shared>>) offsets(%dma_start3A_440 : memref<80xi32, #tpu.memory_space<vmem>>) semaphore(%run_scoped3A_437 : memref<!tpu.dma_semaphore, #tpu.memory_space<semaphore_mem>>) {add = true}
      %dma_wait3A_444 = arith.constant 0 : i32
      %dma_wait3A_445 = tpu.memref_slice %arg8[%run_scoped3A, %dma_wait3A_444] : memref<125x80xi32, #tpu.memory_space<vmem>> -> memref<1x80xi32, #tpu.memory_space<vmem>>
      %dma_wait3A_446 = tpu.memref_squeeze %dma_wait3A_445 : memref<1x80xi32, #tpu.memory_space<vmem>> -> memref<80xi32, #tpu.memory_space<vmem>>
      %dma_wait3A_447 = arith.constant 0 : i32
      %dma_wait3A_448 = arith.constant 0 : i32
      %dma_wait3A_449 = tpu.memref_slice %arg7[%dma_wait3A_447, %dma_wait3A_448] : memref<10240x128xf32, #tpu.memory_space<vmem_shared>> -> memref<10240x128xf32, #tpu.memory_space<vmem_shared>>
      tpu.wait_indirect_dma semaphore(%run_scoped3A_437 : memref<!tpu.dma_semaphore, #tpu.memory_space<semaphore_mem>>) src(%arg10 : memref<80x128xf32, #tpu.memory_space<vmem>>) dst(%dma_wait3A_449 : memref<10240x128xf32, #tpu.memory_space<vmem_shared>>)
      tpu.yield
    }) : () -> ()
    %dma_start3A_245 = arith.constant 1920 : i32
    %dma_start3A_246 = tpu.memref_slice %arg9[%dma_start3A_245] : memref<2000xi32, #tpu.memory_space<vmem>> -> memref<80xi32, #tpu.memory_space<vmem>>
    %dma_start3A_247 = arith.constant 0 : i32
    %dma_start3A_248 = arith.constant 0 : i32
    %dma_start3A_249 = tpu.memref_slice %arg2[%dma_start3A_247, %dma_start3A_248] : memref<10000x128xf32, #tpu.memory_space<hbm>> -> memref<10000x128xf32, #tpu.memory_space<hbm>>
    tpu.enqueue_indirect_dma source(%dma_start3A_249 : memref<10000x128xf32, #tpu.memory_space<hbm>>) target(%arg10 : memref<80x128xf32, #tpu.memory_space<vmem>>) offsets(%dma_start3A_246 : memref<80xi32, #tpu.memory_space<vmem>>) semaphore(%arg12 : memref<!tpu.dma_semaphore, #tpu.memory_space<semaphore_mem>>)
    %dma_wait3A_250 = arith.constant 0 : i32
    %dma_wait3A_251 = arith.constant 0 : i32
    %dma_wait3A_252 = tpu.memref_slice %arg2[%dma_wait3A_250, %dma_wait3A_251] : memref<10000x128xf32, #tpu.memory_space<hbm>> -> memref<80x128xf32, #tpu.memory_space<hbm>>
    %dma_wait3A_253 = arith.constant 0 : i32
    %dma_wait3A_254 = arith.constant 0 : i32
    %dma_wait3A_255 = tpu.memref_slice %arg2[%dma_wait3A_253, %dma_wait3A_254] : memref<10000x128xf32, #tpu.memory_space<hbm>> -> memref<80x128xf32, #tpu.memory_space<hbm>>
    tpu.wait_dma2 semaphore(%arg13 : memref<!tpu.dma_semaphore, #tpu.memory_space<semaphore_mem>>) src(%dma_wait3A_255 : memref<80x128xf32, #tpu.memory_space<hbm>>) dst(%arg11 : memref<80x128xf32, #tpu.memory_space<vmem>>)
    %run_scoped3A_256 = arith.constant 23 : i32
    "tpu.region"() ({
      %run_scoped3A_437 = tpu.sem_alloc : memref<!tpu.dma_semaphore, #tpu.memory_space<semaphore_mem>>
      %dma_start3A_438 = arith.constant 0 : i32
      %dma_start3A_439 = tpu.memref_slice %arg8[%run_scoped3A_256, %dma_start3A_438] : memref<125x80xi32, #tpu.memory_space<vmem>> -> memref<1x80xi32, #tpu.memory_space<vmem>>
      %dma_start3A_440 = tpu.memref_squeeze %dma_start3A_439 : memref<1x80xi32, #tpu.memory_space<vmem>> -> memref<80xi32, #tpu.memory_space<vmem>>
      %dma_start3A_441 = arith.constant 0 : i32
      %dma_start3A_442 = arith.constant 0 : i32
      %dma_start3A_443 = tpu.memref_slice %arg7[%dma_start3A_441, %dma_start3A_442] : memref<10240x128xf32, #tpu.memory_space<vmem_shared>> -> memref<10240x128xf32, #tpu.memory_space<vmem_shared>>
      tpu.enqueue_indirect_dma source(%arg11 : memref<80x128xf32, #tpu.memory_space<vmem>>) target(%dma_start3A_443 : memref<10240x128xf32, #tpu.memory_space<vmem_shared>>) offsets(%dma_start3A_440 : memref<80xi32, #tpu.memory_space<vmem>>) semaphore(%run_scoped3A_437 : memref<!tpu.dma_semaphore, #tpu.memory_space<semaphore_mem>>) {add = true}
      %dma_wait3A_444 = arith.constant 0 : i32
      %dma_wait3A_445 = tpu.memref_slice %arg8[%run_scoped3A_256, %dma_wait3A_444] : memref<125x80xi32, #tpu.memory_space<vmem>> -> memref<1x80xi32, #tpu.memory_space<vmem>>
      %dma_wait3A_446 = tpu.memref_squeeze %dma_wait3A_445 : memref<1x80xi32, #tpu.memory_space<vmem>> -> memref<80xi32, #tpu.memory_space<vmem>>
      %dma_wait3A_447 = arith.constant 0 : i32
      %dma_wait3A_448 = arith.constant 0 : i32
      %dma_wait3A_449 = tpu.memref_slice %arg7[%dma_wait3A_447, %dma_wait3A_448] : memref<10240x128xf32, #tpu.memory_space<vmem_shared>> -> memref<10240x128xf32, #tpu.memory_space<vmem_shared>>
      tpu.wait_indirect_dma semaphore(%run_scoped3A_437 : memref<!tpu.dma_semaphore, #tpu.memory_space<semaphore_mem>>) src(%arg11 : memref<80x128xf32, #tpu.memory_space<vmem>>) dst(%dma_wait3A_449 : memref<10240x128xf32, #tpu.memory_space<vmem_shared>>)
      tpu.yield
    }) : () -> ()
    %dma_wait3A_257 = arith.constant 0 : i32
    %dma_wait3A_258 = arith.constant 0 : i32
    %dma_wait3A_259 = tpu.memref_slice %arg2[%dma_wait3A_257, %dma_wait3A_258] : memref<10000x128xf32, #tpu.memory_space<hbm>> -> memref<80x128xf32, #tpu.memory_space<hbm>>
    %dma_wait3A_260 = arith.constant 0 : i32
    %dma_wait3A_261 = arith.constant 0 : i32
    %dma_wait3A_262 = tpu.memref_slice %arg2[%dma_wait3A_260, %dma_wait3A_261] : memref<10000x128xf32, #tpu.memory_space<hbm>> -> memref<80x128xf32, #tpu.memory_space<hbm>>
    tpu.wait_dma2 semaphore(%arg12 : memref<!tpu.dma_semaphore, #tpu.memory_space<semaphore_mem>>) src(%dma_wait3A_262 : memref<80x128xf32, #tpu.memory_space<hbm>>) dst(%arg10 : memref<80x128xf32, #tpu.memory_space<vmem>>)
    %run_scoped3A_263 = arith.constant 24 : i32
    "tpu.region"() ({
      %run_scoped3A_437 = tpu.sem_alloc : memref<!tpu.dma_semaphore, #tpu.memory_space<semaphore_mem>>
      %dma_start3A_438 = arith.constant 0 : i32
      %dma_start3A_439 = tpu.memref_slice %arg8[%run_scoped3A_263, %dma_start3A_438] : memref<125x80xi32, #tpu.memory_space<vmem>> -> memref<1x80xi32, #tpu.memory_space<vmem>>
      %dma_start3A_440 = tpu.memref_squeeze %dma_start3A_439 : memref<1x80xi32, #tpu.memory_space<vmem>> -> memref<80xi32, #tpu.memory_space<vmem>>
      %dma_start3A_441 = arith.constant 0 : i32
      %dma_start3A_442 = arith.constant 0 : i32
      %dma_start3A_443 = tpu.memref_slice %arg7[%dma_start3A_441, %dma_start3A_442] : memref<10240x128xf32, #tpu.memory_space<vmem_shared>> -> memref<10240x128xf32, #tpu.memory_space<vmem_shared>>
      tpu.enqueue_indirect_dma source(%arg10 : memref<80x128xf32, #tpu.memory_space<vmem>>) target(%dma_start3A_443 : memref<10240x128xf32, #tpu.memory_space<vmem_shared>>) offsets(%dma_start3A_440 : memref<80xi32, #tpu.memory_space<vmem>>) semaphore(%run_scoped3A_437 : memref<!tpu.dma_semaphore, #tpu.memory_space<semaphore_mem>>) {add = true}
      %dma_wait3A_444 = arith.constant 0 : i32
      %dma_wait3A_445 = tpu.memref_slice %arg8[%run_scoped3A_263, %dma_wait3A_444] : memref<125x80xi32, #tpu.memory_space<vmem>> -> memref<1x80xi32, #tpu.memory_space<vmem>>
      %dma_wait3A_446 = tpu.memref_squeeze %dma_wait3A_445 : memref<1x80xi32, #tpu.memory_space<vmem>> -> memref<80xi32, #tpu.memory_space<vmem>>
      %dma_wait3A_447 = arith.constant 0 : i32
      %dma_wait3A_448 = arith.constant 0 : i32
      %dma_wait3A_449 = tpu.memref_slice %arg7[%dma_wait3A_447, %dma_wait3A_448] : memref<10240x128xf32, #tpu.memory_space<vmem_shared>> -> memref<10240x128xf32, #tpu.memory_space<vmem_shared>>
      tpu.wait_indirect_dma semaphore(%run_scoped3A_437 : memref<!tpu.dma_semaphore, #tpu.memory_space<semaphore_mem>>) src(%arg10 : memref<80x128xf32, #tpu.memory_space<vmem>>) dst(%dma_wait3A_449 : memref<10240x128xf32, #tpu.memory_space<vmem_shared>>)
      tpu.yield
    }) : () -> ()
    %add3A_264 = arith.constant 2000 : i32
    %add3A_265 = arith.addi %mul3A_4, %add3A_264 : i32
    "tpu.region"() ({
      %run_scoped3A_437 = tpu.sem_alloc : memref<!tpu.dma_semaphore, #tpu.memory_space<semaphore_mem>>
      %dma_start3A_438 = tpu.memref_slice %arg3[%add3A_265] : memref<320000xi32, #tpu.memory_space<hbm>> -> memref<2000xi32, #tpu.memory_space<hbm>>
      %dma_start3A_439 = tpu.memref_slice %arg3[%add3A_265] : memref<320000xi32, #tpu.memory_space<hbm>> -> memref<2000xi32, #tpu.memory_space<hbm>>
      tpu.enqueue_dma source(%dma_start3A_439 : memref<2000xi32, #tpu.memory_space<hbm>>) target(%arg9 : memref<2000xi32, #tpu.memory_space<vmem>>) target_semaphore(%run_scoped3A_437 : memref<!tpu.dma_semaphore, #tpu.memory_space<semaphore_mem>>)
      %dma_wait3A_440 = tpu.memref_slice %arg3[%add3A_265] : memref<320000xi32, #tpu.memory_space<hbm>> -> memref<2000xi32, #tpu.memory_space<hbm>>
      %dma_wait3A_441 = tpu.memref_slice %arg3[%add3A_265] : memref<320000xi32, #tpu.memory_space<hbm>> -> memref<2000xi32, #tpu.memory_space<hbm>>
      tpu.wait_dma2 semaphore(%run_scoped3A_437 : memref<!tpu.dma_semaphore, #tpu.memory_space<semaphore_mem>>) src(%dma_wait3A_441 : memref<2000xi32, #tpu.memory_space<hbm>>) dst(%arg9 : memref<2000xi32, #tpu.memory_space<vmem>>)
      tpu.yield
    }) : () -> ()
    %dma_start3A_266 = arith.constant 0 : i32
    %dma_start3A_267 = tpu.memref_slice %arg9[%dma_start3A_266] : memref<2000xi32, #tpu.memory_space<vmem>> -> memref<80xi32, #tpu.memory_space<vmem>>
    %dma_start3A_268 = arith.constant 0 : i32
    %dma_start3A_269 = arith.constant 0 : i32
    %dma_start3A_270 = tpu.memref_slice %arg2[%dma_start3A_268, %dma_start3A_269] : memref<10000x128xf32, #tpu.memory_space<hbm>> -> memref<10000x128xf32, #tpu.memory_space<hbm>>
    tpu.enqueue_indirect_dma source(%dma_start3A_270 : memref<10000x128xf32, #tpu.memory_space<hbm>>) target(%arg10 : memref<80x128xf32, #tpu.memory_space<vmem>>) offsets(%dma_start3A_267 : memref<80xi32, #tpu.memory_space<vmem>>) semaphore(%arg12 : memref<!tpu.dma_semaphore, #tpu.memory_space<semaphore_mem>>)
    %dma_start3A_271 = arith.constant 80 : i32
    %dma_start3A_272 = tpu.memref_slice %arg9[%dma_start3A_271] : memref<2000xi32, #tpu.memory_space<vmem>> -> memref<80xi32, #tpu.memory_space<vmem>>
    %dma_start3A_273 = arith.constant 0 : i32
    %dma_start3A_274 = arith.constant 0 : i32
    %dma_start3A_275 = tpu.memref_slice %arg2[%dma_start3A_273, %dma_start3A_274] : memref<10000x128xf32, #tpu.memory_space<hbm>> -> memref<10000x128xf32, #tpu.memory_space<hbm>>
    tpu.enqueue_indirect_dma source(%dma_start3A_275 : memref<10000x128xf32, #tpu.memory_space<hbm>>) target(%arg11 : memref<80x128xf32, #tpu.memory_space<vmem>>) offsets(%dma_start3A_272 : memref<80xi32, #tpu.memory_space<vmem>>) semaphore(%arg13 : memref<!tpu.dma_semaphore, #tpu.memory_space<semaphore_mem>>)
    %scan3A_276 = arith.constant 0 : i32
    %scan3A_277 = arith.constant 11 : i32
    %scan3A_278 = arith.addi %scan3A_276, %scan3A_277 : i32
    %scan3A_279 = arith.constant 1 : i32
    scf.for %scan3A_437 = %scan3A_276 to %scan3A_278 step %scan3A_279  : i32 {
      %mul3A_438 = arith.constant 2 : i32
      %mul3A_439 = arith.muli %mul3A_438, %scan3A_437 : i32
      %dma_wait3A_440 = arith.constant 0 : i32
      %dma_wait3A_441 = arith.constant 0 : i32
      %dma_wait3A_442 = tpu.memref_slice %arg2[%dma_wait3A_440, %dma_wait3A_441] : memref<10000x128xf32, #tpu.memory_space<hbm>> -> memref<80x128xf32, #tpu.memory_space<hbm>>
      %dma_wait3A_443 = arith.constant 0 : i32
      %dma_wait3A_444 = arith.constant 0 : i32
      %dma_wait3A_445 = tpu.memref_slice %arg2[%dma_wait3A_443, %dma_wait3A_444] : memref<10000x128xf32, #tpu.memory_space<hbm>> -> memref<80x128xf32, #tpu.memory_space<hbm>>
      tpu.wait_dma2 semaphore(%arg12 : memref<!tpu.dma_semaphore, #tpu.memory_space<semaphore_mem>>) src(%dma_wait3A_445 : memref<80x128xf32, #tpu.memory_space<hbm>>) dst(%arg10 : memref<80x128xf32, #tpu.memory_space<vmem>>)
      %add3A_446 = arith.constant 25 : i32
      %add3A_447 = arith.addi %add3A_446, %mul3A_439 : i32
      "tpu.region"() ({
        %run_scoped3A_474 = tpu.sem_alloc : memref<!tpu.dma_semaphore, #tpu.memory_space<semaphore_mem>>
        %dma_start3A_475 = arith.constant 0 : i32
        %dma_start3A_476 = tpu.memref_slice %arg8[%add3A_447, %dma_start3A_475] : memref<125x80xi32, #tpu.memory_space<vmem>> -> memref<1x80xi32, #tpu.memory_space<vmem>>
        %dma_start3A_477 = tpu.memref_squeeze %dma_start3A_476 : memref<1x80xi32, #tpu.memory_space<vmem>> -> memref<80xi32, #tpu.memory_space<vmem>>
        %dma_start3A_478 = arith.constant 0 : i32
        %dma_start3A_479 = arith.constant 0 : i32
        %dma_start3A_480 = tpu.memref_slice %arg7[%dma_start3A_478, %dma_start3A_479] : memref<10240x128xf32, #tpu.memory_space<vmem_shared>> -> memref<10240x128xf32, #tpu.memory_space<vmem_shared>>
        tpu.enqueue_indirect_dma source(%arg10 : memref<80x128xf32, #tpu.memory_space<vmem>>) target(%dma_start3A_480 : memref<10240x128xf32, #tpu.memory_space<vmem_shared>>) offsets(%dma_start3A_477 : memref<80xi32, #tpu.memory_space<vmem>>) semaphore(%run_scoped3A_474 : memref<!tpu.dma_semaphore, #tpu.memory_space<semaphore_mem>>) {add = true}
        %dma_wait3A_481 = arith.constant 0 : i32
        %dma_wait3A_482 = tpu.memref_slice %arg8[%add3A_447, %dma_wait3A_481] : memref<125x80xi32, #tpu.memory_space<vmem>> -> memref<1x80xi32, #tpu.memory_space<vmem>>
        %dma_wait3A_483 = tpu.memref_squeeze %dma_wait3A_482 : memref<1x80xi32, #tpu.memory_space<vmem>> -> memref<80xi32, #tpu.memory_space<vmem>>
        %dma_wait3A_484 = arith.constant 0 : i32
        %dma_wait3A_485 = arith.constant 0 : i32
        %dma_wait3A_486 = tpu.memref_slice %arg7[%dma_wait3A_484, %dma_wait3A_485] : memref<10240x128xf32, #tpu.memory_space<vmem_shared>> -> memref<10240x128xf32, #tpu.memory_space<vmem_shared>>
        tpu.wait_indirect_dma semaphore(%run_scoped3A_474 : memref<!tpu.dma_semaphore, #tpu.memory_space<semaphore_mem>>) src(%arg10 : memref<80x128xf32, #tpu.memory_space<vmem>>) dst(%dma_wait3A_486 : memref<10240x128xf32, #tpu.memory_space<vmem_shared>>)
        tpu.yield
      }) : () -> ()
      %add3A_448 = arith.constant 2 : i32
      %add3A_449 = arith.addi %mul3A_439, %add3A_448 : i32
      %mul3A_450 = arith.constant 80 : i32
      %mul3A_451 = arith.muli %add3A_449, %mul3A_450 : i32
      %dma_start3A_452 = tpu.memref_slice %arg9[%mul3A_451] : memref<2000xi32, #tpu.memory_space<vmem>> -> memref<80xi32, #tpu.memory_space<vmem>>
      %dma_start3A_453 = arith.constant 0 : i32
      %dma_start3A_454 = arith.constant 0 : i32
      %dma_start3A_455 = tpu.memref_slice %arg2[%dma_start3A_453, %dma_start3A_454] : memref<10000x128xf32, #tpu.memory_space<hbm>> -> memref<10000x128xf32, #tpu.memory_space<hbm>>
      tpu.enqueue_indirect_dma source(%dma_start3A_455 : memref<10000x128xf32, #tpu.memory_space<hbm>>) target(%arg10 : memref<80x128xf32, #tpu.memory_space<vmem>>) offsets(%dma_start3A_452 : memref<80xi32, #tpu.memory_space<vmem>>) semaphore(%arg12 : memref<!tpu.dma_semaphore, #tpu.memory_space<semaphore_mem>>)
      %dma_wait3A_456 = arith.constant 0 : i32
      %dma_wait3A_457 = arith.constant 0 : i32
      %dma_wait3A_458 = tpu.memref_slice %arg2[%dma_wait3A_456, %dma_wait3A_457] : memref<10000x128xf32, #tpu.memory_space<hbm>> -> memref<80x128xf32, #tpu.memory_space<hbm>>
      %dma_wait3A_459 = arith.constant 0 : i32
      %dma_wait3A_460 = arith.constant 0 : i32
      %dma_wait3A_461 = tpu.memref_slice %arg2[%dma_wait3A_459, %dma_wait3A_460] : memref<10000x128xf32, #tpu.memory_space<hbm>> -> memref<80x128xf32, #tpu.memory_space<hbm>>
      tpu.wait_dma2 semaphore(%arg13 : memref<!tpu.dma_semaphore, #tpu.memory_space<semaphore_mem>>) src(%dma_wait3A_461 : memref<80x128xf32, #tpu.memory_space<hbm>>) dst(%arg11 : memref<80x128xf32, #tpu.memory_space<vmem>>)
      %add3A_462 = arith.constant 25 : i32
      %add3A_463 = arith.addi %add3A_462, %mul3A_439 : i32
      %add3A_464 = arith.constant 1 : i32
      %add3A_465 = arith.addi %add3A_463, %add3A_464 : i32
      "tpu.region"() ({
        %run_scoped3A_474 = tpu.sem_alloc : memref<!tpu.dma_semaphore, #tpu.memory_space<semaphore_mem>>
        %dma_start3A_475 = arith.constant 0 : i32
        %dma_start3A_476 = tpu.memref_slice %arg8[%add3A_465, %dma_start3A_475] : memref<125x80xi32, #tpu.memory_space<vmem>> -> memref<1x80xi32, #tpu.memory_space<vmem>>
        %dma_start3A_477 = tpu.memref_squeeze %dma_start3A_476 : memref<1x80xi32, #tpu.memory_space<vmem>> -> memref<80xi32, #tpu.memory_space<vmem>>
        %dma_start3A_478 = arith.constant 0 : i32
        %dma_start3A_479 = arith.constant 0 : i32
        %dma_start3A_480 = tpu.memref_slice %arg7[%dma_start3A_478, %dma_start3A_479] : memref<10240x128xf32, #tpu.memory_space<vmem_shared>> -> memref<10240x128xf32, #tpu.memory_space<vmem_shared>>
        tpu.enqueue_indirect_dma source(%arg11 : memref<80x128xf32, #tpu.memory_space<vmem>>) target(%dma_start3A_480 : memref<10240x128xf32, #tpu.memory_space<vmem_shared>>) offsets(%dma_start3A_477 : memref<80xi32, #tpu.memory_space<vmem>>) semaphore(%run_scoped3A_474 : memref<!tpu.dma_semaphore, #tpu.memory_space<semaphore_mem>>) {add = true}
        %dma_wait3A_481 = arith.constant 0 : i32
        %dma_wait3A_482 = tpu.memref_slice %arg8[%add3A_465, %dma_wait3A_481] : memref<125x80xi32, #tpu.memory_space<vmem>> -> memref<1x80xi32, #tpu.memory_space<vmem>>
        %dma_wait3A_483 = tpu.memref_squeeze %dma_wait3A_482 : memref<1x80xi32, #tpu.memory_space<vmem>> -> memref<80xi32, #tpu.memory_space<vmem>>
        %dma_wait3A_484 = arith.constant 0 : i32
        %dma_wait3A_485 = arith.constant 0 : i32
        %dma_wait3A_486 = tpu.memref_slice %arg7[%dma_wait3A_484, %dma_wait3A_485] : memref<10240x128xf32, #tpu.memory_space<vmem_shared>> -> memref<10240x128xf32, #tpu.memory_space<vmem_shared>>
        tpu.wait_indirect_dma semaphore(%run_scoped3A_474 : memref<!tpu.dma_semaphore, #tpu.memory_space<semaphore_mem>>) src(%arg11 : memref<80x128xf32, #tpu.memory_space<vmem>>) dst(%dma_wait3A_486 : memref<10240x128xf32, #tpu.memory_space<vmem_shared>>)
        tpu.yield
      }) : () -> ()
      %add3A_466 = arith.constant 3 : i32
      %add3A_467 = arith.addi %mul3A_439, %add3A_466 : i32
      %mul3A_468 = arith.constant 80 : i32
      %mul3A_469 = arith.muli %add3A_467, %mul3A_468 : i32
      %dma_start3A_470 = tpu.memref_slice %arg9[%mul3A_469] : memref<2000xi32, #tpu.memory_space<vmem>> -> memref<80xi32, #tpu.memory_space<vmem>>
      %dma_start3A_471 = arith.constant 0 : i32
      %dma_start3A_472 = arith.constant 0 : i32
      %dma_start3A_473 = tpu.memref_slice %arg2[%dma_start3A_471, %dma_start3A_472] : memref<10000x128xf32, #tpu.memory_space<hbm>> -> memref<10000x128xf32, #tpu.memory_space<hbm>>
      tpu.enqueue_indirect_dma source(%dma_start3A_473 : memref<10000x128xf32, #tpu.memory_space<hbm>>) target(%arg11 : memref<80x128xf32, #tpu.memory_space<vmem>>) offsets(%dma_start3A_470 : memref<80xi32, #tpu.memory_space<vmem>>) semaphore(%arg13 : memref<!tpu.dma_semaphore, #tpu.memory_space<semaphore_mem>>)
    }
    %scan3A_280 = arith.constant 11 : i32
    %dma_wait3A_281 = arith.constant 0 : i32
    %dma_wait3A_282 = arith.constant 0 : i32
    %dma_wait3A_283 = tpu.memref_slice %arg2[%dma_wait3A_281, %dma_wait3A_282] : memref<10000x128xf32, #tpu.memory_space<hbm>> -> memref<80x128xf32, #tpu.memory_space<hbm>>
    %dma_wait3A_284 = arith.constant 0 : i32
    %dma_wait3A_285 = arith.constant 0 : i32
    %dma_wait3A_286 = tpu.memref_slice %arg2[%dma_wait3A_284, %dma_wait3A_285] : memref<10000x128xf32, #tpu.memory_space<hbm>> -> memref<80x128xf32, #tpu.memory_space<hbm>>
    tpu.wait_dma2 semaphore(%arg12 : memref<!tpu.dma_semaphore, #tpu.memory_space<semaphore_mem>>) src(%dma_wait3A_286 : memref<80x128xf32, #tpu.memory_space<hbm>>) dst(%arg10 : memref<80x128xf32, #tpu.memory_space<vmem>>)
    %run_scoped3A_287 = arith.constant 47 : i32
    "tpu.region"() ({
      %run_scoped3A_437 = tpu.sem_alloc : memref<!tpu.dma_semaphore, #tpu.memory_space<semaphore_mem>>
      %dma_start3A_438 = arith.constant 0 : i32
      %dma_start3A_439 = tpu.memref_slice %arg8[%run_scoped3A_287, %dma_start3A_438] : memref<125x80xi32, #tpu.memory_space<vmem>> -> memref<1x80xi32, #tpu.memory_space<vmem>>
      %dma_start3A_440 = tpu.memref_squeeze %dma_start3A_439 : memref<1x80xi32, #tpu.memory_space<vmem>> -> memref<80xi32, #tpu.memory_space<vmem>>
      %dma_start3A_441 = arith.constant 0 : i32
      %dma_start3A_442 = arith.constant 0 : i32
      %dma_start3A_443 = tpu.memref_slice %arg7[%dma_start3A_441, %dma_start3A_442] : memref<10240x128xf32, #tpu.memory_space<vmem_shared>> -> memref<10240x128xf32, #tpu.memory_space<vmem_shared>>
      tpu.enqueue_indirect_dma source(%arg10 : memref<80x128xf32, #tpu.memory_space<vmem>>) target(%dma_start3A_443 : memref<10240x128xf32, #tpu.memory_space<vmem_shared>>) offsets(%dma_start3A_440 : memref<80xi32, #tpu.memory_space<vmem>>) semaphore(%run_scoped3A_437 : memref<!tpu.dma_semaphore, #tpu.memory_space<semaphore_mem>>) {add = true}
      %dma_wait3A_444 = arith.constant 0 : i32
      %dma_wait3A_445 = tpu.memref_slice %arg8[%run_scoped3A_287, %dma_wait3A_444] : memref<125x80xi32, #tpu.memory_space<vmem>> -> memref<1x80xi32, #tpu.memory_space<vmem>>
      %dma_wait3A_446 = tpu.memref_squeeze %dma_wait3A_445 : memref<1x80xi32, #tpu.memory_space<vmem>> -> memref<80xi32, #tpu.memory_space<vmem>>
      %dma_wait3A_447 = arith.constant 0 : i32
      %dma_wait3A_448 = arith.constant 0 : i32
      %dma_wait3A_449 = tpu.memref_slice %arg7[%dma_wait3A_447, %dma_wait3A_448] : memref<10240x128xf32, #tpu.memory_space<vmem_shared>> -> memref<10240x128xf32, #tpu.memory_space<vmem_shared>>
      tpu.wait_indirect_dma semaphore(%run_scoped3A_437 : memref<!tpu.dma_semaphore, #tpu.memory_space<semaphore_mem>>) src(%arg10 : memref<80x128xf32, #tpu.memory_space<vmem>>) dst(%dma_wait3A_449 : memref<10240x128xf32, #tpu.memory_space<vmem_shared>>)
      tpu.yield
    }) : () -> ()
    %dma_start3A_288 = arith.constant 1920 : i32
    %dma_start3A_289 = tpu.memref_slice %arg9[%dma_start3A_288] : memref<2000xi32, #tpu.memory_space<vmem>> -> memref<80xi32, #tpu.memory_space<vmem>>
    %dma_start3A_290 = arith.constant 0 : i32
    %dma_start3A_291 = arith.constant 0 : i32
    %dma_start3A_292 = tpu.memref_slice %arg2[%dma_start3A_290, %dma_start3A_291] : memref<10000x128xf32, #tpu.memory_space<hbm>> -> memref<10000x128xf32, #tpu.memory_space<hbm>>
    tpu.enqueue_indirect_dma source(%dma_start3A_292 : memref<10000x128xf32, #tpu.memory_space<hbm>>) target(%arg10 : memref<80x128xf32, #tpu.memory_space<vmem>>) offsets(%dma_start3A_289 : memref<80xi32, #tpu.memory_space<vmem>>) semaphore(%arg12 : memref<!tpu.dma_semaphore, #tpu.memory_space<semaphore_mem>>)
    %dma_wait3A_293 = arith.constant 0 : i32
    %dma_wait3A_294 = arith.constant 0 : i32
    %dma_wait3A_295 = tpu.memref_slice %arg2[%dma_wait3A_293, %dma_wait3A_294] : memref<10000x128xf32, #tpu.memory_space<hbm>> -> memref<80x128xf32, #tpu.memory_space<hbm>>
    %dma_wait3A_296 = arith.constant 0 : i32
    %dma_wait3A_297 = arith.constant 0 : i32
    %dma_wait3A_298 = tpu.memref_slice %arg2[%dma_wait3A_296, %dma_wait3A_297] : memref<10000x128xf32, #tpu.memory_space<hbm>> -> memref<80x128xf32, #tpu.memory_space<hbm>>
    tpu.wait_dma2 semaphore(%arg13 : memref<!tpu.dma_semaphore, #tpu.memory_space<semaphore_mem>>) src(%dma_wait3A_298 : memref<80x128xf32, #tpu.memory_space<hbm>>) dst(%arg11 : memref<80x128xf32, #tpu.memory_space<vmem>>)
    %run_scoped3A_299 = arith.constant 48 : i32
    "tpu.region"() ({
      %run_scoped3A_437 = tpu.sem_alloc : memref<!tpu.dma_semaphore, #tpu.memory_space<semaphore_mem>>
      %dma_start3A_438 = arith.constant 0 : i32
      %dma_start3A_439 = tpu.memref_slice %arg8[%run_scoped3A_299, %dma_start3A_438] : memref<125x80xi32, #tpu.memory_space<vmem>> -> memref<1x80xi32, #tpu.memory_space<vmem>>
      %dma_start3A_440 = tpu.memref_squeeze %dma_start3A_439 : memref<1x80xi32, #tpu.memory_space<vmem>> -> memref<80xi32, #tpu.memory_space<vmem>>
      %dma_start3A_441 = arith.constant 0 : i32
      %dma_start3A_442 = arith.constant 0 : i32
      %dma_start3A_443 = tpu.memref_slice %arg7[%dma_start3A_441, %dma_start3A_442] : memref<10240x128xf32, #tpu.memory_space<vmem_shared>> -> memref<10240x128xf32, #tpu.memory_space<vmem_shared>>
      tpu.enqueue_indirect_dma source(%arg11 : memref<80x128xf32, #tpu.memory_space<vmem>>) target(%dma_start3A_443 : memref<10240x128xf32, #tpu.memory_space<vmem_shared>>) offsets(%dma_start3A_440 : memref<80xi32, #tpu.memory_space<vmem>>) semaphore(%run_scoped3A_437 : memref<!tpu.dma_semaphore, #tpu.memory_space<semaphore_mem>>) {add = true}
      %dma_wait3A_444 = arith.constant 0 : i32
      %dma_wait3A_445 = tpu.memref_slice %arg8[%run_scoped3A_299, %dma_wait3A_444] : memref<125x80xi32, #tpu.memory_space<vmem>> -> memref<1x80xi32, #tpu.memory_space<vmem>>
      %dma_wait3A_446 = tpu.memref_squeeze %dma_wait3A_445 : memref<1x80xi32, #tpu.memory_space<vmem>> -> memref<80xi32, #tpu.memory_space<vmem>>
      %dma_wait3A_447 = arith.constant 0 : i32
      %dma_wait3A_448 = arith.constant 0 : i32
      %dma_wait3A_449 = tpu.memref_slice %arg7[%dma_wait3A_447, %dma_wait3A_448] : memref<10240x128xf32, #tpu.memory_space<vmem_shared>> -> memref<10240x128xf32, #tpu.memory_space<vmem_shared>>
      tpu.wait_indirect_dma semaphore(%run_scoped3A_437 : memref<!tpu.dma_semaphore, #tpu.memory_space<semaphore_mem>>) src(%arg11 : memref<80x128xf32, #tpu.memory_space<vmem>>) dst(%dma_wait3A_449 : memref<10240x128xf32, #tpu.memory_space<vmem_shared>>)
      tpu.yield
    }) : () -> ()
    %dma_wait3A_300 = arith.constant 0 : i32
    %dma_wait3A_301 = arith.constant 0 : i32
    %dma_wait3A_302 = tpu.memref_slice %arg2[%dma_wait3A_300, %dma_wait3A_301] : memref<10000x128xf32, #tpu.memory_space<hbm>> -> memref<80x128xf32, #tpu.memory_space<hbm>>
    %dma_wait3A_303 = arith.constant 0 : i32
    %dma_wait3A_304 = arith.constant 0 : i32
    %dma_wait3A_305 = tpu.memref_slice %arg2[%dma_wait3A_303, %dma_wait3A_304] : memref<10000x128xf32, #tpu.memory_space<hbm>> -> memref<80x128xf32, #tpu.memory_space<hbm>>
    tpu.wait_dma2 semaphore(%arg12 : memref<!tpu.dma_semaphore, #tpu.memory_space<semaphore_mem>>) src(%dma_wait3A_305 : memref<80x128xf32, #tpu.memory_space<hbm>>) dst(%arg10 : memref<80x128xf32, #tpu.memory_space<vmem>>)
    %run_scoped3A_306 = arith.constant 49 : i32
    "tpu.region"() ({
      %run_scoped3A_437 = tpu.sem_alloc : memref<!tpu.dma_semaphore, #tpu.memory_space<semaphore_mem>>
      %dma_start3A_438 = arith.constant 0 : i32
      %dma_start3A_439 = tpu.memref_slice %arg8[%run_scoped3A_306, %dma_start3A_438] : memref<125x80xi32, #tpu.memory_space<vmem>> -> memref<1x80xi32, #tpu.memory_space<vmem>>
      %dma_start3A_440 = tpu.memref_squeeze %dma_start3A_439 : memref<1x80xi32, #tpu.memory_space<vmem>> -> memref<80xi32, #tpu.memory_space<vmem>>
      %dma_start3A_441 = arith.constant 0 : i32
      %dma_start3A_442 = arith.constant 0 : i32
      %dma_start3A_443 = tpu.memref_slice %arg7[%dma_start3A_441, %dma_start3A_442] : memref<10240x128xf32, #tpu.memory_space<vmem_shared>> -> memref<10240x128xf32, #tpu.memory_space<vmem_shared>>
      tpu.enqueue_indirect_dma source(%arg10 : memref<80x128xf32, #tpu.memory_space<vmem>>) target(%dma_start3A_443 : memref<10240x128xf32, #tpu.memory_space<vmem_shared>>) offsets(%dma_start3A_440 : memref<80xi32, #tpu.memory_space<vmem>>) semaphore(%run_scoped3A_437 : memref<!tpu.dma_semaphore, #tpu.memory_space<semaphore_mem>>) {add = true}
      %dma_wait3A_444 = arith.constant 0 : i32
      %dma_wait3A_445 = tpu.memref_slice %arg8[%run_scoped3A_306, %dma_wait3A_444] : memref<125x80xi32, #tpu.memory_space<vmem>> -> memref<1x80xi32, #tpu.memory_space<vmem>>
      %dma_wait3A_446 = tpu.memref_squeeze %dma_wait3A_445 : memref<1x80xi32, #tpu.memory_space<vmem>> -> memref<80xi32, #tpu.memory_space<vmem>>
      %dma_wait3A_447 = arith.constant 0 : i32
      %dma_wait3A_448 = arith.constant 0 : i32
      %dma_wait3A_449 = tpu.memref_slice %arg7[%dma_wait3A_447, %dma_wait3A_448] : memref<10240x128xf32, #tpu.memory_space<vmem_shared>> -> memref<10240x128xf32, #tpu.memory_space<vmem_shared>>
      tpu.wait_indirect_dma semaphore(%run_scoped3A_437 : memref<!tpu.dma_semaphore, #tpu.memory_space<semaphore_mem>>) src(%arg10 : memref<80x128xf32, #tpu.memory_space<vmem>>) dst(%dma_wait3A_449 : memref<10240x128xf32, #tpu.memory_space<vmem_shared>>)
      tpu.yield
    }) : () -> ()
    %add3A_307 = arith.constant 4000 : i32
    %add3A_308 = arith.addi %mul3A_4, %add3A_307 : i32
    "tpu.region"() ({
      %run_scoped3A_437 = tpu.sem_alloc : memref<!tpu.dma_semaphore, #tpu.memory_space<semaphore_mem>>
      %dma_start3A_438 = tpu.memref_slice %arg3[%add3A_308] : memref<320000xi32, #tpu.memory_space<hbm>> -> memref<2000xi32, #tpu.memory_space<hbm>>
      %dma_start3A_439 = tpu.memref_slice %arg3[%add3A_308] : memref<320000xi32, #tpu.memory_space<hbm>> -> memref<2000xi32, #tpu.memory_space<hbm>>
      tpu.enqueue_dma source(%dma_start3A_439 : memref<2000xi32, #tpu.memory_space<hbm>>) target(%arg9 : memref<2000xi32, #tpu.memory_space<vmem>>) target_semaphore(%run_scoped3A_437 : memref<!tpu.dma_semaphore, #tpu.memory_space<semaphore_mem>>)
      %dma_wait3A_440 = tpu.memref_slice %arg3[%add3A_308] : memref<320000xi32, #tpu.memory_space<hbm>> -> memref<2000xi32, #tpu.memory_space<hbm>>
      %dma_wait3A_441 = tpu.memref_slice %arg3[%add3A_308] : memref<320000xi32, #tpu.memory_space<hbm>> -> memref<2000xi32, #tpu.memory_space<hbm>>
      tpu.wait_dma2 semaphore(%run_scoped3A_437 : memref<!tpu.dma_semaphore, #tpu.memory_space<semaphore_mem>>) src(%dma_wait3A_441 : memref<2000xi32, #tpu.memory_space<hbm>>) dst(%arg9 : memref<2000xi32, #tpu.memory_space<vmem>>)
      tpu.yield
    }) : () -> ()
    %dma_start3A_309 = arith.constant 0 : i32
    %dma_start3A_310 = tpu.memref_slice %arg9[%dma_start3A_309] : memref<2000xi32, #tpu.memory_space<vmem>> -> memref<80xi32, #tpu.memory_space<vmem>>
    %dma_start3A_311 = arith.constant 0 : i32
    %dma_start3A_312 = arith.constant 0 : i32
    %dma_start3A_313 = tpu.memref_slice %arg2[%dma_start3A_311, %dma_start3A_312] : memref<10000x128xf32, #tpu.memory_space<hbm>> -> memref<10000x128xf32, #tpu.memory_space<hbm>>
    tpu.enqueue_indirect_dma source(%dma_start3A_313 : memref<10000x128xf32, #tpu.memory_space<hbm>>) target(%arg10 : memref<80x128xf32, #tpu.memory_space<vmem>>) offsets(%dma_start3A_310 : memref<80xi32, #tpu.memory_space<vmem>>) semaphore(%arg12 : memref<!tpu.dma_semaphore, #tpu.memory_space<semaphore_mem>>)
    %dma_start3A_314 = arith.constant 80 : i32
    %dma_start3A_315 = tpu.memref_slice %arg9[%dma_start3A_314] : memref<2000xi32, #tpu.memory_space<vmem>> -> memref<80xi32, #tpu.memory_space<vmem>>
    %dma_start3A_316 = arith.constant 0 : i32
    %dma_start3A_317 = arith.constant 0 : i32
    %dma_start3A_318 = tpu.memref_slice %arg2[%dma_start3A_316, %dma_start3A_317] : memref<10000x128xf32, #tpu.memory_space<hbm>> -> memref<10000x128xf32, #tpu.memory_space<hbm>>
    tpu.enqueue_indirect_dma source(%dma_start3A_318 : memref<10000x128xf32, #tpu.memory_space<hbm>>) target(%arg11 : memref<80x128xf32, #tpu.memory_space<vmem>>) offsets(%dma_start3A_315 : memref<80xi32, #tpu.memory_space<vmem>>) semaphore(%arg13 : memref<!tpu.dma_semaphore, #tpu.memory_space<semaphore_mem>>)
    %scan3A_319 = arith.constant 0 : i32
    %scan3A_320 = arith.constant 11 : i32
    %scan3A_321 = arith.addi %scan3A_319, %scan3A_320 : i32
    %scan3A_322 = arith.constant 1 : i32
    scf.for %scan3A_437 = %scan3A_319 to %scan3A_321 step %scan3A_322  : i32 {
      %mul3A_438 = arith.constant 2 : i32
      %mul3A_439 = arith.muli %mul3A_438, %scan3A_437 : i32
      %dma_wait3A_440 = arith.constant 0 : i32
      %dma_wait3A_441 = arith.constant 0 : i32
      %dma_wait3A_442 = tpu.memref_slice %arg2[%dma_wait3A_440, %dma_wait3A_441] : memref<10000x128xf32, #tpu.memory_space<hbm>> -> memref<80x128xf32, #tpu.memory_space<hbm>>
      %dma_wait3A_443 = arith.constant 0 : i32
      %dma_wait3A_444 = arith.constant 0 : i32
      %dma_wait3A_445 = tpu.memref_slice %arg2[%dma_wait3A_443, %dma_wait3A_444] : memref<10000x128xf32, #tpu.memory_space<hbm>> -> memref<80x128xf32, #tpu.memory_space<hbm>>
      tpu.wait_dma2 semaphore(%arg12 : memref<!tpu.dma_semaphore, #tpu.memory_space<semaphore_mem>>) src(%dma_wait3A_445 : memref<80x128xf32, #tpu.memory_space<hbm>>) dst(%arg10 : memref<80x128xf32, #tpu.memory_space<vmem>>)
      %add3A_446 = arith.constant 50 : i32
      %add3A_447 = arith.addi %add3A_446, %mul3A_439 : i32
      "tpu.region"() ({
        %run_scoped3A_474 = tpu.sem_alloc : memref<!tpu.dma_semaphore, #tpu.memory_space<semaphore_mem>>
        %dma_start3A_475 = arith.constant 0 : i32
        %dma_start3A_476 = tpu.memref_slice %arg8[%add3A_447, %dma_start3A_475] : memref<125x80xi32, #tpu.memory_space<vmem>> -> memref<1x80xi32, #tpu.memory_space<vmem>>
        %dma_start3A_477 = tpu.memref_squeeze %dma_start3A_476 : memref<1x80xi32, #tpu.memory_space<vmem>> -> memref<80xi32, #tpu.memory_space<vmem>>
        %dma_start3A_478 = arith.constant 0 : i32
        %dma_start3A_479 = arith.constant 0 : i32
        %dma_start3A_480 = tpu.memref_slice %arg7[%dma_start3A_478, %dma_start3A_479] : memref<10240x128xf32, #tpu.memory_space<vmem_shared>> -> memref<10240x128xf32, #tpu.memory_space<vmem_shared>>
        tpu.enqueue_indirect_dma source(%arg10 : memref<80x128xf32, #tpu.memory_space<vmem>>) target(%dma_start3A_480 : memref<10240x128xf32, #tpu.memory_space<vmem_shared>>) offsets(%dma_start3A_477 : memref<80xi32, #tpu.memory_space<vmem>>) semaphore(%run_scoped3A_474 : memref<!tpu.dma_semaphore, #tpu.memory_space<semaphore_mem>>) {add = true}
        %dma_wait3A_481 = arith.constant 0 : i32
        %dma_wait3A_482 = tpu.memref_slice %arg8[%add3A_447, %dma_wait3A_481] : memref<125x80xi32, #tpu.memory_space<vmem>> -> memref<1x80xi32, #tpu.memory_space<vmem>>
        %dma_wait3A_483 = tpu.memref_squeeze %dma_wait3A_482 : memref<1x80xi32, #tpu.memory_space<vmem>> -> memref<80xi32, #tpu.memory_space<vmem>>
        %dma_wait3A_484 = arith.constant 0 : i32
        %dma_wait3A_485 = arith.constant 0 : i32
        %dma_wait3A_486 = tpu.memref_slice %arg7[%dma_wait3A_484, %dma_wait3A_485] : memref<10240x128xf32, #tpu.memory_space<vmem_shared>> -> memref<10240x128xf32, #tpu.memory_space<vmem_shared>>
        tpu.wait_indirect_dma semaphore(%run_scoped3A_474 : memref<!tpu.dma_semaphore, #tpu.memory_space<semaphore_mem>>) src(%arg10 : memref<80x128xf32, #tpu.memory_space<vmem>>) dst(%dma_wait3A_486 : memref<10240x128xf32, #tpu.memory_space<vmem_shared>>)
        tpu.yield
      }) : () -> ()
      %add3A_448 = arith.constant 2 : i32
      %add3A_449 = arith.addi %mul3A_439, %add3A_448 : i32
      %mul3A_450 = arith.constant 80 : i32
      %mul3A_451 = arith.muli %add3A_449, %mul3A_450 : i32
      %dma_start3A_452 = tpu.memref_slice %arg9[%mul3A_451] : memref<2000xi32, #tpu.memory_space<vmem>> -> memref<80xi32, #tpu.memory_space<vmem>>
      %dma_start3A_453 = arith.constant 0 : i32
      %dma_start3A_454 = arith.constant 0 : i32
      %dma_start3A_455 = tpu.memref_slice %arg2[%dma_start3A_453, %dma_start3A_454] : memref<10000x128xf32, #tpu.memory_space<hbm>> -> memref<10000x128xf32, #tpu.memory_space<hbm>>
      tpu.enqueue_indirect_dma source(%dma_start3A_455 : memref<10000x128xf32, #tpu.memory_space<hbm>>) target(%arg10 : memref<80x128xf32, #tpu.memory_space<vmem>>) offsets(%dma_start3A_452 : memref<80xi32, #tpu.memory_space<vmem>>) semaphore(%arg12 : memref<!tpu.dma_semaphore, #tpu.memory_space<semaphore_mem>>)
      %dma_wait3A_456 = arith.constant 0 : i32
      %dma_wait3A_457 = arith.constant 0 : i32
      %dma_wait3A_458 = tpu.memref_slice %arg2[%dma_wait3A_456, %dma_wait3A_457] : memref<10000x128xf32, #tpu.memory_space<hbm>> -> memref<80x128xf32, #tpu.memory_space<hbm>>
      %dma_wait3A_459 = arith.constant 0 : i32
      %dma_wait3A_460 = arith.constant 0 : i32
      %dma_wait3A_461 = tpu.memref_slice %arg2[%dma_wait3A_459, %dma_wait3A_460] : memref<10000x128xf32, #tpu.memory_space<hbm>> -> memref<80x128xf32, #tpu.memory_space<hbm>>
      tpu.wait_dma2 semaphore(%arg13 : memref<!tpu.dma_semaphore, #tpu.memory_space<semaphore_mem>>) src(%dma_wait3A_461 : memref<80x128xf32, #tpu.memory_space<hbm>>) dst(%arg11 : memref<80x128xf32, #tpu.memory_space<vmem>>)
      %add3A_462 = arith.constant 50 : i32
      %add3A_463 = arith.addi %add3A_462, %mul3A_439 : i32
      %add3A_464 = arith.constant 1 : i32
      %add3A_465 = arith.addi %add3A_463, %add3A_464 : i32
      "tpu.region"() ({
        %run_scoped3A_474 = tpu.sem_alloc : memref<!tpu.dma_semaphore, #tpu.memory_space<semaphore_mem>>
        %dma_start3A_475 = arith.constant 0 : i32
        %dma_start3A_476 = tpu.memref_slice %arg8[%add3A_465, %dma_start3A_475] : memref<125x80xi32, #tpu.memory_space<vmem>> -> memref<1x80xi32, #tpu.memory_space<vmem>>
        %dma_start3A_477 = tpu.memref_squeeze %dma_start3A_476 : memref<1x80xi32, #tpu.memory_space<vmem>> -> memref<80xi32, #tpu.memory_space<vmem>>
        %dma_start3A_478 = arith.constant 0 : i32
        %dma_start3A_479 = arith.constant 0 : i32
        %dma_start3A_480 = tpu.memref_slice %arg7[%dma_start3A_478, %dma_start3A_479] : memref<10240x128xf32, #tpu.memory_space<vmem_shared>> -> memref<10240x128xf32, #tpu.memory_space<vmem_shared>>
        tpu.enqueue_indirect_dma source(%arg11 : memref<80x128xf32, #tpu.memory_space<vmem>>) target(%dma_start3A_480 : memref<10240x128xf32, #tpu.memory_space<vmem_shared>>) offsets(%dma_start3A_477 : memref<80xi32, #tpu.memory_space<vmem>>) semaphore(%run_scoped3A_474 : memref<!tpu.dma_semaphore, #tpu.memory_space<semaphore_mem>>) {add = true}
        %dma_wait3A_481 = arith.constant 0 : i32
        %dma_wait3A_482 = tpu.memref_slice %arg8[%add3A_465, %dma_wait3A_481] : memref<125x80xi32, #tpu.memory_space<vmem>> -> memref<1x80xi32, #tpu.memory_space<vmem>>
        %dma_wait3A_483 = tpu.memref_squeeze %dma_wait3A_482 : memref<1x80xi32, #tpu.memory_space<vmem>> -> memref<80xi32, #tpu.memory_space<vmem>>
        %dma_wait3A_484 = arith.constant 0 : i32
        %dma_wait3A_485 = arith.constant 0 : i32
        %dma_wait3A_486 = tpu.memref_slice %arg7[%dma_wait3A_484, %dma_wait3A_485] : memref<10240x128xf32, #tpu.memory_space<vmem_shared>> -> memref<10240x128xf32, #tpu.memory_space<vmem_shared>>
        tpu.wait_indirect_dma semaphore(%run_scoped3A_474 : memref<!tpu.dma_semaphore, #tpu.memory_space<semaphore_mem>>) src(%arg11 : memref<80x128xf32, #tpu.memory_space<vmem>>) dst(%dma_wait3A_486 : memref<10240x128xf32, #tpu.memory_space<vmem_shared>>)
        tpu.yield
      }) : () -> ()
      %add3A_466 = arith.constant 3 : i32
      %add3A_467 = arith.addi %mul3A_439, %add3A_466 : i32
      %mul3A_468 = arith.constant 80 : i32
      %mul3A_469 = arith.muli %add3A_467, %mul3A_468 : i32
      %dma_start3A_470 = tpu.memref_slice %arg9[%mul3A_469] : memref<2000xi32, #tpu.memory_space<vmem>> -> memref<80xi32, #tpu.memory_space<vmem>>
      %dma_start3A_471 = arith.constant 0 : i32
      %dma_start3A_472 = arith.constant 0 : i32
      %dma_start3A_473 = tpu.memref_slice %arg2[%dma_start3A_471, %dma_start3A_472] : memref<10000x128xf32, #tpu.memory_space<hbm>> -> memref<10000x128xf32, #tpu.memory_space<hbm>>
      tpu.enqueue_indirect_dma source(%dma_start3A_473 : memref<10000x128xf32, #tpu.memory_space<hbm>>) target(%arg11 : memref<80x128xf32, #tpu.memory_space<vmem>>) offsets(%dma_start3A_470 : memref<80xi32, #tpu.memory_space<vmem>>) semaphore(%arg13 : memref<!tpu.dma_semaphore, #tpu.memory_space<semaphore_mem>>)
    }
    %scan3A_323 = arith.constant 11 : i32
    %dma_wait3A_324 = arith.constant 0 : i32
    %dma_wait3A_325 = arith.constant 0 : i32
    %dma_wait3A_326 = tpu.memref_slice %arg2[%dma_wait3A_324, %dma_wait3A_325] : memref<10000x128xf32, #tpu.memory_space<hbm>> -> memref<80x128xf32, #tpu.memory_space<hbm>>
    %dma_wait3A_327 = arith.constant 0 : i32
    %dma_wait3A_328 = arith.constant 0 : i32
    %dma_wait3A_329 = tpu.memref_slice %arg2[%dma_wait3A_327, %dma_wait3A_328] : memref<10000x128xf32, #tpu.memory_space<hbm>> -> memref<80x128xf32, #tpu.memory_space<hbm>>
    tpu.wait_dma2 semaphore(%arg12 : memref<!tpu.dma_semaphore, #tpu.memory_space<semaphore_mem>>) src(%dma_wait3A_329 : memref<80x128xf32, #tpu.memory_space<hbm>>) dst(%arg10 : memref<80x128xf32, #tpu.memory_space<vmem>>)
    %run_scoped3A_330 = arith.constant 72 : i32
    "tpu.region"() ({
      %run_scoped3A_437 = tpu.sem_alloc : memref<!tpu.dma_semaphore, #tpu.memory_space<semaphore_mem>>
      %dma_start3A_438 = arith.constant 0 : i32
      %dma_start3A_439 = tpu.memref_slice %arg8[%run_scoped3A_330, %dma_start3A_438] : memref<125x80xi32, #tpu.memory_space<vmem>> -> memref<1x80xi32, #tpu.memory_space<vmem>>
      %dma_start3A_440 = tpu.memref_squeeze %dma_start3A_439 : memref<1x80xi32, #tpu.memory_space<vmem>> -> memref<80xi32, #tpu.memory_space<vmem>>
      %dma_start3A_441 = arith.constant 0 : i32
      %dma_start3A_442 = arith.constant 0 : i32
      %dma_start3A_443 = tpu.memref_slice %arg7[%dma_start3A_441, %dma_start3A_442] : memref<10240x128xf32, #tpu.memory_space<vmem_shared>> -> memref<10240x128xf32, #tpu.memory_space<vmem_shared>>
      tpu.enqueue_indirect_dma source(%arg10 : memref<80x128xf32, #tpu.memory_space<vmem>>) target(%dma_start3A_443 : memref<10240x128xf32, #tpu.memory_space<vmem_shared>>) offsets(%dma_start3A_440 : memref<80xi32, #tpu.memory_space<vmem>>) semaphore(%run_scoped3A_437 : memref<!tpu.dma_semaphore, #tpu.memory_space<semaphore_mem>>) {add = true}
      %dma_wait3A_444 = arith.constant 0 : i32
      %dma_wait3A_445 = tpu.memref_slice %arg8[%run_scoped3A_330, %dma_wait3A_444] : memref<125x80xi32, #tpu.memory_space<vmem>> -> memref<1x80xi32, #tpu.memory_space<vmem>>
      %dma_wait3A_446 = tpu.memref_squeeze %dma_wait3A_445 : memref<1x80xi32, #tpu.memory_space<vmem>> -> memref<80xi32, #tpu.memory_space<vmem>>
      %dma_wait3A_447 = arith.constant 0 : i32
      %dma_wait3A_448 = arith.constant 0 : i32
      %dma_wait3A_449 = tpu.memref_slice %arg7[%dma_wait3A_447, %dma_wait3A_448] : memref<10240x128xf32, #tpu.memory_space<vmem_shared>> -> memref<10240x128xf32, #tpu.memory_space<vmem_shared>>
      tpu.wait_indirect_dma semaphore(%run_scoped3A_437 : memref<!tpu.dma_semaphore, #tpu.memory_space<semaphore_mem>>) src(%arg10 : memref<80x128xf32, #tpu.memory_space<vmem>>) dst(%dma_wait3A_449 : memref<10240x128xf32, #tpu.memory_space<vmem_shared>>)
      tpu.yield
    }) : () -> ()
    %dma_start3A_331 = arith.constant 1920 : i32
    %dma_start3A_332 = tpu.memref_slice %arg9[%dma_start3A_331] : memref<2000xi32, #tpu.memory_space<vmem>> -> memref<80xi32, #tpu.memory_space<vmem>>
    %dma_start3A_333 = arith.constant 0 : i32
    %dma_start3A_334 = arith.constant 0 : i32
    %dma_start3A_335 = tpu.memref_slice %arg2[%dma_start3A_333, %dma_start3A_334] : memref<10000x128xf32, #tpu.memory_space<hbm>> -> memref<10000x128xf32, #tpu.memory_space<hbm>>
    tpu.enqueue_indirect_dma source(%dma_start3A_335 : memref<10000x128xf32, #tpu.memory_space<hbm>>) target(%arg10 : memref<80x128xf32, #tpu.memory_space<vmem>>) offsets(%dma_start3A_332 : memref<80xi32, #tpu.memory_space<vmem>>) semaphore(%arg12 : memref<!tpu.dma_semaphore, #tpu.memory_space<semaphore_mem>>)
    %dma_wait3A_336 = arith.constant 0 : i32
    %dma_wait3A_337 = arith.constant 0 : i32
    %dma_wait3A_338 = tpu.memref_slice %arg2[%dma_wait3A_336, %dma_wait3A_337] : memref<10000x128xf32, #tpu.memory_space<hbm>> -> memref<80x128xf32, #tpu.memory_space<hbm>>
    %dma_wait3A_339 = arith.constant 0 : i32
    %dma_wait3A_340 = arith.constant 0 : i32
    %dma_wait3A_341 = tpu.memref_slice %arg2[%dma_wait3A_339, %dma_wait3A_340] : memref<10000x128xf32, #tpu.memory_space<hbm>> -> memref<80x128xf32, #tpu.memory_space<hbm>>
    tpu.wait_dma2 semaphore(%arg13 : memref<!tpu.dma_semaphore, #tpu.memory_space<semaphore_mem>>) src(%dma_wait3A_341 : memref<80x128xf32, #tpu.memory_space<hbm>>) dst(%arg11 : memref<80x128xf32, #tpu.memory_space<vmem>>)
    %run_scoped3A_342 = arith.constant 73 : i32
    "tpu.region"() ({
      %run_scoped3A_437 = tpu.sem_alloc : memref<!tpu.dma_semaphore, #tpu.memory_space<semaphore_mem>>
      %dma_start3A_438 = arith.constant 0 : i32
      %dma_start3A_439 = tpu.memref_slice %arg8[%run_scoped3A_342, %dma_start3A_438] : memref<125x80xi32, #tpu.memory_space<vmem>> -> memref<1x80xi32, #tpu.memory_space<vmem>>
      %dma_start3A_440 = tpu.memref_squeeze %dma_start3A_439 : memref<1x80xi32, #tpu.memory_space<vmem>> -> memref<80xi32, #tpu.memory_space<vmem>>
      %dma_start3A_441 = arith.constant 0 : i32
      %dma_start3A_442 = arith.constant 0 : i32
      %dma_start3A_443 = tpu.memref_slice %arg7[%dma_start3A_441, %dma_start3A_442] : memref<10240x128xf32, #tpu.memory_space<vmem_shared>> -> memref<10240x128xf32, #tpu.memory_space<vmem_shared>>
      tpu.enqueue_indirect_dma source(%arg11 : memref<80x128xf32, #tpu.memory_space<vmem>>) target(%dma_start3A_443 : memref<10240x128xf32, #tpu.memory_space<vmem_shared>>) offsets(%dma_start3A_440 : memref<80xi32, #tpu.memory_space<vmem>>) semaphore(%run_scoped3A_437 : memref<!tpu.dma_semaphore, #tpu.memory_space<semaphore_mem>>) {add = true}
      %dma_wait3A_444 = arith.constant 0 : i32
      %dma_wait3A_445 = tpu.memref_slice %arg8[%run_scoped3A_342, %dma_wait3A_444] : memref<125x80xi32, #tpu.memory_space<vmem>> -> memref<1x80xi32, #tpu.memory_space<vmem>>
      %dma_wait3A_446 = tpu.memref_squeeze %dma_wait3A_445 : memref<1x80xi32, #tpu.memory_space<vmem>> -> memref<80xi32, #tpu.memory_space<vmem>>
      %dma_wait3A_447 = arith.constant 0 : i32
      %dma_wait3A_448 = arith.constant 0 : i32
      %dma_wait3A_449 = tpu.memref_slice %arg7[%dma_wait3A_447, %dma_wait3A_448] : memref<10240x128xf32, #tpu.memory_space<vmem_shared>> -> memref<10240x128xf32, #tpu.memory_space<vmem_shared>>
      tpu.wait_indirect_dma semaphore(%run_scoped3A_437 : memref<!tpu.dma_semaphore, #tpu.memory_space<semaphore_mem>>) src(%arg11 : memref<80x128xf32, #tpu.memory_space<vmem>>) dst(%dma_wait3A_449 : memref<10240x128xf32, #tpu.memory_space<vmem_shared>>)
      tpu.yield
    }) : () -> ()
    %dma_wait3A_343 = arith.constant 0 : i32
    %dma_wait3A_344 = arith.constant 0 : i32
    %dma_wait3A_345 = tpu.memref_slice %arg2[%dma_wait3A_343, %dma_wait3A_344] : memref<10000x128xf32, #tpu.memory_space<hbm>> -> memref<80x128xf32, #tpu.memory_space<hbm>>
    %dma_wait3A_346 = arith.constant 0 : i32
    %dma_wait3A_347 = arith.constant 0 : i32
    %dma_wait3A_348 = tpu.memref_slice %arg2[%dma_wait3A_346, %dma_wait3A_347] : memref<10000x128xf32, #tpu.memory_space<hbm>> -> memref<80x128xf32, #tpu.memory_space<hbm>>
    tpu.wait_dma2 semaphore(%arg12 : memref<!tpu.dma_semaphore, #tpu.memory_space<semaphore_mem>>) src(%dma_wait3A_348 : memref<80x128xf32, #tpu.memory_space<hbm>>) dst(%arg10 : memref<80x128xf32, #tpu.memory_space<vmem>>)
    %run_scoped3A_349 = arith.constant 74 : i32
    "tpu.region"() ({
      %run_scoped3A_437 = tpu.sem_alloc : memref<!tpu.dma_semaphore, #tpu.memory_space<semaphore_mem>>
      %dma_start3A_438 = arith.constant 0 : i32
      %dma_start3A_439 = tpu.memref_slice %arg8[%run_scoped3A_349, %dma_start3A_438] : memref<125x80xi32, #tpu.memory_space<vmem>> -> memref<1x80xi32, #tpu.memory_space<vmem>>
      %dma_start3A_440 = tpu.memref_squeeze %dma_start3A_439 : memref<1x80xi32, #tpu.memory_space<vmem>> -> memref<80xi32, #tpu.memory_space<vmem>>
      %dma_start3A_441 = arith.constant 0 : i32
      %dma_start3A_442 = arith.constant 0 : i32
      %dma_start3A_443 = tpu.memref_slice %arg7[%dma_start3A_441, %dma_start3A_442] : memref<10240x128xf32, #tpu.memory_space<vmem_shared>> -> memref<10240x128xf32, #tpu.memory_space<vmem_shared>>
      tpu.enqueue_indirect_dma source(%arg10 : memref<80x128xf32, #tpu.memory_space<vmem>>) target(%dma_start3A_443 : memref<10240x128xf32, #tpu.memory_space<vmem_shared>>) offsets(%dma_start3A_440 : memref<80xi32, #tpu.memory_space<vmem>>) semaphore(%run_scoped3A_437 : memref<!tpu.dma_semaphore, #tpu.memory_space<semaphore_mem>>) {add = true}
      %dma_wait3A_444 = arith.constant 0 : i32
      %dma_wait3A_445 = tpu.memref_slice %arg8[%run_scoped3A_349, %dma_wait3A_444] : memref<125x80xi32, #tpu.memory_space<vmem>> -> memref<1x80xi32, #tpu.memory_space<vmem>>
      %dma_wait3A_446 = tpu.memref_squeeze %dma_wait3A_445 : memref<1x80xi32, #tpu.memory_space<vmem>> -> memref<80xi32, #tpu.memory_space<vmem>>
      %dma_wait3A_447 = arith.constant 0 : i32
      %dma_wait3A_448 = arith.constant 0 : i32
      %dma_wait3A_449 = tpu.memref_slice %arg7[%dma_wait3A_447, %dma_wait3A_448] : memref<10240x128xf32, #tpu.memory_space<vmem_shared>> -> memref<10240x128xf32, #tpu.memory_space<vmem_shared>>
      tpu.wait_indirect_dma semaphore(%run_scoped3A_437 : memref<!tpu.dma_semaphore, #tpu.memory_space<semaphore_mem>>) src(%arg10 : memref<80x128xf32, #tpu.memory_space<vmem>>) dst(%dma_wait3A_449 : memref<10240x128xf32, #tpu.memory_space<vmem_shared>>)
      tpu.yield
    }) : () -> ()
    %add3A_350 = arith.constant 6000 : i32
    %add3A_351 = arith.addi %mul3A_4, %add3A_350 : i32
    "tpu.region"() ({
      %run_scoped3A_437 = tpu.sem_alloc : memref<!tpu.dma_semaphore, #tpu.memory_space<semaphore_mem>>
      %dma_start3A_438 = tpu.memref_slice %arg3[%add3A_351] : memref<320000xi32, #tpu.memory_space<hbm>> -> memref<2000xi32, #tpu.memory_space<hbm>>
      %dma_start3A_439 = tpu.memref_slice %arg3[%add3A_351] : memref<320000xi32, #tpu.memory_space<hbm>> -> memref<2000xi32, #tpu.memory_space<hbm>>
      tpu.enqueue_dma source(%dma_start3A_439 : memref<2000xi32, #tpu.memory_space<hbm>>) target(%arg9 : memref<2000xi32, #tpu.memory_space<vmem>>) target_semaphore(%run_scoped3A_437 : memref<!tpu.dma_semaphore, #tpu.memory_space<semaphore_mem>>)
      %dma_wait3A_440 = tpu.memref_slice %arg3[%add3A_351] : memref<320000xi32, #tpu.memory_space<hbm>> -> memref<2000xi32, #tpu.memory_space<hbm>>
      %dma_wait3A_441 = tpu.memref_slice %arg3[%add3A_351] : memref<320000xi32, #tpu.memory_space<hbm>> -> memref<2000xi32, #tpu.memory_space<hbm>>
      tpu.wait_dma2 semaphore(%run_scoped3A_437 : memref<!tpu.dma_semaphore, #tpu.memory_space<semaphore_mem>>) src(%dma_wait3A_441 : memref<2000xi32, #tpu.memory_space<hbm>>) dst(%arg9 : memref<2000xi32, #tpu.memory_space<vmem>>)
      tpu.yield
    }) : () -> ()
    %dma_start3A_352 = arith.constant 0 : i32
    %dma_start3A_353 = tpu.memref_slice %arg9[%dma_start3A_352] : memref<2000xi32, #tpu.memory_space<vmem>> -> memref<80xi32, #tpu.memory_space<vmem>>
    %dma_start3A_354 = arith.constant 0 : i32
    %dma_start3A_355 = arith.constant 0 : i32
    %dma_start3A_356 = tpu.memref_slice %arg2[%dma_start3A_354, %dma_start3A_355] : memref<10000x128xf32, #tpu.memory_space<hbm>> -> memref<10000x128xf32, #tpu.memory_space<hbm>>
    tpu.enqueue_indirect_dma source(%dma_start3A_356 : memref<10000x128xf32, #tpu.memory_space<hbm>>) target(%arg10 : memref<80x128xf32, #tpu.memory_space<vmem>>) offsets(%dma_start3A_353 : memref<80xi32, #tpu.memory_space<vmem>>) semaphore(%arg12 : memref<!tpu.dma_semaphore, #tpu.memory_space<semaphore_mem>>)
    %dma_start3A_357 = arith.constant 80 : i32
    %dma_start3A_358 = tpu.memref_slice %arg9[%dma_start3A_357] : memref<2000xi32, #tpu.memory_space<vmem>> -> memref<80xi32, #tpu.memory_space<vmem>>
    %dma_start3A_359 = arith.constant 0 : i32
    %dma_start3A_360 = arith.constant 0 : i32
    %dma_start3A_361 = tpu.memref_slice %arg2[%dma_start3A_359, %dma_start3A_360] : memref<10000x128xf32, #tpu.memory_space<hbm>> -> memref<10000x128xf32, #tpu.memory_space<hbm>>
    tpu.enqueue_indirect_dma source(%dma_start3A_361 : memref<10000x128xf32, #tpu.memory_space<hbm>>) target(%arg11 : memref<80x128xf32, #tpu.memory_space<vmem>>) offsets(%dma_start3A_358 : memref<80xi32, #tpu.memory_space<vmem>>) semaphore(%arg13 : memref<!tpu.dma_semaphore, #tpu.memory_space<semaphore_mem>>)
    %scan3A_362 = arith.constant 0 : i32
    %scan3A_363 = arith.constant 11 : i32
    %scan3A_364 = arith.addi %scan3A_362, %scan3A_363 : i32
    %scan3A_365 = arith.constant 1 : i32
    scf.for %scan3A_437 = %scan3A_362 to %scan3A_364 step %scan3A_365  : i32 {
      %mul3A_438 = arith.constant 2 : i32
      %mul3A_439 = arith.muli %mul3A_438, %scan3A_437 : i32
      %dma_wait3A_440 = arith.constant 0 : i32
      %dma_wait3A_441 = arith.constant 0 : i32
      %dma_wait3A_442 = tpu.memref_slice %arg2[%dma_wait3A_440, %dma_wait3A_441] : memref<10000x128xf32, #tpu.memory_space<hbm>> -> memref<80x128xf32, #tpu.memory_space<hbm>>
      %dma_wait3A_443 = arith.constant 0 : i32
      %dma_wait3A_444 = arith.constant 0 : i32
      %dma_wait3A_445 = tpu.memref_slice %arg2[%dma_wait3A_443, %dma_wait3A_444] : memref<10000x128xf32, #tpu.memory_space<hbm>> -> memref<80x128xf32, #tpu.memory_space<hbm>>
      tpu.wait_dma2 semaphore(%arg12 : memref<!tpu.dma_semaphore, #tpu.memory_space<semaphore_mem>>) src(%dma_wait3A_445 : memref<80x128xf32, #tpu.memory_space<hbm>>) dst(%arg10 : memref<80x128xf32, #tpu.memory_space<vmem>>)
      %add3A_446 = arith.constant 75 : i32
      %add3A_447 = arith.addi %add3A_446, %mul3A_439 : i32
      "tpu.region"() ({
        %run_scoped3A_474 = tpu.sem_alloc : memref<!tpu.dma_semaphore, #tpu.memory_space<semaphore_mem>>
        %dma_start3A_475 = arith.constant 0 : i32
        %dma_start3A_476 = tpu.memref_slice %arg8[%add3A_447, %dma_start3A_475] : memref<125x80xi32, #tpu.memory_space<vmem>> -> memref<1x80xi32, #tpu.memory_space<vmem>>
        %dma_start3A_477 = tpu.memref_squeeze %dma_start3A_476 : memref<1x80xi32, #tpu.memory_space<vmem>> -> memref<80xi32, #tpu.memory_space<vmem>>
        %dma_start3A_478 = arith.constant 0 : i32
        %dma_start3A_479 = arith.constant 0 : i32
        %dma_start3A_480 = tpu.memref_slice %arg7[%dma_start3A_478, %dma_start3A_479] : memref<10240x128xf32, #tpu.memory_space<vmem_shared>> -> memref<10240x128xf32, #tpu.memory_space<vmem_shared>>
        tpu.enqueue_indirect_dma source(%arg10 : memref<80x128xf32, #tpu.memory_space<vmem>>) target(%dma_start3A_480 : memref<10240x128xf32, #tpu.memory_space<vmem_shared>>) offsets(%dma_start3A_477 : memref<80xi32, #tpu.memory_space<vmem>>) semaphore(%run_scoped3A_474 : memref<!tpu.dma_semaphore, #tpu.memory_space<semaphore_mem>>) {add = true}
        %dma_wait3A_481 = arith.constant 0 : i32
        %dma_wait3A_482 = tpu.memref_slice %arg8[%add3A_447, %dma_wait3A_481] : memref<125x80xi32, #tpu.memory_space<vmem>> -> memref<1x80xi32, #tpu.memory_space<vmem>>
        %dma_wait3A_483 = tpu.memref_squeeze %dma_wait3A_482 : memref<1x80xi32, #tpu.memory_space<vmem>> -> memref<80xi32, #tpu.memory_space<vmem>>
        %dma_wait3A_484 = arith.constant 0 : i32
        %dma_wait3A_485 = arith.constant 0 : i32
        %dma_wait3A_486 = tpu.memref_slice %arg7[%dma_wait3A_484, %dma_wait3A_485] : memref<10240x128xf32, #tpu.memory_space<vmem_shared>> -> memref<10240x128xf32, #tpu.memory_space<vmem_shared>>
        tpu.wait_indirect_dma semaphore(%run_scoped3A_474 : memref<!tpu.dma_semaphore, #tpu.memory_space<semaphore_mem>>) src(%arg10 : memref<80x128xf32, #tpu.memory_space<vmem>>) dst(%dma_wait3A_486 : memref<10240x128xf32, #tpu.memory_space<vmem_shared>>)
        tpu.yield
      }) : () -> ()
      %add3A_448 = arith.constant 2 : i32
      %add3A_449 = arith.addi %mul3A_439, %add3A_448 : i32
      %mul3A_450 = arith.constant 80 : i32
      %mul3A_451 = arith.muli %add3A_449, %mul3A_450 : i32
      %dma_start3A_452 = tpu.memref_slice %arg9[%mul3A_451] : memref<2000xi32, #tpu.memory_space<vmem>> -> memref<80xi32, #tpu.memory_space<vmem>>
      %dma_start3A_453 = arith.constant 0 : i32
      %dma_start3A_454 = arith.constant 0 : i32
      %dma_start3A_455 = tpu.memref_slice %arg2[%dma_start3A_453, %dma_start3A_454] : memref<10000x128xf32, #tpu.memory_space<hbm>> -> memref<10000x128xf32, #tpu.memory_space<hbm>>
      tpu.enqueue_indirect_dma source(%dma_start3A_455 : memref<10000x128xf32, #tpu.memory_space<hbm>>) target(%arg10 : memref<80x128xf32, #tpu.memory_space<vmem>>) offsets(%dma_start3A_452 : memref<80xi32, #tpu.memory_space<vmem>>) semaphore(%arg12 : memref<!tpu.dma_semaphore, #tpu.memory_space<semaphore_mem>>)
      %dma_wait3A_456 = arith.constant 0 : i32
      %dma_wait3A_457 = arith.constant 0 : i32
      %dma_wait3A_458 = tpu.memref_slice %arg2[%dma_wait3A_456, %dma_wait3A_457] : memref<10000x128xf32, #tpu.memory_space<hbm>> -> memref<80x128xf32, #tpu.memory_space<hbm>>
      %dma_wait3A_459 = arith.constant 0 : i32
      %dma_wait3A_460 = arith.constant 0 : i32
      %dma_wait3A_461 = tpu.memref_slice %arg2[%dma_wait3A_459, %dma_wait3A_460] : memref<10000x128xf32, #tpu.memory_space<hbm>> -> memref<80x128xf32, #tpu.memory_space<hbm>>
      tpu.wait_dma2 semaphore(%arg13 : memref<!tpu.dma_semaphore, #tpu.memory_space<semaphore_mem>>) src(%dma_wait3A_461 : memref<80x128xf32, #tpu.memory_space<hbm>>) dst(%arg11 : memref<80x128xf32, #tpu.memory_space<vmem>>)
      %add3A_462 = arith.constant 75 : i32
      %add3A_463 = arith.addi %add3A_462, %mul3A_439 : i32
      %add3A_464 = arith.constant 1 : i32
      %add3A_465 = arith.addi %add3A_463, %add3A_464 : i32
      "tpu.region"() ({
        %run_scoped3A_474 = tpu.sem_alloc : memref<!tpu.dma_semaphore, #tpu.memory_space<semaphore_mem>>
        %dma_start3A_475 = arith.constant 0 : i32
        %dma_start3A_476 = tpu.memref_slice %arg8[%add3A_465, %dma_start3A_475] : memref<125x80xi32, #tpu.memory_space<vmem>> -> memref<1x80xi32, #tpu.memory_space<vmem>>
        %dma_start3A_477 = tpu.memref_squeeze %dma_start3A_476 : memref<1x80xi32, #tpu.memory_space<vmem>> -> memref<80xi32, #tpu.memory_space<vmem>>
        %dma_start3A_478 = arith.constant 0 : i32
        %dma_start3A_479 = arith.constant 0 : i32
        %dma_start3A_480 = tpu.memref_slice %arg7[%dma_start3A_478, %dma_start3A_479] : memref<10240x128xf32, #tpu.memory_space<vmem_shared>> -> memref<10240x128xf32, #tpu.memory_space<vmem_shared>>
        tpu.enqueue_indirect_dma source(%arg11 : memref<80x128xf32, #tpu.memory_space<vmem>>) target(%dma_start3A_480 : memref<10240x128xf32, #tpu.memory_space<vmem_shared>>) offsets(%dma_start3A_477 : memref<80xi32, #tpu.memory_space<vmem>>) semaphore(%run_scoped3A_474 : memref<!tpu.dma_semaphore, #tpu.memory_space<semaphore_mem>>) {add = true}
        %dma_wait3A_481 = arith.constant 0 : i32
        %dma_wait3A_482 = tpu.memref_slice %arg8[%add3A_465, %dma_wait3A_481] : memref<125x80xi32, #tpu.memory_space<vmem>> -> memref<1x80xi32, #tpu.memory_space<vmem>>
        %dma_wait3A_483 = tpu.memref_squeeze %dma_wait3A_482 : memref<1x80xi32, #tpu.memory_space<vmem>> -> memref<80xi32, #tpu.memory_space<vmem>>
        %dma_wait3A_484 = arith.constant 0 : i32
        %dma_wait3A_485 = arith.constant 0 : i32
        %dma_wait3A_486 = tpu.memref_slice %arg7[%dma_wait3A_484, %dma_wait3A_485] : memref<10240x128xf32, #tpu.memory_space<vmem_shared>> -> memref<10240x128xf32, #tpu.memory_space<vmem_shared>>
        tpu.wait_indirect_dma semaphore(%run_scoped3A_474 : memref<!tpu.dma_semaphore, #tpu.memory_space<semaphore_mem>>) src(%arg11 : memref<80x128xf32, #tpu.memory_space<vmem>>) dst(%dma_wait3A_486 : memref<10240x128xf32, #tpu.memory_space<vmem_shared>>)
        tpu.yield
      }) : () -> ()
      %add3A_466 = arith.constant 3 : i32
      %add3A_467 = arith.addi %mul3A_439, %add3A_466 : i32
      %mul3A_468 = arith.constant 80 : i32
      %mul3A_469 = arith.muli %add3A_467, %mul3A_468 : i32
      %dma_start3A_470 = tpu.memref_slice %arg9[%mul3A_469] : memref<2000xi32, #tpu.memory_space<vmem>> -> memref<80xi32, #tpu.memory_space<vmem>>
      %dma_start3A_471 = arith.constant 0 : i32
      %dma_start3A_472 = arith.constant 0 : i32
      %dma_start3A_473 = tpu.memref_slice %arg2[%dma_start3A_471, %dma_start3A_472] : memref<10000x128xf32, #tpu.memory_space<hbm>> -> memref<10000x128xf32, #tpu.memory_space<hbm>>
      tpu.enqueue_indirect_dma source(%dma_start3A_473 : memref<10000x128xf32, #tpu.memory_space<hbm>>) target(%arg11 : memref<80x128xf32, #tpu.memory_space<vmem>>) offsets(%dma_start3A_470 : memref<80xi32, #tpu.memory_space<vmem>>) semaphore(%arg13 : memref<!tpu.dma_semaphore, #tpu.memory_space<semaphore_mem>>)
    }
    %scan3A_366 = arith.constant 11 : i32
    %dma_wait3A_367 = arith.constant 0 : i32
    %dma_wait3A_368 = arith.constant 0 : i32
    %dma_wait3A_369 = tpu.memref_slice %arg2[%dma_wait3A_367, %dma_wait3A_368] : memref<10000x128xf32, #tpu.memory_space<hbm>> -> memref<80x128xf32, #tpu.memory_space<hbm>>
    %dma_wait3A_370 = arith.constant 0 : i32
    %dma_wait3A_371 = arith.constant 0 : i32
    %dma_wait3A_372 = tpu.memref_slice %arg2[%dma_wait3A_370, %dma_wait3A_371] : memref<10000x128xf32, #tpu.memory_space<hbm>> -> memref<80x128xf32, #tpu.memory_space<hbm>>
    tpu.wait_dma2 semaphore(%arg12 : memref<!tpu.dma_semaphore, #tpu.memory_space<semaphore_mem>>) src(%dma_wait3A_372 : memref<80x128xf32, #tpu.memory_space<hbm>>) dst(%arg10 : memref<80x128xf32, #tpu.memory_space<vmem>>)
    %run_scoped3A_373 = arith.constant 97 : i32
    "tpu.region"() ({
      %run_scoped3A_437 = tpu.sem_alloc : memref<!tpu.dma_semaphore, #tpu.memory_space<semaphore_mem>>
      %dma_start3A_438 = arith.constant 0 : i32
      %dma_start3A_439 = tpu.memref_slice %arg8[%run_scoped3A_373, %dma_start3A_438] : memref<125x80xi32, #tpu.memory_space<vmem>> -> memref<1x80xi32, #tpu.memory_space<vmem>>
      %dma_start3A_440 = tpu.memref_squeeze %dma_start3A_439 : memref<1x80xi32, #tpu.memory_space<vmem>> -> memref<80xi32, #tpu.memory_space<vmem>>
      %dma_start3A_441 = arith.constant 0 : i32
      %dma_start3A_442 = arith.constant 0 : i32
      %dma_start3A_443 = tpu.memref_slice %arg7[%dma_start3A_441, %dma_start3A_442] : memref<10240x128xf32, #tpu.memory_space<vmem_shared>> -> memref<10240x128xf32, #tpu.memory_space<vmem_shared>>
      tpu.enqueue_indirect_dma source(%arg10 : memref<80x128xf32, #tpu.memory_space<vmem>>) target(%dma_start3A_443 : memref<10240x128xf32, #tpu.memory_space<vmem_shared>>) offsets(%dma_start3A_440 : memref<80xi32, #tpu.memory_space<vmem>>) semaphore(%run_scoped3A_437 : memref<!tpu.dma_semaphore, #tpu.memory_space<semaphore_mem>>) {add = true}
      %dma_wait3A_444 = arith.constant 0 : i32
      %dma_wait3A_445 = tpu.memref_slice %arg8[%run_scoped3A_373, %dma_wait3A_444] : memref<125x80xi32, #tpu.memory_space<vmem>> -> memref<1x80xi32, #tpu.memory_space<vmem>>
      %dma_wait3A_446 = tpu.memref_squeeze %dma_wait3A_445 : memref<1x80xi32, #tpu.memory_space<vmem>> -> memref<80xi32, #tpu.memory_space<vmem>>
      %dma_wait3A_447 = arith.constant 0 : i32
      %dma_wait3A_448 = arith.constant 0 : i32
      %dma_wait3A_449 = tpu.memref_slice %arg7[%dma_wait3A_447, %dma_wait3A_448] : memref<10240x128xf32, #tpu.memory_space<vmem_shared>> -> memref<10240x128xf32, #tpu.memory_space<vmem_shared>>
      tpu.wait_indirect_dma semaphore(%run_scoped3A_437 : memref<!tpu.dma_semaphore, #tpu.memory_space<semaphore_mem>>) src(%arg10 : memref<80x128xf32, #tpu.memory_space<vmem>>) dst(%dma_wait3A_449 : memref<10240x128xf32, #tpu.memory_space<vmem_shared>>)
      tpu.yield
    }) : () -> ()
    %dma_start3A_374 = arith.constant 1920 : i32
    %dma_start3A_375 = tpu.memref_slice %arg9[%dma_start3A_374] : memref<2000xi32, #tpu.memory_space<vmem>> -> memref<80xi32, #tpu.memory_space<vmem>>
    %dma_start3A_376 = arith.constant 0 : i32
    %dma_start3A_377 = arith.constant 0 : i32
    %dma_start3A_378 = tpu.memref_slice %arg2[%dma_start3A_376, %dma_start3A_377] : memref<10000x128xf32, #tpu.memory_space<hbm>> -> memref<10000x128xf32, #tpu.memory_space<hbm>>
    tpu.enqueue_indirect_dma source(%dma_start3A_378 : memref<10000x128xf32, #tpu.memory_space<hbm>>) target(%arg10 : memref<80x128xf32, #tpu.memory_space<vmem>>) offsets(%dma_start3A_375 : memref<80xi32, #tpu.memory_space<vmem>>) semaphore(%arg12 : memref<!tpu.dma_semaphore, #tpu.memory_space<semaphore_mem>>)
    %dma_wait3A_379 = arith.constant 0 : i32
    %dma_wait3A_380 = arith.constant 0 : i32
    %dma_wait3A_381 = tpu.memref_slice %arg2[%dma_wait3A_379, %dma_wait3A_380] : memref<10000x128xf32, #tpu.memory_space<hbm>> -> memref<80x128xf32, #tpu.memory_space<hbm>>
    %dma_wait3A_382 = arith.constant 0 : i32
    %dma_wait3A_383 = arith.constant 0 : i32
    %dma_wait3A_384 = tpu.memref_slice %arg2[%dma_wait3A_382, %dma_wait3A_383] : memref<10000x128xf32, #tpu.memory_space<hbm>> -> memref<80x128xf32, #tpu.memory_space<hbm>>
    tpu.wait_dma2 semaphore(%arg13 : memref<!tpu.dma_semaphore, #tpu.memory_space<semaphore_mem>>) src(%dma_wait3A_384 : memref<80x128xf32, #tpu.memory_space<hbm>>) dst(%arg11 : memref<80x128xf32, #tpu.memory_space<vmem>>)
    %run_scoped3A_385 = arith.constant 98 : i32
    "tpu.region"() ({
      %run_scoped3A_437 = tpu.sem_alloc : memref<!tpu.dma_semaphore, #tpu.memory_space<semaphore_mem>>
      %dma_start3A_438 = arith.constant 0 : i32
      %dma_start3A_439 = tpu.memref_slice %arg8[%run_scoped3A_385, %dma_start3A_438] : memref<125x80xi32, #tpu.memory_space<vmem>> -> memref<1x80xi32, #tpu.memory_space<vmem>>
      %dma_start3A_440 = tpu.memref_squeeze %dma_start3A_439 : memref<1x80xi32, #tpu.memory_space<vmem>> -> memref<80xi32, #tpu.memory_space<vmem>>
      %dma_start3A_441 = arith.constant 0 : i32
      %dma_start3A_442 = arith.constant 0 : i32
      %dma_start3A_443 = tpu.memref_slice %arg7[%dma_start3A_441, %dma_start3A_442] : memref<10240x128xf32, #tpu.memory_space<vmem_shared>> -> memref<10240x128xf32, #tpu.memory_space<vmem_shared>>
      tpu.enqueue_indirect_dma source(%arg11 : memref<80x128xf32, #tpu.memory_space<vmem>>) target(%dma_start3A_443 : memref<10240x128xf32, #tpu.memory_space<vmem_shared>>) offsets(%dma_start3A_440 : memref<80xi32, #tpu.memory_space<vmem>>) semaphore(%run_scoped3A_437 : memref<!tpu.dma_semaphore, #tpu.memory_space<semaphore_mem>>) {add = true}
      %dma_wait3A_444 = arith.constant 0 : i32
      %dma_wait3A_445 = tpu.memref_slice %arg8[%run_scoped3A_385, %dma_wait3A_444] : memref<125x80xi32, #tpu.memory_space<vmem>> -> memref<1x80xi32, #tpu.memory_space<vmem>>
      %dma_wait3A_446 = tpu.memref_squeeze %dma_wait3A_445 : memref<1x80xi32, #tpu.memory_space<vmem>> -> memref<80xi32, #tpu.memory_space<vmem>>
      %dma_wait3A_447 = arith.constant 0 : i32
      %dma_wait3A_448 = arith.constant 0 : i32
      %dma_wait3A_449 = tpu.memref_slice %arg7[%dma_wait3A_447, %dma_wait3A_448] : memref<10240x128xf32, #tpu.memory_space<vmem_shared>> -> memref<10240x128xf32, #tpu.memory_space<vmem_shared>>
      tpu.wait_indirect_dma semaphore(%run_scoped3A_437 : memref<!tpu.dma_semaphore, #tpu.memory_space<semaphore_mem>>) src(%arg11 : memref<80x128xf32, #tpu.memory_space<vmem>>) dst(%dma_wait3A_449 : memref<10240x128xf32, #tpu.memory_space<vmem_shared>>)
      tpu.yield
    }) : () -> ()
    %dma_wait3A_386 = arith.constant 0 : i32
    %dma_wait3A_387 = arith.constant 0 : i32
    %dma_wait3A_388 = tpu.memref_slice %arg2[%dma_wait3A_386, %dma_wait3A_387] : memref<10000x128xf32, #tpu.memory_space<hbm>> -> memref<80x128xf32, #tpu.memory_space<hbm>>
    %dma_wait3A_389 = arith.constant 0 : i32
    %dma_wait3A_390 = arith.constant 0 : i32
    %dma_wait3A_391 = tpu.memref_slice %arg2[%dma_wait3A_389, %dma_wait3A_390] : memref<10000x128xf32, #tpu.memory_space<hbm>> -> memref<80x128xf32, #tpu.memory_space<hbm>>
    tpu.wait_dma2 semaphore(%arg12 : memref<!tpu.dma_semaphore, #tpu.memory_space<semaphore_mem>>) src(%dma_wait3A_391 : memref<80x128xf32, #tpu.memory_space<hbm>>) dst(%arg10 : memref<80x128xf32, #tpu.memory_space<vmem>>)
    %run_scoped3A_392 = arith.constant 99 : i32
    "tpu.region"() ({
      %run_scoped3A_437 = tpu.sem_alloc : memref<!tpu.dma_semaphore, #tpu.memory_space<semaphore_mem>>
      %dma_start3A_438 = arith.constant 0 : i32
      %dma_start3A_439 = tpu.memref_slice %arg8[%run_scoped3A_392, %dma_start3A_438] : memref<125x80xi32, #tpu.memory_space<vmem>> -> memref<1x80xi32, #tpu.memory_space<vmem>>
      %dma_start3A_440 = tpu.memref_squeeze %dma_start3A_439 : memref<1x80xi32, #tpu.memory_space<vmem>> -> memref<80xi32, #tpu.memory_space<vmem>>
      %dma_start3A_441 = arith.constant 0 : i32
      %dma_start3A_442 = arith.constant 0 : i32
      %dma_start3A_443 = tpu.memref_slice %arg7[%dma_start3A_441, %dma_start3A_442] : memref<10240x128xf32, #tpu.memory_space<vmem_shared>> -> memref<10240x128xf32, #tpu.memory_space<vmem_shared>>
      tpu.enqueue_indirect_dma source(%arg10 : memref<80x128xf32, #tpu.memory_space<vmem>>) target(%dma_start3A_443 : memref<10240x128xf32, #tpu.memory_space<vmem_shared>>) offsets(%dma_start3A_440 : memref<80xi32, #tpu.memory_space<vmem>>) semaphore(%run_scoped3A_437 : memref<!tpu.dma_semaphore, #tpu.memory_space<semaphore_mem>>) {add = true}
      %dma_wait3A_444 = arith.constant 0 : i32
      %dma_wait3A_445 = tpu.memref_slice %arg8[%run_scoped3A_392, %dma_wait3A_444] : memref<125x80xi32, #tpu.memory_space<vmem>> -> memref<1x80xi32, #tpu.memory_space<vmem>>
      %dma_wait3A_446 = tpu.memref_squeeze %dma_wait3A_445 : memref<1x80xi32, #tpu.memory_space<vmem>> -> memref<80xi32, #tpu.memory_space<vmem>>
      %dma_wait3A_447 = arith.constant 0 : i32
      %dma_wait3A_448 = arith.constant 0 : i32
      %dma_wait3A_449 = tpu.memref_slice %arg7[%dma_wait3A_447, %dma_wait3A_448] : memref<10240x128xf32, #tpu.memory_space<vmem_shared>> -> memref<10240x128xf32, #tpu.memory_space<vmem_shared>>
      tpu.wait_indirect_dma semaphore(%run_scoped3A_437 : memref<!tpu.dma_semaphore, #tpu.memory_space<semaphore_mem>>) src(%arg10 : memref<80x128xf32, #tpu.memory_space<vmem>>) dst(%dma_wait3A_449 : memref<10240x128xf32, #tpu.memory_space<vmem_shared>>)
      tpu.yield
    }) : () -> ()
    %add3A_393 = arith.constant 8000 : i32
    %add3A_394 = arith.addi %mul3A_4, %add3A_393 : i32
    "tpu.region"() ({
      %run_scoped3A_437 = tpu.sem_alloc : memref<!tpu.dma_semaphore, #tpu.memory_space<semaphore_mem>>
      %dma_start3A_438 = tpu.memref_slice %arg3[%add3A_394] : memref<320000xi32, #tpu.memory_space<hbm>> -> memref<2000xi32, #tpu.memory_space<hbm>>
      %dma_start3A_439 = tpu.memref_slice %arg3[%add3A_394] : memref<320000xi32, #tpu.memory_space<hbm>> -> memref<2000xi32, #tpu.memory_space<hbm>>
      tpu.enqueue_dma source(%dma_start3A_439 : memref<2000xi32, #tpu.memory_space<hbm>>) target(%arg9 : memref<2000xi32, #tpu.memory_space<vmem>>) target_semaphore(%run_scoped3A_437 : memref<!tpu.dma_semaphore, #tpu.memory_space<semaphore_mem>>)
      %dma_wait3A_440 = tpu.memref_slice %arg3[%add3A_394] : memref<320000xi32, #tpu.memory_space<hbm>> -> memref<2000xi32, #tpu.memory_space<hbm>>
      %dma_wait3A_441 = tpu.memref_slice %arg3[%add3A_394] : memref<320000xi32, #tpu.memory_space<hbm>> -> memref<2000xi32, #tpu.memory_space<hbm>>
      tpu.wait_dma2 semaphore(%run_scoped3A_437 : memref<!tpu.dma_semaphore, #tpu.memory_space<semaphore_mem>>) src(%dma_wait3A_441 : memref<2000xi32, #tpu.memory_space<hbm>>) dst(%arg9 : memref<2000xi32, #tpu.memory_space<vmem>>)
      tpu.yield
    }) : () -> ()
    %dma_start3A_395 = arith.constant 0 : i32
    %dma_start3A_396 = tpu.memref_slice %arg9[%dma_start3A_395] : memref<2000xi32, #tpu.memory_space<vmem>> -> memref<80xi32, #tpu.memory_space<vmem>>
    %dma_start3A_397 = arith.constant 0 : i32
    %dma_start3A_398 = arith.constant 0 : i32
    %dma_start3A_399 = tpu.memref_slice %arg2[%dma_start3A_397, %dma_start3A_398] : memref<10000x128xf32, #tpu.memory_space<hbm>> -> memref<10000x128xf32, #tpu.memory_space<hbm>>
    tpu.enqueue_indirect_dma source(%dma_start3A_399 : memref<10000x128xf32, #tpu.memory_space<hbm>>) target(%arg10 : memref<80x128xf32, #tpu.memory_space<vmem>>) offsets(%dma_start3A_396 : memref<80xi32, #tpu.memory_space<vmem>>) semaphore(%arg12 : memref<!tpu.dma_semaphore, #tpu.memory_space<semaphore_mem>>)
    %dma_start3A_400 = arith.constant 80 : i32
    %dma_start3A_401 = tpu.memref_slice %arg9[%dma_start3A_400] : memref<2000xi32, #tpu.memory_space<vmem>> -> memref<80xi32, #tpu.memory_space<vmem>>
    %dma_start3A_402 = arith.constant 0 : i32
    %dma_start3A_403 = arith.constant 0 : i32
    %dma_start3A_404 = tpu.memref_slice %arg2[%dma_start3A_402, %dma_start3A_403] : memref<10000x128xf32, #tpu.memory_space<hbm>> -> memref<10000x128xf32, #tpu.memory_space<hbm>>
    tpu.enqueue_indirect_dma source(%dma_start3A_404 : memref<10000x128xf32, #tpu.memory_space<hbm>>) target(%arg11 : memref<80x128xf32, #tpu.memory_space<vmem>>) offsets(%dma_start3A_401 : memref<80xi32, #tpu.memory_space<vmem>>) semaphore(%arg13 : memref<!tpu.dma_semaphore, #tpu.memory_space<semaphore_mem>>)
    %scan3A_405 = arith.constant 0 : i32
    %scan3A_406 = arith.constant 11 : i32
    %scan3A_407 = arith.addi %scan3A_405, %scan3A_406 : i32
    %scan3A_408 = arith.constant 1 : i32
    scf.for %scan3A_437 = %scan3A_405 to %scan3A_407 step %scan3A_408  : i32 {
      %mul3A_438 = arith.constant 2 : i32
      %mul3A_439 = arith.muli %mul3A_438, %scan3A_437 : i32
      %dma_wait3A_440 = arith.constant 0 : i32
      %dma_wait3A_441 = arith.constant 0 : i32
      %dma_wait3A_442 = tpu.memref_slice %arg2[%dma_wait3A_440, %dma_wait3A_441] : memref<10000x128xf32, #tpu.memory_space<hbm>> -> memref<80x128xf32, #tpu.memory_space<hbm>>
      %dma_wait3A_443 = arith.constant 0 : i32
      %dma_wait3A_444 = arith.constant 0 : i32
      %dma_wait3A_445 = tpu.memref_slice %arg2[%dma_wait3A_443, %dma_wait3A_444] : memref<10000x128xf32, #tpu.memory_space<hbm>> -> memref<80x128xf32, #tpu.memory_space<hbm>>
      tpu.wait_dma2 semaphore(%arg12 : memref<!tpu.dma_semaphore, #tpu.memory_space<semaphore_mem>>) src(%dma_wait3A_445 : memref<80x128xf32, #tpu.memory_space<hbm>>) dst(%arg10 : memref<80x128xf32, #tpu.memory_space<vmem>>)
      %add3A_446 = arith.constant 100 : i32
      %add3A_447 = arith.addi %add3A_446, %mul3A_439 : i32
      "tpu.region"() ({
        %run_scoped3A_474 = tpu.sem_alloc : memref<!tpu.dma_semaphore, #tpu.memory_space<semaphore_mem>>
        %dma_start3A_475 = arith.constant 0 : i32
        %dma_start3A_476 = tpu.memref_slice %arg8[%add3A_447, %dma_start3A_475] : memref<125x80xi32, #tpu.memory_space<vmem>> -> memref<1x80xi32, #tpu.memory_space<vmem>>
        %dma_start3A_477 = tpu.memref_squeeze %dma_start3A_476 : memref<1x80xi32, #tpu.memory_space<vmem>> -> memref<80xi32, #tpu.memory_space<vmem>>
        %dma_start3A_478 = arith.constant 0 : i32
        %dma_start3A_479 = arith.constant 0 : i32
        %dma_start3A_480 = tpu.memref_slice %arg7[%dma_start3A_478, %dma_start3A_479] : memref<10240x128xf32, #tpu.memory_space<vmem_shared>> -> memref<10240x128xf32, #tpu.memory_space<vmem_shared>>
        tpu.enqueue_indirect_dma source(%arg10 : memref<80x128xf32, #tpu.memory_space<vmem>>) target(%dma_start3A_480 : memref<10240x128xf32, #tpu.memory_space<vmem_shared>>) offsets(%dma_start3A_477 : memref<80xi32, #tpu.memory_space<vmem>>) semaphore(%run_scoped3A_474 : memref<!tpu.dma_semaphore, #tpu.memory_space<semaphore_mem>>) {add = true}
        %dma_wait3A_481 = arith.constant 0 : i32
        %dma_wait3A_482 = tpu.memref_slice %arg8[%add3A_447, %dma_wait3A_481] : memref<125x80xi32, #tpu.memory_space<vmem>> -> memref<1x80xi32, #tpu.memory_space<vmem>>
        %dma_wait3A_483 = tpu.memref_squeeze %dma_wait3A_482 : memref<1x80xi32, #tpu.memory_space<vmem>> -> memref<80xi32, #tpu.memory_space<vmem>>
        %dma_wait3A_484 = arith.constant 0 : i32
        %dma_wait3A_485 = arith.constant 0 : i32
        %dma_wait3A_486 = tpu.memref_slice %arg7[%dma_wait3A_484, %dma_wait3A_485] : memref<10240x128xf32, #tpu.memory_space<vmem_shared>> -> memref<10240x128xf32, #tpu.memory_space<vmem_shared>>
        tpu.wait_indirect_dma semaphore(%run_scoped3A_474 : memref<!tpu.dma_semaphore, #tpu.memory_space<semaphore_mem>>) src(%arg10 : memref<80x128xf32, #tpu.memory_space<vmem>>) dst(%dma_wait3A_486 : memref<10240x128xf32, #tpu.memory_space<vmem_shared>>)
        tpu.yield
      }) : () -> ()
      %add3A_448 = arith.constant 2 : i32
      %add3A_449 = arith.addi %mul3A_439, %add3A_448 : i32
      %mul3A_450 = arith.constant 80 : i32
      %mul3A_451 = arith.muli %add3A_449, %mul3A_450 : i32
      %dma_start3A_452 = tpu.memref_slice %arg9[%mul3A_451] : memref<2000xi32, #tpu.memory_space<vmem>> -> memref<80xi32, #tpu.memory_space<vmem>>
      %dma_start3A_453 = arith.constant 0 : i32
      %dma_start3A_454 = arith.constant 0 : i32
      %dma_start3A_455 = tpu.memref_slice %arg2[%dma_start3A_453, %dma_start3A_454] : memref<10000x128xf32, #tpu.memory_space<hbm>> -> memref<10000x128xf32, #tpu.memory_space<hbm>>
      tpu.enqueue_indirect_dma source(%dma_start3A_455 : memref<10000x128xf32, #tpu.memory_space<hbm>>) target(%arg10 : memref<80x128xf32, #tpu.memory_space<vmem>>) offsets(%dma_start3A_452 : memref<80xi32, #tpu.memory_space<vmem>>) semaphore(%arg12 : memref<!tpu.dma_semaphore, #tpu.memory_space<semaphore_mem>>)
      %dma_wait3A_456 = arith.constant 0 : i32
      %dma_wait3A_457 = arith.constant 0 : i32
      %dma_wait3A_458 = tpu.memref_slice %arg2[%dma_wait3A_456, %dma_wait3A_457] : memref<10000x128xf32, #tpu.memory_space<hbm>> -> memref<80x128xf32, #tpu.memory_space<hbm>>
      %dma_wait3A_459 = arith.constant 0 : i32
      %dma_wait3A_460 = arith.constant 0 : i32
      %dma_wait3A_461 = tpu.memref_slice %arg2[%dma_wait3A_459, %dma_wait3A_460] : memref<10000x128xf32, #tpu.memory_space<hbm>> -> memref<80x128xf32, #tpu.memory_space<hbm>>
      tpu.wait_dma2 semaphore(%arg13 : memref<!tpu.dma_semaphore, #tpu.memory_space<semaphore_mem>>) src(%dma_wait3A_461 : memref<80x128xf32, #tpu.memory_space<hbm>>) dst(%arg11 : memref<80x128xf32, #tpu.memory_space<vmem>>)
      %add3A_462 = arith.constant 100 : i32
      %add3A_463 = arith.addi %add3A_462, %mul3A_439 : i32
      %add3A_464 = arith.constant 1 : i32
      %add3A_465 = arith.addi %add3A_463, %add3A_464 : i32
      "tpu.region"() ({
        %run_scoped3A_474 = tpu.sem_alloc : memref<!tpu.dma_semaphore, #tpu.memory_space<semaphore_mem>>
        %dma_start3A_475 = arith.constant 0 : i32
        %dma_start3A_476 = tpu.memref_slice %arg8[%add3A_465, %dma_start3A_475] : memref<125x80xi32, #tpu.memory_space<vmem>> -> memref<1x80xi32, #tpu.memory_space<vmem>>
        %dma_start3A_477 = tpu.memref_squeeze %dma_start3A_476 : memref<1x80xi32, #tpu.memory_space<vmem>> -> memref<80xi32, #tpu.memory_space<vmem>>
        %dma_start3A_478 = arith.constant 0 : i32
        %dma_start3A_479 = arith.constant 0 : i32
        %dma_start3A_480 = tpu.memref_slice %arg7[%dma_start3A_478, %dma_start3A_479] : memref<10240x128xf32, #tpu.memory_space<vmem_shared>> -> memref<10240x128xf32, #tpu.memory_space<vmem_shared>>
        tpu.enqueue_indirect_dma source(%arg11 : memref<80x128xf32, #tpu.memory_space<vmem>>) target(%dma_start3A_480 : memref<10240x128xf32, #tpu.memory_space<vmem_shared>>) offsets(%dma_start3A_477 : memref<80xi32, #tpu.memory_space<vmem>>) semaphore(%run_scoped3A_474 : memref<!tpu.dma_semaphore, #tpu.memory_space<semaphore_mem>>) {add = true}
        %dma_wait3A_481 = arith.constant 0 : i32
        %dma_wait3A_482 = tpu.memref_slice %arg8[%add3A_465, %dma_wait3A_481] : memref<125x80xi32, #tpu.memory_space<vmem>> -> memref<1x80xi32, #tpu.memory_space<vmem>>
        %dma_wait3A_483 = tpu.memref_squeeze %dma_wait3A_482 : memref<1x80xi32, #tpu.memory_space<vmem>> -> memref<80xi32, #tpu.memory_space<vmem>>
        %dma_wait3A_484 = arith.constant 0 : i32
        %dma_wait3A_485 = arith.constant 0 : i32
        %dma_wait3A_486 = tpu.memref_slice %arg7[%dma_wait3A_484, %dma_wait3A_485] : memref<10240x128xf32, #tpu.memory_space<vmem_shared>> -> memref<10240x128xf32, #tpu.memory_space<vmem_shared>>
        tpu.wait_indirect_dma semaphore(%run_scoped3A_474 : memref<!tpu.dma_semaphore, #tpu.memory_space<semaphore_mem>>) src(%arg11 : memref<80x128xf32, #tpu.memory_space<vmem>>) dst(%dma_wait3A_486 : memref<10240x128xf32, #tpu.memory_space<vmem_shared>>)
        tpu.yield
      }) : () -> ()
      %add3A_466 = arith.constant 3 : i32
      %add3A_467 = arith.addi %mul3A_439, %add3A_466 : i32
      %mul3A_468 = arith.constant 80 : i32
      %mul3A_469 = arith.muli %add3A_467, %mul3A_468 : i32
      %dma_start3A_470 = tpu.memref_slice %arg9[%mul3A_469] : memref<2000xi32, #tpu.memory_space<vmem>> -> memref<80xi32, #tpu.memory_space<vmem>>
      %dma_start3A_471 = arith.constant 0 : i32
      %dma_start3A_472 = arith.constant 0 : i32
      %dma_start3A_473 = tpu.memref_slice %arg2[%dma_start3A_471, %dma_start3A_472] : memref<10000x128xf32, #tpu.memory_space<hbm>> -> memref<10000x128xf32, #tpu.memory_space<hbm>>
      tpu.enqueue_indirect_dma source(%dma_start3A_473 : memref<10000x128xf32, #tpu.memory_space<hbm>>) target(%arg11 : memref<80x128xf32, #tpu.memory_space<vmem>>) offsets(%dma_start3A_470 : memref<80xi32, #tpu.memory_space<vmem>>) semaphore(%arg13 : memref<!tpu.dma_semaphore, #tpu.memory_space<semaphore_mem>>)
    }
    %scan3A_409 = arith.constant 11 : i32
    %dma_wait3A_410 = arith.constant 0 : i32
    %dma_wait3A_411 = arith.constant 0 : i32
    %dma_wait3A_412 = tpu.memref_slice %arg2[%dma_wait3A_410, %dma_wait3A_411] : memref<10000x128xf32, #tpu.memory_space<hbm>> -> memref<80x128xf32, #tpu.memory_space<hbm>>
    %dma_wait3A_413 = arith.constant 0 : i32
    %dma_wait3A_414 = arith.constant 0 : i32
    %dma_wait3A_415 = tpu.memref_slice %arg2[%dma_wait3A_413, %dma_wait3A_414] : memref<10000x128xf32, #tpu.memory_space<hbm>> -> memref<80x128xf32, #tpu.memory_space<hbm>>
    tpu.wait_dma2 semaphore(%arg12 : memref<!tpu.dma_semaphore, #tpu.memory_space<semaphore_mem>>) src(%dma_wait3A_415 : memref<80x128xf32, #tpu.memory_space<hbm>>) dst(%arg10 : memref<80x128xf32, #tpu.memory_space<vmem>>)
    %run_scoped3A_416 = arith.constant 122 : i32
    "tpu.region"() ({
      %run_scoped3A_437 = tpu.sem_alloc : memref<!tpu.dma_semaphore, #tpu.memory_space<semaphore_mem>>
      %dma_start3A_438 = arith.constant 0 : i32
      %dma_start3A_439 = tpu.memref_slice %arg8[%run_scoped3A_416, %dma_start3A_438] : memref<125x80xi32, #tpu.memory_space<vmem>> -> memref<1x80xi32, #tpu.memory_space<vmem>>
      %dma_start3A_440 = tpu.memref_squeeze %dma_start3A_439 : memref<1x80xi32, #tpu.memory_space<vmem>> -> memref<80xi32, #tpu.memory_space<vmem>>
      %dma_start3A_441 = arith.constant 0 : i32
      %dma_start3A_442 = arith.constant 0 : i32
      %dma_start3A_443 = tpu.memref_slice %arg7[%dma_start3A_441, %dma_start3A_442] : memref<10240x128xf32, #tpu.memory_space<vmem_shared>> -> memref<10240x128xf32, #tpu.memory_space<vmem_shared>>
      tpu.enqueue_indirect_dma source(%arg10 : memref<80x128xf32, #tpu.memory_space<vmem>>) target(%dma_start3A_443 : memref<10240x128xf32, #tpu.memory_space<vmem_shared>>) offsets(%dma_start3A_440 : memref<80xi32, #tpu.memory_space<vmem>>) semaphore(%run_scoped3A_437 : memref<!tpu.dma_semaphore, #tpu.memory_space<semaphore_mem>>) {add = true}
      %dma_wait3A_444 = arith.constant 0 : i32
      %dma_wait3A_445 = tpu.memref_slice %arg8[%run_scoped3A_416, %dma_wait3A_444] : memref<125x80xi32, #tpu.memory_space<vmem>> -> memref<1x80xi32, #tpu.memory_space<vmem>>
      %dma_wait3A_446 = tpu.memref_squeeze %dma_wait3A_445 : memref<1x80xi32, #tpu.memory_space<vmem>> -> memref<80xi32, #tpu.memory_space<vmem>>
      %dma_wait3A_447 = arith.constant 0 : i32
      %dma_wait3A_448 = arith.constant 0 : i32
      %dma_wait3A_449 = tpu.memref_slice %arg7[%dma_wait3A_447, %dma_wait3A_448] : memref<10240x128xf32, #tpu.memory_space<vmem_shared>> -> memref<10240x128xf32, #tpu.memory_space<vmem_shared>>
      tpu.wait_indirect_dma semaphore(%run_scoped3A_437 : memref<!tpu.dma_semaphore, #tpu.memory_space<semaphore_mem>>) src(%arg10 : memref<80x128xf32, #tpu.memory_space<vmem>>) dst(%dma_wait3A_449 : memref<10240x128xf32, #tpu.memory_space<vmem_shared>>)
      tpu.yield
    }) : () -> ()
    %dma_start3A_417 = arith.constant 1920 : i32
    %dma_start3A_418 = tpu.memref_slice %arg9[%dma_start3A_417] : memref<2000xi32, #tpu.memory_space<vmem>> -> memref<80xi32, #tpu.memory_space<vmem>>
    %dma_start3A_419 = arith.constant 0 : i32
    %dma_start3A_420 = arith.constant 0 : i32
    %dma_start3A_421 = tpu.memref_slice %arg2[%dma_start3A_419, %dma_start3A_420] : memref<10000x128xf32, #tpu.memory_space<hbm>> -> memref<10000x128xf32, #tpu.memory_space<hbm>>
    tpu.enqueue_indirect_dma source(%dma_start3A_421 : memref<10000x128xf32, #tpu.memory_space<hbm>>) target(%arg10 : memref<80x128xf32, #tpu.memory_space<vmem>>) offsets(%dma_start3A_418 : memref<80xi32, #tpu.memory_space<vmem>>) semaphore(%arg12 : memref<!tpu.dma_semaphore, #tpu.memory_space<semaphore_mem>>)
    %dma_wait3A_422 = arith.constant 0 : i32
    %dma_wait3A_423 = arith.constant 0 : i32
    %dma_wait3A_424 = tpu.memref_slice %arg2[%dma_wait3A_422, %dma_wait3A_423] : memref<10000x128xf32, #tpu.memory_space<hbm>> -> memref<80x128xf32, #tpu.memory_space<hbm>>
    %dma_wait3A_425 = arith.constant 0 : i32
    %dma_wait3A_426 = arith.constant 0 : i32
    %dma_wait3A_427 = tpu.memref_slice %arg2[%dma_wait3A_425, %dma_wait3A_426] : memref<10000x128xf32, #tpu.memory_space<hbm>> -> memref<80x128xf32, #tpu.memory_space<hbm>>
    tpu.wait_dma2 semaphore(%arg13 : memref<!tpu.dma_semaphore, #tpu.memory_space<semaphore_mem>>) src(%dma_wait3A_427 : memref<80x128xf32, #tpu.memory_space<hbm>>) dst(%arg11 : memref<80x128xf32, #tpu.memory_space<vmem>>)
    %run_scoped3A_428 = arith.constant 123 : i32
    "tpu.region"() ({
      %run_scoped3A_437 = tpu.sem_alloc : memref<!tpu.dma_semaphore, #tpu.memory_space<semaphore_mem>>
      %dma_start3A_438 = arith.constant 0 : i32
      %dma_start3A_439 = tpu.memref_slice %arg8[%run_scoped3A_428, %dma_start3A_438] : memref<125x80xi32, #tpu.memory_space<vmem>> -> memref<1x80xi32, #tpu.memory_space<vmem>>
      %dma_start3A_440 = tpu.memref_squeeze %dma_start3A_439 : memref<1x80xi32, #tpu.memory_space<vmem>> -> memref<80xi32, #tpu.memory_space<vmem>>
      %dma_start3A_441 = arith.constant 0 : i32
      %dma_start3A_442 = arith.constant 0 : i32
      %dma_start3A_443 = tpu.memref_slice %arg7[%dma_start3A_441, %dma_start3A_442] : memref<10240x128xf32, #tpu.memory_space<vmem_shared>> -> memref<10240x128xf32, #tpu.memory_space<vmem_shared>>
      tpu.enqueue_indirect_dma source(%arg11 : memref<80x128xf32, #tpu.memory_space<vmem>>) target(%dma_start3A_443 : memref<10240x128xf32, #tpu.memory_space<vmem_shared>>) offsets(%dma_start3A_440 : memref<80xi32, #tpu.memory_space<vmem>>) semaphore(%run_scoped3A_437 : memref<!tpu.dma_semaphore, #tpu.memory_space<semaphore_mem>>) {add = true}
      %dma_wait3A_444 = arith.constant 0 : i32
      %dma_wait3A_445 = tpu.memref_slice %arg8[%run_scoped3A_428, %dma_wait3A_444] : memref<125x80xi32, #tpu.memory_space<vmem>> -> memref<1x80xi32, #tpu.memory_space<vmem>>
      %dma_wait3A_446 = tpu.memref_squeeze %dma_wait3A_445 : memref<1x80xi32, #tpu.memory_space<vmem>> -> memref<80xi32, #tpu.memory_space<vmem>>
      %dma_wait3A_447 = arith.constant 0 : i32
      %dma_wait3A_448 = arith.constant 0 : i32
      %dma_wait3A_449 = tpu.memref_slice %arg7[%dma_wait3A_447, %dma_wait3A_448] : memref<10240x128xf32, #tpu.memory_space<vmem_shared>> -> memref<10240x128xf32, #tpu.memory_space<vmem_shared>>
      tpu.wait_indirect_dma semaphore(%run_scoped3A_437 : memref<!tpu.dma_semaphore, #tpu.memory_space<semaphore_mem>>) src(%arg11 : memref<80x128xf32, #tpu.memory_space<vmem>>) dst(%dma_wait3A_449 : memref<10240x128xf32, #tpu.memory_space<vmem_shared>>)
      tpu.yield
    }) : () -> ()
    %dma_wait3A_429 = arith.constant 0 : i32
    %dma_wait3A_430 = arith.constant 0 : i32
    %dma_wait3A_431 = tpu.memref_slice %arg2[%dma_wait3A_429, %dma_wait3A_430] : memref<10000x128xf32, #tpu.memory_space<hbm>> -> memref<80x128xf32, #tpu.memory_space<hbm>>
    %dma_wait3A_432 = arith.constant 0 : i32
    %dma_wait3A_433 = arith.constant 0 : i32
    %dma_wait3A_434 = tpu.memref_slice %arg2[%dma_wait3A_432, %dma_wait3A_433] : memref<10000x128xf32, #tpu.memory_space<hbm>> -> memref<80x128xf32, #tpu.memory_space<hbm>>
    tpu.wait_dma2 semaphore(%arg12 : memref<!tpu.dma_semaphore, #tpu.memory_space<semaphore_mem>>) src(%dma_wait3A_434 : memref<80x128xf32, #tpu.memory_space<hbm>>) dst(%arg10 : memref<80x128xf32, #tpu.memory_space<vmem>>)
    %run_scoped3A_435 = arith.constant 124 : i32
    "tpu.region"() ({
      %run_scoped3A_437 = tpu.sem_alloc : memref<!tpu.dma_semaphore, #tpu.memory_space<semaphore_mem>>
      %dma_start3A_438 = arith.constant 0 : i32
      %dma_start3A_439 = tpu.memref_slice %arg8[%run_scoped3A_435, %dma_start3A_438] : memref<125x80xi32, #tpu.memory_space<vmem>> -> memref<1x80xi32, #tpu.memory_space<vmem>>
      %dma_start3A_440 = tpu.memref_squeeze %dma_start3A_439 : memref<1x80xi32, #tpu.memory_space<vmem>> -> memref<80xi32, #tpu.memory_space<vmem>>
      %dma_start3A_441 = arith.constant 0 : i32
      %dma_start3A_442 = arith.constant 0 : i32
      %dma_start3A_443 = tpu.memref_slice %arg7[%dma_start3A_441, %dma_start3A_442] : memref<10240x128xf32, #tpu.memory_space<vmem_shared>> -> memref<10240x128xf32, #tpu.memory_space<vmem_shared>>
      tpu.enqueue_indirect_dma source(%arg10 : memref<80x128xf32, #tpu.memory_space<vmem>>) target(%dma_start3A_443 : memref<10240x128xf32, #tpu.memory_space<vmem_shared>>) offsets(%dma_start3A_440 : memref<80xi32, #tpu.memory_space<vmem>>) semaphore(%run_scoped3A_437 : memref<!tpu.dma_semaphore, #tpu.memory_space<semaphore_mem>>) {add = true}
      %dma_wait3A_444 = arith.constant 0 : i32
      %dma_wait3A_445 = tpu.memref_slice %arg8[%run_scoped3A_435, %dma_wait3A_444] : memref<125x80xi32, #tpu.memory_space<vmem>> -> memref<1x80xi32, #tpu.memory_space<vmem>>
      %dma_wait3A_446 = tpu.memref_squeeze %dma_wait3A_445 : memref<1x80xi32, #tpu.memory_space<vmem>> -> memref<80xi32, #tpu.memory_space<vmem>>
      %dma_wait3A_447 = arith.constant 0 : i32
      %dma_wait3A_448 = arith.constant 0 : i32
      %dma_wait3A_449 = tpu.memref_slice %arg7[%dma_wait3A_447, %dma_wait3A_448] : memref<10240x128xf32, #tpu.memory_space<vmem_shared>> -> memref<10240x128xf32, #tpu.memory_space<vmem_shared>>
      tpu.wait_indirect_dma semaphore(%run_scoped3A_437 : memref<!tpu.dma_semaphore, #tpu.memory_space<semaphore_mem>>) src(%arg10 : memref<80x128xf32, #tpu.memory_space<vmem>>) dst(%dma_wait3A_449 : memref<10240x128xf32, #tpu.memory_space<vmem_shared>>)
      tpu.yield
    }) : () -> ()
    %barrier3A_436 = arith.constant 0 : index
    tpu.barrier barrier_id(%barrier3A_436)
    "tpu.region"() ({
      %run_scoped3A_437 = tpu.sem_alloc : memref<!tpu.dma_semaphore, #tpu.memory_space<semaphore_mem>>
      %dma_start3A_438 = arith.constant 0 : i32
      %dma_start3A_439 = tpu.memref_slice %arg5[%arg0, %mul3A_2, %dma_start3A_438] : memref<2x10240x128xf32, #tpu.memory_space<hbm>> -> memref<1x640x128xf32, #tpu.memory_space<hbm>>
      %dma_start3A_440 = tpu.memref_squeeze %dma_start3A_439 : memref<1x640x128xf32, #tpu.memory_space<hbm>> -> memref<640x128xf32, #tpu.memory_space<hbm>>
      %dma_start3A_441 = arith.constant 0 : i32
      %dma_start3A_442 = tpu.memref_slice %arg7[%mul3A_2, %dma_start3A_441] : memref<10240x128xf32, #tpu.memory_space<vmem_shared>> -> memref<640x128xf32, #tpu.memory_space<vmem_shared>>
      tpu.enqueue_dma source(%dma_start3A_442 : memref<640x128xf32, #tpu.memory_space<vmem_shared>>) target(%dma_start3A_440 : memref<640x128xf32, #tpu.memory_space<hbm>>) target_semaphore(%run_scoped3A_437 : memref<!tpu.dma_semaphore, #tpu.memory_space<semaphore_mem>>)
      %dma_wait3A_443 = arith.constant 0 : i32
      %dma_wait3A_444 = tpu.memref_slice %arg5[%arg0, %mul3A_2, %dma_wait3A_443] : memref<2x10240x128xf32, #tpu.memory_space<hbm>> -> memref<1x640x128xf32, #tpu.memory_space<hbm>>
      %dma_wait3A_445 = tpu.memref_squeeze %dma_wait3A_444 : memref<1x640x128xf32, #tpu.memory_space<hbm>> -> memref<640x128xf32, #tpu.memory_space<hbm>>
      %dma_wait3A_446 = arith.constant 0 : i32
      %dma_wait3A_447 = tpu.memref_slice %arg7[%mul3A_2, %dma_wait3A_446] : memref<10240x128xf32, #tpu.memory_space<vmem_shared>> -> memref<640x128xf32, #tpu.memory_space<vmem_shared>>
      tpu.wait_dma2 semaphore(%run_scoped3A_437 : memref<!tpu.dma_semaphore, #tpu.memory_space<semaphore_mem>>) src(%dma_wait3A_447 : memref<640x128xf32, #tpu.memory_space<vmem_shared>>) dst(%dma_wait3A_445 : memref<640x128xf32, #tpu.memory_space<hbm>>)
      tpu.yield
    }) : () -> ()
    return
  }
}

module attributes {stable_mosaic.version = 14 : i64} {
  func.func @_tc_layer_body(%arg0: i32, %arg1: memref<1000x128xf32, #tpu.memory_space<vmem>>, %arg2: memref<2x1000x128xf32, #tpu.memory_space<vmem>>, %arg3: memref<2x1000x128xf32, #tpu.memory_space<vmem>>, %arg4: memref<128x128xf32, #tpu.memory_space<vmem>>, %arg5: memref<128x128xf32, #tpu.memory_space<vmem>>, %arg6: memref<1x128xf32, #tpu.memory_space<vmem>>, %arg7: memref<1000x128xf32, #tpu.memory_space<vmem>>) attributes {dimension_semantics = [#tpu.dimension_semantics<arbitrary>], iteration_bounds = array<i64: 10>, scalar_prefetch = 0 : i64, scratch_operands = 0 : i64, tpu.core_type = #tpu.core_type<tc>, window_params = [{transform_indices = @transform_0, window_bounds = array<i64: 1000, 128>}, {transform_indices = @transform_1, window_bounds = array<i64: 2, 1000, 128>}, {transform_indices = @transform_2, window_bounds = array<i64: 2, 1000, 128>}, {pipeline_mode = #tpu.pipeline_mode<synchronous>, transform_indices = @transform_3, window_bounds = array<i64: 128, 128>}, {pipeline_mode = #tpu.pipeline_mode<synchronous>, transform_indices = @transform_4, window_bounds = array<i64: 128, 128>}, {pipeline_mode = #tpu.pipeline_mode<synchronous>, transform_indices = @transform_5, window_bounds = array<i64: 1, 128>}, {transform_indices = @transform_6, window_bounds = array<i64: 1000, 128>}]} {
    %get3A = arith.constant 0 : index
    %get3A_0 = arith.constant 0 : index
    %get3A_1 = arith.constant 0 : index
    %get3A_2 = vector.load %arg3[%get3A, %get3A_0, %get3A_1] : memref<2x1000x128xf32, #tpu.memory_space<vmem>>, vector<1x1000x1xf32>
    %get3A_3 = vector.shape_cast %get3A_2 : vector<1x1000x1xf32> to vector<1000x1xf32>
    %get3A_4 = arith.constant 1 : index
    %get3A_5 = arith.constant 0 : index
    %get3A_6 = arith.constant 0 : index
    %get3A_7 = vector.load %arg3[%get3A_4, %get3A_5, %get3A_6] : memref<2x1000x128xf32, #tpu.memory_space<vmem>>, vector<1x1000x1xf32>
    %get3A_8 = vector.shape_cast %get3A_7 : vector<1x1000x1xf32> to vector<1000x1xf32>
    %add3A = arith.addf %get3A_3, %get3A_8 : vector<1000x1xf32>
    %max3A = arith.constant 1.000000e+00 : f32
    %max3A_9 = vector.broadcast %max3A : f32 to vector<1000x1xf32>
    %max3A_10 = arith.maximumf %add3A, %max3A_9 : vector<1000x1xf32>
    %div3A = arith.constant 1.000000e+00 : f32
    %div3A_11 = vector.broadcast %div3A : f32 to vector<1000x1xf32>
    %div3A_12 = arith.divf %div3A_11, %max3A_10 : vector<1000x1xf32>
    %get3A_13 = arith.constant 0 : index
    %get3A_14 = arith.constant 0 : index
    %get3A_15 = arith.constant 0 : index
    %get3A_16 = vector.load %arg2[%get3A_13, %get3A_14, %get3A_15] : memref<2x1000x128xf32, #tpu.memory_space<vmem>>, vector<1x1000x128xf32>
    %get3A_17 = vector.shape_cast %get3A_16 : vector<1x1000x128xf32> to vector<1000x128xf32>
    %get3A_18 = arith.constant 1 : index
    %get3A_19 = arith.constant 0 : index
    %get3A_20 = arith.constant 0 : index
    %get3A_21 = vector.load %arg2[%get3A_18, %get3A_19, %get3A_20] : memref<2x1000x128xf32, #tpu.memory_space<vmem>>, vector<1x1000x128xf32>
    %get3A_22 = vector.shape_cast %get3A_21 : vector<1x1000x128xf32> to vector<1000x128xf32>
    %add3A_23 = arith.addf %get3A_17, %get3A_22 : vector<1000x128xf32>
    %mul3A = vector.broadcast %div3A_12 : vector<1000x1xf32> to vector<1000x128xf32>
    %mul3A_24 = arith.mulf %add3A_23, %mul3A : vector<1000x128xf32>
    %get3A_25 = arith.constant 0 : index
    %get3A_26 = arith.constant 0 : index
    %get3A_27 = vector.load %arg1[%get3A_25, %get3A_26] : memref<1000x128xf32, #tpu.memory_space<vmem>>, vector<1000x128xf32>
    %get3A_28 = arith.constant 0 : index
    %get3A_29 = arith.constant 0 : index
    %get3A_30 = vector.load %arg5[%get3A_28, %get3A_29] : memref<128x128xf32, #tpu.memory_space<vmem>>, vector<128x128xf32>
    %dot_general3A = arith.constant dense<0.000000e+00> : vector<1000x128xf32>
    %dot_general3A_31 = tpu.matmul %get3A_27, %get3A_30, %dot_general3A {dimension_numbers = #tpu.dot_dimension_numbers<[1], [1], [0], [0], [0, 0, 1, 0], [], []>, transpose_lhs_hint = false} : vector<1000x128xf32>, vector<128x128xf32>, vector<1000x128xf32> -> vector<1000x128xf32>
    %get3A_32 = arith.constant 0 : index
    %get3A_33 = arith.constant 0 : index
    %get3A_34 = vector.load %arg6[%get3A_32, %get3A_33] : memref<1x128xf32, #tpu.memory_space<vmem>>, vector<1x128xf32>
    %add3A_35 = vector.broadcast %get3A_34 : vector<1x128xf32> to vector<1000x128xf32>
    %add3A_36 = arith.addf %dot_general3A_31, %add3A_35 : vector<1000x128xf32>
    %get3A_37 = arith.constant 0 : index
    %get3A_38 = arith.constant 0 : index
    %get3A_39 = vector.load %arg4[%get3A_37, %get3A_38] : memref<128x128xf32, #tpu.memory_space<vmem>>, vector<128x128xf32>
    %dot_general3A_40 = arith.constant dense<0.000000e+00> : vector<1000x128xf32>
    %dot_general3A_41 = tpu.matmul %mul3A_24, %get3A_39, %dot_general3A_40 {dimension_numbers = #tpu.dot_dimension_numbers<[1], [1], [0], [0], [0, 0, 1, 0], [], []>, transpose_lhs_hint = false} : vector<1000x128xf32>, vector<128x128xf32>, vector<1000x128xf32> -> vector<1000x128xf32>
    %add3A_42 = arith.addf %add3A_36, %dot_general3A_41 : vector<1000x128xf32>
    %max3A_43 = arith.constant 0.000000e+00 : f32
    %max3A_44 = vector.broadcast %max3A_43 : f32 to vector<1000x128xf32>
    %max3A_45 = arith.maximumf %add3A_42, %max3A_44 : vector<1000x128xf32>
    %swap3A = arith.constant 0 : index
    %swap3A_46 = arith.constant 0 : index
    %swap3A_47 = vector.load %arg7[%swap3A, %swap3A_46] : memref<1000x128xf32, #tpu.memory_space<vmem>>, vector<1000x128xf32>
    tpu.vector_store %arg7[%swap3A, %swap3A_46], %max3A_45 {strides = array<i32>} : memref<1000x128xf32, #tpu.memory_space<vmem>>, vector<1000x128xf32>,
    return
  }
  func.func @transform_0(%arg0: i32) -> (i32, i32) {
    %c0_i32 = arith.constant 0 : i32
    %c0_i32_0 = arith.constant 0 : i32
    return %arg0, %c0_i32 : i32, i32
  }
  func.func @transform_1(%arg0: i32) -> (i32, i32, i32) {
    %c0_i32 = arith.constant 0 : i32
    %c0_i32_0 = arith.constant 0 : i32
    %c0_i32_1 = arith.constant 0 : i32
    return %c0_i32, %arg0, %c0_i32_0 : i32, i32, i32
  }
  func.func @transform_2(%arg0: i32) -> (i32, i32, i32) {
    %c0_i32 = arith.constant 0 : i32
    %c0_i32_0 = arith.constant 0 : i32
    %c0_i32_1 = arith.constant 0 : i32
    return %c0_i32, %arg0, %c0_i32_0 : i32, i32, i32
  }
  func.func @transform_3(%arg0: i32) -> (i32, i32) {
    %c0_i32 = arith.constant 0 : i32
    %c0_i32_0 = arith.constant 0 : i32
    %c0_i32_1 = arith.constant 0 : i32
    return %c0_i32, %c0_i32_0 : i32, i32
  }
  func.func @transform_4(%arg0: i32) -> (i32, i32) {
    %c0_i32 = arith.constant 0 : i32
    %c0_i32_0 = arith.constant 0 : i32
    %c0_i32_1 = arith.constant 0 : i32
    return %c0_i32, %c0_i32_0 : i32, i32
  }
  func.func @transform_5(%arg0: i32) -> (i32, i32) {
    %c0_i32 = arith.constant 0 : i32
    %c0_i32_0 = arith.constant 0 : i32
    %c0_i32_1 = arith.constant 0 : i32
    return %c0_i32, %c0_i32_0 : i32, i32
  }
  func.func @transform_6(%arg0: i32) -> (i32, i32) {
    %c0_i32 = arith.constant 0 : i32
    %c0_i32_0 = arith.constant 0 : i32
    return %arg0, %c0_i32 : i32, i32
  }
}

module attributes {stable_mosaic.version = 14 : i64} {
  func.func @_tc_layer_body(%arg0: i32, %arg1: memref<1000x128xf32, #tpu.memory_space<vmem>>, %arg2: memref<2x1000x128xf32, #tpu.memory_space<vmem>>, %arg3: memref<2x1000x128xf32, #tpu.memory_space<vmem>>, %arg4: memref<128x128xf32, #tpu.memory_space<vmem>>, %arg5: memref<128x128xf32, #tpu.memory_space<vmem>>, %arg6: memref<1x128xf32, #tpu.memory_space<vmem>>, %arg7: memref<1000x128xf32, #tpu.memory_space<vmem>>) attributes {dimension_semantics = [#tpu.dimension_semantics<arbitrary>], iteration_bounds = array<i64: 10>, scalar_prefetch = 0 : i64, scratch_operands = 0 : i64, tpu.core_type = #tpu.core_type<tc>, window_params = [{transform_indices = @transform_0, window_bounds = array<i64: 1000, 128>}, {transform_indices = @transform_1, window_bounds = array<i64: 2, 1000, 128>}, {transform_indices = @transform_2, window_bounds = array<i64: 2, 1000, 128>}, {pipeline_mode = #tpu.pipeline_mode<synchronous>, transform_indices = @transform_3, window_bounds = array<i64: 128, 128>}, {pipeline_mode = #tpu.pipeline_mode<synchronous>, transform_indices = @transform_4, window_bounds = array<i64: 128, 128>}, {pipeline_mode = #tpu.pipeline_mode<synchronous>, transform_indices = @transform_5, window_bounds = array<i64: 1, 128>}, {transform_indices = @transform_6, window_bounds = array<i64: 1000, 128>}]} {
    %get3A = arith.constant 0 : index
    %get3A_0 = arith.constant 0 : index
    %get3A_1 = arith.constant 0 : index
    %get3A_2 = vector.load %arg3[%get3A, %get3A_0, %get3A_1] : memref<2x1000x128xf32, #tpu.memory_space<vmem>>, vector<1x1000x1xf32>
    %get3A_3 = vector.shape_cast %get3A_2 : vector<1x1000x1xf32> to vector<1000x1xf32>
    %get3A_4 = arith.constant 1 : index
    %get3A_5 = arith.constant 0 : index
    %get3A_6 = arith.constant 0 : index
    %get3A_7 = vector.load %arg3[%get3A_4, %get3A_5, %get3A_6] : memref<2x1000x128xf32, #tpu.memory_space<vmem>>, vector<1x1000x1xf32>
    %get3A_8 = vector.shape_cast %get3A_7 : vector<1x1000x1xf32> to vector<1000x1xf32>
    %add3A = arith.addf %get3A_3, %get3A_8 : vector<1000x1xf32>
    %max3A = arith.constant 1.000000e+00 : f32
    %max3A_9 = vector.broadcast %max3A : f32 to vector<1000x1xf32>
    %max3A_10 = arith.maximumf %add3A, %max3A_9 : vector<1000x1xf32>
    %div3A = arith.constant 1.000000e+00 : f32
    %div3A_11 = vector.broadcast %div3A : f32 to vector<1000x1xf32>
    %div3A_12 = arith.divf %div3A_11, %max3A_10 : vector<1000x1xf32>
    %get3A_13 = arith.constant 0 : index
    %get3A_14 = arith.constant 0 : index
    %get3A_15 = arith.constant 0 : index
    %get3A_16 = vector.load %arg2[%get3A_13, %get3A_14, %get3A_15] : memref<2x1000x128xf32, #tpu.memory_space<vmem>>, vector<1x1000x128xf32>
    %get3A_17 = vector.shape_cast %get3A_16 : vector<1x1000x128xf32> to vector<1000x128xf32>
    %get3A_18 = arith.constant 1 : index
    %get3A_19 = arith.constant 0 : index
    %get3A_20 = arith.constant 0 : index
    %get3A_21 = vector.load %arg2[%get3A_18, %get3A_19, %get3A_20] : memref<2x1000x128xf32, #tpu.memory_space<vmem>>, vector<1x1000x128xf32>
    %get3A_22 = vector.shape_cast %get3A_21 : vector<1x1000x128xf32> to vector<1000x128xf32>
    %add3A_23 = arith.addf %get3A_17, %get3A_22 : vector<1000x128xf32>
    %mul3A = vector.broadcast %div3A_12 : vector<1000x1xf32> to vector<1000x128xf32>
    %mul3A_24 = arith.mulf %add3A_23, %mul3A : vector<1000x128xf32>
    %get3A_25 = arith.constant 0 : index
    %get3A_26 = arith.constant 0 : index
    %get3A_27 = vector.load %arg1[%get3A_25, %get3A_26] : memref<1000x128xf32, #tpu.memory_space<vmem>>, vector<1000x128xf32>
    %get3A_28 = arith.constant 0 : index
    %get3A_29 = arith.constant 0 : index
    %get3A_30 = vector.load %arg5[%get3A_28, %get3A_29] : memref<128x128xf32, #tpu.memory_space<vmem>>, vector<128x128xf32>
    %dot_general3A = arith.constant dense<0.000000e+00> : vector<1000x128xf32>
    %dot_general3A_31 = tpu.matmul %get3A_27, %get3A_30, %dot_general3A {dimension_numbers = #tpu.dot_dimension_numbers<[1], [1], [0], [0], [0, 0, 1, 0], [], []>, transpose_lhs_hint = false} : vector<1000x128xf32>, vector<128x128xf32>, vector<1000x128xf32> -> vector<1000x128xf32>
    %get3A_32 = arith.constant 0 : index
    %get3A_33 = arith.constant 0 : index
    %get3A_34 = vector.load %arg6[%get3A_32, %get3A_33] : memref<1x128xf32, #tpu.memory_space<vmem>>, vector<1x128xf32>
    %add3A_35 = vector.broadcast %get3A_34 : vector<1x128xf32> to vector<1000x128xf32>
    %add3A_36 = arith.addf %dot_general3A_31, %add3A_35 : vector<1000x128xf32>
    %get3A_37 = arith.constant 0 : index
    %get3A_38 = arith.constant 0 : index
    %get3A_39 = vector.load %arg4[%get3A_37, %get3A_38] : memref<128x128xf32, #tpu.memory_space<vmem>>, vector<128x128xf32>
    %dot_general3A_40 = arith.constant dense<0.000000e+00> : vector<1000x128xf32>
    %dot_general3A_41 = tpu.matmul %mul3A_24, %get3A_39, %dot_general3A_40 {dimension_numbers = #tpu.dot_dimension_numbers<[1], [1], [0], [0], [0, 0, 1, 0], [], []>, transpose_lhs_hint = false} : vector<1000x128xf32>, vector<128x128xf32>, vector<1000x128xf32> -> vector<1000x128xf32>
    %add3A_42 = arith.addf %add3A_36, %dot_general3A_41 : vector<1000x128xf32>
    %swap3A = arith.constant 0 : index
    %swap3A_43 = arith.constant 0 : index
    %swap3A_44 = vector.load %arg7[%swap3A, %swap3A_43] : memref<1000x128xf32, #tpu.memory_space<vmem>>, vector<1000x128xf32>
    tpu.vector_store %arg7[%swap3A, %swap3A_43], %add3A_42 {strides = array<i32>} : memref<1000x128xf32, #tpu.memory_space<vmem>>, vector<1000x128xf32>,
    return
  }
  func.func @transform_0(%arg0: i32) -> (i32, i32) {
    %c0_i32 = arith.constant 0 : i32
    %c0_i32_0 = arith.constant 0 : i32
    return %arg0, %c0_i32 : i32, i32
  }
  func.func @transform_1(%arg0: i32) -> (i32, i32, i32) {
    %c0_i32 = arith.constant 0 : i32
    %c0_i32_0 = arith.constant 0 : i32
    %c0_i32_1 = arith.constant 0 : i32
    return %c0_i32, %arg0, %c0_i32_0 : i32, i32, i32
  }
  func.func @transform_2(%arg0: i32) -> (i32, i32, i32) {
    %c0_i32 = arith.constant 0 : i32
    %c0_i32_0 = arith.constant 0 : i32
    %c0_i32_1 = arith.constant 0 : i32
    return %c0_i32, %arg0, %c0_i32_0 : i32, i32, i32
  }
  func.func @transform_3(%arg0: i32) -> (i32, i32) {
    %c0_i32 = arith.constant 0 : i32
    %c0_i32_0 = arith.constant 0 : i32
    %c0_i32_1 = arith.constant 0 : i32
    return %c0_i32, %c0_i32_0 : i32, i32
  }
  func.func @transform_4(%arg0: i32) -> (i32, i32) {
    %c0_i32 = arith.constant 0 : i32
    %c0_i32_0 = arith.constant 0 : i32
    %c0_i32_1 = arith.constant 0 : i32
    return %c0_i32, %c0_i32_0 : i32, i32
  }
  func.func @transform_5(%arg0: i32) -> (i32, i32) {
    %c0_i32 = arith.constant 0 : i32
    %c0_i32_0 = arith.constant 0 : i32
    %c0_i32_1 = arith.constant 0 : i32
    return %c0_i32, %c0_i32_0 : i32, i32
  }
  func.func @transform_6(%arg0: i32) -> (i32, i32) {
    %c0_i32 = arith.constant 0 : i32
    %c0_i32_0 = arith.constant 0 : i32
    return %arg0, %c0_i32 : i32, i32
  }
}

</mosaic_0001>

<sc_bundles>
// kernel: kernel.6.cloned.1.call-start
scs
__scs_entry_jumppad:
0x0: {  	(pc) =	sbr.rel $0x88, $3  }
0x1: {  	(tag) =	ssettag $0x0;
	lr =	simm.s32 $0x1  }
0x2: {  	[smem:$0x3F99] =	sst lr;
	_ =	strace $0xD0000000  }
0x3: {  	_ = 	snop  }
0x4: {  	_ = 	snop  }
0x5: {  	_ = 	snop  }
0x6: {  	_ = 	snop  }
0x7: {  	_ = 	snop  }
__scs_overlays_trampoline_lowered:
0x8: {  	[smem:$0x3FA8] =	sst s0  }
0x9: {  	[smem:$0x3FA9] =	sst s1  }
0xa: {  	[smem:$0x3FAA] =	sst s2  }
0xb: {  	[smem:$0x3FAB] =	sst s3  }
0xc: {  	[smem:$0x3FAC] =	sst s4  }
0xd: {  	[smem:$0x3FAD] =	sst s5  }
0xe: {  	[smem:$0x3FAE] =	sst s6  }
0xf: {  	[smem:$0x3FAF] =	sst s7  }
0x10: {  	[smem:$0x3FB0] =	sst s8  }
0x11: {  	[smem:$0x3FB1] =	sst s9;
	s0 =	simm.s32 @!p0 $0x0  }
0x12: {  	s1 =	sld [smem:$0x3F97];
	s0 =	simm.s32 @p0 $0x1  }
0x13: {  	[smem:$0x3FB2] =	sst s0;
	s0 =	simm.s32 @!p1 $0x0  }
0x14: {  	s2 =	sld [smem:$0x3F96];
	s0 =	simm.s32 @p1 $0x1  }
0x15: {  	[smem:$0x3FB3] =	sst s0;
	s0 =	simm.s32 @!p2 $0x0  }
0x16: {  	s3 =	sld [smem:$0x3FDB];
	s0 =	simm.s32 @p2 $0x1  }
0x17: {  	s4 =	simm.s32 $0x1BF5;
	[smem:$0x3FB5] =	sst s0  }
0x18: {  	s0 =	sld [smem:$0x3F98];
	_ =	swait.ge [sflag:s4], $0x0  }
0x19: {  	s7 =	sld [smem:$0x3F99]  }
0x1a: {  	s8 =	sadd.s32 $0xFFFFE003, lr  }
0x1b: {  	s9 =	sadd.s32 $0xFFFFFEF7, lr;
	s5 =	simm.s32 $0xFFFFFFFF;
	p2 =	slt.u32 s8, $0xFFFFF086  }
0x1c: {  	p1 =	slt.u32 s9, $0xF7A;
	s5 =	simm.s32 @!p2 $0x0  }
0x1d: {  	s5 =	simm.s32 @p1 $0x1;
	p0 =	seq.s32 s7, s2  }
0x1e: {  	s7 =	smul.u32 @!p0 $0xF7A, s2;
	p2 =	seq.s32 @!p0 s5, $0x0  }
0x1f: {  	s9 =	smul.u32 $0xF7A, s1;
	s8 =	simm.s32 @!p0 $0x1BF5;
	p2 =	por !p2, p0  }
0x20: {  	[sflag:s8] =	ssyncset.s32 @!p0 $0xFFFFF086;
	s6 =	sadd.s32 @!p0 s3, s7;
	s7 =	simm.s32 @!p0 $0x108  }
0x21: {  	s3 =	sadd.s32 s3, s9;
	s6 =	sadd.s32 @!p0 $0x88, s6;
	s7 =	simm.s32 @p2 $0x1082  }
0x22: {  	[simem:s7], [sflag:s8] =	dma.local @!p0 [hbm:s6], $0xF7A  }
0x23: {  	s9 =	sor.u32 $0xD0000000, s2;
	s6 =	simm.s32 $0x108;
	_ =	swait.ge @!p0 [sflag:s8], $0x0  }
0x24: {  	s3 =	sadd.s32 $0x88, s3;
	s6 =	simm.s32 @!p1 $0x1082;
	[sflag:s4] =	ssyncset.s32 $0xFFFFF086  }
0x25: {  	[simem:s6], [sflag:s4] =	dma.local [hbm:s3], $0xF7A  }
0x26: {  	[smem:$0x3F99] =	sst s1;
	(tag) =	ssettag s2;
	_ =	strace s9  }
0x27: {  	s1 =	sld [smem:$0x3FA9]  }
0x28: {  	s2 =	sld [smem:$0x3FAA]  }
0x29: {  	s4 =	sld [smem:$0x3FAC]  }
0x2a: {  	p0 =	seq.s32 s5, $0x0;
	s5 =	sld [smem:$0x3FAD]  }
0x2b: {  	s6 =	sld [smem:$0x3FAE]  }
0x2c: {  	s7 =	sld [smem:$0x3FAF]  }
0x2d: {  	s3 =	simm.s32 $0x108;
	s8 =	sld [smem:$0x3FB0]  }
0x2e: {  	s3 =	simm.s32 @!p0 $0x1082;
	s9 =	sld [smem:$0x3FB1]  }
0x2f: {  	lr =	sadd.s32 s0, s3;
	s0 =	sld [smem:$0x3FA8]  }
0x30: {  	s3 =	sld [smem:$0x3FAB]  }
0x31: {  	[smem:$0x3FB4] =	sst s10  }
0x32: {  	s10 =	sld [smem:$0x3FB2];
	_ =	sdelay $0x3  }
0x33: {  	p0 =	seq.s32 s10, $0x1;
	s10 =	sld [smem:$0x3FB4];
	_ =	sdelay $0x3  }
0x34: {  	[smem:$0x3FB4] =	sst s10  }
0x35: {  	s10 =	sld [smem:$0x3FB3];
	_ =	sdelay $0x3  }
0x36: {  	p1 =	seq.s32 s10, $0x1;
	s10 =	sld [smem:$0x3FB4];
	_ =	sdelay $0x3  }
0x37: {  	[smem:$0x3FB4] =	sst s10  }
0x38: {  	s10 =	sld [smem:$0x3FB5]  }
0x39: {  	_ = 	snop;
	(pc) =	sbr.ind lr, $3  }
0x3a: {  	_ = 	snop  }
0x3b: {  	_ = 	snop  }
0x3c: {  	p2 =	seq.s32 s10, $0x1;
	s10 =	sld [smem:$0x3FB4]  }
0x3d: {  	_ =	shalt  }
0x3e: {  	_ =	shalt  }
0x3f: {  	_ =	shalt  }
0x40: {  	_ =	shalt  }
0x41: {  	_ =	shalt  }
0x42: {  	_ =	shalt  }
0x43: {  	_ =	shalt  }
0x44: {  	_ =	shalt  }
0x45: {  	_ =	shalt  }
0x46: {  	_ =	shalt  }
0x47: {  	_ =	shalt  }
0x48: {  	_ =	shalt  }
0x49: {  	_ =	shalt  }
0x4a: {  	_ =	shalt  }
0x4b: {  	_ =	shalt  }
0x4c: {  	_ =	shalt  }
0x4d: {  	_ =	shalt  }
0x4e: {  	_ =	shalt  }
0x4f: {  	_ =	shalt  }
0x50: {  	_ =	shalt  }
0x51: {  	_ =	shalt  }
0x52: {  	_ =	shalt  }
0x53: {  	_ =	shalt  }
0x54: {  	_ =	shalt  }
0x55: {  	_ =	shalt  }
0x56: {  	_ =	shalt  }
0x57: {  	_ =	shalt  }
0x58: {  	_ =	shalt  }
0x59: {  	_ =	shalt  }
0x5a: {  	_ =	shalt  }
0x5b: {  	_ =	shalt  }
0x5c: {  	_ =	shalt  }
0x5d: {  	_ =	shalt  }
0x5e: {  	_ =	shalt  }
0x5f: {  	_ =	shalt  }
0x60: {  	_ =	shalt  }
0x61: {  	_ =	shalt  }
0x62: {  	_ =	shalt  }
0x63: {  	_ =	shalt  }
0x64: {  	_ =	shalt  }
0x65: {  	_ =	shalt  }
0x66: {  	_ =	shalt  }
0x67: {  	_ =	shalt  }
0x68: {  	_ =	shalt  }
0x69: {  	_ =	shalt  }
0x6a: {  	_ =	shalt  }
0x6b: {  	_ =	shalt  }
0x6c: {  	_ =	shalt  }
0x6d: {  	_ =	shalt  }
0x6e: {  	_ =	shalt  }
0x6f: {  	_ =	shalt  }
0x70: {  	_ =	shalt  }
0x71: {  	_ =	shalt  }
0x72: {  	_ =	shalt  }
0x73: {  	_ =	shalt  }
0x74: {  	_ =	shalt  }
0x75: {  	_ =	shalt  }
0x76: {  	_ =	shalt  }
0x77: {  	_ =	shalt  }
0x78: {  	_ =	shalt  }
0x79: {  	_ =	shalt  }
0x7a: {  	_ =	shalt  }
0x7b: {  	_ =	shalt  }
0x7c: {  	_ =	shalt  }
0x7d: {  	_ =	shalt  }
0x7e: {  	_ =	shalt  }
0x7f: {  	_ =	shalt  }
0x80: {  	_ =	shalt  }
0x81: {  	_ =	shalt  }
0x82: {  	_ =	shalt  }
0x83: {  	_ =	shalt  }
0x84: {  	_ =	shalt  }
0x85: {  	_ =	shalt  }
0x86: {  	_ =	shalt  }
0x87: {  	_ =	shalt  }
.Lfunc_end0:
.L_simem_size_0:
called_computation_lowered:
.L_overlay_start_0:
0x88: {  	s2 =	sld [smem:$0x3FD9]  }
0x89: {  	s3 =	sld [smem:$0x3FFE];
	_ =	sdelay $0x1  }
0x8a: {  	s1 =	srdreg.scid  }
0x8b: {  	s0 =	sand.u32 $0x1, s1  }
0x8c: {  	s17 =	sshll.u32 s0, $0xA;
	s2 =	sadd.s32 s3, s2  }
0x8d: {  	s2 =	sadd.s32 s2, s17  }
0x8e: {  	[smem:$0x3FC0] =	sst s2  }
0x8f: {  	_ = 	snop  }
0x90: {  	s2 =	sld [smem:$0x3FC9];
	(tm) =	ssettm $0x1  }
0x91: {  	s18 =	sld [smem:$0x3FFB];
	_ =	sdelay $0x3  }
0x92: {  	_ =	strace s18  }
0x93: {  	s3 =	sld [smem:$0x3FFC];
	_ =	sdelay $0x3  }
0x94: {  	_ =	strace s3  }
0x95: {  	s3 =	sld [smem:$0x3FFD];
	_ =	sdelay $0x3  }
0x96: {  	_ =	strace s3  }
0x97: {  	_ =	strace $0x8FFFFFFF  }
0x98: {  	s19 =	sld [smem:$0x3FDB];
	_ =	sdelay $0x1  }
0x99: {  	s4 =	simm.s32 $_scs_section_size  }
0x9a: {  	s5 =	simm.s32 $_size__tile_overlayer_lowered;
	s6 =	simm.s32 $_tile_overlayer_lowered  }
0x9b: {  	s22 =	simm.s32 $0x1BFF;
	s21 =	sshll.u32 s6, $0x1;
	s3 =	sadd.s32 s4, s19  }
0x9c: {  	s7 =	simm.s32 $0x0;
	s20 =	sshll.u32 s5, $0x1;
	s5 =	sadd.s32 s21, s3  }
0x9d: {  	[timem:s7], [sflag:s22] =	dma.local [hbm:s5], s20  }
0x9e: {  	_ =	swait.ge [sflag:s22], s20  }
0x9f: {  	s4 =	ssub.s32 $0x0, s20;
	[sflag:s22] =	ssyncset.done $0x0  }
0xa0: {  	[sflag:s22] =	ssyncadd.s32 s4;
	_ =	sdelay $0x1  }
0xa1: {  	s23 =	simm.s32 $0x1B8B  }
0xa2: {  	_ =	swait.ge [sflag:s23], $0x1  }
0xa3: {  	[sflag:s23] =	ssyncset.done $0x0  }
0xa4: {  	s25 =	simm.s32 $0x1B8E;
	s24 =	sld [smem:$0x3FFE];
	[sflag:s23] =	ssyncadd.s32 $0xFFFFFFFF  }
0xa5: {  	s26 =	simm.s32 $execute0_lowered;
	[smem:$0x3FD2] =	sst s25  }
0xa6: {  	s5 =	sshll.u32 s26, $0x1;
	_ =	strace $0x80000046;
	[dreg:$0x1] =	wrdreg $0xFFFFFFFF  }
0xa7: {  	s28 =	simm.s32 $_size_execute0_lowered;
	s3 =	sadd.s32 s3, s5;
	[dreg:$0x0] =	wrdreg $0x0  }
0xa8: {  	s5 =	sshll.u32 s28, $0x1;
	[dreg:$0x2] =	wrdreg s3  }
0xa9: {  	[dreg:$0x3] =	wrdreg s5  }
0xaa: {  	[dreg:$0x4] =	wrdreg $0xC0  }
0xab: {  	_ =	task [dreg:s7], $0x5FFFF  }
0xac: {  	[dreg:$0x1] =	wrdreg $0xFFFFFFFF  }
0xad: {  	[dreg:$0x0] =	wrdreg $0x60  }
0xae: {  	[dreg:$0x2] =	wrdreg s2  }
0xaf: {  	[dreg:$0x3] =	wrdreg s24  }
0xb0: {  	[dreg:$0x4] =	wrdreg $0x0  }
0xb1: {  	[dreg:$0x5] =	wrdreg $0x9  }
0xb2: {  	_ =	task.clear_ibuf [dreg:s7], $0x6FFFF;
	_ =	strace $0x90000046  }
0xb3: {  	s29 =	simm.s32 $0x9;
	_ =	strace $0x80000048  }
0xb4: {  	_ =	swait.ge [sflag:s29], $0x1  }
0xb5: {  	[sflag:s29] =	ssyncadd.s32 $0xFFFFFFFF  }
0xb6: {  	_ =	strace $0x90000048  }
0xb7: {  	_ =	sfence  }
0xb8: {  	s30 =	sld [smem:$0x0];
	_ =	sdelay $0x2  }
0xb9: {  	s31 =	sshll.u32 s1, $0xD;
	s1 =	sshrl.u32 s1, $0x2  }
0xba: {  	s3 =	sand.u32 $0x4000, s31;
	s1 =	sadd.s32 s1, s30  }
0xbb: {  	s0 =	sor.u32 s3, s0;
	s1 =	sshll.u32 s1, $0x11  }
0xbc: {  	s0 =	sor.u32 s1, s0  }
0xbd: {  	s0 =	sadd.s32 $0x8F2B, s0  }
0xbe: {  	[sflag:s0] =	ssyncadd.remote.s32 $0x1  }
0xbf: {  	_ =	sfence.sel $0xFFFF  }
0xc0: {  	[dreg:$0x0] =	wrdreg $0xFFFFFFFF;
	(pc) =	sbr.abs _section_cstart, $3  }
0xc1: {  	[dreg:$0x1] =	wrdreg $0xFFFFFFFF  }
0xc2: {  	_ =	task.clear_ibuf [dreg:s7], $0x2FFFF;
	_ =	strace $0x9FFFFFFF  }
0xc3: {  	(tm) =	ssettm $0x7FFFFFFF  }
tec
execute0_lowered:
.L_overlay_start_1:
0x0: {  	(tag) =	ssettag $0x1  }
0x1: {  	s1 =	rddreg [dreg:$0x0]  }
0x2: {  	s0 =	srdreg.scid;
	s2 =	rddreg [dreg:$0x1]  }
0x3: {  	s9 =	stileid.u32;
	s3 =	rddreg [dreg:$0x2]  }
0x4: {  	s28 =	simm.s32 $0x1B000;
	s29 =	simm.s32 $0x2;
	s30 =	simm.s32 $0x18000  }
0x5: {  	s31 =	simm.s32 $0x18050;
	s0 =	sand.u32 $0x1, s0;
	s8 =	smul.u32 $0x14000, s9  }
0x6: {  	s4 =	sshll.u32 s0, $0x4;
	s7 =	smul.u32 $0x140000, s0;
	s0 =	ssub.s32 $0x2, s0  }
0x7: {  	s5 =	sor.u32 s9, s4;
	s4 =	simm.s32 $0x0;
	s9 =	smul.u32 $0x50000, s9  }
0x8: {  	s20 =	sshrl.u32 s0, $0x1;
	s6 =	smul.u32 $0x2710, s5;
	[smem:$0x7FF] =	sst s4  }
0x9: {  	s5 =	sshll.u32 s5, $0xB;
	s19 =	sadd.s32 s8, s7;
	s0 =	ssub.s32 s0, s20  }
0xa: {  	_ =	strace $0x80000047;
	s10 =	sadd.s32 s5, s2;
	s5 =	sshrl.u32 s19, $0x3  }
0xb: {  	s21 =	sshrl.u32 s9, $0x2;
	s6 =	sshrl.u32 s6, $0x3;
	s22 =	sadd.s32 $0xBE00, s10  }
0xc: {  	s6 =	sadd.s32 s6, s2;
	s2 =	sadd.s32 s5, s2;
	s5 =	sadd.s32 s21, s3  }
0xd: {  	[dreg:$0x4] =	wrdreg s22;
	s21 =	smax.u32 s0, $0x1;
	s22 =	simm.s32 $0x18780  }
0xe: {  	s7 =	sadd.s32 $0x2800, s5;
	s8 =	sadd.s32 $0x5000, s5;
	s9 =	sadd.s32 $0x7800, s5  }
0xf: {  	s10 =	sadd.s32 $0xA000, s5;
	s11 =	sadd.s32 $0xC800, s5;
	s14 =	sadd.s32 $0x6BE00, s2  }
0x10: {  	s12 =	sadd.s32 $0xF000, s5;
	s23 =	sadd.s32 $0x2000, s6;
	[dreg:$0x5] =	wrdreg s14  }
0x11: {  	s13 =	sadd.s32 $0x11800, s5;
	s24 =	sadd.s32 $0x20FA, s6;
	[dreg:$0x6] =	wrdreg s23  }
0x12: {  	s25 =	sadd.s32 $0x21F4, s6;
	s26 =	sadd.s32 $0x22EE, s6;
	[dreg:$0x7] =	wrdreg s24  }
0x13: {  	s19 =	sadd.s32 $0x23E8, s6;
	s20 =	sadd.s32 $0x1BE00, s2;
	[dreg:$0x8] =	wrdreg s25  }
0x14: {  	s2 =	simm.s32 $0x0;
	[dreg:$0x9] =	wrdreg s26;
	s23 =	simm.s32 $0x3  }
0x15: {  	v0 =	vimm.f32 $0.0e+00;
	v1 =	vimm.f32 $1.000000000e+00;
	s24 =	simm.s32 $0x18800;
	s25 =	simm.s32 $0x1;
	s26 =	simm.s32 $0x50  }
.LBB2_1:
0x16: {  	s0 =	rddreg [dreg:$0x4];
	s6 =	simm.s32 $0x14000  }
0x17: {  	[tilespmem:s6], [sflag:$0x3] =	stream.linear.gather [hbm4b:s0+s4], $0x3E80, $0x38;
	[tilespmem:$0x1D800] =	vst v63  }
0x18: {  	s17 =	sand.u32 $0xFE00, s4;
	s18 =	sand.u32 $0x70, s4;
	_ =	swait.ge [sflag:s23], $0x3E80  }
0x19: {  	s14 =	sshrl.u32 s17, $0x2;
	s0 =	simm.s32 $0x40;
	[sflag:s23] =	ssyncset.done $0x0  }
0x1a: {  	s6 =	simm.s32 $0x0;
	s14 =	sor.u32 s18, s14;
	[sflag:s23] =	ssyncadd.s32 $0xFFFFC180  }
.LBB2_2:
0x1b: {  	p0 =	sne.s32 s0, $0x9FC0  }
0x1c: {  	[tilespmem:s14+$0x18800] =	vst v0;
	s6 =	sadd.s32 $0x10, s6;
	s14 =	smov.u32 s0;
	s0 =	sadd.s32 $0x40, s0  }
.Ltmp0:
0x1d: {  	(pc) =	sbr.rel @p0 .LBB2_2-.Ltmp0, $4  }
0x1e: {  	_ = 	snop  }
0x1f: {  	s14 =	sand.u32 $0xFE00, s14  }
0x20: {  	s15 =	sand.u32 $0x70, s6;
	s14 =	sshrl.u32 s14, $0x2  }
0x21: {  	s14 =	sor.u32 s15, s14  }
0x22: {  	[tilespmem:s14+$0x18800] =	vst v0  }
0x23: {  	[spmem:s5] =	stream.linear.scatter [tilespmem:s24], [sflag:$0x1], $0x2800, $0x38;
	[tilespmem:$0x1D800] =	vst v63  }
0x24: {  	_ = 	snop  }
0x25: {  	[spmem:s7] =	stream.linear.scatter [tilespmem:s24], [sflag:$0x1], $0x2800, $0x38;
	[tilespmem:$0x1D800] =	vst v63  }
0x26: {  	_ = 	snop  }
0x27: {  	[spmem:s8] =	stream.linear.scatter [tilespmem:s24], [sflag:$0x1], $0x2800, $0x38;
	[tilespmem:$0x1D800] =	vst v63  }
0x28: {  	_ = 	snop  }
0x29: {  	[spmem:s9] =	stream.linear.scatter [tilespmem:s24], [sflag:$0x1], $0x2800, $0x38;
	[tilespmem:$0x1D800] =	vst v63  }
0x2a: {  	_ = 	snop  }
0x2b: {  	[spmem:s10] =	stream.linear.scatter [tilespmem:s24], [sflag:$0x1], $0x2800, $0x38;
	[tilespmem:$0x1D800] =	vst v63  }
0x2c: {  	_ = 	snop  }
0x2d: {  	[spmem:s11] =	stream.linear.scatter [tilespmem:s24], [sflag:$0x1], $0x2800, $0x38;
	[tilespmem:$0x1D800] =	vst v63  }
0x2e: {  	_ = 	snop  }
0x2f: {  	[spmem:s12] =	stream.linear.scatter [tilespmem:s24], [sflag:$0x1], $0x2800, $0x38;
	[tilespmem:$0x1D800] =	vst v63  }
0x30: {  	_ = 	snop  }
0x31: {  	[spmem:s13] =	stream.linear.scatter [tilespmem:s24], [sflag:$0x1], $0x2800, $0x38;
	[tilespmem:$0x1D800] =	vst v63  }
0x32: {  	_ =	swait.ge [sflag:s25], $0x2800  }
0x33: {  	[sflag:s25] =	ssyncset.done $0x0  }
0x34: {  	[sflag:s25] =	ssyncadd.s32 $0xFFFFD800  }
0x35: {  	_ =	swait.ge [sflag:s25], $0x2800  }
0x36: {  	[sflag:s25] =	ssyncset.done $0x0  }
0x37: {  	[sflag:s25] =	ssyncadd.s32 $0xFFFFD800  }
0x38: {  	_ =	swait.ge [sflag:s25], $0x2800  }
0x39: {  	[sflag:s25] =	ssyncset.done $0x0  }
0x3a: {  	[sflag:s25] =	ssyncadd.s32 $0xFFFFD800  }
0x3b: {  	_ =	swait.ge [sflag:s25], $0x2800  }
0x3c: {  	[sflag:s25] =	ssyncset.done $0x0  }
0x3d: {  	[sflag:s25] =	ssyncadd.s32 $0xFFFFD800  }
0x3e: {  	_ =	swait.ge [sflag:s25], $0x2800  }
0x3f: {  	[sflag:s25] =	ssyncset.done $0x0  }
0x40: {  	[sflag:s25] =	ssyncadd.s32 $0xFFFFD800  }
0x41: {  	_ =	swait.ge [sflag:s25], $0x2800  }
0x42: {  	[sflag:s25] =	ssyncset.done $0x0  }
0x43: {  	[sflag:s25] =	ssyncadd.s32 $0xFFFFD800  }
0x44: {  	_ =	swait.ge [sflag:s25], $0x2800  }
0x45: {  	[sflag:s25] =	ssyncset.done $0x0  }
0x46: {  	s0 =	simm.s32 $0x0;
	[sflag:s25] =	ssyncadd.s32 $0xFFFFD800  }
0x47: {  	s6 =	sand.u32 $0xFE00, s0;
	_ =	swait.ge [sflag:s25], $0x2800  }
0x48: {  	s18 =	sand.u32 $0x70, s0;
	s15 =	sshrl.u32 s6, $0x2;
	[sflag:s25] =	ssyncset.done $0x0  }
0x49: {  	s6 =	simm.s32 $0x40;
	s14 =	sor.u32 s18, s15;
	[sflag:s25] =	ssyncadd.s32 $0xFFFFD800  }
.LBB2_4:
0x4a: {  	p0 =	sne.s32 s6, $0x9FC0  }
0x4b: {  	[tilespmem:s14+$0x1B000] =	vst v1;
	s0 =	sadd.s32 $0x10, s0;
	s14 =	smov.u32 s6;
	s6 =	sadd.s32 $0x40, s6  }
.Ltmp1:
0x4c: {  	(pc) =	sbr.rel @p0 .LBB2_4-.Ltmp1, $4  }
0x4d: {  	_ = 	snop  }
0x4e: {  	s14 =	sand.u32 $0xFE00, s14  }
0x4f: {  	s15 =	sand.u32 $0x70, s0;
	s14 =	sshrl.u32 s14, $0x2  }
0x50: {  	s14 =	sor.u32 s15, s14  }
0x51: {  	[tilespmem:s14+$0x1B000] =	vst v1;
	p0 =	por $0x1, $0x1  }
0x52: {  	s0 =	simm.s32 $0x14000;
	[bflag:$0x0] =	sbarrier.arrive $0xFFFF;
	s14 =	simm.s32 @!p0 $0x2  }
0x53: {  	[spmem:s3] =	stream.indirect.scatter.add.f32 [tilespmem:s28], [sflag:$0x2], $0x80, s0, s26, $0xb8;
	[tilespmem:$0x1D800] =	vst v63  }
0x54: {  	_ =	swait.ge @!p0 [sflag:s14], $0x2800  }
0x55: {  	s6 =	simm.s32 $0x1;
	[sflag:s14] =	ssyncset.done @!p0 $0x0  }
.LBB2_6:
0x56: {  	[sflag:s14] =	ssyncadd.s32 @!p0 $0xFFFFD800  }
0x57: {  	s0 =	sadd.s32 $0x80, s0;
	s14 =	smov.u32 s6;
	s6 =	sadd.s32 $0x1, s6  }
0x58: {  	p1 =	sne.s32 s6, $0x7D  }
0x59: {  	[spmem:s3] =	stream.indirect.scatter.add.f32 [tilespmem:s28], [sflag:$0x2], $0x80, s0, s26, $0xb8;
	[tilespmem:$0x1D800] =	vst v63  }
.Ltmp2:
0x5a: {  	_ = 	snop;
	(pc) =	sbr.rel @p1 .LBB2_6-.Ltmp2, $4  }
0x5b: {  	p0 =	slt.u32 s14, $0x8  }
0x5c: {  	s14 =	simm.s32 @!p0 $0x2  }
0x5d: {  	_ =	swait.ge @!p0 [sflag:s14], $0x2800  }
0x5e: {  	[sflag:s14] =	ssyncset.done @!p0 $0x0  }
0x5f: {  	[sflag:s14] =	ssyncadd.s32 @!p0 $0xFFFFD800  }
0x60: {  	_ =	swait.ge [sflag:s29], $0x2800  }
0x61: {  	[sflag:s29] =	ssyncset.done $0x0  }
0x62: {  	[sflag:s29] =	ssyncadd.s32 $0xFFFFD800  }
0x63: {  	_ =	swait.ge [sflag:s29], $0x2800  }
0x64: {  	[sflag:s29] =	ssyncset.done $0x0  }
0x65: {  	[sflag:s29] =	ssyncadd.s32 $0xFFFFD800  }
0x66: {  	_ =	swait.ge [sflag:s29], $0x2800  }
0x67: {  	[sflag:s29] =	ssyncset.done $0x0  }
0x68: {  	[sflag:s29] =	ssyncadd.s32 $0xFFFFD800  }
0x69: {  	_ =	swait.ge [sflag:s29], $0x2800  }
0x6a: {  	[sflag:s29] =	ssyncset.done $0x0  }
0x6b: {  	[sflag:s29] =	ssyncadd.s32 $0xFFFFD800  }
0x6c: {  	_ =	swait.ge [sflag:s29], $0x2800  }
0x6d: {  	[sflag:s29] =	ssyncset.done $0x0  }
0x6e: {  	[sflag:s29] =	ssyncadd.s32 $0xFFFFD800  }
0x6f: {  	_ =	swait.ge [sflag:s29], $0x2800  }
0x70: {  	[sflag:s29] =	ssyncset.done $0x0  }
0x71: {  	[sflag:s29] =	ssyncadd.s32 $0xFFFFD800  }
0x72: {  	_ =	swait.ge [sflag:s29], $0x2800  }
0x73: {  	[sflag:s29] =	ssyncset.done $0x0  }
0x74: {  	[sflag:s29] =	ssyncadd.s32 $0xFFFFD800  }
0x75: {  	_ =	swait.ge [sflag:s29], $0x2800  }
0x76: {  	[sflag:s29] =	ssyncset.done $0x0  }
0x77: {  	s0 =	stileid.u32;
	[sflag:s29] =	ssyncadd.s32 $0xFFFFD800  }
0x78: {  	s0 =	sshll.u32 s0, $0x6;
	[bflag:$0x0] =	sbarrier.arrive $0xFFFF  }
0x79: {  	s6 =	sshrl.u32 s5, $0x3;
	s0 =	sor.u32 $0x1C03, s0;
	s18 =	rddreg [dreg:$0x5]  }
0x7a: {  	[hbm:s18], [sflag:s0] =	dma.local [spmem:s6], $0x2800  }
0x7b: {  	s14 =	simm.s32 $0x0;
	_ =	swait.ge [sflag:s23], $0x2800  }
0x7c: {  	s15 =	sand.u32 $0xFE00, s14;
	[sflag:s23] =	ssyncset.done $0x0  }
0x7d: {  	s16 =	sand.u32 $0x70, s14;
	s17 =	sshrl.u32 s15, $0x2;
	[sflag:s23] =	ssyncadd.s32 $0xFFFFD800  }
0x7e: {  	s15 =	simm.s32 $0x40;
	s16 =	sor.u32 s16, s17;
	[bflag:$0x0] =	sbarrier.arrive $0xFFFF  }
.LBB2_8:
0x7f: {  	p0 =	sne.s32 s15, $0x9FC0  }
0x80: {  	[tilespmem:s16+$0x18800] =	vst v0;
	s14 =	sadd.s32 $0x10, s14;
	s16 =	smov.u32 s15;
	s15 =	sadd.s32 $0x40, s15  }
.Ltmp3:
0x81: {  	(pc) =	sbr.rel @p0 .LBB2_8-.Ltmp3, $4  }
0x82: {  	_ = 	snop  }
0x83: {  	s16 =	sand.u32 $0xFE00, s16  }
0x84: {  	s17 =	sand.u32 $0x70, s14;
	s16 =	sshrl.u32 s16, $0x2  }
0x85: {  	s16 =	sor.u32 s17, s16  }
0x86: {  	[tilespmem:s16+$0x18800] =	vst v0  }
0x87: {  	[spmem:s5] =	stream.linear.scatter [tilespmem:s24], [sflag:$0x1], $0x2800, $0x38;
	[tilespmem:$0x1D800] =	vst v63  }
0x88: {  	_ = 	snop  }
0x89: {  	[spmem:s7] =	stream.linear.scatter [tilespmem:s24], [sflag:$0x1], $0x2800, $0x38;
	[tilespmem:$0x1D800] =	vst v63  }
0x8a: {  	_ = 	snop  }
0x8b: {  	[spmem:s8] =	stream.linear.scatter [tilespmem:s24], [sflag:$0x1], $0x2800, $0x38;
	[tilespmem:$0x1D800] =	vst v63  }
0x8c: {  	_ = 	snop  }
0x8d: {  	[spmem:s9] =	stream.linear.scatter [tilespmem:s24], [sflag:$0x1], $0x2800, $0x38;
	[tilespmem:$0x1D800] =	vst v63  }
0x8e: {  	_ = 	snop  }
0x8f: {  	[spmem:s10] =	stream.linear.scatter [tilespmem:s24], [sflag:$0x1], $0x2800, $0x38;
	[tilespmem:$0x1D800] =	vst v63  }
0x90: {  	_ = 	snop  }
0x91: {  	[spmem:s11] =	stream.linear.scatter [tilespmem:s24], [sflag:$0x1], $0x2800, $0x38;
	[tilespmem:$0x1D800] =	vst v63  }
0x92: {  	_ = 	snop  }
0x93: {  	[spmem:s12] =	stream.linear.scatter [tilespmem:s24], [sflag:$0x1], $0x2800, $0x38;
	[tilespmem:$0x1D800] =	vst v63  }
0x94: {  	_ = 	snop  }
0x95: {  	[spmem:s13] =	stream.linear.scatter [tilespmem:s24], [sflag:$0x1], $0x2800, $0x38;
	[tilespmem:$0x1D800] =	vst v63  }
0x96: {  	_ =	swait.ge [sflag:s25], $0x2800  }
0x97: {  	[sflag:s25] =	ssyncset.done $0x0  }
0x98: {  	[sflag:s25] =	ssyncadd.s32 $0xFFFFD800  }
0x99: {  	_ =	swait.ge [sflag:s25], $0x2800  }
0x9a: {  	[sflag:s25] =	ssyncset.done $0x0  }
0x9b: {  	[sflag:s25] =	ssyncadd.s32 $0xFFFFD800  }
0x9c: {  	_ =	swait.ge [sflag:s25], $0x2800  }
0x9d: {  	[sflag:s25] =	ssyncset.done $0x0  }
0x9e: {  	[sflag:s25] =	ssyncadd.s32 $0xFFFFD800  }
0x9f: {  	_ =	swait.ge [sflag:s25], $0x2800  }
0xa0: {  	[sflag:s25] =	ssyncset.done $0x0  }
0xa1: {  	[sflag:s25] =	ssyncadd.s32 $0xFFFFD800  }
0xa2: {  	_ =	swait.ge [sflag:s25], $0x2800  }
0xa3: {  	[sflag:s25] =	ssyncset.done $0x0  }
0xa4: {  	[sflag:s25] =	ssyncadd.s32 $0xFFFFD800  }
0xa5: {  	_ =	swait.ge [sflag:s25], $0x2800  }
0xa6: {  	[sflag:s25] =	ssyncset.done $0x0  }
0xa7: {  	[sflag:s25] =	ssyncadd.s32 $0xFFFFD800  }
0xa8: {  	_ =	swait.ge [sflag:s25], $0x2800  }
0xa9: {  	[sflag:s25] =	ssyncset.done $0x0  }
0xaa: {  	[sflag:s25] =	ssyncadd.s32 $0xFFFFD800  }
0xab: {  	_ =	swait.ge [sflag:s25], $0x2800  }
0xac: {  	[sflag:s25] =	ssyncset.done $0x0  }
0xad: {  	[sflag:s25] =	ssyncadd.s32 $0xFFFFD800  }
0xae: {  	[bflag:$0x0] =	sbarrier.arrive $0xFFFF  }
0xaf: {  	s14 =	simm.s32 $0x0;
	s15 =	rddreg [dreg:$0x6]  }
0xb0: {  	[tilespmem:s30], [sflag:$0x3] =	stream.linear.gather [hbm4b:s15+s14], $0x7D0, $0x38;
	[tilespmem:$0x1D800] =	vst v63  }
0xb1: {  	_ =	swait.ge [sflag:s23], $0x7D0  }
0xb2: {  	[sflag:s23] =	ssyncset.done $0x0  }
0xb3: {  	[sflag:s23] =	ssyncadd.s32 $0xFFFFF830  }
0xb4: {  	[tilespmem:s24], [sflag:$0x1] =	stream.indirect.gather [hbm4b:s1+s26], $0x80, s30, s26, $0xb8;
	[tilespmem:$0x1D800] =	vst v63  }
0xb5: {  	_ = 	snop  }
0xb6: {  	[tilespmem:s28], [sflag:$0x2] =	stream.indirect.gather [hbm4b:s1+s26], $0x80, s31, s26, $0xb8;
	[tilespmem:$0x1D800] =	vst v63  }
0xb7: {  	_ =	swait.ge [sflag:s25], $0x2800  }
0xb8: {  	[sflag:s25] =	ssyncset.done $0x0  }
0xb9: {  	s16 =	simm.s32 $0x14000;
	[sflag:s25] =	ssyncadd.s32 $0xFFFFD800  }
0xba: {  	[spmem:s3] =	stream.indirect.scatter.add.f32 [tilespmem:s24], [sflag:$0x3], $0x80, s16, s26, $0xb8;
	[tilespmem:$0x1D800] =	vst v63  }
0xbb: {  	_ =	swait.ge [sflag:s23], $0x2800  }
0xbc: {  	[sflag:s23] =	ssyncset.done $0x0  }
0xbd: {  	s17 =	simm.s32 $0x180A0;
	[sflag:s23] =	ssyncadd.s32 $0xFFFFD800  }
0xbe: {  	[tilespmem:s24], [sflag:$0x1] =	stream.indirect.gather [hbm4b:s1+s26], $0x80, s17, s26, $0xb8;
	[tilespmem:$0x1D800] =	vst v63  }
0xbf: {  	_ =	swait.ge [sflag:s29], $0x2800  }
0xc0: {  	[sflag:s29] =	ssyncset.done $0x0  }
0xc1: {  	s18 =	simm.s32 $0x14080;
	[sflag:s29] =	ssyncadd.s32 $0xFFFFD800  }
0xc2: {  	[spmem:s3] =	stream.indirect.scatter.add.f32 [tilespmem:s28], [sflag:$0x3], $0x80, s18, s26, $0xb8;
	[tilespmem:$0x1D800] =	vst v63  }
0xc3: {  	_ =	swait.ge [sflag:s23], $0x2800  }
0xc4: {  	s14 =	simm.s32 $0x180F0;
	[sflag:s23] =	ssyncset.done $0x0  }
0xc5: {  	s15 =	simm.s32 $0x400;
	s16 =	simm.s32 $0x18190;
	[sflag:s23] =	ssyncadd.s32 $0xFFFFD800  }
.LBB2_10:
0xc6: {  	[tilespmem:s28], [sflag:$0x2] =	stream.indirect.gather [hbm4b:s1+s26], $0x80, s14, s26, $0xb8;
	[tilespmem:$0x1D800] =	vst v63  }
0xc7: {  	s17 =	smov.u32 s15;
	s14 =	smov.u32 s16  }
0xc8: {  	p0 =	sne.s32 s15, $0x2800;
	s15 =	sadd.s32 $0x400, s15;
	_ =	swait.ge [sflag:s25], $0x2800  }
0xc9: {  	s17 =	sshra.s32 s17, $0x2;
	[sflag:s25] =	ssyncset.done $0x0  }
0xca: {  	s18 =	sadd.s32 $0x14000, s17;
	[sflag:s25] =	ssyncadd.s32 $0xFFFFD800  }
0xcb: {  	[spmem:s3] =	stream.indirect.scatter.add.f32 [tilespmem:s24], [sflag:$0x3], $0x80, s18, s26, $0xb8;
	[tilespmem:$0x1D800] =	vst v63  }
0xcc: {  	_ =	swait.ge [sflag:s23], $0x2800  }
0xcd: {  	[sflag:s23] =	ssyncset.done $0x0  }
0xce: {  	s18 =	sadd.s32 $0xFFFFFFB0, s16;
	[sflag:s23] =	ssyncadd.s32 $0xFFFFD800  }
0xcf: {  	[tilespmem:s24], [sflag:$0x1] =	stream.indirect.gather [hbm4b:s1+s26], $0x80, s18, s26, $0xb8;
	[tilespmem:$0x1D800] =	vst v63  }
0xd0: {  	_ =	swait.ge [sflag:s29], $0x2800  }
0xd1: {  	[sflag:s29] =	ssyncset.done $0x0  }
.Ltmp4:
0xd2: {  	s17 =	sadd.s32 $0x14080, s17;
	[sflag:s29] =	ssyncadd.s32 $0xFFFFD800;
	(pc) =	sbr.rel @p0 .LBB2_10-.Ltmp4, $4  }
0xd3: {  	[spmem:s3] =	stream.indirect.scatter.add.f32 [tilespmem:s28], [sflag:$0x3], $0x80, s17, s26, $0xb8;
	[tilespmem:$0x1D800] =	vst v63  }
0xd4: {  	_ =	swait.ge [sflag:s23], $0x2800  }
0xd5: {  	[sflag:s23] =	ssyncset.done $0x0  }
0xd6: {  	s16 =	sadd.s32 $0xA0, s16;
	[sflag:s23] =	ssyncadd.s32 $0xFFFFD800  }
0xd7: {  	[tilespmem:s28], [sflag:$0x2] =	stream.indirect.gather [hbm4b:s1+s26], $0x80, s14, s26, $0xb8;
	[tilespmem:$0x1D800] =	vst v63  }
0xd8: {  	_ =	swait.ge [sflag:s25], $0x2800  }
0xd9: {  	[sflag:s25] =	ssyncset.done $0x0  }
0xda: {  	s16 =	simm.s32 $0x14B00;
	[sflag:s25] =	ssyncadd.s32 $0xFFFFD800  }
0xdb: {  	[spmem:s3] =	stream.indirect.scatter.add.f32 [tilespmem:s24], [sflag:$0x3], $0x80, s16, s26, $0xb8;
	[tilespmem:$0x1D800] =	vst v63  }
0xdc: {  	_ =	swait.ge [sflag:s23], $0x2800  }
0xdd: {  	[sflag:s23] =	ssyncset.done $0x0  }
0xde: {  	[sflag:s23] =	ssyncadd.s32 $0xFFFFD800  }
0xdf: {  	[tilespmem:s24], [sflag:$0x1] =	stream.indirect.gather [hbm4b:s1+s26], $0x80, s22, s26, $0xb8;
	[tilespmem:$0x1D800] =	vst v63  }
0xe0: {  	_ =	swait.ge [sflag:s29], $0x2800  }
0xe1: {  	[sflag:s29] =	ssyncset.done $0x0  }
0xe2: {  	s17 =	simm.s32 $0x14B80;
	[sflag:s29] =	ssyncadd.s32 $0xFFFFD800  }
0xe3: {  	[spmem:s3] =	stream.indirect.scatter.add.f32 [tilespmem:s28], [sflag:$0x3], $0x80, s17, s26, $0xb8;
	[tilespmem:$0x1D800] =	vst v63  }
0xe4: {  	_ =	swait.ge [sflag:s23], $0x2800  }
0xe5: {  	[sflag:s23] =	ssyncset.done $0x0  }
0xe6: {  	[sflag:s23] =	ssyncadd.s32 $0xFFFFD800  }
0xe7: {  	_ =	swait.ge [sflag:s25], $0x2800  }
0xe8: {  	[sflag:s25] =	ssyncset.done $0x0  }
0xe9: {  	s18 =	simm.s32 $0x14C00;
	[sflag:s25] =	ssyncadd.s32 $0xFFFFD800  }
0xea: {  	[spmem:s3] =	stream.indirect.scatter.add.f32 [tilespmem:s24], [sflag:$0x3], $0x80, s18, s26, $0xb8;
	[tilespmem:$0x1D800] =	vst v63  }
0xeb: {  	_ =	swait.ge [sflag:s23], $0x2800  }
0xec: {  	[sflag:s23] =	ssyncset.done $0x0  }
0xed: {  	s15 =	rddreg [dreg:$0x7];
	[sflag:s23] =	ssyncadd.s32 $0xFFFFD800  }
0xee: {  	[tilespmem:s30], [sflag:$0x3] =	stream.linear.gather [hbm4b:s15+s4], $0x7D0, $0x38;
	[tilespmem:$0x1D800] =	vst v63  }
0xef: {  	_ =	swait.ge [sflag:s23], $0x7D0  }
0xf0: {  	[sflag:s23] =	ssyncset.done $0x0  }
0xf1: {  	[sflag:s23] =	ssyncadd.s32 $0xFFFFF830  }
0xf2: {  	[tilespmem:s24], [sflag:$0x1] =	stream.indirect.gather [hbm4b:s1+s26], $0x80, s30, s26, $0xb8;
	[tilespmem:$0x1D800] =	vst v63  }
0xf3: {  	_ = 	snop  }
0xf4: {  	[tilespmem:s28], [sflag:$0x2] =	stream.indirect.gather [hbm4b:s1+s26], $0x80, s31, s26, $0xb8;
	[tilespmem:$0x1D800] =	vst v63  }
0xf5: {  	_ =	swait.ge [sflag:s25], $0x2800  }
0xf6: {  	[sflag:s25] =	ssyncset.done $0x0  }
0xf7: {  	s16 =	simm.s32 $0x14C80;
	[sflag:s25] =	ssyncadd.s32 $0xFFFFD800  }
0xf8: {  	[spmem:s3] =	stream.indirect.scatter.add.f32 [tilespmem:s24], [sflag:$0x3], $0x80, s16, s26, $0xb8;
	[tilespmem:$0x1D800] =	vst v63  }
0xf9: {  	_ =	swait.ge [sflag:s23], $0x2800  }
0xfa: {  	[sflag:s23] =	ssyncset.done $0x0  }
0xfb: {  	s17 =	simm.s32 $0x180A0;
	[sflag:s23] =	ssyncadd.s32 $0xFFFFD800  }
0xfc: {  	[tilespmem:s24], [sflag:$0x1] =	stream.indirect.gather [hbm4b:s1+s26], $0x80, s17, s26, $0xb8;
	[tilespmem:$0x1D800] =	vst v63  }
0xfd: {  	_ =	swait.ge [sflag:s29], $0x2800  }
0xfe: {  	[sflag:s29] =	ssyncset.done $0x0  }
0xff: {  	s18 =	simm.s32 $0x14D00;
	[sflag:s29] =	ssyncadd.s32 $0xFFFFD800  }
0x100: {  	[spmem:s3] =	stream.indirect.scatter.add.f32 [tilespmem:s28], [sflag:$0x3], $0x80, s18, s26, $0xb8;
	[tilespmem:$0x1D800] =	vst v63  }
0x101: {  	_ =	swait.ge [sflag:s23], $0x2800  }
0x102: {  	s14 =	simm.s32 $0xFFFFE700;
	[sflag:s23] =	ssyncset.done $0x0  }
0x103: {  	s15 =	simm.s32 $0x14E00;
	s16 =	simm.s32 $0x180F0;
	[sflag:s23] =	ssyncadd.s32 $0xFFFFD800  }
.LBB2_12:
0x104: {  	[tilespmem:s28], [sflag:$0x2] =	stream.indirect.gather [hbm4b:s1+s26], $0x80, s16, s26, $0xb8;
	[tilespmem:$0x1D800] =	vst v63  }
0x105: {  	s16 =	smov.u32 s14  }
0x106: {  	p0 =	sne.s32 s14, $0xFFFFFD80;
	s14 =	sadd.s32 $0x280, s14;
	_ =	swait.ge [sflag:s25], $0x2800  }
0x107: {  	[sflag:s25] =	ssyncset.done $0x0  }
0x108: {  	s17 =	sadd.s32 $0xFFFFFF80, s15;
	[sflag:s25] =	ssyncadd.s32 $0xFFFFD800  }
0x109: {  	[spmem:s3] =	stream.indirect.scatter.add.f32 [tilespmem:s24], [sflag:$0x3], $0x80, s17, s26, $0xb8;
	[tilespmem:$0x1D800] =	vst v63  }
0x10a: {  	_ =	swait.ge [sflag:s23], $0x2800  }
0x10b: {  	s16 =	sshra.s32 s16, $0x2;
	[sflag:s23] =	ssyncset.done $0x0  }
0x10c: {  	s17 =	sadd.s32 $0x18780, s16;
	[sflag:s23] =	ssyncadd.s32 $0xFFFFD800  }
0x10d: {  	[tilespmem:s24], [sflag:$0x1] =	stream.indirect.gather [hbm4b:s1+s26], $0x80, s17, s26, $0xb8;
	[tilespmem:$0x1D800] =	vst v63  }
0x10e: {  	_ =	swait.ge [sflag:s29], $0x2800  }
0x10f: {  	[sflag:s29] =	ssyncset.done $0x0  }
.Ltmp5:
0x110: {  	[sflag:s29] =	ssyncadd.s32 $0xFFFFD800;
	(pc) =	sbr.rel @p0 .LBB2_12-.Ltmp5, $4  }
0x111: {  	[spmem:s3] =	stream.indirect.scatter.add.f32 [tilespmem:s28], [sflag:$0x3], $0x80, s15, s26, $0xb8;
	[tilespmem:$0x1D800] =	vst v63  }
0x112: {  	_ =	swait.ge [sflag:s23], $0x2800  }
0x113: {  	[sflag:s23] =	ssyncset.done $0x0  }
0x114: {  	s16 =	sadd.s32 $0x187D0, s16;
	s15 =	sadd.s32 $0x100, s15;
	[sflag:s23] =	ssyncadd.s32 $0xFFFFD800  }
0x115: {  	[tilespmem:s28], [sflag:$0x2] =	stream.indirect.gather [hbm4b:s1+s26], $0x80, s16, s26, $0xb8;
	[tilespmem:$0x1D800] =	vst v63  }
0x116: {  	_ =	swait.ge [sflag:s25], $0x2800  }
0x117: {  	[sflag:s25] =	ssyncset.done $0x0  }
0x118: {  	s14 =	simm.s32 $0x15780;
	[sflag:s25] =	ssyncadd.s32 $0xFFFFD800  }
0x119: {  	[spmem:s3] =	stream.indirect.scatter.add.f32 [tilespmem:s24], [sflag:$0x3], $0x80, s14, s26, $0xb8;
	[tilespmem:$0x1D800] =	vst v63  }
0x11a: {  	_ =	swait.ge [sflag:s23], $0x2800  }
0x11b: {  	[sflag:s23] =	ssyncset.done $0x0  }
0x11c: {  	[sflag:s23] =	ssyncadd.s32 $0xFFFFD800  }
0x11d: {  	[tilespmem:s24], [sflag:$0x1] =	stream.indirect.gather [hbm4b:s1+s26], $0x80, s22, s26, $0xb8;
	[tilespmem:$0x1D800] =	vst v63  }
0x11e: {  	_ =	swait.ge [sflag:s29], $0x2800  }
0x11f: {  	[sflag:s29] =	ssyncset.done $0x0  }
0x120: {  	s17 =	simm.s32 $0x15800;
	[sflag:s29] =	ssyncadd.s32 $0xFFFFD800  }
0x121: {  	[spmem:s3] =	stream.indirect.scatter.add.f32 [tilespmem:s28], [sflag:$0x3], $0x80, s17, s26, $0xb8;
	[tilespmem:$0x1D800] =	vst v63  }
0x122: {  	_ =	swait.ge [sflag:s23], $0x2800  }
0x123: {  	[sflag:s23] =	ssyncset.done $0x0  }
0x124: {  	[sflag:s23] =	ssyncadd.s32 $0xFFFFD800  }
0x125: {  	_ =	swait.ge [sflag:s25], $0x2800  }
0x126: {  	[sflag:s25] =	ssyncset.done $0x0  }
0x127: {  	s18 =	simm.s32 $0x15880;
	[sflag:s25] =	ssyncadd.s32 $0xFFFFD800  }
0x128: {  	[spmem:s3] =	stream.indirect.scatter.add.f32 [tilespmem:s24], [sflag:$0x3], $0x80, s18, s26, $0xb8;
	[tilespmem:$0x1D800] =	vst v63  }
0x129: {  	_ =	swait.ge [sflag:s23], $0x2800  }
0x12a: {  	[sflag:s23] =	ssyncset.done $0x0  }
0x12b: {  	s15 =	rddreg [dreg:$0x8];
	[sflag:s23] =	ssyncadd.s32 $0xFFFFD800  }
0x12c: {  	[tilespmem:s30], [sflag:$0x3] =	stream.linear.gather [hbm4b:s15+s4], $0x7D0, $0x38;
	[tilespmem:$0x1D800] =	vst v63  }
0x12d: {  	_ =	swait.ge [sflag:s23], $0x7D0  }
0x12e: {  	[sflag:s23] =	ssyncset.done $0x0  }
0x12f: {  	[sflag:s23] =	ssyncadd.s32 $0xFFFFF830  }
0x130: {  	[tilespmem:s24], [sflag:$0x1] =	stream.indirect.gather [hbm4b:s1+s26], $0x80, s30, s26, $0xb8;
	[tilespmem:$0x1D800] =	vst v63  }
0x131: {  	_ = 	snop  }
0x132: {  	[tilespmem:s28], [sflag:$0x2] =	stream.indirect.gather [hbm4b:s1+s26], $0x80, s31, s26, $0xb8;
	[tilespmem:$0x1D800] =	vst v63  }
0x133: {  	_ =	swait.ge [sflag:s25], $0x2800  }
0x134: {  	[sflag:s25] =	ssyncset.done $0x0  }
0x135: {  	s16 =	simm.s32 $0x15900;
	[sflag:s25] =	ssyncadd.s32 $0xFFFFD800  }
0x136: {  	[spmem:s3] =	stream.indirect.scatter.add.f32 [tilespmem:s24], [sflag:$0x3], $0x80, s16, s26, $0xb8;
	[tilespmem:$0x1D800] =	vst v63  }
0x137: {  	_ =	swait.ge [sflag:s23], $0x2800  }
0x138: {  	[sflag:s23] =	ssyncset.done $0x0  }
0x139: {  	s17 =	simm.s32 $0x180A0;
	[sflag:s23] =	ssyncadd.s32 $0xFFFFD800  }
0x13a: {  	[tilespmem:s24], [sflag:$0x1] =	stream.indirect.gather [hbm4b:s1+s26], $0x80, s17, s26, $0xb8;
	[tilespmem:$0x1D800] =	vst v63  }
0x13b: {  	_ =	swait.ge [sflag:s29], $0x2800  }
0x13c: {  	[sflag:s29] =	ssyncset.done $0x0  }
0x13d: {  	s18 =	simm.s32 $0x15980;
	[sflag:s29] =	ssyncadd.s32 $0xFFFFD800  }
0x13e: {  	[spmem:s3] =	stream.indirect.scatter.add.f32 [tilespmem:s28], [sflag:$0x3], $0x80, s18, s26, $0xb8;
	[tilespmem:$0x1D800] =	vst v63  }
0x13f: {  	_ =	swait.ge [sflag:s23], $0x2800  }
0x140: {  	s14 =	simm.s32 $0xFFFFE700;
	[sflag:s23] =	ssyncset.done $0x0  }
0x141: {  	s15 =	simm.s32 $0x15A80;
	s16 =	simm.s32 $0x180F0;
	[sflag:s23] =	ssyncadd.s32 $0xFFFFD800  }
.LBB2_14:
0x142: {  	[tilespmem:s28], [sflag:$0x2] =	stream.indirect.gather [hbm4b:s1+s26], $0x80, s16, s26, $0xb8;
	[tilespmem:$0x1D800] =	vst v63  }
0x143: {  	s16 =	smov.u32 s14  }
0x144: {  	p0 =	sne.s32 s14, $0xFFFFFD80;
	s14 =	sadd.s32 $0x280, s14;
	_ =	swait.ge [sflag:s25], $0x2800  }
0x145: {  	[sflag:s25] =	ssyncset.done $0x0  }
0x146: {  	s17 =	sadd.s32 $0xFFFFFF80, s15;
	[sflag:s25] =	ssyncadd.s32 $0xFFFFD800  }
0x147: {  	[spmem:s3] =	stream.indirect.scatter.add.f32 [tilespmem:s24], [sflag:$0x3], $0x80, s17, s26, $0xb8;
	[tilespmem:$0x1D800] =	vst v63  }
0x148: {  	_ =	swait.ge [sflag:s23], $0x2800  }
0x149: {  	s16 =	sshra.s32 s16, $0x2;
	[sflag:s23] =	ssyncset.done $0x0  }
0x14a: {  	s17 =	sadd.s32 $0x18780, s16;
	[sflag:s23] =	ssyncadd.s32 $0xFFFFD800  }
0x14b: {  	[tilespmem:s24], [sflag:$0x1] =	stream.indirect.gather [hbm4b:s1+s26], $0x80, s17, s26, $0xb8;
	[tilespmem:$0x1D800] =	vst v63  }
0x14c: {  	_ =	swait.ge [sflag:s29], $0x2800  }
0x14d: {  	[sflag:s29] =	ssyncset.done $0x0  }
.Ltmp6:
0x14e: {  	[sflag:s29] =	ssyncadd.s32 $0xFFFFD800;
	(pc) =	sbr.rel @p0 .LBB2_14-.Ltmp6, $4  }
0x14f: {  	[spmem:s3] =	stream.indirect.scatter.add.f32 [tilespmem:s28], [sflag:$0x3], $0x80, s15, s26, $0xb8;
	[tilespmem:$0x1D800] =	vst v63  }
0x150: {  	_ =	swait.ge [sflag:s23], $0x2800  }
0x151: {  	[sflag:s23] =	ssyncset.done $0x0  }
0x152: {  	s16 =	sadd.s32 $0x187D0, s16;
	s15 =	sadd.s32 $0x100, s15;
	[sflag:s23] =	ssyncadd.s32 $0xFFFFD800  }
0x153: {  	[tilespmem:s28], [sflag:$0x2] =	stream.indirect.gather [hbm4b:s1+s26], $0x80, s16, s26, $0xb8;
	[tilespmem:$0x1D800] =	vst v63  }
0x154: {  	_ =	swait.ge [sflag:s25], $0x2800  }
0x155: {  	[sflag:s25] =	ssyncset.done $0x0  }
0x156: {  	s14 =	simm.s32 $0x16400;
	[sflag:s25] =	ssyncadd.s32 $0xFFFFD800  }
0x157: {  	[spmem:s3] =	stream.indirect.scatter.add.f32 [tilespmem:s24], [sflag:$0x3], $0x80, s14, s26, $0xb8;
	[tilespmem:$0x1D800] =	vst v63  }
0x158: {  	_ =	swait.ge [sflag:s23], $0x2800  }
0x159: {  	[sflag:s23] =	ssyncset.done $0x0  }
0x15a: {  	[sflag:s23] =	ssyncadd.s32 $0xFFFFD800  }
0x15b: {  	[tilespmem:s24], [sflag:$0x1] =	stream.indirect.gather [hbm4b:s1+s26], $0x80, s22, s26, $0xb8;
	[tilespmem:$0x1D800] =	vst v63  }
0x15c: {  	_ =	swait.ge [sflag:s29], $0x2800  }
0x15d: {  	[sflag:s29] =	ssyncset.done $0x0  }
0x15e: {  	s17 =	simm.s32 $0x16480;
	[sflag:s29] =	ssyncadd.s32 $0xFFFFD800  }
0x15f: {  	[spmem:s3] =	stream.indirect.scatter.add.f32 [tilespmem:s28], [sflag:$0x3], $0x80, s17, s26, $0xb8;
	[tilespmem:$0x1D800] =	vst v63  }
0x160: {  	_ =	swait.ge [sflag:s23], $0x2800  }
0x161: {  	[sflag:s23] =	ssyncset.done $0x0  }
0x162: {  	[sflag:s23] =	ssyncadd.s32 $0xFFFFD800  }
0x163: {  	_ =	swait.ge [sflag:s25], $0x2800  }
0x164: {  	[sflag:s25] =	ssyncset.done $0x0  }
0x165: {  	s18 =	simm.s32 $0x16500;
	[sflag:s25] =	ssyncadd.s32 $0xFFFFD800  }
0x166: {  	[spmem:s3] =	stream.indirect.scatter.add.f32 [tilespmem:s24], [sflag:$0x3], $0x80, s18, s26, $0xb8;
	[tilespmem:$0x1D800] =	vst v63  }
0x167: {  	_ =	swait.ge [sflag:s23], $0x2800  }
0x168: {  	[sflag:s23] =	ssyncset.done $0x0  }
0x169: {  	s15 =	rddreg [dreg:$0x9];
	[sflag:s23] =	ssyncadd.s32 $0xFFFFD800  }
0x16a: {  	[tilespmem:s30], [sflag:$0x3] =	stream.linear.gather [hbm4b:s15+s4], $0x7D0, $0x38;
	[tilespmem:$0x1D800] =	vst v63  }
0x16b: {  	_ =	swait.ge [sflag:s23], $0x7D0  }
0x16c: {  	[sflag:s23] =	ssyncset.done $0x0  }
0x16d: {  	[sflag:s23] =	ssyncadd.s32 $0xFFFFF830  }
0x16e: {  	[tilespmem:s24], [sflag:$0x1] =	stream.indirect.gather [hbm4b:s1+s26], $0x80, s30, s26, $0xb8;
	[tilespmem:$0x1D800] =	vst v63  }
0x16f: {  	_ = 	snop  }
0x170: {  	[tilespmem:s28], [sflag:$0x2] =	stream.indirect.gather [hbm4b:s1+s26], $0x80, s31, s26, $0xb8;
	[tilespmem:$0x1D800] =	vst v63  }
0x171: {  	_ =	swait.ge [sflag:s25], $0x2800  }
0x172: {  	[sflag:s25] =	ssyncset.done $0x0  }
0x173: {  	s16 =	simm.s32 $0x16580;
	[sflag:s25] =	ssyncadd.s32 $0xFFFFD800  }
0x174: {  	[spmem:s3] =	stream.indirect.scatter.add.f32 [tilespmem:s24], [sflag:$0x3], $0x80, s16, s26, $0xb8;
	[tilespmem:$0x1D800] =	vst v63  }
0x175: {  	_ =	swait.ge [sflag:s23], $0x2800  }
0x176: {  	[sflag:s23] =	ssyncset.done $0x0  }
0x177: {  	s17 =	simm.s32 $0x180A0;
	[sflag:s23] =	ssyncadd.s32 $0xFFFFD800  }
0x178: {  	[tilespmem:s24], [sflag:$0x1] =	stream.indirect.gather [hbm4b:s1+s26], $0x80, s17, s26, $0xb8;
	[tilespmem:$0x1D800] =	vst v63  }
0x179: {  	_ =	swait.ge [sflag:s29], $0x2800  }
0x17a: {  	[sflag:s29] =	ssyncset.done $0x0  }
0x17b: {  	s18 =	simm.s32 $0x16600;
	[sflag:s29] =	ssyncadd.s32 $0xFFFFD800  }
0x17c: {  	[spmem:s3] =	stream.indirect.scatter.add.f32 [tilespmem:s28], [sflag:$0x3], $0x80, s18, s26, $0xb8;
	[tilespmem:$0x1D800] =	vst v63  }
0x17d: {  	_ =	swait.ge [sflag:s23], $0x2800  }
0x17e: {  	s14 =	simm.s32 $0xFFFFE700;
	[sflag:s23] =	ssyncset.done $0x0  }
0x17f: {  	s15 =	simm.s32 $0x16700;
	s16 =	simm.s32 $0x180F0;
	[sflag:s23] =	ssyncadd.s32 $0xFFFFD800  }
.LBB2_16:
0x180: {  	[tilespmem:s28], [sflag:$0x2] =	stream.indirect.gather [hbm4b:s1+s26], $0x80, s16, s26, $0xb8;
	[tilespmem:$0x1D800] =	vst v63  }
0x181: {  	s16 =	smov.u32 s14  }
0x182: {  	p0 =	sne.s32 s14, $0xFFFFFD80;
	s14 =	sadd.s32 $0x280, s14;
	_ =	swait.ge [sflag:s25], $0x2800  }
0x183: {  	[sflag:s25] =	ssyncset.done $0x0  }
0x184: {  	s17 =	sadd.s32 $0xFFFFFF80, s15;
	[sflag:s25] =	ssyncadd.s32 $0xFFFFD800  }
0x185: {  	[spmem:s3] =	stream.indirect.scatter.add.f32 [tilespmem:s24], [sflag:$0x3], $0x80, s17, s26, $0xb8;
	[tilespmem:$0x1D800] =	vst v63  }
0x186: {  	_ =	swait.ge [sflag:s23], $0x2800  }
0x187: {  	s16 =	sshra.s32 s16, $0x2;
	[sflag:s23] =	ssyncset.done $0x0  }
0x188: {  	s17 =	sadd.s32 $0x18780, s16;
	[sflag:s23] =	ssyncadd.s32 $0xFFFFD800  }
0x189: {  	[tilespmem:s24], [sflag:$0x1] =	stream.indirect.gather [hbm4b:s1+s26], $0x80, s17, s26, $0xb8;
	[tilespmem:$0x1D800] =	vst v63  }
0x18a: {  	_ =	swait.ge [sflag:s29], $0x2800  }
0x18b: {  	[sflag:s29] =	ssyncset.done $0x0  }
.Ltmp7:
0x18c: {  	[sflag:s29] =	ssyncadd.s32 $0xFFFFD800;
	(pc) =	sbr.rel @p0 .LBB2_16-.Ltmp7, $4  }
0x18d: {  	[spmem:s3] =	stream.indirect.scatter.add.f32 [tilespmem:s28], [sflag:$0x3], $0x80, s15, s26, $0xb8;
	[tilespmem:$0x1D800] =	vst v63  }
0x18e: {  	_ =	swait.ge [sflag:s23], $0x2800  }
0x18f: {  	[sflag:s23] =	ssyncset.done $0x0  }
0x190: {  	s16 =	sadd.s32 $0x187D0, s16;
	s15 =	sadd.s32 $0x100, s15;
	[sflag:s23] =	ssyncadd.s32 $0xFFFFD800  }
0x191: {  	[tilespmem:s28], [sflag:$0x2] =	stream.indirect.gather [hbm4b:s1+s26], $0x80, s16, s26, $0xb8;
	[tilespmem:$0x1D800] =	vst v63  }
0x192: {  	_ =	swait.ge [sflag:s25], $0x2800  }
0x193: {  	[sflag:s25] =	ssyncset.done $0x0  }
0x194: {  	s14 =	simm.s32 $0x17080;
	[sflag:s25] =	ssyncadd.s32 $0xFFFFD800  }
0x195: {  	[spmem:s3] =	stream.indirect.scatter.add.f32 [tilespmem:s24], [sflag:$0x3], $0x80, s14, s26, $0xb8;
	[tilespmem:$0x1D800] =	vst v63  }
0x196: {  	_ =	swait.ge [sflag:s23], $0x2800  }
0x197: {  	[sflag:s23] =	ssyncset.done $0x0  }
0x198: {  	[sflag:s23] =	ssyncadd.s32 $0xFFFFD800  }
0x199: {  	[tilespmem:s24], [sflag:$0x1] =	stream.indirect.gather [hbm4b:s1+s26], $0x80, s22, s26, $0xb8;
	[tilespmem:$0x1D800] =	vst v63  }
0x19a: {  	_ =	swait.ge [sflag:s29], $0x2800  }
0x19b: {  	[sflag:s29] =	ssyncset.done $0x0  }
0x19c: {  	s18 =	simm.s32 $0x17100;
	[sflag:s29] =	ssyncadd.s32 $0xFFFFD800  }
0x19d: {  	[spmem:s3] =	stream.indirect.scatter.add.f32 [tilespmem:s28], [sflag:$0x3], $0x80, s18, s26, $0xb8;
	[tilespmem:$0x1D800] =	vst v63  }
0x19e: {  	_ =	swait.ge [sflag:s23], $0x2800  }
0x19f: {  	[sflag:s23] =	ssyncset.done $0x0  }
0x1a0: {  	[sflag:s23] =	ssyncadd.s32 $0xFFFFD800  }
0x1a1: {  	_ =	swait.ge [sflag:s25], $0x2800  }
0x1a2: {  	[sflag:s25] =	ssyncset.done $0x0  }
0x1a3: {  	s15 =	simm.s32 $0x17180;
	[sflag:s25] =	ssyncadd.s32 $0xFFFFD800  }
0x1a4: {  	[spmem:s3] =	stream.indirect.scatter.add.f32 [tilespmem:s24], [sflag:$0x3], $0x80, s15, s26, $0xb8;
	[tilespmem:$0x1D800] =	vst v63  }
0x1a5: {  	_ =	swait.ge [sflag:s23], $0x2800  }
0x1a6: {  	[sflag:s23] =	ssyncset.done $0x0  }
0x1a7: {  	[sflag:s23] =	ssyncadd.s32 $0xFFFFD800  }
0x1a8: {  	[tilespmem:s30], [sflag:$0x3] =	stream.linear.gather [hbm4b:s19+s4], $0x7D0, $0x38;
	[tilespmem:$0x1D800] =	vst v63  }
0x1a9: {  	_ =	swait.ge [sflag:s23], $0x7D0  }
0x1aa: {  	[sflag:s23] =	ssyncset.done $0x0  }
0x1ab: {  	[sflag:s23] =	ssyncadd.s32 $0xFFFFF830  }
0x1ac: {  	[tilespmem:s24], [sflag:$0x1] =	stream.indirect.gather [hbm4b:s1+s26], $0x80, s30, s26, $0xb8;
	[tilespmem:$0x1D800] =	vst v63  }
0x1ad: {  	_ = 	snop  }
0x1ae: {  	[tilespmem:s28], [sflag:$0x2] =	stream.indirect.gather [hbm4b:s1+s26], $0x80, s31, s26, $0xb8;
	[tilespmem:$0x1D800] =	vst v63  }
0x1af: {  	_ =	swait.ge [sflag:s25], $0x2800  }
0x1b0: {  	[sflag:s25] =	ssyncset.done $0x0  }
0x1b1: {  	s16 =	simm.s32 $0x17200;
	[sflag:s25] =	ssyncadd.s32 $0xFFFFD800  }
0x1b2: {  	[spmem:s3] =	stream.indirect.scatter.add.f32 [tilespmem:s24], [sflag:$0x3], $0x80, s16, s26, $0xb8;
	[tilespmem:$0x1D800] =	vst v63  }
0x1b3: {  	_ =	swait.ge [sflag:s23], $0x2800  }
0x1b4: {  	[sflag:s23] =	ssyncset.done $0x0  }
0x1b5: {  	s17 =	simm.s32 $0x180A0;
	[sflag:s23] =	ssyncadd.s32 $0xFFFFD800  }
0x1b6: {  	[tilespmem:s24], [sflag:$0x1] =	stream.indirect.gather [hbm4b:s1+s26], $0x80, s17, s26, $0xb8;
	[tilespmem:$0x1D800] =	vst v63  }
0x1b7: {  	_ =	swait.ge [sflag:s29], $0x2800  }
0x1b8: {  	[sflag:s29] =	ssyncset.done $0x0  }
0x1b9: {  	s18 =	simm.s32 $0x17280;
	[sflag:s29] =	ssyncadd.s32 $0xFFFFD800  }
0x1ba: {  	[spmem:s3] =	stream.indirect.scatter.add.f32 [tilespmem:s28], [sflag:$0x3], $0x80, s18, s26, $0xb8;
	[tilespmem:$0x1D800] =	vst v63  }
0x1bb: {  	_ =	swait.ge [sflag:s23], $0x2800  }
0x1bc: {  	s14 =	simm.s32 $0xFFFFE700;
	[sflag:s23] =	ssyncset.done $0x0  }
0x1bd: {  	s15 =	simm.s32 $0x17380;
	s16 =	simm.s32 $0x180F0;
	[sflag:s23] =	ssyncadd.s32 $0xFFFFD800  }
.LBB2_18:
0x1be: {  	[tilespmem:s28], [sflag:$0x2] =	stream.indirect.gather [hbm4b:s1+s26], $0x80, s16, s26, $0xb8;
	[tilespmem:$0x1D800] =	vst v63  }
0x1bf: {  	s16 =	smov.u32 s14  }
0x1c0: {  	p0 =	sne.s32 s14, $0xFFFFFD80;
	s14 =	sadd.s32 $0x280, s14;
	_ =	swait.ge [sflag:s25], $0x2800  }
0x1c1: {  	[sflag:s25] =	ssyncset.done $0x0  }
0x1c2: {  	s17 =	sadd.s32 $0xFFFFFF80, s15;
	[sflag:s25] =	ssyncadd.s32 $0xFFFFD800  }
0x1c3: {  	[spmem:s3] =	stream.indirect.scatter.add.f32 [tilespmem:s24], [sflag:$0x3], $0x80, s17, s26, $0xb8;
	[tilespmem:$0x1D800] =	vst v63  }
0x1c4: {  	_ =	swait.ge [sflag:s23], $0x2800  }
0x1c5: {  	s16 =	sshra.s32 s16, $0x2;
	[sflag:s23] =	ssyncset.done $0x0  }
0x1c6: {  	s17 =	sadd.s32 $0x18780, s16;
	[sflag:s23] =	ssyncadd.s32 $0xFFFFD800  }
0x1c7: {  	[tilespmem:s24], [sflag:$0x1] =	stream.indirect.gather [hbm4b:s1+s26], $0x80, s17, s26, $0xb8;
	[tilespmem:$0x1D800] =	vst v63  }
0x1c8: {  	_ =	swait.ge [sflag:s29], $0x2800  }
0x1c9: {  	[sflag:s29] =	ssyncset.done $0x0  }
.Ltmp8:
0x1ca: {  	[sflag:s29] =	ssyncadd.s32 $0xFFFFD800;
	(pc) =	sbr.rel @p0 .LBB2_18-.Ltmp8, $4  }
0x1cb: {  	[spmem:s3] =	stream.indirect.scatter.add.f32 [tilespmem:s28], [sflag:$0x3], $0x80, s15, s26, $0xb8;
	[tilespmem:$0x1D800] =	vst v63  }
0x1cc: {  	_ =	swait.ge [sflag:s23], $0x2800  }
0x1cd: {  	[sflag:s23] =	ssyncset.done $0x0  }
0x1ce: {  	s16 =	sadd.s32 $0x187D0, s16;
	s15 =	sadd.s32 $0x100, s15;
	[sflag:s23] =	ssyncadd.s32 $0xFFFFD800  }
0x1cf: {  	[tilespmem:s28], [sflag:$0x2] =	stream.indirect.gather [hbm4b:s1+s26], $0x80, s16, s26, $0xb8;
	[tilespmem:$0x1D800] =	vst v63  }
0x1d0: {  	_ =	swait.ge [sflag:s25], $0x2800  }
0x1d1: {  	[sflag:s25] =	ssyncset.done $0x0  }
0x1d2: {  	s14 =	simm.s32 $0x17D00;
	[sflag:s25] =	ssyncadd.s32 $0xFFFFD800  }
0x1d3: {  	[spmem:s3] =	stream.indirect.scatter.add.f32 [tilespmem:s24], [sflag:$0x3], $0x80, s14, s26, $0xb8;
	[tilespmem:$0x1D800] =	vst v63  }
0x1d4: {  	_ =	swait.ge [sflag:s23], $0x2800  }
0x1d5: {  	[sflag:s23] =	ssyncset.done $0x0  }
0x1d6: {  	[sflag:s23] =	ssyncadd.s32 $0xFFFFD800  }
0x1d7: {  	[tilespmem:s24], [sflag:$0x1] =	stream.indirect.gather [hbm4b:s1+s26], $0x80, s22, s26, $0xb8;
	[tilespmem:$0x1D800] =	vst v63  }
0x1d8: {  	_ =	swait.ge [sflag:s29], $0x2800  }
0x1d9: {  	[sflag:s29] =	ssyncset.done $0x0  }
0x1da: {  	s17 =	simm.s32 $0x17D80;
	[sflag:s29] =	ssyncadd.s32 $0xFFFFD800  }
0x1db: {  	[spmem:s3] =	stream.indirect.scatter.add.f32 [tilespmem:s28], [sflag:$0x3], $0x80, s17, s26, $0xb8;
	[tilespmem:$0x1D800] =	vst v63  }
0x1dc: {  	_ =	swait.ge [sflag:s23], $0x2800  }
0x1dd: {  	[sflag:s23] =	ssyncset.done $0x0  }
0x1de: {  	[sflag:s23] =	ssyncadd.s32 $0xFFFFD800  }
0x1df: {  	_ =	swait.ge [sflag:s25], $0x2800  }
0x1e0: {  	[sflag:s25] =	ssyncset.done $0x0  }
0x1e1: {  	s18 =	simm.s32 $0x17E00;
	[sflag:s25] =	ssyncadd.s32 $0xFFFFD800  }
0x1e2: {  	[spmem:s3] =	stream.indirect.scatter.add.f32 [tilespmem:s24], [sflag:$0x3], $0x80, s18, s26, $0xb8;
	[tilespmem:$0x1D800] =	vst v63  }
0x1e3: {  	_ =	swait.ge [sflag:s23], $0x2800  }
0x1e4: {  	s2 =	sadd.s32 $0x1, s2;
	[sflag:s23] =	ssyncset.done $0x0  }
0x1e5: {  	p0 =	sne.s32 s2, s21;
	[sflag:s23] =	ssyncadd.s32 $0xFFFFD800  }
.Ltmp9:
0x1e6: {  	[bflag:$0x0] =	sbarrier.arrive $0xFFFF;
	(pc) =	sbr.rel @p0 .LBB2_1-.Ltmp9, $4  }
0x1e7: {  	[hbm:s20], [sflag:s0] =	dma.local [spmem:s6], $0x2800  }
0x1e8: {  	_ =	swait.ge [sflag:s23], $0x2800  }
0x1e9: {  	[sflag:s23] =	ssyncset.done $0x0  }
0x1ea: {  	[sflag:s23] =	ssyncadd.s32 $0xFFFFD800  }
0x1eb: {  	_ =	sfence.sel $0x180000  }
0x1ec: {  	[bflag:$0x0] =	sbarrier.arrive $0xFFFF  }
0x1ed: {  	_ =	strace $0x90000047  }
0x1ee: {  	s0 =	stileid.u32;
	[bflag:$0x2] =	sbarrier.arrive $0xFFFF  }
0x1ef: {  	p0 =	sne.s32 s0, $0x0;
	s0 =	rddreg [dreg:$0x3]  }
0x1f0: {  	s0 =	sadd.s32 @!p0 $0x100000, s0  }
0x1f1: {  	[sflag:s0] =	ssyncadd.tile.s32 @!p0 $0x1;
	_ =	shalt  }
.Lfunc_end2:
_tile_overlayer_lowered:
.L_overlay_start_2:
0x1f2: {  	(tag) =	ssettag $0x2  }
0x1f3: {  	s0 =	rddreg [dreg:$0x0];
	s2 =	stileid.u32  }
0x1f4: {  	s1 =	rddreg [dreg:$0x1];
	p0 =	sne.s32 s2, $0x0  }
0x1f5: {  	s3 =	rddreg [dreg:$0x2];
	[bflag:$0x3] =	sbarrier.arrive $0xFFFF;
	s2 =	simm.s32 @!p0 $0x1C03  }
0x1f6: {  	[timem:s3], [sflag:s2] =	dma.local @!p0 [hbm:s0], s1  }
0x1f7: {  	s0 =	simm.s32 @!p0 $0x3  }
0x1f8: {  	_ =	swait.ge @!p0 [sflag:s0], s1  }
0x1f9: {  	s1 =	ssub.s32 @!p0 $0x0, s1;
	[sflag:s0] =	ssyncset.done @!p0 $0x0  }
0x1fa: {  	[sflag:s0] =	ssyncadd.s32 @!p0 s1  }
0x1fb: {  	[bflag:$0x3] =	sbarrier.arrive $0xFFFF  }
0x1fc: {  	_ =	shalt  }

// kernel: kernel.9.cloned.1.call-start
scs
__scs_entry_jumppad:
0x0: {  	(pc) =	sbr.rel $0x88, $3  }
0x1: {  	(tag) =	ssettag $0x0;
	lr =	simm.s32 $0x1  }
0x2: {  	[smem:$0x3F99] =	sst lr;
	_ =	strace $0xD0000000  }
0x3: {  	_ = 	snop  }
0x4: {  	_ = 	snop  }
0x5: {  	_ = 	snop  }
0x6: {  	_ = 	snop  }
0x7: {  	_ = 	snop  }
__scs_overlays_trampoline_lowered:
0x8: {  	[smem:$0x3FA8] =	sst s0  }
0x9: {  	[smem:$0x3FA9] =	sst s1  }
0xa: {  	[smem:$0x3FAA] =	sst s2  }
0xb: {  	[smem:$0x3FAB] =	sst s3  }
0xc: {  	[smem:$0x3FAC] =	sst s4  }
0xd: {  	[smem:$0x3FAD] =	sst s5  }
0xe: {  	[smem:$0x3FAE] =	sst s6  }
0xf: {  	[smem:$0x3FAF] =	sst s7  }
0x10: {  	[smem:$0x3FB0] =	sst s8  }
0x11: {  	[smem:$0x3FB1] =	sst s9;
	s0 =	simm.s32 @!p0 $0x0  }
0x12: {  	s1 =	sld [smem:$0x3F97];
	s0 =	simm.s32 @p0 $0x1  }
0x13: {  	[smem:$0x3FB2] =	sst s0;
	s0 =	simm.s32 @!p1 $0x0  }
0x14: {  	s2 =	sld [smem:$0x3F96];
	s0 =	simm.s32 @p1 $0x1  }
0x15: {  	[smem:$0x3FB3] =	sst s0;
	s0 =	simm.s32 @!p2 $0x0  }
0x16: {  	s3 =	sld [smem:$0x3FDB];
	s0 =	simm.s32 @p2 $0x1  }
0x17: {  	s4 =	simm.s32 $0x1BF5;
	[smem:$0x3FB5] =	sst s0  }
0x18: {  	s0 =	sld [smem:$0x3F98];
	_ =	swait.ge [sflag:s4], $0x0  }
0x19: {  	s7 =	sld [smem:$0x3F99]  }
0x1a: {  	s8 =	sadd.s32 $0xFFFFE003, lr  }
0x1b: {  	s9 =	sadd.s32 $0xFFFFFEF7, lr;
	s5 =	simm.s32 $0xFFFFFFFF;
	p2 =	slt.u32 s8, $0xFFFFF086  }
0x1c: {  	p1 =	slt.u32 s9, $0xF7A;
	s5 =	simm.s32 @!p2 $0x0  }
0x1d: {  	s5 =	simm.s32 @p1 $0x1;
	p0 =	seq.s32 s7, s2  }
0x1e: {  	s7 =	smul.u32 @!p0 $0xF7A, s2;
	p2 =	seq.s32 @!p0 s5, $0x0  }
0x1f: {  	s9 =	smul.u32 $0xF7A, s1;
	s8 =	simm.s32 @!p0 $0x1BF5;
	p2 =	por !p2, p0  }
0x20: {  	[sflag:s8] =	ssyncset.s32 @!p0 $0xFFFFF086;
	s6 =	sadd.s32 @!p0 s3, s7;
	s7 =	simm.s32 @!p0 $0x108  }
0x21: {  	s3 =	sadd.s32 s3, s9;
	s6 =	sadd.s32 @!p0 $0x88, s6;
	s7 =	simm.s32 @p2 $0x1082  }
0x22: {  	[simem:s7], [sflag:s8] =	dma.local @!p0 [hbm:s6], $0xF7A  }
0x23: {  	s9 =	sor.u32 $0xD0000000, s2;
	s6 =	simm.s32 $0x108;
	_ =	swait.ge @!p0 [sflag:s8], $0x0  }
0x24: {  	s3 =	sadd.s32 $0x88, s3;
	s6 =	simm.s32 @!p1 $0x1082;
	[sflag:s4] =	ssyncset.s32 $0xFFFFF086  }
0x25: {  	[simem:s6], [sflag:s4] =	dma.local [hbm:s3], $0xF7A  }
0x26: {  	[smem:$0x3F99] =	sst s1;
	(tag) =	ssettag s2;
	_ =	strace s9  }
0x27: {  	s1 =	sld [smem:$0x3FA9]  }
0x28: {  	s2 =	sld [smem:$0x3FAA]  }
0x29: {  	s4 =	sld [smem:$0x3FAC]  }
0x2a: {  	p0 =	seq.s32 s5, $0x0;
	s5 =	sld [smem:$0x3FAD]  }
0x2b: {  	s6 =	sld [smem:$0x3FAE]  }
0x2c: {  	s7 =	sld [smem:$0x3FAF]  }
0x2d: {  	s3 =	simm.s32 $0x108;
	s8 =	sld [smem:$0x3FB0]  }
0x2e: {  	s3 =	simm.s32 @!p0 $0x1082;
	s9 =	sld [smem:$0x3FB1]  }
0x2f: {  	lr =	sadd.s32 s0, s3;
	s0 =	sld [smem:$0x3FA8]  }
0x30: {  	s3 =	sld [smem:$0x3FAB]  }
0x31: {  	[smem:$0x3FB4] =	sst s10  }
0x32: {  	s10 =	sld [smem:$0x3FB2];
	_ =	sdelay $0x3  }
0x33: {  	p0 =	seq.s32 s10, $0x1;
	s10 =	sld [smem:$0x3FB4];
	_ =	sdelay $0x3  }
0x34: {  	[smem:$0x3FB4] =	sst s10  }
0x35: {  	s10 =	sld [smem:$0x3FB3];
	_ =	sdelay $0x3  }
0x36: {  	p1 =	seq.s32 s10, $0x1;
	s10 =	sld [smem:$0x3FB4];
	_ =	sdelay $0x3  }
0x37: {  	[smem:$0x3FB4] =	sst s10  }
0x38: {  	s10 =	sld [smem:$0x3FB5]  }
0x39: {  	_ = 	snop;
	(pc) =	sbr.ind lr, $3  }
0x3a: {  	_ = 	snop  }
0x3b: {  	_ = 	snop  }
0x3c: {  	p2 =	seq.s32 s10, $0x1;
	s10 =	sld [smem:$0x3FB4]  }
0x3d: {  	_ =	shalt  }
0x3e: {  	_ =	shalt  }
0x3f: {  	_ =	shalt  }
0x40: {  	_ =	shalt  }
0x41: {  	_ =	shalt  }
0x42: {  	_ =	shalt  }
0x43: {  	_ =	shalt  }
0x44: {  	_ =	shalt  }
0x45: {  	_ =	shalt  }
0x46: {  	_ =	shalt  }
0x47: {  	_ =	shalt  }
0x48: {  	_ =	shalt  }
0x49: {  	_ =	shalt  }
0x4a: {  	_ =	shalt  }
0x4b: {  	_ =	shalt  }
0x4c: {  	_ =	shalt  }
0x4d: {  	_ =	shalt  }
0x4e: {  	_ =	shalt  }
0x4f: {  	_ =	shalt  }
0x50: {  	_ =	shalt  }
0x51: {  	_ =	shalt  }
0x52: {  	_ =	shalt  }
0x53: {  	_ =	shalt  }
0x54: {  	_ =	shalt  }
0x55: {  	_ =	shalt  }
0x56: {  	_ =	shalt  }
0x57: {  	_ =	shalt  }
0x58: {  	_ =	shalt  }
0x59: {  	_ =	shalt  }
0x5a: {  	_ =	shalt  }
0x5b: {  	_ =	shalt  }
0x5c: {  	_ =	shalt  }
0x5d: {  	_ =	shalt  }
0x5e: {  	_ =	shalt  }
0x5f: {  	_ =	shalt  }
0x60: {  	_ =	shalt  }
0x61: {  	_ =	shalt  }
0x62: {  	_ =	shalt  }
0x63: {  	_ =	shalt  }
0x64: {  	_ =	shalt  }
0x65: {  	_ =	shalt  }
0x66: {  	_ =	shalt  }
0x67: {  	_ =	shalt  }
0x68: {  	_ =	shalt  }
0x69: {  	_ =	shalt  }
0x6a: {  	_ =	shalt  }
0x6b: {  	_ =	shalt  }
0x6c: {  	_ =	shalt  }
0x6d: {  	_ =	shalt  }
0x6e: {  	_ =	shalt  }
0x6f: {  	_ =	shalt  }
0x70: {  	_ =	shalt  }
0x71: {  	_ =	shalt  }
0x72: {  	_ =	shalt  }
0x73: {  	_ =	shalt  }
0x74: {  	_ =	shalt  }
0x75: {  	_ =	shalt  }
0x76: {  	_ =	shalt  }
0x77: {  	_ =	shalt  }
0x78: {  	_ =	shalt  }
0x79: {  	_ =	shalt  }
0x7a: {  	_ =	shalt  }
0x7b: {  	_ =	shalt  }
0x7c: {  	_ =	shalt  }
0x7d: {  	_ =	shalt  }
0x7e: {  	_ =	shalt  }
0x7f: {  	_ =	shalt  }
0x80: {  	_ =	shalt  }
0x81: {  	_ =	shalt  }
0x82: {  	_ =	shalt  }
0x83: {  	_ =	shalt  }
0x84: {  	_ =	shalt  }
0x85: {  	_ =	shalt  }
0x86: {  	_ =	shalt  }
0x87: {  	_ =	shalt  }
.Lfunc_end0:
.L_simem_size_0:
called_computation.1_lowered:
.L_overlay_start_0:
0x88: {  	s2 =	sld [smem:$0x3FD9]  }
0x89: {  	s3 =	sld [smem:$0x3FFE];
	_ =	sdelay $0x1  }
0x8a: {  	s1 =	srdreg.scid  }
0x8b: {  	s0 =	sand.u32 $0x1, s1  }
0x8c: {  	s17 =	sshll.u32 s0, $0xA;
	s2 =	sadd.s32 s3, s2  }
0x8d: {  	s2 =	sadd.s32 s2, s17  }
0x8e: {  	[smem:$0x3FC0] =	sst s2  }
0x8f: {  	_ = 	snop  }
0x90: {  	s2 =	sld [smem:$0x3FD0];
	(tm) =	ssettm $0x1  }
0x91: {  	s18 =	sld [smem:$0x3FFB];
	_ =	sdelay $0x3  }
0x92: {  	_ =	strace s18  }
0x93: {  	s3 =	sld [smem:$0x3FFC];
	_ =	sdelay $0x3  }
0x94: {  	_ =	strace s3  }
0x95: {  	s3 =	sld [smem:$0x3FFD];
	_ =	sdelay $0x3  }
0x96: {  	_ =	strace s3  }
0x97: {  	_ =	strace $0x8FFFFFFF  }
0x98: {  	s19 =	sld [smem:$0x3FDB];
	_ =	sdelay $0x1  }
0x99: {  	s4 =	simm.s32 $_scs_section_size  }
0x9a: {  	s5 =	simm.s32 $_size__tile_overlayer_lowered;
	s6 =	simm.s32 $_tile_overlayer_lowered  }
0x9b: {  	s22 =	simm.s32 $0x1BFF;
	s21 =	sshll.u32 s6, $0x1;
	s3 =	sadd.s32 s4, s19  }
0x9c: {  	s7 =	simm.s32 $0x0;
	s20 =	sshll.u32 s5, $0x1;
	s5 =	sadd.s32 s21, s3  }
0x9d: {  	[timem:s7], [sflag:s22] =	dma.local [hbm:s5], s20  }
0x9e: {  	_ =	swait.ge [sflag:s22], s20  }
0x9f: {  	s4 =	ssub.s32 $0x0, s20;
	[sflag:s22] =	ssyncset.done $0x0  }
0xa0: {  	[sflag:s22] =	ssyncadd.s32 s4;
	_ =	sdelay $0x1  }
0xa1: {  	s23 =	simm.s32 $0x1B8B  }
0xa2: {  	_ =	swait.ge [sflag:s23], $0x1  }
0xa3: {  	[sflag:s23] =	ssyncset.done $0x0  }
0xa4: {  	s25 =	simm.s32 $0x1B8E;
	s24 =	sld [smem:$0x3FFE];
	[sflag:s23] =	ssyncadd.s32 $0xFFFFFFFF  }
0xa5: {  	s26 =	simm.s32 $execute0_lowered;
	[smem:$0x3FD2] =	sst s25  }
0xa6: {  	s5 =	sshll.u32 s26, $0x1;
	_ =	strace $0x80000049;
	[dreg:$0x1] =	wrdreg $0xFFFFFFFF  }
0xa7: {  	s28 =	simm.s32 $_size_execute0_lowered;
	s3 =	sadd.s32 s3, s5;
	[dreg:$0x0] =	wrdreg $0x0  }
0xa8: {  	s5 =	sshll.u32 s28, $0x1;
	[dreg:$0x2] =	wrdreg s3  }
0xa9: {  	[dreg:$0x3] =	wrdreg s5  }
0xaa: {  	[dreg:$0x4] =	wrdreg $0xC0  }
0xab: {  	_ =	task [dreg:s7], $0x5FFFF  }
0xac: {  	[dreg:$0x1] =	wrdreg $0xFFFFFFFF  }
0xad: {  	[dreg:$0x0] =	wrdreg $0x60  }
0xae: {  	[dreg:$0x2] =	wrdreg s2  }
0xaf: {  	[dreg:$0x3] =	wrdreg s24  }
0xb0: {  	[dreg:$0x4] =	wrdreg $0x0  }
0xb1: {  	[dreg:$0x5] =	wrdreg $0x9  }
0xb2: {  	_ =	task.clear_ibuf [dreg:s7], $0x6FFFF;
	_ =	strace $0x90000049  }
0xb3: {  	s29 =	simm.s32 $0x9;
	_ =	strace $0x8000004B  }
0xb4: {  	_ =	swait.ge [sflag:s29], $0x1  }
0xb5: {  	[sflag:s29] =	ssyncadd.s32 $0xFFFFFFFF  }
0xb6: {  	_ =	strace $0x9000004B  }
0xb7: {  	_ =	sfence  }
0xb8: {  	s30 =	sld [smem:$0x0];
	_ =	sdelay $0x2  }
0xb9: {  	s31 =	sshll.u32 s1, $0xD;
	s1 =	sshrl.u32 s1, $0x2  }
0xba: {  	s3 =	sand.u32 $0x4000, s31;
	s1 =	sadd.s32 s1, s30  }
0xbb: {  	s0 =	sor.u32 s3, s0;
	s1 =	sshll.u32 s1, $0x11  }
0xbc: {  	s0 =	sor.u32 s1, s0  }
0xbd: {  	s0 =	sadd.s32 $0x8F2B, s0  }
0xbe: {  	[sflag:s0] =	ssyncadd.remote.s32 $0x1  }
0xbf: {  	_ =	sfence.sel $0xFFFF  }
0xc0: {  	[dreg:$0x0] =	wrdreg $0xFFFFFFFF;
	(pc) =	sbr.abs _section_cstart, $3  }
0xc1: {  	[dreg:$0x1] =	wrdreg $0xFFFFFFFF  }
0xc2: {  	_ =	task.clear_ibuf [dreg:s7], $0x2FFFF;
	_ =	strace $0x9FFFFFFF  }
0xc3: {  	(tm) =	ssettm $0x7FFFFFFF  }
tec
execute0_lowered:
.L_overlay_start_1:
0x0: {  	(tag) =	ssettag $0x1  }
0x1: {  	s0 =	srdreg.scid;
	s1 =	rddreg [dreg:$0x0]  }
0x2: {  	s2 =	rddreg [dreg:$0x1];
	s9 =	stileid.u32  }
0x3: {  	s3 =	rddreg [dreg:$0x2];
	s28 =	simm.s32 $0x18050;
	s29 =	simm.s32 $0x1B000  }
0x4: {  	s30 =	simm.s32 $0x2;
	s0 =	sand.u32 $0x1, s0;
	s8 =	smul.u32 $0x14000, s9  }
0x5: {  	s21 =	simm.s32 $0x0;
	s4 =	sshll.u32 s0, $0x4;
	s7 =	smul.u32 $0x140000, s0  }
0x6: {  	s0 =	ssub.s32 $0x2, s0;
	s5 =	sor.u32 s9, s4;
	s9 =	smul.u32 $0x50000, s9  }
0x7: {  	s4 =	simm.s32 $0x0;
	s24 =	sshrl.u32 s0, $0x1;
	s6 =	smul.u32 $0x2710, s5  }
0x8: {  	[smem:$0x7FF] =	sst s4;
	s5 =	sshll.u32 s5, $0xB;
	s22 =	sadd.s32 s8, s7  }
0x9: {  	s0 =	ssub.s32 s0, s24;
	s24 =	simm.s32 $0x1;
	_ =	strace $0x8000004A  }
0xa: {  	s10 =	sadd.s32 s5, s2;
	s5 =	sshrl.u32 s22, $0x3;
	s23 =	sshrl.u32 s9, $0x2  }
0xb: {  	s20 =	smax.u32 s0, $0x1;
	s22 =	simm.s32 $0x3;
	s6 =	sshrl.u32 s6, $0x3  }
0xc: {  	s25 =	sadd.s32 $0xBE00, s10;
	s6 =	sadd.s32 s6, s2;
	s2 =	sadd.s32 s5, s2  }
0xd: {  	s5 =	sadd.s32 s23, s3;
	[dreg:$0x4] =	wrdreg s25;
	s23 =	simm.s32 $0x18800  }
0xe: {  	s25 =	simm.s32 $0x18000;
	s26 =	sadd.s32 $0x2800, s5;
	s31 =	sadd.s32 $0x5000, s5  }
0xf: {  	s9 =	sadd.s32 $0x7800, s5;
	s10 =	sadd.s32 $0xA000, s5;
	s11 =	sadd.s32 $0xC800, s5  }
0x10: {  	s12 =	sadd.s32 $0xF000, s5;
	s13 =	sadd.s32 $0x11800, s5;
	s14 =	sadd.s32 $0x2000, s6  }
0x11: {  	s15 =	sadd.s32 $0x20FA, s6;
	s16 =	sadd.s32 $0x21F4, s6;
	s17 =	sadd.s32 $0x22EE, s6  }
0x12: {  	s18 =	sadd.s32 $0x23E8, s6;
	s19 =	sadd.s32 $0x1BE00, s2;
	[dreg:$0x5] =	wrdreg s26  }
0x13: {  	v0 =	vimm.f32 $0.0e+00;
	s2 =	simm.s32 $0x18780;
	[dreg:$0x6] =	wrdreg s31;
	s26 =	simm.s32 $0x50  }
.LBB2_1:
0x14: {  	s0 =	rddreg [dreg:$0x4];
	s6 =	simm.s32 $0x14000  }
0x15: {  	[tilespmem:s6], [sflag:$0x3] =	stream.linear.gather [hbm4b:s0+s4], $0x3E80, $0x38;
	[tilespmem:$0x1D800] =	vst v63  }
0x16: {  	s7 =	sand.u32 $0xFE00, s4;
	s8 =	sand.u32 $0x70, s4;
	_ =	swait.ge [sflag:s22], $0x3E80  }
0x17: {  	s31 =	sshrl.u32 s7, $0x2;
	s0 =	simm.s32 $0x40;
	[sflag:s22] =	ssyncset.done $0x0  }
0x18: {  	s6 =	simm.s32 $0x0;
	s31 =	sor.u32 s8, s31;
	[sflag:s22] =	ssyncadd.s32 $0xFFFFC180  }
.LBB2_2:
0x19: {  	p0 =	sne.s32 s0, $0x9FC0  }
0x1a: {  	[tilespmem:s31+$0x18800] =	vst v0;
	s6 =	sadd.s32 $0x10, s6;
	s31 =	smov.u32 s0;
	s0 =	sadd.s32 $0x40, s0  }
.Ltmp0:
0x1b: {  	(pc) =	sbr.rel @p0 .LBB2_2-.Ltmp0, $4  }
0x1c: {  	_ = 	snop  }
0x1d: {  	s31 =	sand.u32 $0xFE00, s31  }
0x1e: {  	s7 =	sand.u32 $0x70, s6;
	s31 =	sshrl.u32 s31, $0x2  }
0x1f: {  	s31 =	sor.u32 s7, s31  }
0x20: {  	[tilespmem:s31+$0x18800] =	vst v0  }
0x21: {  	[spmem:s5] =	stream.linear.scatter [tilespmem:s23], [sflag:$0x1], $0x2800, $0x38;
	[tilespmem:$0x1D800] =	vst v63  }
0x22: {  	s0 =	rddreg [dreg:$0x5]  }
0x23: {  	[spmem:s0] =	stream.linear.scatter [tilespmem:s23], [sflag:$0x1], $0x2800, $0x38;
	[tilespmem:$0x1D800] =	vst v63  }
0x24: {  	s7 =	rddreg [dreg:$0x6]  }
0x25: {  	[spmem:s7] =	stream.linear.scatter [tilespmem:s23], [sflag:$0x1], $0x2800, $0x38;
	[tilespmem:$0x1D800] =	vst v63  }
0x26: {  	_ = 	snop  }
0x27: {  	[spmem:s9] =	stream.linear.scatter [tilespmem:s23], [sflag:$0x1], $0x2800, $0x38;
	[tilespmem:$0x1D800] =	vst v63  }
0x28: {  	_ = 	snop  }
0x29: {  	[spmem:s10] =	stream.linear.scatter [tilespmem:s23], [sflag:$0x1], $0x2800, $0x38;
	[tilespmem:$0x1D800] =	vst v63  }
0x2a: {  	_ = 	snop  }
0x2b: {  	[spmem:s11] =	stream.linear.scatter [tilespmem:s23], [sflag:$0x1], $0x2800, $0x38;
	[tilespmem:$0x1D800] =	vst v63  }
0x2c: {  	_ = 	snop  }
0x2d: {  	[spmem:s12] =	stream.linear.scatter [tilespmem:s23], [sflag:$0x1], $0x2800, $0x38;
	[tilespmem:$0x1D800] =	vst v63  }
0x2e: {  	_ = 	snop  }
0x2f: {  	[spmem:s13] =	stream.linear.scatter [tilespmem:s23], [sflag:$0x1], $0x2800, $0x38;
	[tilespmem:$0x1D800] =	vst v63  }
0x30: {  	_ =	swait.ge [sflag:s24], $0x2800  }
0x31: {  	[sflag:s24] =	ssyncset.done $0x0  }
0x32: {  	[sflag:s24] =	ssyncadd.s32 $0xFFFFD800  }
0x33: {  	_ =	swait.ge [sflag:s24], $0x2800  }
0x34: {  	[sflag:s24] =	ssyncset.done $0x0  }
0x35: {  	[sflag:s24] =	ssyncadd.s32 $0xFFFFD800  }
0x36: {  	_ =	swait.ge [sflag:s24], $0x2800  }
0x37: {  	[sflag:s24] =	ssyncset.done $0x0  }
0x38: {  	[sflag:s24] =	ssyncadd.s32 $0xFFFFD800  }
0x39: {  	_ =	swait.ge [sflag:s24], $0x2800  }
0x3a: {  	[sflag:s24] =	ssyncset.done $0x0  }
0x3b: {  	[sflag:s24] =	ssyncadd.s32 $0xFFFFD800  }
0x3c: {  	_ =	swait.ge [sflag:s24], $0x2800  }
0x3d: {  	[sflag:s24] =	ssyncset.done $0x0  }
0x3e: {  	[sflag:s24] =	ssyncadd.s32 $0xFFFFD800  }
0x3f: {  	_ =	swait.ge [sflag:s24], $0x2800  }
0x40: {  	[sflag:s24] =	ssyncset.done $0x0  }
0x41: {  	[sflag:s24] =	ssyncadd.s32 $0xFFFFD800  }
0x42: {  	_ =	swait.ge [sflag:s24], $0x2800  }
0x43: {  	[sflag:s24] =	ssyncset.done $0x0  }
0x44: {  	[sflag:s24] =	ssyncadd.s32 $0xFFFFD800  }
0x45: {  	_ =	swait.ge [sflag:s24], $0x2800  }
0x46: {  	[sflag:s24] =	ssyncset.done $0x0  }
0x47: {  	[sflag:s24] =	ssyncadd.s32 $0xFFFFD800  }
0x48: {  	s8 =	simm.s32 $0x0;
	[bflag:$0x0] =	sbarrier.arrive $0xFFFF  }
0x49: {  	[tilespmem:s25], [sflag:$0x3] =	stream.linear.gather [hbm4b:s14+s8], $0x7D0, $0x38;
	[tilespmem:$0x1D800] =	vst v63  }
0x4a: {  	_ =	swait.ge [sflag:s22], $0x7D0  }
0x4b: {  	[sflag:s22] =	ssyncset.done $0x0  }
0x4c: {  	[sflag:s22] =	ssyncadd.s32 $0xFFFFF830  }
0x4d: {  	[tilespmem:s23], [sflag:$0x1] =	stream.indirect.gather [hbm4b:s1+s26], $0x80, s25, s26, $0xb8;
	[tilespmem:$0x1D800] =	vst v63  }
0x4e: {  	_ = 	snop  }
0x4f: {  	[tilespmem:s29], [sflag:$0x2] =	stream.indirect.gather [hbm4b:s1+s26], $0x80, s28, s26, $0xb8;
	[tilespmem:$0x1D800] =	vst v63  }
0x50: {  	_ =	swait.ge [sflag:s24], $0x2800  }
0x51: {  	[sflag:s24] =	ssyncset.done $0x0  }
0x52: {  	s6 =	simm.s32 $0x14000;
	[sflag:s24] =	ssyncadd.s32 $0xFFFFD800  }
0x53: {  	[spmem:s3] =	stream.indirect.scatter.add.f32 [tilespmem:s23], [sflag:$0x3], $0x80, s6, s26, $0xb8;
	[tilespmem:$0x1D800] =	vst v63  }
0x54: {  	_ =	swait.ge [sflag:s22], $0x2800  }
0x55: {  	[sflag:s22] =	ssyncset.done $0x0  }
0x56: {  	s7 =	simm.s32 $0x180A0;
	[sflag:s22] =	ssyncadd.s32 $0xFFFFD800  }
0x57: {  	[tilespmem:s23], [sflag:$0x1] =	stream.indirect.gather [hbm4b:s1+s26], $0x80, s7, s26, $0xb8;
	[tilespmem:$0x1D800] =	vst v63  }
0x58: {  	_ =	swait.ge [sflag:s30], $0x2800  }
0x59: {  	[sflag:s30] =	ssyncset.done $0x0  }
0x5a: {  	s8 =	simm.s32 $0x14080;
	[sflag:s30] =	ssyncadd.s32 $0xFFFFD800  }
0x5b: {  	[spmem:s3] =	stream.indirect.scatter.add.f32 [tilespmem:s29], [sflag:$0x3], $0x80, s8, s26, $0xb8;
	[tilespmem:$0x1D800] =	vst v63  }
0x5c: {  	_ =	swait.ge [sflag:s22], $0x2800  }
0x5d: {  	s31 =	simm.s32 $0x180F0;
	[sflag:s22] =	ssyncset.done $0x0  }
0x5e: {  	s0 =	simm.s32 $0x400;
	s6 =	simm.s32 $0x18190;
	[sflag:s22] =	ssyncadd.s32 $0xFFFFD800  }
.LBB2_4:
0x5f: {  	[tilespmem:s29], [sflag:$0x2] =	stream.indirect.gather [hbm4b:s1+s26], $0x80, s31, s26, $0xb8;
	[tilespmem:$0x1D800] =	vst v63  }
0x60: {  	s7 =	smov.u32 s0;
	s31 =	smov.u32 s6  }
0x61: {  	p0 =	sne.s32 s0, $0x2800;
	s0 =	sadd.s32 $0x400, s0;
	_ =	swait.ge [sflag:s24], $0x2800  }
0x62: {  	s7 =	sshra.s32 s7, $0x2;
	[sflag:s24] =	ssyncset.done $0x0  }
0x63: {  	s8 =	sadd.s32 $0x14000, s7;
	[sflag:s24] =	ssyncadd.s32 $0xFFFFD800  }
0x64: {  	[spmem:s3] =	stream.indirect.scatter.add.f32 [tilespmem:s23], [sflag:$0x3], $0x80, s8, s26, $0xb8;
	[tilespmem:$0x1D800] =	vst v63  }
0x65: {  	_ =	swait.ge [sflag:s22], $0x2800  }
0x66: {  	[sflag:s22] =	ssyncset.done $0x0  }
0x67: {  	s8 =	sadd.s32 $0xFFFFFFB0, s6;
	[sflag:s22] =	ssyncadd.s32 $0xFFFFD800  }
0x68: {  	[tilespmem:s23], [sflag:$0x1] =	stream.indirect.gather [hbm4b:s1+s26], $0x80, s8, s26, $0xb8;
	[tilespmem:$0x1D800] =	vst v63  }
0x69: {  	_ =	swait.ge [sflag:s30], $0x2800  }
0x6a: {  	[sflag:s30] =	ssyncset.done $0x0  }
.Ltmp1:
0x6b: {  	s7 =	sadd.s32 $0x14080, s7;
	[sflag:s30] =	ssyncadd.s32 $0xFFFFD800;
	(pc) =	sbr.rel @p0 .LBB2_4-.Ltmp1, $4  }
0x6c: {  	[spmem:s3] =	stream.indirect.scatter.add.f32 [tilespmem:s29], [sflag:$0x3], $0x80, s7, s26, $0xb8;
	[tilespmem:$0x1D800] =	vst v63  }
0x6d: {  	_ =	swait.ge [sflag:s22], $0x2800  }
0x6e: {  	[sflag:s22] =	ssyncset.done $0x0  }
0x6f: {  	s6 =	sadd.s32 $0xA0, s6;
	[sflag:s22] =	ssyncadd.s32 $0xFFFFD800  }
0x70: {  	[tilespmem:s29], [sflag:$0x2] =	stream.indirect.gather [hbm4b:s1+s26], $0x80, s31, s26, $0xb8;
	[tilespmem:$0x1D800] =	vst v63  }
0x71: {  	_ =	swait.ge [sflag:s24], $0x2800  }
0x72: {  	[sflag:s24] =	ssyncset.done $0x0  }
0x73: {  	s0 =	simm.s32 $0x14B00;
	[sflag:s24] =	ssyncadd.s32 $0xFFFFD800  }
0x74: {  	[spmem:s3] =	stream.indirect.scatter.add.f32 [tilespmem:s23], [sflag:$0x3], $0x80, s0, s26, $0xb8;
	[tilespmem:$0x1D800] =	vst v63  }
0x75: {  	_ =	swait.ge [sflag:s22], $0x2800  }
0x76: {  	[sflag:s22] =	ssyncset.done $0x0  }
0x77: {  	[sflag:s22] =	ssyncadd.s32 $0xFFFFD800  }
0x78: {  	[tilespmem:s23], [sflag:$0x1] =	stream.indirect.gather [hbm4b:s1+s26], $0x80, s2, s26, $0xb8;
	[tilespmem:$0x1D800] =	vst v63  }
0x79: {  	_ =	swait.ge [sflag:s30], $0x2800  }
0x7a: {  	[sflag:s30] =	ssyncset.done $0x0  }
0x7b: {  	s7 =	simm.s32 $0x14B80;
	[sflag:s30] =	ssyncadd.s32 $0xFFFFD800  }
0x7c: {  	[spmem:s3] =	stream.indirect.scatter.add.f32 [tilespmem:s29], [sflag:$0x3], $0x80, s7, s26, $0xb8;
	[tilespmem:$0x1D800] =	vst v63  }
0x7d: {  	_ =	swait.ge [sflag:s22], $0x2800  }
0x7e: {  	[sflag:s22] =	ssyncset.done $0x0  }
0x7f: {  	[sflag:s22] =	ssyncadd.s32 $0xFFFFD800  }
0x80: {  	_ =	swait.ge [sflag:s24], $0x2800  }
0x81: {  	[sflag:s24] =	ssyncset.done $0x0  }
0x82: {  	s8 =	simm.s32 $0x14C00;
	[sflag:s24] =	ssyncadd.s32 $0xFFFFD800  }
0x83: {  	[spmem:s3] =	stream.indirect.scatter.add.f32 [tilespmem:s23], [sflag:$0x3], $0x80, s8, s26, $0xb8;
	[tilespmem:$0x1D800] =	vst v63  }
0x84: {  	_ =	swait.ge [sflag:s22], $0x2800  }
0x85: {  	[sflag:s22] =	ssyncset.done $0x0  }
0x86: {  	[sflag:s22] =	ssyncadd.s32 $0xFFFFD800  }
0x87: {  	[tilespmem:s25], [sflag:$0x3] =	stream.linear.gather [hbm4b:s15+s4], $0x7D0, $0x38;
	[tilespmem:$0x1D800] =	vst v63  }
0x88: {  	_ =	swait.ge [sflag:s22], $0x7D0  }
0x89: {  	[sflag:s22] =	ssyncset.done $0x0  }
0x8a: {  	[sflag:s22] =	ssyncadd.s32 $0xFFFFF830  }
0x8b: {  	[tilespmem:s23], [sflag:$0x1] =	stream.indirect.gather [hbm4b:s1+s26], $0x80, s25, s26, $0xb8;
	[tilespmem:$0x1D800] =	vst v63  }
0x8c: {  	_ = 	snop  }
0x8d: {  	[tilespmem:s29], [sflag:$0x2] =	stream.indirect.gather [hbm4b:s1+s26], $0x80, s28, s26, $0xb8;
	[tilespmem:$0x1D800] =	vst v63  }
0x8e: {  	_ =	swait.ge [sflag:s24], $0x2800  }
0x8f: {  	[sflag:s24] =	ssyncset.done $0x0  }
0x90: {  	s6 =	simm.s32 $0x14C80;
	[sflag:s24] =	ssyncadd.s32 $0xFFFFD800  }
0x91: {  	[spmem:s3] =	stream.indirect.scatter.add.f32 [tilespmem:s23], [sflag:$0x3], $0x80, s6, s26, $0xb8;
	[tilespmem:$0x1D800] =	vst v63  }
0x92: {  	_ =	swait.ge [sflag:s22], $0x2800  }
0x93: {  	[sflag:s22] =	ssyncset.done $0x0  }
0x94: {  	s7 =	simm.s32 $0x180A0;
	[sflag:s22] =	ssyncadd.s32 $0xFFFFD800  }
0x95: {  	[tilespmem:s23], [sflag:$0x1] =	stream.indirect.gather [hbm4b:s1+s26], $0x80, s7, s26, $0xb8;
	[tilespmem:$0x1D800] =	vst v63  }
0x96: {  	_ =	swait.ge [sflag:s30], $0x2800  }
0x97: {  	[sflag:s30] =	ssyncset.done $0x0  }
0x98: {  	s8 =	simm.s32 $0x14D00;
	[sflag:s30] =	ssyncadd.s32 $0xFFFFD800  }
0x99: {  	[spmem:s3] =	stream.indirect.scatter.add.f32 [tilespmem:s29], [sflag:$0x3], $0x80, s8, s26, $0xb8;
	[tilespmem:$0x1D800] =	vst v63  }
0x9a: {  	_ =	swait.ge [sflag:s22], $0x2800  }
0x9b: {  	s31 =	simm.s32 $0xFFFFE700;
	[sflag:s22] =	ssyncset.done $0x0  }
0x9c: {  	s0 =	simm.s32 $0x14E00;
	s6 =	simm.s32 $0x180F0;
	[sflag:s22] =	ssyncadd.s32 $0xFFFFD800  }
.LBB2_6:
0x9d: {  	[tilespmem:s29], [sflag:$0x2] =	stream.indirect.gather [hbm4b:s1+s26], $0x80, s6, s26, $0xb8;
	[tilespmem:$0x1D800] =	vst v63  }
0x9e: {  	s6 =	smov.u32 s31  }
0x9f: {  	p0 =	sne.s32 s31, $0xFFFFFD80;
	s31 =	sadd.s32 $0x280, s31;
	_ =	swait.ge [sflag:s24], $0x2800  }
0xa0: {  	[sflag:s24] =	ssyncset.done $0x0  }
0xa1: {  	s7 =	sadd.s32 $0xFFFFFF80, s0;
	[sflag:s24] =	ssyncadd.s32 $0xFFFFD800  }
0xa2: {  	[spmem:s3] =	stream.indirect.scatter.add.f32 [tilespmem:s23], [sflag:$0x3], $0x80, s7, s26, $0xb8;
	[tilespmem:$0x1D800] =	vst v63  }
0xa3: {  	_ =	swait.ge [sflag:s22], $0x2800  }
0xa4: {  	s6 =	sshra.s32 s6, $0x2;
	[sflag:s22] =	ssyncset.done $0x0  }
0xa5: {  	s7 =	sadd.s32 $0x18780, s6;
	[sflag:s22] =	ssyncadd.s32 $0xFFFFD800  }
0xa6: {  	[tilespmem:s23], [sflag:$0x1] =	stream.indirect.gather [hbm4b:s1+s26], $0x80, s7, s26, $0xb8;
	[tilespmem:$0x1D800] =	vst v63  }
0xa7: {  	_ =	swait.ge [sflag:s30], $0x2800  }
0xa8: {  	[sflag:s30] =	ssyncset.done $0x0  }
.Ltmp2:
0xa9: {  	[sflag:s30] =	ssyncadd.s32 $0xFFFFD800;
	(pc) =	sbr.rel @p0 .LBB2_6-.Ltmp2, $4  }
0xaa: {  	[spmem:s3] =	stream.indirect.scatter.add.f32 [tilespmem:s29], [sflag:$0x3], $0x80, s0, s26, $0xb8;
	[tilespmem:$0x1D800] =	vst v63  }
0xab: {  	_ =	swait.ge [sflag:s22], $0x2800  }
0xac: {  	[sflag:s22] =	ssyncset.done $0x0  }
0xad: {  	s6 =	sadd.s32 $0x187D0, s6;
	s0 =	sadd.s32 $0x100, s0;
	[sflag:s22] =	ssyncadd.s32 $0xFFFFD800  }
0xae: {  	[tilespmem:s29], [sflag:$0x2] =	stream.indirect.gather [hbm4b:s1+s26], $0x80, s6, s26, $0xb8;
	[tilespmem:$0x1D800] =	vst v63  }
0xaf: {  	_ =	swait.ge [sflag:s24], $0x2800  }
0xb0: {  	[sflag:s24] =	ssyncset.done $0x0  }
0xb1: {  	s0 =	simm.s32 $0x15780;
	[sflag:s24] =	ssyncadd.s32 $0xFFFFD800  }
0xb2: {  	[spmem:s3] =	stream.indirect.scatter.add.f32 [tilespmem:s23], [sflag:$0x3], $0x80, s0, s26, $0xb8;
	[tilespmem:$0x1D800] =	vst v63  }
0xb3: {  	_ =	swait.ge [sflag:s22], $0x2800  }
0xb4: {  	[sflag:s22] =	ssyncset.done $0x0  }
0xb5: {  	[sflag:s22] =	ssyncadd.s32 $0xFFFFD800  }
0xb6: {  	[tilespmem:s23], [sflag:$0x1] =	stream.indirect.gather [hbm4b:s1+s26], $0x80, s2, s26, $0xb8;
	[tilespmem:$0x1D800] =	vst v63  }
0xb7: {  	_ =	swait.ge [sflag:s30], $0x2800  }
0xb8: {  	[sflag:s30] =	ssyncset.done $0x0  }
0xb9: {  	s7 =	simm.s32 $0x15800;
	[sflag:s30] =	ssyncadd.s32 $0xFFFFD800  }
0xba: {  	[spmem:s3] =	stream.indirect.scatter.add.f32 [tilespmem:s29], [sflag:$0x3], $0x80, s7, s26, $0xb8;
	[tilespmem:$0x1D800] =	vst v63  }
0xbb: {  	_ =	swait.ge [sflag:s22], $0x2800  }
0xbc: {  	[sflag:s22] =	ssyncset.done $0x0  }
0xbd: {  	[sflag:s22] =	ssyncadd.s32 $0xFFFFD800  }
0xbe: {  	_ =	swait.ge [sflag:s24], $0x2800  }
0xbf: {  	[sflag:s24] =	ssyncset.done $0x0  }
0xc0: {  	s8 =	simm.s32 $0x15880;
	[sflag:s24] =	ssyncadd.s32 $0xFFFFD800  }
0xc1: {  	[spmem:s3] =	stream.indirect.scatter.add.f32 [tilespmem:s23], [sflag:$0x3], $0x80, s8, s26, $0xb8;
	[tilespmem:$0x1D800] =	vst v63  }
0xc2: {  	_ =	swait.ge [sflag:s22], $0x2800  }
0xc3: {  	[sflag:s22] =	ssyncset.done $0x0  }
0xc4: {  	[sflag:s22] =	ssyncadd.s32 $0xFFFFD800  }
0xc5: {  	[tilespmem:s25], [sflag:$0x3] =	stream.linear.gather [hbm4b:s16+s4], $0x7D0, $0x38;
	[tilespmem:$0x1D800] =	vst v63  }
0xc6: {  	_ =	swait.ge [sflag:s22], $0x7D0  }
0xc7: {  	[sflag:s22] =	ssyncset.done $0x0  }
0xc8: {  	[sflag:s22] =	ssyncadd.s32 $0xFFFFF830  }
0xc9: {  	[tilespmem:s23], [sflag:$0x1] =	stream.indirect.gather [hbm4b:s1+s26], $0x80, s25, s26, $0xb8;
	[tilespmem:$0x1D800] =	vst v63  }
0xca: {  	_ = 	snop  }
0xcb: {  	[tilespmem:s29], [sflag:$0x2] =	stream.indirect.gather [hbm4b:s1+s26], $0x80, s28, s26, $0xb8;
	[tilespmem:$0x1D800] =	vst v63  }
0xcc: {  	_ =	swait.ge [sflag:s24], $0x2800  }
0xcd: {  	[sflag:s24] =	ssyncset.done $0x0  }
0xce: {  	s6 =	simm.s32 $0x15900;
	[sflag:s24] =	ssyncadd.s32 $0xFFFFD800  }
0xcf: {  	[spmem:s3] =	stream.indirect.scatter.add.f32 [tilespmem:s23], [sflag:$0x3], $0x80, s6, s26, $0xb8;
	[tilespmem:$0x1D800] =	vst v63  }
0xd0: {  	_ =	swait.ge [sflag:s22], $0x2800  }
0xd1: {  	[sflag:s22] =	ssyncset.done $0x0  }
0xd2: {  	s7 =	simm.s32 $0x180A0;
	[sflag:s22] =	ssyncadd.s32 $0xFFFFD800  }
0xd3: {  	[tilespmem:s23], [sflag:$0x1] =	stream.indirect.gather [hbm4b:s1+s26], $0x80, s7, s26, $0xb8;
	[tilespmem:$0x1D800] =	vst v63  }
0xd4: {  	_ =	swait.ge [sflag:s30], $0x2800  }
0xd5: {  	[sflag:s30] =	ssyncset.done $0x0  }
0xd6: {  	s8 =	simm.s32 $0x15980;
	[sflag:s30] =	ssyncadd.s32 $0xFFFFD800  }
0xd7: {  	[spmem:s3] =	stream.indirect.scatter.add.f32 [tilespmem:s29], [sflag:$0x3], $0x80, s8, s26, $0xb8;
	[tilespmem:$0x1D800] =	vst v63  }
0xd8: {  	_ =	swait.ge [sflag:s22], $0x2800  }
0xd9: {  	s31 =	simm.s32 $0xFFFFE700;
	[sflag:s22] =	ssyncset.done $0x0  }
0xda: {  	s0 =	simm.s32 $0x15A80;
	s6 =	simm.s32 $0x180F0;
	[sflag:s22] =	ssyncadd.s32 $0xFFFFD800  }
.LBB2_8:
0xdb: {  	[tilespmem:s29], [sflag:$0x2] =	stream.indirect.gather [hbm4b:s1+s26], $0x80, s6, s26, $0xb8;
	[tilespmem:$0x1D800] =	vst v63  }
0xdc: {  	s6 =	smov.u32 s31  }
0xdd: {  	p0 =	sne.s32 s31, $0xFFFFFD80;
	s31 =	sadd.s32 $0x280, s31;
	_ =	swait.ge [sflag:s24], $0x2800  }
0xde: {  	[sflag:s24] =	ssyncset.done $0x0  }
0xdf: {  	s7 =	sadd.s32 $0xFFFFFF80, s0;
	[sflag:s24] =	ssyncadd.s32 $0xFFFFD800  }
0xe0: {  	[spmem:s3] =	stream.indirect.scatter.add.f32 [tilespmem:s23], [sflag:$0x3], $0x80, s7, s26, $0xb8;
	[tilespmem:$0x1D800] =	vst v63  }
0xe1: {  	_ =	swait.ge [sflag:s22], $0x2800  }
0xe2: {  	s6 =	sshra.s32 s6, $0x2;
	[sflag:s22] =	ssyncset.done $0x0  }
0xe3: {  	s7 =	sadd.s32 $0x18780, s6;
	[sflag:s22] =	ssyncadd.s32 $0xFFFFD800  }
0xe4: {  	[tilespmem:s23], [sflag:$0x1] =	stream.indirect.gather [hbm4b:s1+s26], $0x80, s7, s26, $0xb8;
	[tilespmem:$0x1D800] =	vst v63  }
0xe5: {  	_ =	swait.ge [sflag:s30], $0x2800  }
0xe6: {  	[sflag:s30] =	ssyncset.done $0x0  }
.Ltmp3:
0xe7: {  	[sflag:s30] =	ssyncadd.s32 $0xFFFFD800;
	(pc) =	sbr.rel @p0 .LBB2_8-.Ltmp3, $4  }
0xe8: {  	[spmem:s3] =	stream.indirect.scatter.add.f32 [tilespmem:s29], [sflag:$0x3], $0x80, s0, s26, $0xb8;
	[tilespmem:$0x1D800] =	vst v63  }
0xe9: {  	_ =	swait.ge [sflag:s22], $0x2800  }
0xea: {  	[sflag:s22] =	ssyncset.done $0x0  }
0xeb: {  	s6 =	sadd.s32 $0x187D0, s6;
	s0 =	sadd.s32 $0x100, s0;
	[sflag:s22] =	ssyncadd.s32 $0xFFFFD800  }
0xec: {  	[tilespmem:s29], [sflag:$0x2] =	stream.indirect.gather [hbm4b:s1+s26], $0x80, s6, s26, $0xb8;
	[tilespmem:$0x1D800] =	vst v63  }
0xed: {  	_ =	swait.ge [sflag:s24], $0x2800  }
0xee: {  	[sflag:s24] =	ssyncset.done $0x0  }
0xef: {  	s0 =	simm.s32 $0x16400;
	[sflag:s24] =	ssyncadd.s32 $0xFFFFD800  }
0xf0: {  	[spmem:s3] =	stream.indirect.scatter.add.f32 [tilespmem:s23], [sflag:$0x3], $0x80, s0, s26, $0xb8;
	[tilespmem:$0x1D800] =	vst v63  }
0xf1: {  	_ =	swait.ge [sflag:s22], $0x2800  }
0xf2: {  	[sflag:s22] =	ssyncset.done $0x0  }
0xf3: {  	[sflag:s22] =	ssyncadd.s32 $0xFFFFD800  }
0xf4: {  	[tilespmem:s23], [sflag:$0x1] =	stream.indirect.gather [hbm4b:s1+s26], $0x80, s2, s26, $0xb8;
	[tilespmem:$0x1D800] =	vst v63  }
0xf5: {  	_ =	swait.ge [sflag:s30], $0x2800  }
0xf6: {  	[sflag:s30] =	ssyncset.done $0x0  }
0xf7: {  	s7 =	simm.s32 $0x16480;
	[sflag:s30] =	ssyncadd.s32 $0xFFFFD800  }
0xf8: {  	[spmem:s3] =	stream.indirect.scatter.add.f32 [tilespmem:s29], [sflag:$0x3], $0x80, s7, s26, $0xb8;
	[tilespmem:$0x1D800] =	vst v63  }
0xf9: {  	_ =	swait.ge [sflag:s22], $0x2800  }
0xfa: {  	[sflag:s22] =	ssyncset.done $0x0  }
0xfb: {  	[sflag:s22] =	ssyncadd.s32 $0xFFFFD800  }
0xfc: {  	_ =	swait.ge [sflag:s24], $0x2800  }
0xfd: {  	[sflag:s24] =	ssyncset.done $0x0  }
0xfe: {  	s8 =	simm.s32 $0x16500;
	[sflag:s24] =	ssyncadd.s32 $0xFFFFD800  }
0xff: {  	[spmem:s3] =	stream.indirect.scatter.add.f32 [tilespmem:s23], [sflag:$0x3], $0x80, s8, s26, $0xb8;
	[tilespmem:$0x1D800] =	vst v63  }
0x100: {  	_ =	swait.ge [sflag:s22], $0x2800  }
0x101: {  	[sflag:s22] =	ssyncset.done $0x0  }
0x102: {  	[sflag:s22] =	ssyncadd.s32 $0xFFFFD800  }
0x103: {  	[tilespmem:s25], [sflag:$0x3] =	stream.linear.gather [hbm4b:s17+s4], $0x7D0, $0x38;
	[tilespmem:$0x1D800] =	vst v63  }
0x104: {  	_ =	swait.ge [sflag:s22], $0x7D0  }
0x105: {  	[sflag:s22] =	ssyncset.done $0x0  }
0x106: {  	[sflag:s22] =	ssyncadd.s32 $0xFFFFF830  }
0x107: {  	[tilespmem:s23], [sflag:$0x1] =	stream.indirect.gather [hbm4b:s1+s26], $0x80, s25, s26, $0xb8;
	[tilespmem:$0x1D800] =	vst v63  }
0x108: {  	_ = 	snop  }
0x109: {  	[tilespmem:s29], [sflag:$0x2] =	stream.indirect.gather [hbm4b:s1+s26], $0x80, s28, s26, $0xb8;
	[tilespmem:$0x1D800] =	vst v63  }
0x10a: {  	_ =	swait.ge [sflag:s24], $0x2800  }
0x10b: {  	[sflag:s24] =	ssyncset.done $0x0  }
0x10c: {  	s6 =	simm.s32 $0x16580;
	[sflag:s24] =	ssyncadd.s32 $0xFFFFD800  }
0x10d: {  	[spmem:s3] =	stream.indirect.scatter.add.f32 [tilespmem:s23], [sflag:$0x3], $0x80, s6, s26, $0xb8;
	[tilespmem:$0x1D800] =	vst v63  }
0x10e: {  	_ =	swait.ge [sflag:s22], $0x2800  }
0x10f: {  	[sflag:s22] =	ssyncset.done $0x0  }
0x110: {  	s7 =	simm.s32 $0x180A0;
	[sflag:s22] =	ssyncadd.s32 $0xFFFFD800  }
0x111: {  	[tilespmem:s23], [sflag:$0x1] =	stream.indirect.gather [hbm4b:s1+s26], $0x80, s7, s26, $0xb8;
	[tilespmem:$0x1D800] =	vst v63  }
0x112: {  	_ =	swait.ge [sflag:s30], $0x2800  }
0x113: {  	[sflag:s30] =	ssyncset.done $0x0  }
0x114: {  	s8 =	simm.s32 $0x16600;
	[sflag:s30] =	ssyncadd.s32 $0xFFFFD800  }
0x115: {  	[spmem:s3] =	stream.indirect.scatter.add.f32 [tilespmem:s29], [sflag:$0x3], $0x80, s8, s26, $0xb8;
	[tilespmem:$0x1D800] =	vst v63  }
0x116: {  	_ =	swait.ge [sflag:s22], $0x2800  }
0x117: {  	s31 =	simm.s32 $0xFFFFE700;
	[sflag:s22] =	ssyncset.done $0x0  }
0x118: {  	s0 =	simm.s32 $0x16700;
	s6 =	simm.s32 $0x180F0;
	[sflag:s22] =	ssyncadd.s32 $0xFFFFD800  }
.LBB2_10:
0x119: {  	[tilespmem:s29], [sflag:$0x2] =	stream.indirect.gather [hbm4b:s1+s26], $0x80, s6, s26, $0xb8;
	[tilespmem:$0x1D800] =	vst v63  }
0x11a: {  	s6 =	smov.u32 s31  }
0x11b: {  	p0 =	sne.s32 s31, $0xFFFFFD80;
	s31 =	sadd.s32 $0x280, s31;
	_ =	swait.ge [sflag:s24], $0x2800  }
0x11c: {  	[sflag:s24] =	ssyncset.done $0x0  }
0x11d: {  	s7 =	sadd.s32 $0xFFFFFF80, s0;
	[sflag:s24] =	ssyncadd.s32 $0xFFFFD800  }
0x11e: {  	[spmem:s3] =	stream.indirect.scatter.add.f32 [tilespmem:s23], [sflag:$0x3], $0x80, s7, s26, $0xb8;
	[tilespmem:$0x1D800] =	vst v63  }
0x11f: {  	_ =	swait.ge [sflag:s22], $0x2800  }
0x120: {  	s6 =	sshra.s32 s6, $0x2;
	[sflag:s22] =	ssyncset.done $0x0  }
0x121: {  	s7 =	sadd.s32 $0x18780, s6;
	[sflag:s22] =	ssyncadd.s32 $0xFFFFD800  }
0x122: {  	[tilespmem:s23], [sflag:$0x1] =	stream.indirect.gather [hbm4b:s1+s26], $0x80, s7, s26, $0xb8;
	[tilespmem:$0x1D800] =	vst v63  }
0x123: {  	_ =	swait.ge [sflag:s30], $0x2800  }
0x124: {  	[sflag:s30] =	ssyncset.done $0x0  }
.Ltmp4:
0x125: {  	[sflag:s30] =	ssyncadd.s32 $0xFFFFD800;
	(pc) =	sbr.rel @p0 .LBB2_10-.Ltmp4, $4  }
0x126: {  	[spmem:s3] =	stream.indirect.scatter.add.f32 [tilespmem:s29], [sflag:$0x3], $0x80, s0, s26, $0xb8;
	[tilespmem:$0x1D800] =	vst v63  }
0x127: {  	_ =	swait.ge [sflag:s22], $0x2800  }
0x128: {  	[sflag:s22] =	ssyncset.done $0x0  }
0x129: {  	s6 =	sadd.s32 $0x187D0, s6;
	s0 =	sadd.s32 $0x100, s0;
	[sflag:s22] =	ssyncadd.s32 $0xFFFFD800  }
0x12a: {  	[tilespmem:s29], [sflag:$0x2] =	stream.indirect.gather [hbm4b:s1+s26], $0x80, s6, s26, $0xb8;
	[tilespmem:$0x1D800] =	vst v63  }
0x12b: {  	_ =	swait.ge [sflag:s24], $0x2800  }
0x12c: {  	[sflag:s24] =	ssyncset.done $0x0  }
0x12d: {  	s0 =	simm.s32 $0x17080;
	[sflag:s24] =	ssyncadd.s32 $0xFFFFD800  }
0x12e: {  	[spmem:s3] =	stream.indirect.scatter.add.f32 [tilespmem:s23], [sflag:$0x3], $0x80, s0, s26, $0xb8;
	[tilespmem:$0x1D800] =	vst v63  }
0x12f: {  	_ =	swait.ge [sflag:s22], $0x2800  }
0x130: {  	[sflag:s22] =	ssyncset.done $0x0  }
0x131: {  	[sflag:s22] =	ssyncadd.s32 $0xFFFFD800  }
0x132: {  	[tilespmem:s23], [sflag:$0x1] =	stream.indirect.gather [hbm4b:s1+s26], $0x80, s2, s26, $0xb8;
	[tilespmem:$0x1D800] =	vst v63  }
0x133: {  	_ =	swait.ge [sflag:s30], $0x2800  }
0x134: {  	[sflag:s30] =	ssyncset.done $0x0  }
0x135: {  	s7 =	simm.s32 $0x17100;
	[sflag:s30] =	ssyncadd.s32 $0xFFFFD800  }
0x136: {  	[spmem:s3] =	stream.indirect.scatter.add.f32 [tilespmem:s29], [sflag:$0x3], $0x80, s7, s26, $0xb8;
	[tilespmem:$0x1D800] =	vst v63  }
0x137: {  	_ =	swait.ge [sflag:s22], $0x2800  }
0x138: {  	[sflag:s22] =	ssyncset.done $0x0  }
0x139: {  	[sflag:s22] =	ssyncadd.s32 $0xFFFFD800  }
0x13a: {  	_ =	swait.ge [sflag:s24], $0x2800  }
0x13b: {  	[sflag:s24] =	ssyncset.done $0x0  }
0x13c: {  	s8 =	simm.s32 $0x17180;
	[sflag:s24] =	ssyncadd.s32 $0xFFFFD800  }
0x13d: {  	[spmem:s3] =	stream.indirect.scatter.add.f32 [tilespmem:s23], [sflag:$0x3], $0x80, s8, s26, $0xb8;
	[tilespmem:$0x1D800] =	vst v63  }
0x13e: {  	_ =	swait.ge [sflag:s22], $0x2800  }
0x13f: {  	[sflag:s22] =	ssyncset.done $0x0  }
0x140: {  	[sflag:s22] =	ssyncadd.s32 $0xFFFFD800  }
0x141: {  	[tilespmem:s25], [sflag:$0x3] =	stream.linear.gather [hbm4b:s18+s4], $0x7D0, $0x38;
	[tilespmem:$0x1D800] =	vst v63  }
0x142: {  	_ =	swait.ge [sflag:s22], $0x7D0  }
0x143: {  	[sflag:s22] =	ssyncset.done $0x0  }
0x144: {  	[sflag:s22] =	ssyncadd.s32 $0xFFFFF830  }
0x145: {  	[tilespmem:s23], [sflag:$0x1] =	stream.indirect.gather [hbm4b:s1+s26], $0x80, s25, s26, $0xb8;
	[tilespmem:$0x1D800] =	vst v63  }
0x146: {  	_ = 	snop  }
0x147: {  	[tilespmem:s29], [sflag:$0x2] =	stream.indirect.gather [hbm4b:s1+s26], $0x80, s28, s26, $0xb8;
	[tilespmem:$0x1D800] =	vst v63  }
0x148: {  	_ =	swait.ge [sflag:s24], $0x2800  }
0x149: {  	[sflag:s24] =	ssyncset.done $0x0  }
0x14a: {  	s6 =	simm.s32 $0x17200;
	[sflag:s24] =	ssyncadd.s32 $0xFFFFD800  }
0x14b: {  	[spmem:s3] =	stream.indirect.scatter.add.f32 [tilespmem:s23], [sflag:$0x3], $0x80, s6, s26, $0xb8;
	[tilespmem:$0x1D800] =	vst v63  }
0x14c: {  	_ =	swait.ge [sflag:s22], $0x2800  }
0x14d: {  	[sflag:s22] =	ssyncset.done $0x0  }
0x14e: {  	s7 =	simm.s32 $0x180A0;
	[sflag:s22] =	ssyncadd.s32 $0xFFFFD800  }
0x14f: {  	[tilespmem:s23], [sflag:$0x1] =	stream.indirect.gather [hbm4b:s1+s26], $0x80, s7, s26, $0xb8;
	[tilespmem:$0x1D800] =	vst v63  }
0x150: {  	_ =	swait.ge [sflag:s30], $0x2800  }
0x151: {  	[sflag:s30] =	ssyncset.done $0x0  }
0x152: {  	s8 =	simm.s32 $0x17280;
	[sflag:s30] =	ssyncadd.s32 $0xFFFFD800  }
0x153: {  	[spmem:s3] =	stream.indirect.scatter.add.f32 [tilespmem:s29], [sflag:$0x3], $0x80, s8, s26, $0xb8;
	[tilespmem:$0x1D800] =	vst v63  }
0x154: {  	_ =	swait.ge [sflag:s22], $0x2800  }
0x155: {  	s31 =	simm.s32 $0xFFFFE700;
	[sflag:s22] =	ssyncset.done $0x0  }
0x156: {  	s0 =	simm.s32 $0x17380;
	s6 =	simm.s32 $0x180F0;
	[sflag:s22] =	ssyncadd.s32 $0xFFFFD800  }
.LBB2_12:
0x157: {  	[tilespmem:s29], [sflag:$0x2] =	stream.indirect.gather [hbm4b:s1+s26], $0x80, s6, s26, $0xb8;
	[tilespmem:$0x1D800] =	vst v63  }
0x158: {  	s6 =	smov.u32 s31  }
0x159: {  	p0 =	sne.s32 s31, $0xFFFFFD80;
	s31 =	sadd.s32 $0x280, s31;
	_ =	swait.ge [sflag:s24], $0x2800  }
0x15a: {  	[sflag:s24] =	ssyncset.done $0x0  }
0x15b: {  	s7 =	sadd.s32 $0xFFFFFF80, s0;
	[sflag:s24] =	ssyncadd.s32 $0xFFFFD800  }
0x15c: {  	[spmem:s3] =	stream.indirect.scatter.add.f32 [tilespmem:s23], [sflag:$0x3], $0x80, s7, s26, $0xb8;
	[tilespmem:$0x1D800] =	vst v63  }
0x15d: {  	_ =	swait.ge [sflag:s22], $0x2800  }
0x15e: {  	s6 =	sshra.s32 s6, $0x2;
	[sflag:s22] =	ssyncset.done $0x0  }
0x15f: {  	s7 =	sadd.s32 $0x18780, s6;
	[sflag:s22] =	ssyncadd.s32 $0xFFFFD800  }
0x160: {  	[tilespmem:s23], [sflag:$0x1] =	stream.indirect.gather [hbm4b:s1+s26], $0x80, s7, s26, $0xb8;
	[tilespmem:$0x1D800] =	vst v63  }
0x161: {  	_ =	swait.ge [sflag:s30], $0x2800  }
0x162: {  	[sflag:s30] =	ssyncset.done $0x0  }
.Ltmp5:
0x163: {  	[sflag:s30] =	ssyncadd.s32 $0xFFFFD800;
	(pc) =	sbr.rel @p0 .LBB2_12-.Ltmp5, $4  }
0x164: {  	[spmem:s3] =	stream.indirect.scatter.add.f32 [tilespmem:s29], [sflag:$0x3], $0x80, s0, s26, $0xb8;
	[tilespmem:$0x1D800] =	vst v63  }
0x165: {  	_ =	swait.ge [sflag:s22], $0x2800  }
0x166: {  	[sflag:s22] =	ssyncset.done $0x0  }
0x167: {  	s6 =	sadd.s32 $0x187D0, s6;
	s0 =	sadd.s32 $0x100, s0;
	[sflag:s22] =	ssyncadd.s32 $0xFFFFD800  }
0x168: {  	[tilespmem:s29], [sflag:$0x2] =	stream.indirect.gather [hbm4b:s1+s26], $0x80, s6, s26, $0xb8;
	[tilespmem:$0x1D800] =	vst v63  }
0x169: {  	_ =	swait.ge [sflag:s24], $0x2800  }
0x16a: {  	[sflag:s24] =	ssyncset.done $0x0  }
0x16b: {  	s0 =	simm.s32 $0x17D00;
	[sflag:s24] =	ssyncadd.s32 $0xFFFFD800  }
0x16c: {  	[spmem:s3] =	stream.indirect.scatter.add.f32 [tilespmem:s23], [sflag:$0x3], $0x80, s0, s26, $0xb8;
	[tilespmem:$0x1D800] =	vst v63  }
0x16d: {  	_ =	swait.ge [sflag:s22], $0x2800  }
0x16e: {  	[sflag:s22] =	ssyncset.done $0x0  }
0x16f: {  	[sflag:s22] =	ssyncadd.s32 $0xFFFFD800  }
0x170: {  	[tilespmem:s23], [sflag:$0x1] =	stream.indirect.gather [hbm4b:s1+s26], $0x80, s2, s26, $0xb8;
	[tilespmem:$0x1D800] =	vst v63  }
0x171: {  	_ =	swait.ge [sflag:s30], $0x2800  }
0x172: {  	[sflag:s30] =	ssyncset.done $0x0  }
0x173: {  	s6 =	simm.s32 $0x17D80;
	[sflag:s30] =	ssyncadd.s32 $0xFFFFD800  }
0x174: {  	[spmem:s3] =	stream.indirect.scatter.add.f32 [tilespmem:s29], [sflag:$0x3], $0x80, s6, s26, $0xb8;
	[tilespmem:$0x1D800] =	vst v63  }
0x175: {  	_ =	swait.ge [sflag:s22], $0x2800  }
0x176: {  	[sflag:s22] =	ssyncset.done $0x0  }
0x177: {  	[sflag:s22] =	ssyncadd.s32 $0xFFFFD800  }
0x178: {  	_ =	swait.ge [sflag:s24], $0x2800  }
0x179: {  	[sflag:s24] =	ssyncset.done $0x0  }
0x17a: {  	s7 =	simm.s32 $0x17E00;
	[sflag:s24] =	ssyncadd.s32 $0xFFFFD800  }
0x17b: {  	[spmem:s3] =	stream.indirect.scatter.add.f32 [tilespmem:s23], [sflag:$0x3], $0x80, s7, s26, $0xb8;
	[tilespmem:$0x1D800] =	vst v63  }
0x17c: {  	s8 =	stileid.u32;
	_ =	swait.ge [sflag:s22], $0x2800  }
0x17d: {  	s31 =	sshrl.u32 s5, $0x3;
	s21 =	sadd.s32 $0x1, s21;
	[sflag:s22] =	ssyncset.done $0x0  }
0x17e: {  	p0 =	sne.s32 s21, s20;
	s0 =	sshll.u32 s8, $0x6;
	[sflag:s22] =	ssyncadd.s32 $0xFFFFD800  }
.Ltmp6:
0x17f: {  	s0 =	sor.u32 $0x1C03, s0;
	[bflag:$0x0] =	sbarrier.arrive $0xFFFF;
	(pc) =	sbr.rel @p0 .LBB2_1-.Ltmp6, $4  }
0x180: {  	[hbm:s19], [sflag:s0] =	dma.local [spmem:s31], $0x2800  }
0x181: {  	_ =	swait.ge [sflag:s22], $0x2800  }
0x182: {  	[sflag:s22] =	ssyncset.done $0x0  }
0x183: {  	[sflag:s22] =	ssyncadd.s32 $0xFFFFD800  }
0x184: {  	_ =	sfence.sel $0x180000  }
0x185: {  	[bflag:$0x0] =	sbarrier.arrive $0xFFFF  }
0x186: {  	_ =	strace $0x9000004A  }
0x187: {  	s0 =	stileid.u32;
	[bflag:$0x2] =	sbarrier.arrive $0xFFFF  }
0x188: {  	p0 =	sne.s32 s0, $0x0;
	s0 =	rddreg [dreg:$0x3]  }
0x189: {  	s0 =	sadd.s32 @!p0 $0x100000, s0  }
0x18a: {  	[sflag:s0] =	ssyncadd.tile.s32 @!p0 $0x1;
	_ =	shalt  }
.Lfunc_end2:
_tile_overlayer_lowered:
.L_overlay_start_2:
0x18b: {  	(tag) =	ssettag $0x2  }
0x18c: {  	s0 =	rddreg [dreg:$0x0];
	s2 =	stileid.u32  }
0x18d: {  	s1 =	rddreg [dreg:$0x1];
	p0 =	sne.s32 s2, $0x0  }
0x18e: {  	s3 =	rddreg [dreg:$0x2];
	[bflag:$0x3] =	sbarrier.arrive $0xFFFF;
	s2 =	simm.s32 @!p0 $0x1C03  }
0x18f: {  	[timem:s3], [sflag:s2] =	dma.local @!p0 [hbm:s0], s1  }
0x190: {  	s0 =	simm.s32 @!p0 $0x3  }
0x191: {  	_ =	swait.ge @!p0 [sflag:s0], s1  }
0x192: {  	s1 =	ssub.s32 @!p0 $0x0, s1;
	[sflag:s0] =	ssyncset.done @!p0 $0x0  }
0x193: {  	[sflag:s0] =	ssyncadd.s32 @!p0 s1  }
0x194: {  	[bflag:$0x3] =	sbarrier.arrive $0xFFFF  }
0x195: {  	_ =	shalt  }

</sc_bundles>
